<compile_context>
chip_gen: v7x
topology: tpu7x:2x2x1
jax: 0.10.2.dev20260603
libtpu: 0.0.44.dev20260713+nightly
codegen_flags: <defaults>
</compile_context>

<pallas_src>
import functools

import jax
import jax.numpy as jnp
from jax import lax
from jax.experimental import pallas as pl
from jax.experimental.pallas import tpu as pltpu
from jax.experimental.pallas import tpu_sc as plsc

N = 10000
E = 320000
D = 128
NS = 16
NPAD = 10240
EPT = E // NS
K = 128
NCHUNK = (EPT + K - 1) // K
EPT_P = NCHUNK * K
NACC = 10112
ACC_RPT = NACC // NS
RB = 3
ID = 4
SUP = 12
BM = 512

_mesh = plsc.VectorSubcoreMesh(core_axis_name="c", subcore_axis_name="s",
                               num_cores=2, num_subcores=NS)


def _zero_fill(buf):
    @pl.loop(0, K)
    def _f(i):
        for j in range(D // 16):
            buf[i, pl.ds(j * 16, 16)] = jnp.zeros((16,), jnp.float32)


def _zero_accum(accum, zb, tid):
    base = tid * ACC_RPT
    for i in range(ACC_RPT // K):
        pltpu.sync_copy(zb, accum.at[pl.ds(base + i * K, K), :])
    rem = ACC_RPT % K
    pltpu.sync_copy(zb.at[pl.ds(0, rem), :],
                    accum.at[pl.ds(base + ACC_RPT - rem, rem), :])


@functools.partial(
    pl.kernel,
    out_type=jax.ShapeDtypeStruct((2, NPAD, D), jnp.float32),
    mesh=_mesh,
    scratch_types=[
        pltpu.VMEM((K, D), jnp.float32),
        [pltpu.VMEM((K,), jnp.int32)] * ID,
        [pltpu.SemaphoreType.DMA] * ID,
        [pltpu.SemaphoreType.DMA] * ID,
        pltpu.VMEM_SHARED((NACC, D), jnp.float32),
    ],
)
def _deg_kernel(dst_all, deg_all, ones_v, didx, isem, ssem, accum):
    cid = lax.axis_index("c")
    tid = lax.axis_index("s")

    _zero_fill(ones_v)
    _zero_accum(accum, ones_v, tid)

    @pl.loop(0, K)
    def _fill_o(i):
        for j in range(D // 16):
            ones_v[i, pl.ds(j * 16, 16)] = jnp.ones((16,), jnp.float32)

    def stage_idx(c, j):
        pltpu.async_copy(dst_all.at[cid, tid, c], didx[j], isem[j])

    def wait_idx(j):
        pltpu.make_async_copy(dst_all.at[cid, tid, 0], didx[j],
                              isem[j]).wait()

    def fire_scatter(j):
        pltpu.async_copy(ones_v, accum.at[didx[j]], ssem[j], add=True)

    def wait_scatter(j):
        pltpu.make_async_copy(ones_v, accum.at[didx[0]], ssem[j]).wait()

    for j in range(2):
        stage_idx(j, j)

    plsc.subcore_barrier()

    def body(c, k):
        j = k % ID

        @pl.when(c >= 2)
        def _():
            wait_scatter((k + 2) % ID)

        @pl.when(c + 2 < NCHUNK)
        def _():
            stage_idx(c + 2, (k + 2) % ID)

        wait_idx(j)
        fire_scatter(j)

    G = NCHUNK // ID

    @pl.loop(0, G)
    def _steady(g):
        for k in range(ID):
            body(g * ID + k, k)

    for c in range(G * ID, NCHUNK):
        body(c, c % ID)
    for c in range(NCHUNK - 2, NCHUNK):
        wait_scatter(c % ID)

    plsc.subcore_barrier()
    sl = pl.ds(tid * ACC_RPT, ACC_RPT)
    pltpu.sync_copy(accum.at[sl, :], deg_all.at[cid, sl, :])


@functools.partial(
    pl.kernel,
    out_type=jax.ShapeDtypeStruct((2, NPAD, D), jnp.float32),
    mesh=_mesh,
    scratch_types=[
        [pltpu.VMEM((2, K), jnp.int32)] * ID,
        [pltpu.VMEM((K, D), jnp.float32)] * RB,
        [pltpu.SemaphoreType.DMA] * ID,
        [pltpu.SemaphoreType.DMA] * RB,
        [pltpu.SemaphoreType.DMA] * RB,
        pltpu.VMEM_SHARED((NACC, D), jnp.float32),
    ],
)
def _conv_kernel(h_all, e_all, conv_all, eidx, rows, isem, gsem, ssem, accum):
    cid = lax.axis_index("c")
    tid = lax.axis_index("s")
    h_hbm = h_all.at[cid]

    _zero_fill(rows[0])
    _zero_accum(accum, rows[0], tid)

    def stage_idx(c, j):
        pltpu.async_copy(e_all.at[cid, tid, c], eidx[j], isem[j])

    def wait_idx(j):
        pltpu.make_async_copy(e_all.at[cid, tid, 0], eidx[j], isem[j]).wait()

    def fire_gather(j, b):
        pltpu.async_copy(h_hbm.at[eidx[j].at[0]], rows[b], gsem[b])

    def wait_gather(b):
        pltpu.make_async_copy(h_hbm.at[eidx[0].at[0]], rows[b],
                              gsem[b]).wait()

    def fire_scatter(j, b):
        pltpu.async_copy(rows[b], accum.at[eidx[j].at[1]], ssem[b], add=True)

    def wait_scatter(b):
        pltpu.make_async_copy(rows[b], accum.at[eidx[0].at[1]],
                              ssem[b]).wait()

    for j in range(2):
        stage_idx(j, j)
    wait_idx(0)
    fire_gather(0, 0)

    plsc.subcore_barrier()

    def body(c, k):
        j = k % ID
        b = k % RB

        @pl.when(c + 1 < NCHUNK)
        def _():
            @pl.when(c >= RB - 1)
            def _():
                wait_scatter((k + 1) % RB)
            wait_idx((k + 1) % ID)
            fire_gather((k + 1) % ID, (k + 1) % RB)

        @pl.when(c + 2 < NCHUNK)
        def _():
            stage_idx(c + 2, (k + 2) % ID)

        wait_gather(b)
        fire_scatter(j, b)

    G = NCHUNK // SUP

    @pl.loop(0, G)
    def _steady(g):
        for k in range(SUP):
            body(g * SUP + k, k)

    for c in range(G * SUP, NCHUNK):
        body(c, c % SUP)
    for b in range(RB):
        wait_scatter(b)

    plsc.subcore_barrier()
    sl = pl.ds(tid * ACC_RPT, ACC_RPT)
    pltpu.sync_copy(accum.at[sl, :], conv_all.at[cid, sl, :])


def _dinv(deg_col):
    return jnp.where(deg_col > 0, lax.rsqrt(jnp.maximum(deg_col, 1e-12)), 0.0)


def _mm_body(x_ref, hw_ref, sw_ref, iw_ref, deg_ref, hh_ref, hs_ref, hi_ref):
    x = x_ref[...]
    du = _dinv(deg_ref[0, :, 0:1])
    dd = _dinv(deg_ref[1, :, 0:1])
    hh_ref[...] = lax.dot_general(x, hw_ref[...], (((1,), (1,)), ((), ())),
                                  preferred_element_type=jnp.float32)
    hs_ref[0] = du * lax.dot_general(x, sw_ref[...], (((1,), (0,)), ((), ())),
                                     preferred_element_type=jnp.float32)
    hi_ref[0] = dd * lax.dot_general(x, iw_ref[...], (((1,), (0,)), ((), ())),
                                     preferred_element_type=jnp.float32)


def _combine_mm_body(hh1_ref, conv_ref, deg_ref, hb_ref, sb_ref, ib_ref,
                     hw2_ref, sw2_ref, iw2_ref, hh_ref, hs_ref, hi_ref):
    du = _dinv(deg_ref[0, :, 0:1])
    dd = _dinv(deg_ref[1, :, 0:1])
    x2 = jnp.maximum(
        hh1_ref[...] + hb_ref[...] + du * conv_ref[0] + sb_ref[...]
        + dd * conv_ref[1] + ib_ref[...], 0.0)
    hh_ref[...] = lax.dot_general(x2, hw2_ref[...], (((1,), (1,)), ((), ())),
                                  preferred_element_type=jnp.float32)
    hs_ref[0] = du * lax.dot_general(x2, sw2_ref[...], (((1,), (0,)), ((), ())),
                                     preferred_element_type=jnp.float32)
    hi_ref[0] = dd * lax.dot_general(x2, iw2_ref[...], (((1,), (0,)), ((), ())),
                                     preferred_element_type=jnp.float32)


def _combine_body(hh_ref, conv_ref, deg_ref, hb_ref, sb_ref, ib_ref, out_ref):
    du = _dinv(deg_ref[0, :, 0:1])
    dd = _dinv(deg_ref[1, :, 0:1])
    out_ref[...] = jnp.maximum(
        hh_ref[...] + hb_ref[...] + du * conv_ref[0] + sb_ref[...]
        + dd * conv_ref[1] + ib_ref[...], 0.0)


_row_spec = pl.BlockSpec((BM, D), lambda i: (i, 0))
_pair_spec = pl.BlockSpec((2, BM, D), lambda i: (0, i, 0))
_half_spec = pl.BlockSpec((1, BM, D), lambda i: (0, i, 0))
_w_spec = pl.BlockSpec((D, D), lambda i: (0, 0))
_b_spec = pl.BlockSpec((1, D), lambda i: (0, 0))
_GRID = (NPAD // BM,)
_sds = jax.ShapeDtypeStruct((NPAD, D), jnp.float32)
_hsds = jax.ShapeDtypeStruct((1, NPAD, D), jnp.float32)

_mm_call = pl.pallas_call(
    _mm_body,
    grid=_GRID,
    in_specs=[_row_spec, _w_spec, _w_spec, _w_spec, _pair_spec],
    out_specs=[_row_spec, _half_spec, _half_spec],
    out_shape=[_sds, _hsds, _hsds],
)

_combine_mm_call = pl.pallas_call(
    _combine_mm_body,
    grid=_GRID,
    in_specs=[_row_spec, _pair_spec, _pair_spec, _b_spec, _b_spec, _b_spec,
              _w_spec, _w_spec, _w_spec],
    out_specs=[_row_spec, _half_spec, _half_spec],
    out_shape=[_sds, _hsds, _hsds],
)

_combine_call = pl.pallas_call(
    _combine_body,
    grid=_GRID,
    in_specs=[_row_spec, _pair_spec, _pair_spec, _b_spec, _b_spec, _b_spec],
    out_specs=_row_spec,
    out_shape=_sds,
)


def _pad_edges(row, fill):
    r = row.reshape(NS, EPT)
    r = jnp.pad(r, ((0, 0), (0, EPT_P - EPT)), constant_values=fill)
    return r.reshape(NS, NCHUNK, K)


def kernel(x, Lu, Ld, har_w1, har_b1, sol_w1, sol_b1, irr_w1, irr_b1,
           har_w2, har_b2, sol_w2, sol_b2, irr_w2, irr_b2):
    xp = jnp.pad(x, ((0, NPAD - N), (0, 0)))
    dst_all = jnp.stack([_pad_edges(Lu[1], N), _pad_edges(Ld[1], N)])
    e_all = jnp.stack([
        jnp.stack([_pad_edges(Lu[0], 0), _pad_edges(Lu[1], N)], axis=2),
        jnp.stack([_pad_edges(Ld[0], 0), _pad_edges(Ld[1], N)], axis=2),
    ])
    hb1, sb1, ib1 = har_b1[None, :], sol_b1[None, :], irr_b1[None, :]
    hb2, sb2, ib2 = har_b2[None, :], sol_b2[None, :], irr_b2[None, :]

    deg_all = _deg_kernel(dst_all)
    hh1, hs1, hi1 = _mm_call(xp, har_w1, sol_w1, irr_w1, deg_all)
    h_all1 = jnp.concatenate([hs1, hi1], axis=0)
    conv1 = _conv_kernel(h_all1, e_all)
    hh2, hs2, hi2 = _combine_mm_call(hh1, conv1, deg_all, hb1, sb1, ib1,
                                     har_w2, sol_w2, irr_w2)
    h_all2 = jnp.concatenate([hs2, hi2], axis=0)
    conv2 = _conv_kernel(h_all2, e_all)
    out = _combine_call(hh2, conv2, deg_all, hb2, sb2, ib2)
    return out[:N]

# --- scband reference (transcript-rebuilt; emitter-appended) ---
"""Pipeline reference for scband-cwnn-77137612636304 (READ-ONLY COPY).

The authoritative reference and input builder live on the scoring server;
editing this copy changes nothing except your own understanding.
"""

import jax, jax.numpy as jnp
import numpy as np

N = 10000
E = 320000
D = 128


def setup_inputs(seed: int = 0):
    key = jax.random.key(seed)
    ks = jax.random.split(key, 16)
    s = 1.0 / np.sqrt(D)
    inp = {}
    inp['x'] = jax.random.normal(ks[0], (N, D), dtype=jnp.float32)
    inp['Lu'] = jax.random.randint(ks[1], (2, E), 0, N, dtype=jnp.int32)
    inp['Ld'] = jax.random.randint(ks[2], (2, E), 0, N, dtype=jnp.int32)
    # layer 1 params (har = nn.Linear weight [F_out,F_in]; sol/irr = GCNConv weight [F_in,F_out])
    inp['har_w1'] = jax.random.uniform(ks[3], (D, D), jnp.float32, -s, s)
    inp['har_b1'] = jax.random.uniform(ks[4], (D,), jnp.float32, -s, s)
    inp['sol_w1'] = jax.random.uniform(ks[5], (D, D), jnp.float32, -s, s)
    inp['sol_b1'] = jnp.zeros((D,), jnp.float32)
    inp['irr_w1'] = jax.random.uniform(ks[6], (D, D), jnp.float32, -s, s)
    inp['irr_b1'] = jnp.zeros((D,), jnp.float32)
    # layer 2 params
    inp['har_w2'] = jax.random.uniform(ks[7], (D, D), jnp.float32, -s, s)
    inp['har_b2'] = jax.random.uniform(ks[8], (D,), jnp.float32, -s, s)
    inp['sol_w2'] = jax.random.uniform(ks[9], (D, D), jnp.float32, -s, s)
    inp['sol_b2'] = jnp.zeros((D,), jnp.float32)
    inp['irr_w2'] = jax.random.uniform(ks[10], (D, D), jnp.float32, -s, s)
    inp['irr_b2'] = jnp.zeros((D,), jnp.float32)
    return inp


def _gcn_conv(x, edge_index, W, b):
    # PyG GCNConv with add_self_loops=False, edge_weight=None (all ones)
    src = edge_index[0]
    dst = edge_index[1]
    h = x @ W
    n = x.shape[0]
    deg = jnp.zeros((n,), dtype=x.dtype).at[dst].add(1.0)
    dinv = jnp.where(deg > 0, jax.lax.rsqrt(jnp.maximum(deg, 1e-12)), 0.0)
    norm = dinv[src] * dinv[dst]
    msgs = jnp.take(h, src, axis=0) * norm[:, None]
    out = jnp.zeros_like(h).at[dst].add(msgs)
    return out + b


def _cw(x, Lu, Ld, hw, hb, sw, sb, iw, ib):
    z_h = x @ hw.T + hb
    z_s = _gcn_conv(x, Lu, sw, sb)
    z_i = _gcn_conv(x, Ld, iw, ib)
    return z_h + z_s + z_i


def reference(x, Lu, Ld, har_w1, har_b1, sol_w1, sol_b1, irr_w1, irr_b1, har_w2, har_b2, sol_w2, sol_b2, irr_w2, irr_b2):
    # dropout p=0.0 -> identity; relu applied after every CW layer (loop break is dead code)
    h = _cw(x, Lu, Ld, har_w1, har_b1, sol_w1, sol_b1, irr_w1, irr_b1)
    h = jax.nn.relu(h)
    h = _cw(h, Lu, Ld, har_w2, har_b2, sol_w2, sol_b2, irr_w2, irr_b2)
    h = jax.nn.relu(h)
    return h

if __name__ == "__main__":
    import jax
    _d = setup_inputs()
    print(jax.jit(kernel)(*tuple(_d.values())))

</pallas_src>

<mosaic_0001>
#map = affine_map<(d0, d1) -> (0, 0, 0, 0)>
#map1 = affine_map<(d0, d1) -> (0, 0, 0)>
module attributes {stable_mosaic.version = 14 : i64} {
  func.func @_deg_kernel(%arg0: i32, %arg1: i32, %arg2: memref<2x16x157x128xi32, #tpu.memory_space<hbm>>, %arg3: memref<2x10240x128xf32, #tpu.memory_space<hbm>>, %arg4: memref<128x128xf32, #tpu.memory_space<vmem>>, %arg5: memref<128xi32, #tpu.memory_space<vmem>>, %arg6: memref<128xi32, #tpu.memory_space<vmem>>, %arg7: memref<128xi32, #tpu.memory_space<vmem>>, %arg8: memref<128xi32, #tpu.memory_space<vmem>>, %arg9: memref<!tpu.dma_semaphore, #tpu.memory_space<semaphore_mem>>, %arg10: memref<!tpu.dma_semaphore, #tpu.memory_space<semaphore_mem>>, %arg11: memref<!tpu.dma_semaphore, #tpu.memory_space<semaphore_mem>>, %arg12: memref<!tpu.dma_semaphore, #tpu.memory_space<semaphore_mem>>, %arg13: memref<!tpu.dma_semaphore, #tpu.memory_space<semaphore_mem>>, %arg14: memref<!tpu.dma_semaphore, #tpu.memory_space<semaphore_mem>>, %arg15: memref<!tpu.dma_semaphore, #tpu.memory_space<semaphore_mem>>, %arg16: memref<!tpu.dma_semaphore, #tpu.memory_space<semaphore_mem>>, %arg17: memref<10112x128xf32, #tpu.memory_space<vmem_shared>>) attributes {dimension_semantics = [#tpu.dimension_semantics<core_parallel>, #tpu.dimension_semantics<subcore_parallel>], iteration_bounds = array<i64: 2, 16>, scalar_prefetch = 0 : i64, scratch_operands = 14 : i64, tpu.core_type = #tpu.core_type<sc_vector_subcore>, window_params = [{transform_indices = #map}, {transform_indices = #map1}]} {
    %scan3A = arith.constant 0 : i32
    %scan3A_0 = arith.constant 128 : i32
    %scan3A_1 = arith.addi %scan3A, %scan3A_0 : i32
    %scan3A_2 = arith.constant 1 : i32
    scf.for %scan3A_59 = %scan3A to %scan3A_1 step %scan3A_2  : i32 {
      %mul3A_60 = arith.constant 1 : i32
      %mul3A_61 = arith.muli %scan3A_59, %mul3A_60 : i32
      %add3A_62 = arith.constant 0 : i32
      %add3A_63 = arith.addi %add3A_62, %mul3A_61 : i32
      %broadcast_in_dim3A = arith.constant 0.000000e+00 : f32
      %broadcast_in_dim3A_64 = vector.broadcast %broadcast_in_dim3A : f32 to vector<16xf32>
      %swap3A = arith.index_cast %add3A_63 : i32 to index
      %swap3A_65 = arith.constant 0 : index
      %swap3A_66 = tpu.vector_load %arg4[%swap3A, %swap3A_65] {strides = array<i32>} : memref<128x128xf32, #tpu.memory_space<vmem>>, vector<1x16xf32>,
      %swap3A_67 = vector.shape_cast %swap3A_66 : vector<1x16xf32> to vector<16xf32>
      %swap3A_68 = vector.shape_cast %broadcast_in_dim3A_64 : vector<16xf32> to vector<1x16xf32>
      tpu.vector_store %arg4[%swap3A, %swap3A_65], %swap3A_68 {strides = array<i32>} : memref<128x128xf32, #tpu.memory_space<vmem>>, vector<1x16xf32>,
      %broadcast_in_dim3A_69 = arith.constant 0.000000e+00 : f32
      %broadcast_in_dim3A_70 = vector.broadcast %broadcast_in_dim3A_69 : f32 to vector<16xf32>
      %swap3A_71 = arith.index_cast %add3A_63 : i32 to index
      %swap3A_72 = arith.constant 16 : index
      %swap3A_73 = tpu.vector_load %arg4[%swap3A_71, %swap3A_72] {strides = array<i32>} : memref<128x128xf32, #tpu.memory_space<vmem>>, vector<1x16xf32>,
      %swap3A_74 = vector.shape_cast %swap3A_73 : vector<1x16xf32> to vector<16xf32>
      %swap3A_75 = vector.shape_cast %broadcast_in_dim3A_70 : vector<16xf32> to vector<1x16xf32>
      tpu.vector_store %arg4[%swap3A_71, %swap3A_72], %swap3A_75 {strides = array<i32>} : memref<128x128xf32, #tpu.memory_space<vmem>>, vector<1x16xf32>,
      %broadcast_in_dim3A_76 = arith.constant 0.000000e+00 : f32
      %broadcast_in_dim3A_77 = vector.broadcast %broadcast_in_dim3A_76 : f32 to vector<16xf32>
      %swap3A_78 = arith.index_cast %add3A_63 : i32 to index
      %swap3A_79 = arith.constant 32 : index
      %swap3A_80 = tpu.vector_load %arg4[%swap3A_78, %swap3A_79] {strides = array<i32>} : memref<128x128xf32, #tpu.memory_space<vmem>>, vector<1x16xf32>,
      %swap3A_81 = vector.shape_cast %swap3A_80 : vector<1x16xf32> to vector<16xf32>
      %swap3A_82 = vector.shape_cast %broadcast_in_dim3A_77 : vector<16xf32> to vector<1x16xf32>
      tpu.vector_store %arg4[%swap3A_78, %swap3A_79], %swap3A_82 {strides = array<i32>} : memref<128x128xf32, #tpu.memory_space<vmem>>, vector<1x16xf32>,
      %broadcast_in_dim3A_83 = arith.constant 0.000000e+00 : f32
      %broadcast_in_dim3A_84 = vector.broadcast %broadcast_in_dim3A_83 : f32 to vector<16xf32>
      %swap3A_85 = arith.index_cast %add3A_63 : i32 to index
      %swap3A_86 = arith.constant 48 : index
      %swap3A_87 = tpu.vector_load %arg4[%swap3A_85, %swap3A_86] {strides = array<i32>} : memref<128x128xf32, #tpu.memory_space<vmem>>, vector<1x16xf32>,
      %swap3A_88 = vector.shape_cast %swap3A_87 : vector<1x16xf32> to vector<16xf32>
      %swap3A_89 = vector.shape_cast %broadcast_in_dim3A_84 : vector<16xf32> to vector<1x16xf32>
      tpu.vector_store %arg4[%swap3A_85, %swap3A_86], %swap3A_89 {strides = array<i32>} : memref<128x128xf32, #tpu.memory_space<vmem>>, vector<1x16xf32>,
      %broadcast_in_dim3A_90 = arith.constant 0.000000e+00 : f32
      %broadcast_in_dim3A_91 = vector.broadcast %broadcast_in_dim3A_90 : f32 to vector<16xf32>
      %swap3A_92 = arith.index_cast %add3A_63 : i32 to index
      %swap3A_93 = arith.constant 64 : index
      %swap3A_94 = tpu.vector_load %arg4[%swap3A_92, %swap3A_93] {strides = array<i32>} : memref<128x128xf32, #tpu.memory_space<vmem>>, vector<1x16xf32>,
      %swap3A_95 = vector.shape_cast %swap3A_94 : vector<1x16xf32> to vector<16xf32>
      %swap3A_96 = vector.shape_cast %broadcast_in_dim3A_91 : vector<16xf32> to vector<1x16xf32>
      tpu.vector_store %arg4[%swap3A_92, %swap3A_93], %swap3A_96 {strides = array<i32>} : memref<128x128xf32, #tpu.memory_space<vmem>>, vector<1x16xf32>,
      %broadcast_in_dim3A_97 = arith.constant 0.000000e+00 : f32
      %broadcast_in_dim3A_98 = vector.broadcast %broadcast_in_dim3A_97 : f32 to vector<16xf32>
      %swap3A_99 = arith.index_cast %add3A_63 : i32 to index
      %swap3A_100 = arith.constant 80 : index
      %swap3A_101 = tpu.vector_load %arg4[%swap3A_99, %swap3A_100] {strides = array<i32>} : memref<128x128xf32, #tpu.memory_space<vmem>>, vector<1x16xf32>,
      %swap3A_102 = vector.shape_cast %swap3A_101 : vector<1x16xf32> to vector<16xf32>
      %swap3A_103 = vector.shape_cast %broadcast_in_dim3A_98 : vector<16xf32> to vector<1x16xf32>
      tpu.vector_store %arg4[%swap3A_99, %swap3A_100], %swap3A_103 {strides = array<i32>} : memref<128x128xf32, #tpu.memory_space<vmem>>, vector<1x16xf32>,
      %broadcast_in_dim3A_104 = arith.constant 0.000000e+00 : f32
      %broadcast_in_dim3A_105 = vector.broadcast %broadcast_in_dim3A_104 : f32 to vector<16xf32>
      %swap3A_106 = arith.index_cast %add3A_63 : i32 to index
      %swap3A_107 = arith.constant 96 : index
      %swap3A_108 = tpu.vector_load %arg4[%swap3A_106, %swap3A_107] {strides = array<i32>} : memref<128x128xf32, #tpu.memory_space<vmem>>, vector<1x16xf32>,
      %swap3A_109 = vector.shape_cast %swap3A_108 : vector<1x16xf32> to vector<16xf32>
      %swap3A_110 = vector.shape_cast %broadcast_in_dim3A_105 : vector<16xf32> to vector<1x16xf32>
      tpu.vector_store %arg4[%swap3A_106, %swap3A_107], %swap3A_110 {strides = array<i32>} : memref<128x128xf32, #tpu.memory_space<vmem>>, vector<1x16xf32>,
      %broadcast_in_dim3A_111 = arith.constant 0.000000e+00 : f32
      %broadcast_in_dim3A_112 = vector.broadcast %broadcast_in_dim3A_111 : f32 to vector<16xf32>
      %swap3A_113 = arith.index_cast %add3A_63 : i32 to index
      %swap3A_114 = arith.constant 112 : index
      %swap3A_115 = tpu.vector_load %arg4[%swap3A_113, %swap3A_114] {strides = array<i32>} : memref<128x128xf32, #tpu.memory_space<vmem>>, vector<1x16xf32>,
      %swap3A_116 = vector.shape_cast %swap3A_115 : vector<1x16xf32> to vector<16xf32>
      %swap3A_117 = vector.shape_cast %broadcast_in_dim3A_112 : vector<16xf32> to vector<1x16xf32>
      tpu.vector_store %arg4[%swap3A_113, %swap3A_114], %swap3A_117 {strides = array<i32>} : memref<128x128xf32, #tpu.memory_space<vmem>>, vector<1x16xf32>,
    }
    %scan3A_3 = arith.constant 128 : i32
    %mul3A = arith.constant 632 : i32
    %mul3A_4 = arith.muli %arg1, %mul3A : i32
    %add3A = arith.constant 0 : i32
    %add3A_5 = arith.addi %mul3A_4, %add3A : i32
    "tpu.region"() ({
      %run_scoped3A = tpu.sem_alloc : memref<!tpu.dma_semaphore, #tpu.memory_space<semaphore_mem>>
      %dma_start3A_59 = arith.constant 0 : i32
      %dma_start3A_60 = tpu.memref_slice %arg17[%add3A_5, %dma_start3A_59] : memref<10112x128xf32, #tpu.memory_space<vmem_shared>> -> memref<128x128xf32, #tpu.memory_space<vmem_shared>>
      %dma_start3A_61 = arith.constant 0 : i32
      %dma_start3A_62 = tpu.memref_slice %arg17[%add3A_5, %dma_start3A_61] : memref<10112x128xf32, #tpu.memory_space<vmem_shared>> -> memref<128x128xf32, #tpu.memory_space<vmem_shared>>
      tpu.enqueue_dma source(%arg4 : memref<128x128xf32, #tpu.memory_space<vmem>>) target(%dma_start3A_62 : memref<128x128xf32, #tpu.memory_space<vmem_shared>>) target_semaphore(%run_scoped3A : memref<!tpu.dma_semaphore, #tpu.memory_space<semaphore_mem>>)
      %dma_wait3A_63 = arith.constant 0 : i32
      %dma_wait3A_64 = tpu.memref_slice %arg17[%add3A_5, %dma_wait3A_63] : memref<10112x128xf32, #tpu.memory_space<vmem_shared>> -> memref<128x128xf32, #tpu.memory_space<vmem_shared>>
      %dma_wait3A_65 = arith.constant 0 : i32
      %dma_wait3A_66 = tpu.memref_slice %arg17[%add3A_5, %dma_wait3A_65] : memref<10112x128xf32, #tpu.memory_space<vmem_shared>> -> memref<128x128xf32, #tpu.memory_space<vmem_shared>>
      tpu.wait_dma2 semaphore(%run_scoped3A : memref<!tpu.dma_semaphore, #tpu.memory_space<semaphore_mem>>) src(%arg4 : memref<128x128xf32, #tpu.memory_space<vmem>>) dst(%dma_wait3A_66 : memref<128x128xf32, #tpu.memory_space<vmem_shared>>)
      tpu.yield
    }) : () -> ()
    %add3A_6 = arith.constant 128 : i32
    %add3A_7 = arith.addi %mul3A_4, %add3A_6 : i32
    "tpu.region"() ({
      %run_scoped3A = tpu.sem_alloc : memref<!tpu.dma_semaphore, #tpu.memory_space<semaphore_mem>>
      %dma_start3A_59 = arith.constant 0 : i32
      %dma_start3A_60 = tpu.memref_slice %arg17[%add3A_7, %dma_start3A_59] : memref<10112x128xf32, #tpu.memory_space<vmem_shared>> -> memref<128x128xf32, #tpu.memory_space<vmem_shared>>
      %dma_start3A_61 = arith.constant 0 : i32
      %dma_start3A_62 = tpu.memref_slice %arg17[%add3A_7, %dma_start3A_61] : memref<10112x128xf32, #tpu.memory_space<vmem_shared>> -> memref<128x128xf32, #tpu.memory_space<vmem_shared>>
      tpu.enqueue_dma source(%arg4 : memref<128x128xf32, #tpu.memory_space<vmem>>) target(%dma_start3A_62 : memref<128x128xf32, #tpu.memory_space<vmem_shared>>) target_semaphore(%run_scoped3A : memref<!tpu.dma_semaphore, #tpu.memory_space<semaphore_mem>>)
      %dma_wait3A_63 = arith.constant 0 : i32
      %dma_wait3A_64 = tpu.memref_slice %arg17[%add3A_7, %dma_wait3A_63] : memref<10112x128xf32, #tpu.memory_space<vmem_shared>> -> memref<128x128xf32, #tpu.memory_space<vmem_shared>>
      %dma_wait3A_65 = arith.constant 0 : i32
      %dma_wait3A_66 = tpu.memref_slice %arg17[%add3A_7, %dma_wait3A_65] : memref<10112x128xf32, #tpu.memory_space<vmem_shared>> -> memref<128x128xf32, #tpu.memory_space<vmem_shared>>
      tpu.wait_dma2 semaphore(%run_scoped3A : memref<!tpu.dma_semaphore, #tpu.memory_space<semaphore_mem>>) src(%arg4 : memref<128x128xf32, #tpu.memory_space<vmem>>) dst(%dma_wait3A_66 : memref<128x128xf32, #tpu.memory_space<vmem_shared>>)
      tpu.yield
    }) : () -> ()
    %add3A_8 = arith.constant 256 : i32
    %add3A_9 = arith.addi %mul3A_4, %add3A_8 : i32
    "tpu.region"() ({
      %run_scoped3A = tpu.sem_alloc : memref<!tpu.dma_semaphore, #tpu.memory_space<semaphore_mem>>
      %dma_start3A_59 = arith.constant 0 : i32
      %dma_start3A_60 = tpu.memref_slice %arg17[%add3A_9, %dma_start3A_59] : memref<10112x128xf32, #tpu.memory_space<vmem_shared>> -> memref<128x128xf32, #tpu.memory_space<vmem_shared>>
      %dma_start3A_61 = arith.constant 0 : i32
      %dma_start3A_62 = tpu.memref_slice %arg17[%add3A_9, %dma_start3A_61] : memref<10112x128xf32, #tpu.memory_space<vmem_shared>> -> memref<128x128xf32, #tpu.memory_space<vmem_shared>>
      tpu.enqueue_dma source(%arg4 : memref<128x128xf32, #tpu.memory_space<vmem>>) target(%dma_start3A_62 : memref<128x128xf32, #tpu.memory_space<vmem_shared>>) target_semaphore(%run_scoped3A : memref<!tpu.dma_semaphore, #tpu.memory_space<semaphore_mem>>)
      %dma_wait3A_63 = arith.constant 0 : i32
      %dma_wait3A_64 = tpu.memref_slice %arg17[%add3A_9, %dma_wait3A_63] : memref<10112x128xf32, #tpu.memory_space<vmem_shared>> -> memref<128x128xf32, #tpu.memory_space<vmem_shared>>
      %dma_wait3A_65 = arith.constant 0 : i32
      %dma_wait3A_66 = tpu.memref_slice %arg17[%add3A_9, %dma_wait3A_65] : memref<10112x128xf32, #tpu.memory_space<vmem_shared>> -> memref<128x128xf32, #tpu.memory_space<vmem_shared>>
      tpu.wait_dma2 semaphore(%run_scoped3A : memref<!tpu.dma_semaphore, #tpu.memory_space<semaphore_mem>>) src(%arg4 : memref<128x128xf32, #tpu.memory_space<vmem>>) dst(%dma_wait3A_66 : memref<128x128xf32, #tpu.memory_space<vmem_shared>>)
      tpu.yield
    }) : () -> ()
    %add3A_10 = arith.constant 384 : i32
    %add3A_11 = arith.addi %mul3A_4, %add3A_10 : i32
    "tpu.region"() ({
      %run_scoped3A = tpu.sem_alloc : memref<!tpu.dma_semaphore, #tpu.memory_space<semaphore_mem>>
      %dma_start3A_59 = arith.constant 0 : i32
      %dma_start3A_60 = tpu.memref_slice %arg17[%add3A_11, %dma_start3A_59] : memref<10112x128xf32, #tpu.memory_space<vmem_shared>> -> memref<128x128xf32, #tpu.memory_space<vmem_shared>>
      %dma_start3A_61 = arith.constant 0 : i32
      %dma_start3A_62 = tpu.memref_slice %arg17[%add3A_11, %dma_start3A_61] : memref<10112x128xf32, #tpu.memory_space<vmem_shared>> -> memref<128x128xf32, #tpu.memory_space<vmem_shared>>
      tpu.enqueue_dma source(%arg4 : memref<128x128xf32, #tpu.memory_space<vmem>>) target(%dma_start3A_62 : memref<128x128xf32, #tpu.memory_space<vmem_shared>>) target_semaphore(%run_scoped3A : memref<!tpu.dma_semaphore, #tpu.memory_space<semaphore_mem>>)
      %dma_wait3A_63 = arith.constant 0 : i32
      %dma_wait3A_64 = tpu.memref_slice %arg17[%add3A_11, %dma_wait3A_63] : memref<10112x128xf32, #tpu.memory_space<vmem_shared>> -> memref<128x128xf32, #tpu.memory_space<vmem_shared>>
      %dma_wait3A_65 = arith.constant 0 : i32
      %dma_wait3A_66 = tpu.memref_slice %arg17[%add3A_11, %dma_wait3A_65] : memref<10112x128xf32, #tpu.memory_space<vmem_shared>> -> memref<128x128xf32, #tpu.memory_space<vmem_shared>>
      tpu.wait_dma2 semaphore(%run_scoped3A : memref<!tpu.dma_semaphore, #tpu.memory_space<semaphore_mem>>) src(%arg4 : memref<128x128xf32, #tpu.memory_space<vmem>>) dst(%dma_wait3A_66 : memref<128x128xf32, #tpu.memory_space<vmem_shared>>)
      tpu.yield
    }) : () -> ()
    %add3A_12 = arith.constant 632 : i32
    %add3A_13 = arith.addi %mul3A_4, %add3A_12 : i32
    %sub3A = arith.constant 120 : i32
    %sub3A_14 = arith.subi %add3A_13, %sub3A : i32
    "tpu.region"() ({
      %run_scoped3A = tpu.sem_alloc : memref<!tpu.dma_semaphore, #tpu.memory_space<semaphore_mem>>
      %dma_start3A_59 = arith.constant 0 : i32
      %dma_start3A_60 = arith.constant 0 : i32
      %dma_start3A_61 = tpu.memref_slice %arg4[%dma_start3A_59, %dma_start3A_60] : memref<128x128xf32, #tpu.memory_space<vmem>> -> memref<120x128xf32, #tpu.memory_space<vmem>>
      %dma_start3A_62 = arith.constant 0 : i32
      %dma_start3A_63 = tpu.memref_slice %arg17[%sub3A_14, %dma_start3A_62] : memref<10112x128xf32, #tpu.memory_space<vmem_shared>> -> memref<120x128xf32, #tpu.memory_space<vmem_shared>>
      %dma_start3A_64 = arith.constant 0 : i32
      %dma_start3A_65 = tpu.memref_slice %arg17[%sub3A_14, %dma_start3A_64] : memref<10112x128xf32, #tpu.memory_space<vmem_shared>> -> memref<120x128xf32, #tpu.memory_space<vmem_shared>>
      %dma_start3A_66 = arith.constant 0 : i32
      %dma_start3A_67 = arith.constant 0 : i32
      %dma_start3A_68 = tpu.memref_slice %arg4[%dma_start3A_66, %dma_start3A_67] : memref<128x128xf32, #tpu.memory_space<vmem>> -> memref<120x128xf32, #tpu.memory_space<vmem>>
      tpu.enqueue_dma source(%dma_start3A_68 : memref<120x128xf32, #tpu.memory_space<vmem>>) target(%dma_start3A_65 : memref<120x128xf32, #tpu.memory_space<vmem_shared>>) target_semaphore(%run_scoped3A : memref<!tpu.dma_semaphore, #tpu.memory_space<semaphore_mem>>)
      %dma_wait3A_69 = arith.constant 0 : i32
      %dma_wait3A_70 = arith.constant 0 : i32
      %dma_wait3A_71 = tpu.memref_slice %arg4[%dma_wait3A_69, %dma_wait3A_70] : memref<128x128xf32, #tpu.memory_space<vmem>> -> memref<120x128xf32, #tpu.memory_space<vmem>>
      %dma_wait3A_72 = arith.constant 0 : i32
      %dma_wait3A_73 = tpu.memref_slice %arg17[%sub3A_14, %dma_wait3A_72] : memref<10112x128xf32, #tpu.memory_space<vmem_shared>> -> memref<120x128xf32, #tpu.memory_space<vmem_shared>>
      %dma_wait3A_74 = arith.constant 0 : i32
      %dma_wait3A_75 = tpu.memref_slice %arg17[%sub3A_14, %dma_wait3A_74] : memref<10112x128xf32, #tpu.memory_space<vmem_shared>> -> memref<120x128xf32, #tpu.memory_space<vmem_shared>>
      %dma_wait3A_76 = arith.constant 0 : i32
      %dma_wait3A_77 = arith.constant 0 : i32
      %dma_wait3A_78 = tpu.memref_slice %arg4[%dma_wait3A_76, %dma_wait3A_77] : memref<128x128xf32, #tpu.memory_space<vmem>> -> memref<120x128xf32, #tpu.memory_space<vmem>>
      tpu.wait_dma2 semaphore(%run_scoped3A : memref<!tpu.dma_semaphore, #tpu.memory_space<semaphore_mem>>) src(%dma_wait3A_78 : memref<120x128xf32, #tpu.memory_space<vmem>>) dst(%dma_wait3A_75 : memref<120x128xf32, #tpu.memory_space<vmem_shared>>)
      tpu.yield
    }) : () -> ()
    %scan3A_15 = arith.constant 0 : i32
    %scan3A_16 = arith.constant 128 : i32
    %scan3A_17 = arith.addi %scan3A_15, %scan3A_16 : i32
    %scan3A_18 = arith.constant 1 : i32
    scf.for %scan3A_59 = %scan3A_15 to %scan3A_17 step %scan3A_18  : i32 {
      %mul3A_60 = arith.constant 1 : i32
      %mul3A_61 = arith.muli %scan3A_59, %mul3A_60 : i32
      %add3A_62 = arith.constant 0 : i32
      %add3A_63 = arith.addi %add3A_62, %mul3A_61 : i32
      %broadcast_in_dim3A = arith.constant 1.000000e+00 : f32
      %broadcast_in_dim3A_64 = vector.broadcast %broadcast_in_dim3A : f32 to vector<16xf32>
      %swap3A = arith.index_cast %add3A_63 : i32 to index
      %swap3A_65 = arith.constant 0 : index
      %swap3A_66 = tpu.vector_load %arg4[%swap3A, %swap3A_65] {strides = array<i32>} : memref<128x128xf32, #tpu.memory_space<vmem>>, vector<1x16xf32>,
      %swap3A_67 = vector.shape_cast %swap3A_66 : vector<1x16xf32> to vector<16xf32>
      %swap3A_68 = vector.shape_cast %broadcast_in_dim3A_64 : vector<16xf32> to vector<1x16xf32>
      tpu.vector_store %arg4[%swap3A, %swap3A_65], %swap3A_68 {strides = array<i32>} : memref<128x128xf32, #tpu.memory_space<vmem>>, vector<1x16xf32>,
      %broadcast_in_dim3A_69 = arith.constant 1.000000e+00 : f32
      %broadcast_in_dim3A_70 = vector.broadcast %broadcast_in_dim3A_69 : f32 to vector<16xf32>
      %swap3A_71 = arith.index_cast %add3A_63 : i32 to index
      %swap3A_72 = arith.constant 16 : index
      %swap3A_73 = tpu.vector_load %arg4[%swap3A_71, %swap3A_72] {strides = array<i32>} : memref<128x128xf32, #tpu.memory_space<vmem>>, vector<1x16xf32>,
      %swap3A_74 = vector.shape_cast %swap3A_73 : vector<1x16xf32> to vector<16xf32>
      %swap3A_75 = vector.shape_cast %broadcast_in_dim3A_70 : vector<16xf32> to vector<1x16xf32>
      tpu.vector_store %arg4[%swap3A_71, %swap3A_72], %swap3A_75 {strides = array<i32>} : memref<128x128xf32, #tpu.memory_space<vmem>>, vector<1x16xf32>,
      %broadcast_in_dim3A_76 = arith.constant 1.000000e+00 : f32
      %broadcast_in_dim3A_77 = vector.broadcast %broadcast_in_dim3A_76 : f32 to vector<16xf32>
      %swap3A_78 = arith.index_cast %add3A_63 : i32 to index
      %swap3A_79 = arith.constant 32 : index
      %swap3A_80 = tpu.vector_load %arg4[%swap3A_78, %swap3A_79] {strides = array<i32>} : memref<128x128xf32, #tpu.memory_space<vmem>>, vector<1x16xf32>,
      %swap3A_81 = vector.shape_cast %swap3A_80 : vector<1x16xf32> to vector<16xf32>
      %swap3A_82 = vector.shape_cast %broadcast_in_dim3A_77 : vector<16xf32> to vector<1x16xf32>
      tpu.vector_store %arg4[%swap3A_78, %swap3A_79], %swap3A_82 {strides = array<i32>} : memref<128x128xf32, #tpu.memory_space<vmem>>, vector<1x16xf32>,
      %broadcast_in_dim3A_83 = arith.constant 1.000000e+00 : f32
      %broadcast_in_dim3A_84 = vector.broadcast %broadcast_in_dim3A_83 : f32 to vector<16xf32>
      %swap3A_85 = arith.index_cast %add3A_63 : i32 to index
      %swap3A_86 = arith.constant 48 : index
      %swap3A_87 = tpu.vector_load %arg4[%swap3A_85, %swap3A_86] {strides = array<i32>} : memref<128x128xf32, #tpu.memory_space<vmem>>, vector<1x16xf32>,
      %swap3A_88 = vector.shape_cast %swap3A_87 : vector<1x16xf32> to vector<16xf32>
      %swap3A_89 = vector.shape_cast %broadcast_in_dim3A_84 : vector<16xf32> to vector<1x16xf32>
      tpu.vector_store %arg4[%swap3A_85, %swap3A_86], %swap3A_89 {strides = array<i32>} : memref<128x128xf32, #tpu.memory_space<vmem>>, vector<1x16xf32>,
      %broadcast_in_dim3A_90 = arith.constant 1.000000e+00 : f32
      %broadcast_in_dim3A_91 = vector.broadcast %broadcast_in_dim3A_90 : f32 to vector<16xf32>
      %swap3A_92 = arith.index_cast %add3A_63 : i32 to index
      %swap3A_93 = arith.constant 64 : index
      %swap3A_94 = tpu.vector_load %arg4[%swap3A_92, %swap3A_93] {strides = array<i32>} : memref<128x128xf32, #tpu.memory_space<vmem>>, vector<1x16xf32>,
      %swap3A_95 = vector.shape_cast %swap3A_94 : vector<1x16xf32> to vector<16xf32>
      %swap3A_96 = vector.shape_cast %broadcast_in_dim3A_91 : vector<16xf32> to vector<1x16xf32>
      tpu.vector_store %arg4[%swap3A_92, %swap3A_93], %swap3A_96 {strides = array<i32>} : memref<128x128xf32, #tpu.memory_space<vmem>>, vector<1x16xf32>,
      %broadcast_in_dim3A_97 = arith.constant 1.000000e+00 : f32
      %broadcast_in_dim3A_98 = vector.broadcast %broadcast_in_dim3A_97 : f32 to vector<16xf32>
      %swap3A_99 = arith.index_cast %add3A_63 : i32 to index
      %swap3A_100 = arith.constant 80 : index
      %swap3A_101 = tpu.vector_load %arg4[%swap3A_99, %swap3A_100] {strides = array<i32>} : memref<128x128xf32, #tpu.memory_space<vmem>>, vector<1x16xf32>,
      %swap3A_102 = vector.shape_cast %swap3A_101 : vector<1x16xf32> to vector<16xf32>
      %swap3A_103 = vector.shape_cast %broadcast_in_dim3A_98 : vector<16xf32> to vector<1x16xf32>
      tpu.vector_store %arg4[%swap3A_99, %swap3A_100], %swap3A_103 {strides = array<i32>} : memref<128x128xf32, #tpu.memory_space<vmem>>, vector<1x16xf32>,
      %broadcast_in_dim3A_104 = arith.constant 1.000000e+00 : f32
      %broadcast_in_dim3A_105 = vector.broadcast %broadcast_in_dim3A_104 : f32 to vector<16xf32>
      %swap3A_106 = arith.index_cast %add3A_63 : i32 to index
      %swap3A_107 = arith.constant 96 : index
      %swap3A_108 = tpu.vector_load %arg4[%swap3A_106, %swap3A_107] {strides = array<i32>} : memref<128x128xf32, #tpu.memory_space<vmem>>, vector<1x16xf32>,
      %swap3A_109 = vector.shape_cast %swap3A_108 : vector<1x16xf32> to vector<16xf32>
      %swap3A_110 = vector.shape_cast %broadcast_in_dim3A_105 : vector<16xf32> to vector<1x16xf32>
      tpu.vector_store %arg4[%swap3A_106, %swap3A_107], %swap3A_110 {strides = array<i32>} : memref<128x128xf32, #tpu.memory_space<vmem>>, vector<1x16xf32>,
      %broadcast_in_dim3A_111 = arith.constant 1.000000e+00 : f32
      %broadcast_in_dim3A_112 = vector.broadcast %broadcast_in_dim3A_111 : f32 to vector<16xf32>
      %swap3A_113 = arith.index_cast %add3A_63 : i32 to index
      %swap3A_114 = arith.constant 112 : index
      %swap3A_115 = tpu.vector_load %arg4[%swap3A_113, %swap3A_114] {strides = array<i32>} : memref<128x128xf32, #tpu.memory_space<vmem>>, vector<1x16xf32>,
      %swap3A_116 = vector.shape_cast %swap3A_115 : vector<1x16xf32> to vector<16xf32>
      %swap3A_117 = vector.shape_cast %broadcast_in_dim3A_112 : vector<16xf32> to vector<1x16xf32>
      tpu.vector_store %arg4[%swap3A_113, %swap3A_114], %swap3A_117 {strides = array<i32>} : memref<128x128xf32, #tpu.memory_space<vmem>>, vector<1x16xf32>,
    }
    %scan3A_19 = arith.constant 128 : i32
    %dma_start3A = arith.constant 0 : i32
    %dma_start3A_20 = arith.constant 0 : i32
    %dma_start3A_21 = tpu.memref_slice %arg2[%arg0, %arg1, %dma_start3A, %dma_start3A_20] : memref<2x16x157x128xi32, #tpu.memory_space<hbm>> -> memref<1x1x1x128xi32, #tpu.memory_space<hbm>>
    %dma_start3A_22 = tpu.memref_squeeze %dma_start3A_21 : memref<1x1x1x128xi32, #tpu.memory_space<hbm>> -> memref<128xi32, #tpu.memory_space<hbm>>
    %dma_start3A_23 = arith.constant 0 : i32
    %dma_start3A_24 = tpu.memref_slice %arg2[%arg0, %arg1, %dma_start3A, %dma_start3A_23] : memref<2x16x157x128xi32, #tpu.memory_space<hbm>> -> memref<1x1x1x128xi32, #tpu.memory_space<hbm>>
    %dma_start3A_25 = tpu.memref_squeeze %dma_start3A_24 : memref<1x1x1x128xi32, #tpu.memory_space<hbm>> -> memref<128xi32, #tpu.memory_space<hbm>>
    tpu.enqueue_dma source(%dma_start3A_25 : memref<128xi32, #tpu.memory_space<hbm>>) target(%arg5 : memref<128xi32, #tpu.memory_space<vmem>>) target_semaphore(%arg9 : memref<!tpu.dma_semaphore, #tpu.memory_space<semaphore_mem>>)
    %dma_start3A_26 = arith.constant 1 : i32
    %dma_start3A_27 = arith.constant 0 : i32
    %dma_start3A_28 = tpu.memref_slice %arg2[%arg0, %arg1, %dma_start3A_26, %dma_start3A_27] : memref<2x16x157x128xi32, #tpu.memory_space<hbm>> -> memref<1x1x1x128xi32, #tpu.memory_space<hbm>>
    %dma_start3A_29 = tpu.memref_squeeze %dma_start3A_28 : memref<1x1x1x128xi32, #tpu.memory_space<hbm>> -> memref<128xi32, #tpu.memory_space<hbm>>
    %dma_start3A_30 = arith.constant 0 : i32
    %dma_start3A_31 = tpu.memref_slice %arg2[%arg0, %arg1, %dma_start3A_26, %dma_start3A_30] : memref<2x16x157x128xi32, #tpu.memory_space<hbm>> -> memref<1x1x1x128xi32, #tpu.memory_space<hbm>>
    %dma_start3A_32 = tpu.memref_squeeze %dma_start3A_31 : memref<1x1x1x128xi32, #tpu.memory_space<hbm>> -> memref<128xi32, #tpu.memory_space<hbm>>
    tpu.enqueue_dma source(%dma_start3A_32 : memref<128xi32, #tpu.memory_space<hbm>>) target(%arg6 : memref<128xi32, #tpu.memory_space<vmem>>) target_semaphore(%arg10 : memref<!tpu.dma_semaphore, #tpu.memory_space<semaphore_mem>>)
    %barrier3A = arith.constant 0 : index
    tpu.barrier barrier_id(%barrier3A)
    %scan3A_33 = arith.constant 0 : i32
    %scan3A_34 = arith.constant 39 : i32
    %scan3A_35 = arith.addi %scan3A_33, %scan3A_34 : i32
    %scan3A_36 = arith.constant 1 : i32
    scf.for %scan3A_59 = %scan3A_33 to %scan3A_35 step %scan3A_36  : i32 {
      %mul3A_60 = arith.constant 1 : i32
      %mul3A_61 = arith.muli %scan3A_59, %mul3A_60 : i32
      %add3A_62 = arith.constant 0 : i32
      %add3A_63 = arith.addi %add3A_62, %mul3A_61 : i32
      %mul3A_64 = arith.constant 4 : i32
      %mul3A_65 = arith.muli %add3A_63, %mul3A_64 : i32
      %add3A_66 = arith.constant 0 : i32
      %add3A_67 = arith.addi %mul3A_65, %add3A_66 : i32
      %ge3A = arith.constant 2 : i32
      %ge3A_68 = arith.cmpi sge, %add3A_67, %ge3A : i32
      %convert_element_type3A = arith.extui %ge3A_68 : i1 to i32
      %cond3A = arith.constant 0 : i32
      %cond3A_69 = arith.cmpi ne, %convert_element_type3A, %cond3A : i32
      scf.if %cond3A_69 {
        %dma_wait3A_164 = arith.constant 0 : i32
        %dma_wait3A_165 = arith.constant 0 : i32
        %dma_wait3A_166 = tpu.memref_slice %arg17[%dma_wait3A_164, %dma_wait3A_165] : memref<10112x128xf32, #tpu.memory_space<vmem_shared>> -> memref<10112x128xf32, #tpu.memory_space<vmem_shared>>
        tpu.wait_indirect_dma semaphore(%arg15 : memref<!tpu.dma_semaphore, #tpu.memory_space<semaphore_mem>>) src(%arg4 : memref<128x128xf32, #tpu.memory_space<vmem>>) dst(%dma_wait3A_166 : memref<10112x128xf32, #tpu.memory_space<vmem_shared>>)
      } else {
      }
      %add3A_70 = arith.constant 2 : i32
      %add3A_71 = arith.addi %add3A_67, %add3A_70 : i32
      %lt3A = arith.constant 157 : i32
      %lt3A_72 = arith.cmpi slt, %add3A_71, %lt3A : i32
      %convert_element_type3A_73 = arith.extui %lt3A_72 : i1 to i32
      %cond3A_74 = arith.constant 0 : i32
      %cond3A_75 = arith.cmpi ne, %convert_element_type3A_73, %cond3A_74 : i32
      scf.if %cond3A_75 {
        %add3A_164 = arith.constant 2 : i32
        %add3A_165 = arith.addi %add3A_67, %add3A_164 : i32
        %dma_start3A_166 = arith.constant 0 : i32
        %dma_start3A_167 = tpu.memref_slice %arg2[%arg0, %arg1, %add3A_165, %dma_start3A_166] : memref<2x16x157x128xi32, #tpu.memory_space<hbm>> -> memref<1x1x1x128xi32, #tpu.memory_space<hbm>>
        %dma_start3A_168 = tpu.memref_squeeze %dma_start3A_167 : memref<1x1x1x128xi32, #tpu.memory_space<hbm>> -> memref<128xi32, #tpu.memory_space<hbm>>
        %dma_start3A_169 = arith.constant 0 : i32
        %dma_start3A_170 = tpu.memref_slice %arg2[%arg0, %arg1, %add3A_165, %dma_start3A_169] : memref<2x16x157x128xi32, #tpu.memory_space<hbm>> -> memref<1x1x1x128xi32, #tpu.memory_space<hbm>>
        %dma_start3A_171 = tpu.memref_squeeze %dma_start3A_170 : memref<1x1x1x128xi32, #tpu.memory_space<hbm>> -> memref<128xi32, #tpu.memory_space<hbm>>
        tpu.enqueue_dma source(%dma_start3A_171 : memref<128xi32, #tpu.memory_space<hbm>>) target(%arg7 : memref<128xi32, #tpu.memory_space<vmem>>) target_semaphore(%arg11 : memref<!tpu.dma_semaphore, #tpu.memory_space<semaphore_mem>>)
      } else {
      }
      %dma_wait3A_76 = arith.constant 0 : i32
      %dma_wait3A_77 = arith.constant 0 : i32
      %dma_wait3A_78 = tpu.memref_slice %arg2[%arg0, %arg1, %dma_wait3A_76, %dma_wait3A_77] : memref<2x16x157x128xi32, #tpu.memory_space<hbm>> -> memref<1x1x1x128xi32, #tpu.memory_space<hbm>>
      %dma_wait3A_79 = tpu.memref_squeeze %dma_wait3A_78 : memref<1x1x1x128xi32, #tpu.memory_space<hbm>> -> memref<128xi32, #tpu.memory_space<hbm>>
      %dma_wait3A_80 = arith.constant 0 : i32
      %dma_wait3A_81 = tpu.memref_slice %arg2[%arg0, %arg1, %dma_wait3A_76, %dma_wait3A_80] : memref<2x16x157x128xi32, #tpu.memory_space<hbm>> -> memref<1x1x1x128xi32, #tpu.memory_space<hbm>>
      %dma_wait3A_82 = tpu.memref_squeeze %dma_wait3A_81 : memref<1x1x1x128xi32, #tpu.memory_space<hbm>> -> memref<128xi32, #tpu.memory_space<hbm>>
      tpu.wait_dma2 semaphore(%arg9 : memref<!tpu.dma_semaphore, #tpu.memory_space<semaphore_mem>>) src(%dma_wait3A_82 : memref<128xi32, #tpu.memory_space<hbm>>) dst(%arg5 : memref<128xi32, #tpu.memory_space<vmem>>)
      %dma_start3A_83 = arith.constant 0 : i32
      %dma_start3A_84 = arith.constant 0 : i32
      %dma_start3A_85 = tpu.memref_slice %arg17[%dma_start3A_83, %dma_start3A_84] : memref<10112x128xf32, #tpu.memory_space<vmem_shared>> -> memref<10112x128xf32, #tpu.memory_space<vmem_shared>>
      tpu.enqueue_indirect_dma source(%arg4 : memref<128x128xf32, #tpu.memory_space<vmem>>) target(%dma_start3A_85 : memref<10112x128xf32, #tpu.memory_space<vmem_shared>>) offsets(%arg5 : memref<128xi32, #tpu.memory_space<vmem>>) semaphore(%arg13 : memref<!tpu.dma_semaphore, #tpu.memory_space<semaphore_mem>>) {add = true}
      %mul3A_86 = arith.constant 4 : i32
      %mul3A_87 = arith.muli %add3A_63, %mul3A_86 : i32
      %add3A_88 = arith.constant 1 : i32
      %add3A_89 = arith.addi %mul3A_87, %add3A_88 : i32
      %ge3A_90 = arith.constant 2 : i32
      %ge3A_91 = arith.cmpi sge, %add3A_89, %ge3A_90 : i32
      %convert_element_type3A_92 = arith.extui %ge3A_91 : i1 to i32
      %cond3A_93 = arith.constant 0 : i32
      %cond3A_94 = arith.cmpi ne, %convert_element_type3A_92, %cond3A_93 : i32
      scf.if %cond3A_94 {
        %dma_wait3A_164 = arith.constant 0 : i32
        %dma_wait3A_165 = arith.constant 0 : i32
        %dma_wait3A_166 = tpu.memref_slice %arg17[%dma_wait3A_164, %dma_wait3A_165] : memref<10112x128xf32, #tpu.memory_space<vmem_shared>> -> memref<10112x128xf32, #tpu.memory_space<vmem_shared>>
        tpu.wait_indirect_dma semaphore(%arg16 : memref<!tpu.dma_semaphore, #tpu.memory_space<semaphore_mem>>) src(%arg4 : memref<128x128xf32, #tpu.memory_space<vmem>>) dst(%dma_wait3A_166 : memref<10112x128xf32, #tpu.memory_space<vmem_shared>>)
      } else {
      }
      %add3A_95 = arith.constant 2 : i32
      %add3A_96 = arith.addi %add3A_89, %add3A_95 : i32
      %lt3A_97 = arith.constant 157 : i32
      %lt3A_98 = arith.cmpi slt, %add3A_96, %lt3A_97 : i32
      %convert_element_type3A_99 = arith.extui %lt3A_98 : i1 to i32
      %cond3A_100 = arith.constant 0 : i32
      %cond3A_101 = arith.cmpi ne, %convert_element_type3A_99, %cond3A_100 : i32
      scf.if %cond3A_101 {
        %add3A_164 = arith.constant 2 : i32
        %add3A_165 = arith.addi %add3A_89, %add3A_164 : i32
        %dma_start3A_166 = arith.constant 0 : i32
        %dma_start3A_167 = tpu.memref_slice %arg2[%arg0, %arg1, %add3A_165, %dma_start3A_166] : memref<2x16x157x128xi32, #tpu.memory_space<hbm>> -> memref<1x1x1x128xi32, #tpu.memory_space<hbm>>
        %dma_start3A_168 = tpu.memref_squeeze %dma_start3A_167 : memref<1x1x1x128xi32, #tpu.memory_space<hbm>> -> memref<128xi32, #tpu.memory_space<hbm>>
        %dma_start3A_169 = arith.constant 0 : i32
        %dma_start3A_170 = tpu.memref_slice %arg2[%arg0, %arg1, %add3A_165, %dma_start3A_169] : memref<2x16x157x128xi32, #tpu.memory_space<hbm>> -> memref<1x1x1x128xi32, #tpu.memory_space<hbm>>
        %dma_start3A_171 = tpu.memref_squeeze %dma_start3A_170 : memref<1x1x1x128xi32, #tpu.memory_space<hbm>> -> memref<128xi32, #tpu.memory_space<hbm>>
        tpu.enqueue_dma source(%dma_start3A_171 : memref<128xi32, #tpu.memory_space<hbm>>) target(%arg8 : memref<128xi32, #tpu.memory_space<vmem>>) target_semaphore(%arg12 : memref<!tpu.dma_semaphore, #tpu.memory_space<semaphore_mem>>)
      } else {
      }
      %dma_wait3A_102 = arith.constant 0 : i32
      %dma_wait3A_103 = arith.constant 0 : i32
      %dma_wait3A_104 = tpu.memref_slice %arg2[%arg0, %arg1, %dma_wait3A_102, %dma_wait3A_103] : memref<2x16x157x128xi32, #tpu.memory_space<hbm>> -> memref<1x1x1x128xi32, #tpu.memory_space<hbm>>
      %dma_wait3A_105 = tpu.memref_squeeze %dma_wait3A_104 : memref<1x1x1x128xi32, #tpu.memory_space<hbm>> -> memref<128xi32, #tpu.memory_space<hbm>>
      %dma_wait3A_106 = arith.constant 0 : i32
      %dma_wait3A_107 = tpu.memref_slice %arg2[%arg0, %arg1, %dma_wait3A_102, %dma_wait3A_106] : memref<2x16x157x128xi32, #tpu.memory_space<hbm>> -> memref<1x1x1x128xi32, #tpu.memory_space<hbm>>
      %dma_wait3A_108 = tpu.memref_squeeze %dma_wait3A_107 : memref<1x1x1x128xi32, #tpu.memory_space<hbm>> -> memref<128xi32, #tpu.memory_space<hbm>>
      tpu.wait_dma2 semaphore(%arg10 : memref<!tpu.dma_semaphore, #tpu.memory_space<semaphore_mem>>) src(%dma_wait3A_108 : memref<128xi32, #tpu.memory_space<hbm>>) dst(%arg6 : memref<128xi32, #tpu.memory_space<vmem>>)
      %dma_start3A_109 = arith.constant 0 : i32
      %dma_start3A_110 = arith.constant 0 : i32
      %dma_start3A_111 = tpu.memref_slice %arg17[%dma_start3A_109, %dma_start3A_110] : memref<10112x128xf32, #tpu.memory_space<vmem_shared>> -> memref<10112x128xf32, #tpu.memory_space<vmem_shared>>
      tpu.enqueue_indirect_dma source(%arg4 : memref<128x128xf32, #tpu.memory_space<vmem>>) target(%dma_start3A_111 : memref<10112x128xf32, #tpu.memory_space<vmem_shared>>) offsets(%arg6 : memref<128xi32, #tpu.memory_space<vmem>>) semaphore(%arg14 : memref<!tpu.dma_semaphore, #tpu.memory_space<semaphore_mem>>) {add = true}
      %mul3A_112 = arith.constant 4 : i32
      %mul3A_113 = arith.muli %add3A_63, %mul3A_112 : i32
      %add3A_114 = arith.constant 2 : i32
      %add3A_115 = arith.addi %mul3A_113, %add3A_114 : i32
      %ge3A_116 = arith.constant 2 : i32
      %ge3A_117 = arith.cmpi sge, %add3A_115, %ge3A_116 : i32
      %convert_element_type3A_118 = arith.extui %ge3A_117 : i1 to i32
      %cond3A_119 = arith.constant 0 : i32
      %cond3A_120 = arith.cmpi ne, %convert_element_type3A_118, %cond3A_119 : i32
      scf.if %cond3A_120 {
        %dma_wait3A_164 = arith.constant 0 : i32
        %dma_wait3A_165 = arith.constant 0 : i32
        %dma_wait3A_166 = tpu.memref_slice %arg17[%dma_wait3A_164, %dma_wait3A_165] : memref<10112x128xf32, #tpu.memory_space<vmem_shared>> -> memref<10112x128xf32, #tpu.memory_space<vmem_shared>>
        tpu.wait_indirect_dma semaphore(%arg13 : memref<!tpu.dma_semaphore, #tpu.memory_space<semaphore_mem>>) src(%arg4 : memref<128x128xf32, #tpu.memory_space<vmem>>) dst(%dma_wait3A_166 : memref<10112x128xf32, #tpu.memory_space<vmem_shared>>)
      } else {
      }
      %add3A_121 = arith.constant 2 : i32
      %add3A_122 = arith.addi %add3A_115, %add3A_121 : i32
      %lt3A_123 = arith.constant 157 : i32
      %lt3A_124 = arith.cmpi slt, %add3A_122, %lt3A_123 : i32
      %convert_element_type3A_125 = arith.extui %lt3A_124 : i1 to i32
      %cond3A_126 = arith.constant 0 : i32
      %cond3A_127 = arith.cmpi ne, %convert_element_type3A_125, %cond3A_126 : i32
      scf.if %cond3A_127 {
        %add3A_164 = arith.constant 2 : i32
        %add3A_165 = arith.addi %add3A_115, %add3A_164 : i32
        %dma_start3A_166 = arith.constant 0 : i32
        %dma_start3A_167 = tpu.memref_slice %arg2[%arg0, %arg1, %add3A_165, %dma_start3A_166] : memref<2x16x157x128xi32, #tpu.memory_space<hbm>> -> memref<1x1x1x128xi32, #tpu.memory_space<hbm>>
        %dma_start3A_168 = tpu.memref_squeeze %dma_start3A_167 : memref<1x1x1x128xi32, #tpu.memory_space<hbm>> -> memref<128xi32, #tpu.memory_space<hbm>>
        %dma_start3A_169 = arith.constant 0 : i32
        %dma_start3A_170 = tpu.memref_slice %arg2[%arg0, %arg1, %add3A_165, %dma_start3A_169] : memref<2x16x157x128xi32, #tpu.memory_space<hbm>> -> memref<1x1x1x128xi32, #tpu.memory_space<hbm>>
        %dma_start3A_171 = tpu.memref_squeeze %dma_start3A_170 : memref<1x1x1x128xi32, #tpu.memory_space<hbm>> -> memref<128xi32, #tpu.memory_space<hbm>>
        tpu.enqueue_dma source(%dma_start3A_171 : memref<128xi32, #tpu.memory_space<hbm>>) target(%arg5 : memref<128xi32, #tpu.memory_space<vmem>>) target_semaphore(%arg9 : memref<!tpu.dma_semaphore, #tpu.memory_space<semaphore_mem>>)
      } else {
      }
      %dma_wait3A_128 = arith.constant 0 : i32
      %dma_wait3A_129 = arith.constant 0 : i32
      %dma_wait3A_130 = tpu.memref_slice %arg2[%arg0, %arg1, %dma_wait3A_128, %dma_wait3A_129] : memref<2x16x157x128xi32, #tpu.memory_space<hbm>> -> memref<1x1x1x128xi32, #tpu.memory_space<hbm>>
      %dma_wait3A_131 = tpu.memref_squeeze %dma_wait3A_130 : memref<1x1x1x128xi32, #tpu.memory_space<hbm>> -> memref<128xi32, #tpu.memory_space<hbm>>
      %dma_wait3A_132 = arith.constant 0 : i32
      %dma_wait3A_133 = tpu.memref_slice %arg2[%arg0, %arg1, %dma_wait3A_128, %dma_wait3A_132] : memref<2x16x157x128xi32, #tpu.memory_space<hbm>> -> memref<1x1x1x128xi32, #tpu.memory_space<hbm>>
      %dma_wait3A_134 = tpu.memref_squeeze %dma_wait3A_133 : memref<1x1x1x128xi32, #tpu.memory_space<hbm>> -> memref<128xi32, #tpu.memory_space<hbm>>
      tpu.wait_dma2 semaphore(%arg11 : memref<!tpu.dma_semaphore, #tpu.memory_space<semaphore_mem>>) src(%dma_wait3A_134 : memref<128xi32, #tpu.memory_space<hbm>>) dst(%arg7 : memref<128xi32, #tpu.memory_space<vmem>>)
      %dma_start3A_135 = arith.constant 0 : i32
      %dma_start3A_136 = arith.constant 0 : i32
      %dma_start3A_137 = tpu.memref_slice %arg17[%dma_start3A_135, %dma_start3A_136] : memref<10112x128xf32, #tpu.memory_space<vmem_shared>> -> memref<10112x128xf32, #tpu.memory_space<vmem_shared>>
      tpu.enqueue_indirect_dma source(%arg4 : memref<128x128xf32, #tpu.memory_space<vmem>>) target(%dma_start3A_137 : memref<10112x128xf32, #tpu.memory_space<vmem_shared>>) offsets(%arg7 : memref<128xi32, #tpu.memory_space<vmem>>) semaphore(%arg15 : memref<!tpu.dma_semaphore, #tpu.memory_space<semaphore_mem>>) {add = true}
      %mul3A_138 = arith.constant 4 : i32
      %mul3A_139 = arith.muli %add3A_63, %mul3A_138 : i32
      %add3A_140 = arith.constant 3 : i32
      %add3A_141 = arith.addi %mul3A_139, %add3A_140 : i32
      %ge3A_142 = arith.constant 2 : i32
      %ge3A_143 = arith.cmpi sge, %add3A_141, %ge3A_142 : i32
      %convert_element_type3A_144 = arith.extui %ge3A_143 : i1 to i32
      %cond3A_145 = arith.constant 0 : i32
      %cond3A_146 = arith.cmpi ne, %convert_element_type3A_144, %cond3A_145 : i32
      scf.if %cond3A_146 {
        %dma_wait3A_164 = arith.constant 0 : i32
        %dma_wait3A_165 = arith.constant 0 : i32
        %dma_wait3A_166 = tpu.memref_slice %arg17[%dma_wait3A_164, %dma_wait3A_165] : memref<10112x128xf32, #tpu.memory_space<vmem_shared>> -> memref<10112x128xf32, #tpu.memory_space<vmem_shared>>
        tpu.wait_indirect_dma semaphore(%arg14 : memref<!tpu.dma_semaphore, #tpu.memory_space<semaphore_mem>>) src(%arg4 : memref<128x128xf32, #tpu.memory_space<vmem>>) dst(%dma_wait3A_166 : memref<10112x128xf32, #tpu.memory_space<vmem_shared>>)
      } else {
      }
      %add3A_147 = arith.constant 2 : i32
      %add3A_148 = arith.addi %add3A_141, %add3A_147 : i32
      %lt3A_149 = arith.constant 157 : i32
      %lt3A_150 = arith.cmpi slt, %add3A_148, %lt3A_149 : i32
      %convert_element_type3A_151 = arith.extui %lt3A_150 : i1 to i32
      %cond3A_152 = arith.constant 0 : i32
      %cond3A_153 = arith.cmpi ne, %convert_element_type3A_151, %cond3A_152 : i32
      scf.if %cond3A_153 {
        %add3A_164 = arith.constant 2 : i32
        %add3A_165 = arith.addi %add3A_141, %add3A_164 : i32
        %dma_start3A_166 = arith.constant 0 : i32
        %dma_start3A_167 = tpu.memref_slice %arg2[%arg0, %arg1, %add3A_165, %dma_start3A_166] : memref<2x16x157x128xi32, #tpu.memory_space<hbm>> -> memref<1x1x1x128xi32, #tpu.memory_space<hbm>>
        %dma_start3A_168 = tpu.memref_squeeze %dma_start3A_167 : memref<1x1x1x128xi32, #tpu.memory_space<hbm>> -> memref<128xi32, #tpu.memory_space<hbm>>
        %dma_start3A_169 = arith.constant 0 : i32
        %dma_start3A_170 = tpu.memref_slice %arg2[%arg0, %arg1, %add3A_165, %dma_start3A_169] : memref<2x16x157x128xi32, #tpu.memory_space<hbm>> -> memref<1x1x1x128xi32, #tpu.memory_space<hbm>>
        %dma_start3A_171 = tpu.memref_squeeze %dma_start3A_170 : memref<1x1x1x128xi32, #tpu.memory_space<hbm>> -> memref<128xi32, #tpu.memory_space<hbm>>
        tpu.enqueue_dma source(%dma_start3A_171 : memref<128xi32, #tpu.memory_space<hbm>>) target(%arg6 : memref<128xi32, #tpu.memory_space<vmem>>) target_semaphore(%arg10 : memref<!tpu.dma_semaphore, #tpu.memory_space<semaphore_mem>>)
      } else {
      }
      %dma_wait3A_154 = arith.constant 0 : i32
      %dma_wait3A_155 = arith.constant 0 : i32
      %dma_wait3A_156 = tpu.memref_slice %arg2[%arg0, %arg1, %dma_wait3A_154, %dma_wait3A_155] : memref<2x16x157x128xi32, #tpu.memory_space<hbm>> -> memref<1x1x1x128xi32, #tpu.memory_space<hbm>>
      %dma_wait3A_157 = tpu.memref_squeeze %dma_wait3A_156 : memref<1x1x1x128xi32, #tpu.memory_space<hbm>> -> memref<128xi32, #tpu.memory_space<hbm>>
      %dma_wait3A_158 = arith.constant 0 : i32
      %dma_wait3A_159 = tpu.memref_slice %arg2[%arg0, %arg1, %dma_wait3A_154, %dma_wait3A_158] : memref<2x16x157x128xi32, #tpu.memory_space<hbm>> -> memref<1x1x1x128xi32, #tpu.memory_space<hbm>>
      %dma_wait3A_160 = tpu.memref_squeeze %dma_wait3A_159 : memref<1x1x1x128xi32, #tpu.memory_space<hbm>> -> memref<128xi32, #tpu.memory_space<hbm>>
      tpu.wait_dma2 semaphore(%arg12 : memref<!tpu.dma_semaphore, #tpu.memory_space<semaphore_mem>>) src(%dma_wait3A_160 : memref<128xi32, #tpu.memory_space<hbm>>) dst(%arg8 : memref<128xi32, #tpu.memory_space<vmem>>)
      %dma_start3A_161 = arith.constant 0 : i32
      %dma_start3A_162 = arith.constant 0 : i32
      %dma_start3A_163 = tpu.memref_slice %arg17[%dma_start3A_161, %dma_start3A_162] : memref<10112x128xf32, #tpu.memory_space<vmem_shared>> -> memref<10112x128xf32, #tpu.memory_space<vmem_shared>>
      tpu.enqueue_indirect_dma source(%arg4 : memref<128x128xf32, #tpu.memory_space<vmem>>) target(%dma_start3A_163 : memref<10112x128xf32, #tpu.memory_space<vmem_shared>>) offsets(%arg8 : memref<128xi32, #tpu.memory_space<vmem>>) semaphore(%arg16 : memref<!tpu.dma_semaphore, #tpu.memory_space<semaphore_mem>>) {add = true}
    }
    %scan3A_37 = arith.constant 39 : i32
    %dma_wait3A = arith.constant 0 : i32
    %dma_wait3A_38 = arith.constant 0 : i32
    %dma_wait3A_39 = tpu.memref_slice %arg17[%dma_wait3A, %dma_wait3A_38] : memref<10112x128xf32, #tpu.memory_space<vmem_shared>> -> memref<10112x128xf32, #tpu.memory_space<vmem_shared>>
    tpu.wait_indirect_dma semaphore(%arg15 : memref<!tpu.dma_semaphore, #tpu.memory_space<semaphore_mem>>) src(%arg4 : memref<128x128xf32, #tpu.memory_space<vmem>>) dst(%dma_wait3A_39 : memref<10112x128xf32, #tpu.memory_space<vmem_shared>>)
    %dma_wait3A_40 = arith.constant 0 : i32
    %dma_wait3A_41 = arith.constant 0 : i32
    %dma_wait3A_42 = tpu.memref_slice %arg2[%arg0, %arg1, %dma_wait3A_40, %dma_wait3A_41] : memref<2x16x157x128xi32, #tpu.memory_space<hbm>> -> memref<1x1x1x128xi32, #tpu.memory_space<hbm>>
    %dma_wait3A_43 = tpu.memref_squeeze %dma_wait3A_42 : memref<1x1x1x128xi32, #tpu.memory_space<hbm>> -> memref<128xi32, #tpu.memory_space<hbm>>
    %dma_wait3A_44 = arith.constant 0 : i32
    %dma_wait3A_45 = tpu.memref_slice %arg2[%arg0, %arg1, %dma_wait3A_40, %dma_wait3A_44] : memref<2x16x157x128xi32, #tpu.memory_space<hbm>> -> memref<1x1x1x128xi32, #tpu.memory_space<hbm>>
    %dma_wait3A_46 = tpu.memref_squeeze %dma_wait3A_45 : memref<1x1x1x128xi32, #tpu.memory_space<hbm>> -> memref<128xi32, #tpu.memory_space<hbm>>
    tpu.wait_dma2 semaphore(%arg9 : memref<!tpu.dma_semaphore, #tpu.memory_space<semaphore_mem>>) src(%dma_wait3A_46 : memref<128xi32, #tpu.memory_space<hbm>>) dst(%arg5 : memref<128xi32, #tpu.memory_space<vmem>>)
    %dma_start3A_47 = arith.constant 0 : i32
    %dma_start3A_48 = arith.constant 0 : i32
    %dma_start3A_49 = tpu.memref_slice %arg17[%dma_start3A_47, %dma_start3A_48] : memref<10112x128xf32, #tpu.memory_space<vmem_shared>> -> memref<10112x128xf32, #tpu.memory_space<vmem_shared>>
    tpu.enqueue_indirect_dma source(%arg4 : memref<128x128xf32, #tpu.memory_space<vmem>>) target(%dma_start3A_49 : memref<10112x128xf32, #tpu.memory_space<vmem_shared>>) offsets(%arg5 : memref<128xi32, #tpu.memory_space<vmem>>) semaphore(%arg13 : memref<!tpu.dma_semaphore, #tpu.memory_space<semaphore_mem>>) {add = true}
    %dma_wait3A_50 = arith.constant 0 : i32
    %dma_wait3A_51 = arith.constant 0 : i32
    %dma_wait3A_52 = tpu.memref_slice %arg17[%dma_wait3A_50, %dma_wait3A_51] : memref<10112x128xf32, #tpu.memory_space<vmem_shared>> -> memref<10112x128xf32, #tpu.memory_space<vmem_shared>>
    tpu.wait_indirect_dma semaphore(%arg16 : memref<!tpu.dma_semaphore, #tpu.memory_space<semaphore_mem>>) src(%arg4 : memref<128x128xf32, #tpu.memory_space<vmem>>) dst(%dma_wait3A_52 : memref<10112x128xf32, #tpu.memory_space<vmem_shared>>)
    %dma_wait3A_53 = arith.constant 0 : i32
    %dma_wait3A_54 = arith.constant 0 : i32
    %dma_wait3A_55 = tpu.memref_slice %arg17[%dma_wait3A_53, %dma_wait3A_54] : memref<10112x128xf32, #tpu.memory_space<vmem_shared>> -> memref<10112x128xf32, #tpu.memory_space<vmem_shared>>
    tpu.wait_indirect_dma semaphore(%arg13 : memref<!tpu.dma_semaphore, #tpu.memory_space<semaphore_mem>>) src(%arg4 : memref<128x128xf32, #tpu.memory_space<vmem>>) dst(%dma_wait3A_55 : memref<10112x128xf32, #tpu.memory_space<vmem_shared>>)
    %barrier3A_56 = arith.constant 0 : index
    tpu.barrier barrier_id(%barrier3A_56)
    %mul3A_57 = arith.constant 632 : i32
    %mul3A_58 = arith.muli %arg1, %mul3A_57 : i32
    "tpu.region"() ({
      %run_scoped3A = tpu.sem_alloc : memref<!tpu.dma_semaphore, #tpu.memory_space<semaphore_mem>>
      %dma_start3A_59 = arith.constant 0 : i32
      %dma_start3A_60 = tpu.memref_slice %arg3[%arg0, %mul3A_58, %dma_start3A_59] : memref<2x10240x128xf32, #tpu.memory_space<hbm>> -> memref<1x632x128xf32, #tpu.memory_space<hbm>>
      %dma_start3A_61 = tpu.memref_squeeze %dma_start3A_60 : memref<1x632x128xf32, #tpu.memory_space<hbm>> -> memref<632x128xf32, #tpu.memory_space<hbm>>
      %dma_start3A_62 = arith.constant 0 : i32
      %dma_start3A_63 = tpu.memref_slice %arg17[%mul3A_58, %dma_start3A_62] : memref<10112x128xf32, #tpu.memory_space<vmem_shared>> -> memref<632x128xf32, #tpu.memory_space<vmem_shared>>
      tpu.enqueue_dma source(%dma_start3A_63 : memref<632x128xf32, #tpu.memory_space<vmem_shared>>) target(%dma_start3A_61 : memref<632x128xf32, #tpu.memory_space<hbm>>) target_semaphore(%run_scoped3A : memref<!tpu.dma_semaphore, #tpu.memory_space<semaphore_mem>>)
      %dma_wait3A_64 = arith.constant 0 : i32
      %dma_wait3A_65 = tpu.memref_slice %arg3[%arg0, %mul3A_58, %dma_wait3A_64] : memref<2x10240x128xf32, #tpu.memory_space<hbm>> -> memref<1x632x128xf32, #tpu.memory_space<hbm>>
      %dma_wait3A_66 = tpu.memref_squeeze %dma_wait3A_65 : memref<1x632x128xf32, #tpu.memory_space<hbm>> -> memref<632x128xf32, #tpu.memory_space<hbm>>
      %dma_wait3A_67 = arith.constant 0 : i32
      %dma_wait3A_68 = tpu.memref_slice %arg17[%mul3A_58, %dma_wait3A_67] : memref<10112x128xf32, #tpu.memory_space<vmem_shared>> -> memref<632x128xf32, #tpu.memory_space<vmem_shared>>
      tpu.wait_dma2 semaphore(%run_scoped3A : memref<!tpu.dma_semaphore, #tpu.memory_space<semaphore_mem>>) src(%dma_wait3A_68 : memref<632x128xf32, #tpu.memory_space<vmem_shared>>) dst(%dma_wait3A_66 : memref<632x128xf32, #tpu.memory_space<hbm>>)
      tpu.yield
    }) : () -> ()
    return
  }
}

#map = affine_map<(d0, d1) -> (0, 0, 0)>
#map1 = affine_map<(d0, d1) -> (0, 0, 0, 0, 0)>
module attributes {stable_mosaic.version = 14 : i64} {
  func.func @_conv_kernel(%arg0: i32, %arg1: i32, %arg2: memref<2x10240x128xf32, #tpu.memory_space<hbm>>, %arg3: memref<2x16x157x2x128xi32, #tpu.memory_space<hbm>>, %arg4: memref<2x10240x128xf32, #tpu.memory_space<hbm>>, %arg5: memref<2x128xi32, #tpu.memory_space<vmem>>, %arg6: memref<2x128xi32, #tpu.memory_space<vmem>>, %arg7: memref<2x128xi32, #tpu.memory_space<vmem>>, %arg8: memref<2x128xi32, #tpu.memory_space<vmem>>, %arg9: memref<128x128xf32, #tpu.memory_space<vmem>>, %arg10: memref<128x128xf32, #tpu.memory_space<vmem>>, %arg11: memref<128x128xf32, #tpu.memory_space<vmem>>, %arg12: memref<!tpu.dma_semaphore, #tpu.memory_space<semaphore_mem>>, %arg13: memref<!tpu.dma_semaphore, #tpu.memory_space<semaphore_mem>>, %arg14: memref<!tpu.dma_semaphore, #tpu.memory_space<semaphore_mem>>, %arg15: memref<!tpu.dma_semaphore, #tpu.memory_space<semaphore_mem>>, %arg16: memref<!tpu.dma_semaphore, #tpu.memory_space<semaphore_mem>>, %arg17: memref<!tpu.dma_semaphore, #tpu.memory_space<semaphore_mem>>, %arg18: memref<!tpu.dma_semaphore, #tpu.memory_space<semaphore_mem>>, %arg19: memref<!tpu.dma_semaphore, #tpu.memory_space<semaphore_mem>>, %arg20: memref<!tpu.dma_semaphore, #tpu.memory_space<semaphore_mem>>, %arg21: memref<!tpu.dma_semaphore, #tpu.memory_space<semaphore_mem>>, %arg22: memref<10112x128xf32, #tpu.memory_space<vmem_shared>>) attributes {dimension_semantics = [#tpu.dimension_semantics<core_parallel>, #tpu.dimension_semantics<subcore_parallel>], iteration_bounds = array<i64: 2, 16>, scalar_prefetch = 0 : i64, scratch_operands = 18 : i64, tpu.core_type = #tpu.core_type<sc_vector_subcore>, window_params = [{transform_indices = #map}, {transform_indices = #map1}, {transform_indices = #map}]} {
    %scan3A = arith.constant 0 : i32
    %scan3A_0 = arith.constant 128 : i32
    %scan3A_1 = arith.addi %scan3A, %scan3A_0 : i32
    %scan3A_2 = arith.constant 1 : i32
    scf.for %scan3A_98 = %scan3A to %scan3A_1 step %scan3A_2  : i32 {
      %mul3A_99 = arith.constant 1 : i32
      %mul3A_100 = arith.muli %scan3A_98, %mul3A_99 : i32
      %add3A_101 = arith.constant 0 : i32
      %add3A_102 = arith.addi %add3A_101, %mul3A_100 : i32
      %broadcast_in_dim3A = arith.constant 0.000000e+00 : f32
      %broadcast_in_dim3A_103 = vector.broadcast %broadcast_in_dim3A : f32 to vector<16xf32>
      %swap3A = arith.index_cast %add3A_102 : i32 to index
      %swap3A_104 = arith.constant 0 : index
      %swap3A_105 = tpu.vector_load %arg9[%swap3A, %swap3A_104] {strides = array<i32>} : memref<128x128xf32, #tpu.memory_space<vmem>>, vector<1x16xf32>,
      %swap3A_106 = vector.shape_cast %swap3A_105 : vector<1x16xf32> to vector<16xf32>
      %swap3A_107 = vector.shape_cast %broadcast_in_dim3A_103 : vector<16xf32> to vector<1x16xf32>
      tpu.vector_store %arg9[%swap3A, %swap3A_104], %swap3A_107 {strides = array<i32>} : memref<128x128xf32, #tpu.memory_space<vmem>>, vector<1x16xf32>,
      %broadcast_in_dim3A_108 = arith.constant 0.000000e+00 : f32
      %broadcast_in_dim3A_109 = vector.broadcast %broadcast_in_dim3A_108 : f32 to vector<16xf32>
      %swap3A_110 = arith.index_cast %add3A_102 : i32 to index
      %swap3A_111 = arith.constant 16 : index
      %swap3A_112 = tpu.vector_load %arg9[%swap3A_110, %swap3A_111] {strides = array<i32>} : memref<128x128xf32, #tpu.memory_space<vmem>>, vector<1x16xf32>,
      %swap3A_113 = vector.shape_cast %swap3A_112 : vector<1x16xf32> to vector<16xf32>
      %swap3A_114 = vector.shape_cast %broadcast_in_dim3A_109 : vector<16xf32> to vector<1x16xf32>
      tpu.vector_store %arg9[%swap3A_110, %swap3A_111], %swap3A_114 {strides = array<i32>} : memref<128x128xf32, #tpu.memory_space<vmem>>, vector<1x16xf32>,
      %broadcast_in_dim3A_115 = arith.constant 0.000000e+00 : f32
      %broadcast_in_dim3A_116 = vector.broadcast %broadcast_in_dim3A_115 : f32 to vector<16xf32>
      %swap3A_117 = arith.index_cast %add3A_102 : i32 to index
      %swap3A_118 = arith.constant 32 : index
      %swap3A_119 = tpu.vector_load %arg9[%swap3A_117, %swap3A_118] {strides = array<i32>} : memref<128x128xf32, #tpu.memory_space<vmem>>, vector<1x16xf32>,
      %swap3A_120 = vector.shape_cast %swap3A_119 : vector<1x16xf32> to vector<16xf32>
      %swap3A_121 = vector.shape_cast %broadcast_in_dim3A_116 : vector<16xf32> to vector<1x16xf32>
      tpu.vector_store %arg9[%swap3A_117, %swap3A_118], %swap3A_121 {strides = array<i32>} : memref<128x128xf32, #tpu.memory_space<vmem>>, vector<1x16xf32>,
      %broadcast_in_dim3A_122 = arith.constant 0.000000e+00 : f32
      %broadcast_in_dim3A_123 = vector.broadcast %broadcast_in_dim3A_122 : f32 to vector<16xf32>
      %swap3A_124 = arith.index_cast %add3A_102 : i32 to index
      %swap3A_125 = arith.constant 48 : index
      %swap3A_126 = tpu.vector_load %arg9[%swap3A_124, %swap3A_125] {strides = array<i32>} : memref<128x128xf32, #tpu.memory_space<vmem>>, vector<1x16xf32>,
      %swap3A_127 = vector.shape_cast %swap3A_126 : vector<1x16xf32> to vector<16xf32>
      %swap3A_128 = vector.shape_cast %broadcast_in_dim3A_123 : vector<16xf32> to vector<1x16xf32>
      tpu.vector_store %arg9[%swap3A_124, %swap3A_125], %swap3A_128 {strides = array<i32>} : memref<128x128xf32, #tpu.memory_space<vmem>>, vector<1x16xf32>,
      %broadcast_in_dim3A_129 = arith.constant 0.000000e+00 : f32
      %broadcast_in_dim3A_130 = vector.broadcast %broadcast_in_dim3A_129 : f32 to vector<16xf32>
      %swap3A_131 = arith.index_cast %add3A_102 : i32 to index
      %swap3A_132 = arith.constant 64 : index
      %swap3A_133 = tpu.vector_load %arg9[%swap3A_131, %swap3A_132] {strides = array<i32>} : memref<128x128xf32, #tpu.memory_space<vmem>>, vector<1x16xf32>,
      %swap3A_134 = vector.shape_cast %swap3A_133 : vector<1x16xf32> to vector<16xf32>
      %swap3A_135 = vector.shape_cast %broadcast_in_dim3A_130 : vector<16xf32> to vector<1x16xf32>
      tpu.vector_store %arg9[%swap3A_131, %swap3A_132], %swap3A_135 {strides = array<i32>} : memref<128x128xf32, #tpu.memory_space<vmem>>, vector<1x16xf32>,
      %broadcast_in_dim3A_136 = arith.constant 0.000000e+00 : f32
      %broadcast_in_dim3A_137 = vector.broadcast %broadcast_in_dim3A_136 : f32 to vector<16xf32>
      %swap3A_138 = arith.index_cast %add3A_102 : i32 to index
      %swap3A_139 = arith.constant 80 : index
      %swap3A_140 = tpu.vector_load %arg9[%swap3A_138, %swap3A_139] {strides = array<i32>} : memref<128x128xf32, #tpu.memory_space<vmem>>, vector<1x16xf32>,
      %swap3A_141 = vector.shape_cast %swap3A_140 : vector<1x16xf32> to vector<16xf32>
      %swap3A_142 = vector.shape_cast %broadcast_in_dim3A_137 : vector<16xf32> to vector<1x16xf32>
      tpu.vector_store %arg9[%swap3A_138, %swap3A_139], %swap3A_142 {strides = array<i32>} : memref<128x128xf32, #tpu.memory_space<vmem>>, vector<1x16xf32>,
      %broadcast_in_dim3A_143 = arith.constant 0.000000e+00 : f32
      %broadcast_in_dim3A_144 = vector.broadcast %broadcast_in_dim3A_143 : f32 to vector<16xf32>
      %swap3A_145 = arith.index_cast %add3A_102 : i32 to index
      %swap3A_146 = arith.constant 96 : index
      %swap3A_147 = tpu.vector_load %arg9[%swap3A_145, %swap3A_146] {strides = array<i32>} : memref<128x128xf32, #tpu.memory_space<vmem>>, vector<1x16xf32>,
      %swap3A_148 = vector.shape_cast %swap3A_147 : vector<1x16xf32> to vector<16xf32>
      %swap3A_149 = vector.shape_cast %broadcast_in_dim3A_144 : vector<16xf32> to vector<1x16xf32>
      tpu.vector_store %arg9[%swap3A_145, %swap3A_146], %swap3A_149 {strides = array<i32>} : memref<128x128xf32, #tpu.memory_space<vmem>>, vector<1x16xf32>,
      %broadcast_in_dim3A_150 = arith.constant 0.000000e+00 : f32
      %broadcast_in_dim3A_151 = vector.broadcast %broadcast_in_dim3A_150 : f32 to vector<16xf32>
      %swap3A_152 = arith.index_cast %add3A_102 : i32 to index
      %swap3A_153 = arith.constant 112 : index
      %swap3A_154 = tpu.vector_load %arg9[%swap3A_152, %swap3A_153] {strides = array<i32>} : memref<128x128xf32, #tpu.memory_space<vmem>>, vector<1x16xf32>,
      %swap3A_155 = vector.shape_cast %swap3A_154 : vector<1x16xf32> to vector<16xf32>
      %swap3A_156 = vector.shape_cast %broadcast_in_dim3A_151 : vector<16xf32> to vector<1x16xf32>
      tpu.vector_store %arg9[%swap3A_152, %swap3A_153], %swap3A_156 {strides = array<i32>} : memref<128x128xf32, #tpu.memory_space<vmem>>, vector<1x16xf32>,
    }
    %scan3A_3 = arith.constant 128 : i32
    %mul3A = arith.constant 632 : i32
    %mul3A_4 = arith.muli %arg1, %mul3A : i32
    %add3A = arith.constant 0 : i32
    %add3A_5 = arith.addi %mul3A_4, %add3A : i32
    "tpu.region"() ({
      %run_scoped3A = tpu.sem_alloc : memref<!tpu.dma_semaphore, #tpu.memory_space<semaphore_mem>>
      %dma_start3A_98 = arith.constant 0 : i32
      %dma_start3A_99 = tpu.memref_slice %arg22[%add3A_5, %dma_start3A_98] : memref<10112x128xf32, #tpu.memory_space<vmem_shared>> -> memref<128x128xf32, #tpu.memory_space<vmem_shared>>
      %dma_start3A_100 = arith.constant 0 : i32
      %dma_start3A_101 = tpu.memref_slice %arg22[%add3A_5, %dma_start3A_100] : memref<10112x128xf32, #tpu.memory_space<vmem_shared>> -> memref<128x128xf32, #tpu.memory_space<vmem_shared>>
      tpu.enqueue_dma source(%arg9 : memref<128x128xf32, #tpu.memory_space<vmem>>) target(%dma_start3A_101 : memref<128x128xf32, #tpu.memory_space<vmem_shared>>) target_semaphore(%run_scoped3A : memref<!tpu.dma_semaphore, #tpu.memory_space<semaphore_mem>>)
      %dma_wait3A_102 = arith.constant 0 : i32
      %dma_wait3A_103 = tpu.memref_slice %arg22[%add3A_5, %dma_wait3A_102] : memref<10112x128xf32, #tpu.memory_space<vmem_shared>> -> memref<128x128xf32, #tpu.memory_space<vmem_shared>>
      %dma_wait3A_104 = arith.constant 0 : i32
      %dma_wait3A_105 = tpu.memref_slice %arg22[%add3A_5, %dma_wait3A_104] : memref<10112x128xf32, #tpu.memory_space<vmem_shared>> -> memref<128x128xf32, #tpu.memory_space<vmem_shared>>
      tpu.wait_dma2 semaphore(%run_scoped3A : memref<!tpu.dma_semaphore, #tpu.memory_space<semaphore_mem>>) src(%arg9 : memref<128x128xf32, #tpu.memory_space<vmem>>) dst(%dma_wait3A_105 : memref<128x128xf32, #tpu.memory_space<vmem_shared>>)
      tpu.yield
    }) : () -> ()
    %add3A_6 = arith.constant 128 : i32
    %add3A_7 = arith.addi %mul3A_4, %add3A_6 : i32
    "tpu.region"() ({
      %run_scoped3A = tpu.sem_alloc : memref<!tpu.dma_semaphore, #tpu.memory_space<semaphore_mem>>
      %dma_start3A_98 = arith.constant 0 : i32
      %dma_start3A_99 = tpu.memref_slice %arg22[%add3A_7, %dma_start3A_98] : memref<10112x128xf32, #tpu.memory_space<vmem_shared>> -> memref<128x128xf32, #tpu.memory_space<vmem_shared>>
      %dma_start3A_100 = arith.constant 0 : i32
      %dma_start3A_101 = tpu.memref_slice %arg22[%add3A_7, %dma_start3A_100] : memref<10112x128xf32, #tpu.memory_space<vmem_shared>> -> memref<128x128xf32, #tpu.memory_space<vmem_shared>>
      tpu.enqueue_dma source(%arg9 : memref<128x128xf32, #tpu.memory_space<vmem>>) target(%dma_start3A_101 : memref<128x128xf32, #tpu.memory_space<vmem_shared>>) target_semaphore(%run_scoped3A : memref<!tpu.dma_semaphore, #tpu.memory_space<semaphore_mem>>)
      %dma_wait3A_102 = arith.constant 0 : i32
      %dma_wait3A_103 = tpu.memref_slice %arg22[%add3A_7, %dma_wait3A_102] : memref<10112x128xf32, #tpu.memory_space<vmem_shared>> -> memref<128x128xf32, #tpu.memory_space<vmem_shared>>
      %dma_wait3A_104 = arith.constant 0 : i32
      %dma_wait3A_105 = tpu.memref_slice %arg22[%add3A_7, %dma_wait3A_104] : memref<10112x128xf32, #tpu.memory_space<vmem_shared>> -> memref<128x128xf32, #tpu.memory_space<vmem_shared>>
      tpu.wait_dma2 semaphore(%run_scoped3A : memref<!tpu.dma_semaphore, #tpu.memory_space<semaphore_mem>>) src(%arg9 : memref<128x128xf32, #tpu.memory_space<vmem>>) dst(%dma_wait3A_105 : memref<128x128xf32, #tpu.memory_space<vmem_shared>>)
      tpu.yield
    }) : () -> ()
    %add3A_8 = arith.constant 256 : i32
    %add3A_9 = arith.addi %mul3A_4, %add3A_8 : i32
    "tpu.region"() ({
      %run_scoped3A = tpu.sem_alloc : memref<!tpu.dma_semaphore, #tpu.memory_space<semaphore_mem>>
      %dma_start3A_98 = arith.constant 0 : i32
      %dma_start3A_99 = tpu.memref_slice %arg22[%add3A_9, %dma_start3A_98] : memref<10112x128xf32, #tpu.memory_space<vmem_shared>> -> memref<128x128xf32, #tpu.memory_space<vmem_shared>>
      %dma_start3A_100 = arith.constant 0 : i32
      %dma_start3A_101 = tpu.memref_slice %arg22[%add3A_9, %dma_start3A_100] : memref<10112x128xf32, #tpu.memory_space<vmem_shared>> -> memref<128x128xf32, #tpu.memory_space<vmem_shared>>
      tpu.enqueue_dma source(%arg9 : memref<128x128xf32, #tpu.memory_space<vmem>>) target(%dma_start3A_101 : memref<128x128xf32, #tpu.memory_space<vmem_shared>>) target_semaphore(%run_scoped3A : memref<!tpu.dma_semaphore, #tpu.memory_space<semaphore_mem>>)
      %dma_wait3A_102 = arith.constant 0 : i32
      %dma_wait3A_103 = tpu.memref_slice %arg22[%add3A_9, %dma_wait3A_102] : memref<10112x128xf32, #tpu.memory_space<vmem_shared>> -> memref<128x128xf32, #tpu.memory_space<vmem_shared>>
      %dma_wait3A_104 = arith.constant 0 : i32
      %dma_wait3A_105 = tpu.memref_slice %arg22[%add3A_9, %dma_wait3A_104] : memref<10112x128xf32, #tpu.memory_space<vmem_shared>> -> memref<128x128xf32, #tpu.memory_space<vmem_shared>>
      tpu.wait_dma2 semaphore(%run_scoped3A : memref<!tpu.dma_semaphore, #tpu.memory_space<semaphore_mem>>) src(%arg9 : memref<128x128xf32, #tpu.memory_space<vmem>>) dst(%dma_wait3A_105 : memref<128x128xf32, #tpu.memory_space<vmem_shared>>)
      tpu.yield
    }) : () -> ()
    %add3A_10 = arith.constant 384 : i32
    %add3A_11 = arith.addi %mul3A_4, %add3A_10 : i32
    "tpu.region"() ({
      %run_scoped3A = tpu.sem_alloc : memref<!tpu.dma_semaphore, #tpu.memory_space<semaphore_mem>>
      %dma_start3A_98 = arith.constant 0 : i32
      %dma_start3A_99 = tpu.memref_slice %arg22[%add3A_11, %dma_start3A_98] : memref<10112x128xf32, #tpu.memory_space<vmem_shared>> -> memref<128x128xf32, #tpu.memory_space<vmem_shared>>
      %dma_start3A_100 = arith.constant 0 : i32
      %dma_start3A_101 = tpu.memref_slice %arg22[%add3A_11, %dma_start3A_100] : memref<10112x128xf32, #tpu.memory_space<vmem_shared>> -> memref<128x128xf32, #tpu.memory_space<vmem_shared>>
      tpu.enqueue_dma source(%arg9 : memref<128x128xf32, #tpu.memory_space<vmem>>) target(%dma_start3A_101 : memref<128x128xf32, #tpu.memory_space<vmem_shared>>) target_semaphore(%run_scoped3A : memref<!tpu.dma_semaphore, #tpu.memory_space<semaphore_mem>>)
      %dma_wait3A_102 = arith.constant 0 : i32
      %dma_wait3A_103 = tpu.memref_slice %arg22[%add3A_11, %dma_wait3A_102] : memref<10112x128xf32, #tpu.memory_space<vmem_shared>> -> memref<128x128xf32, #tpu.memory_space<vmem_shared>>
      %dma_wait3A_104 = arith.constant 0 : i32
      %dma_wait3A_105 = tpu.memref_slice %arg22[%add3A_11, %dma_wait3A_104] : memref<10112x128xf32, #tpu.memory_space<vmem_shared>> -> memref<128x128xf32, #tpu.memory_space<vmem_shared>>
      tpu.wait_dma2 semaphore(%run_scoped3A : memref<!tpu.dma_semaphore, #tpu.memory_space<semaphore_mem>>) src(%arg9 : memref<128x128xf32, #tpu.memory_space<vmem>>) dst(%dma_wait3A_105 : memref<128x128xf32, #tpu.memory_space<vmem_shared>>)
      tpu.yield
    }) : () -> ()
    %add3A_12 = arith.constant 632 : i32
    %add3A_13 = arith.addi %mul3A_4, %add3A_12 : i32
    %sub3A = arith.constant 120 : i32
    %sub3A_14 = arith.subi %add3A_13, %sub3A : i32
    "tpu.region"() ({
      %run_scoped3A = tpu.sem_alloc : memref<!tpu.dma_semaphore, #tpu.memory_space<semaphore_mem>>
      %dma_start3A_98 = arith.constant 0 : i32
      %dma_start3A_99 = arith.constant 0 : i32
      %dma_start3A_100 = tpu.memref_slice %arg9[%dma_start3A_98, %dma_start3A_99] : memref<128x128xf32, #tpu.memory_space<vmem>> -> memref<120x128xf32, #tpu.memory_space<vmem>>
      %dma_start3A_101 = arith.constant 0 : i32
      %dma_start3A_102 = tpu.memref_slice %arg22[%sub3A_14, %dma_start3A_101] : memref<10112x128xf32, #tpu.memory_space<vmem_shared>> -> memref<120x128xf32, #tpu.memory_space<vmem_shared>>
      %dma_start3A_103 = arith.constant 0 : i32
      %dma_start3A_104 = tpu.memref_slice %arg22[%sub3A_14, %dma_start3A_103] : memref<10112x128xf32, #tpu.memory_space<vmem_shared>> -> memref<120x128xf32, #tpu.memory_space<vmem_shared>>
      %dma_start3A_105 = arith.constant 0 : i32
      %dma_start3A_106 = arith.constant 0 : i32
      %dma_start3A_107 = tpu.memref_slice %arg9[%dma_start3A_105, %dma_start3A_106] : memref<128x128xf32, #tpu.memory_space<vmem>> -> memref<120x128xf32, #tpu.memory_space<vmem>>
      tpu.enqueue_dma source(%dma_start3A_107 : memref<120x128xf32, #tpu.memory_space<vmem>>) target(%dma_start3A_104 : memref<120x128xf32, #tpu.memory_space<vmem_shared>>) target_semaphore(%run_scoped3A : memref<!tpu.dma_semaphore, #tpu.memory_space<semaphore_mem>>)
      %dma_wait3A_108 = arith.constant 0 : i32
      %dma_wait3A_109 = arith.constant 0 : i32
      %dma_wait3A_110 = tpu.memref_slice %arg9[%dma_wait3A_108, %dma_wait3A_109] : memref<128x128xf32, #tpu.memory_space<vmem>> -> memref<120x128xf32, #tpu.memory_space<vmem>>
      %dma_wait3A_111 = arith.constant 0 : i32
      %dma_wait3A_112 = tpu.memref_slice %arg22[%sub3A_14, %dma_wait3A_111] : memref<10112x128xf32, #tpu.memory_space<vmem_shared>> -> memref<120x128xf32, #tpu.memory_space<vmem_shared>>
      %dma_wait3A_113 = arith.constant 0 : i32
      %dma_wait3A_114 = tpu.memref_slice %arg22[%sub3A_14, %dma_wait3A_113] : memref<10112x128xf32, #tpu.memory_space<vmem_shared>> -> memref<120x128xf32, #tpu.memory_space<vmem_shared>>
      %dma_wait3A_115 = arith.constant 0 : i32
      %dma_wait3A_116 = arith.constant 0 : i32
      %dma_wait3A_117 = tpu.memref_slice %arg9[%dma_wait3A_115, %dma_wait3A_116] : memref<128x128xf32, #tpu.memory_space<vmem>> -> memref<120x128xf32, #tpu.memory_space<vmem>>
      tpu.wait_dma2 semaphore(%run_scoped3A : memref<!tpu.dma_semaphore, #tpu.memory_space<semaphore_mem>>) src(%dma_wait3A_117 : memref<120x128xf32, #tpu.memory_space<vmem>>) dst(%dma_wait3A_114 : memref<120x128xf32, #tpu.memory_space<vmem_shared>>)
      tpu.yield
    }) : () -> ()
    %dma_start3A = arith.constant 0 : i32
    %dma_start3A_15 = arith.constant 0 : i32
    %dma_start3A_16 = arith.constant 0 : i32
    %dma_start3A_17 = tpu.memref_slice %arg3[%arg0, %arg1, %dma_start3A, %dma_start3A_15, %dma_start3A_16] : memref<2x16x157x2x128xi32, #tpu.memory_space<hbm>> -> memref<1x1x1x2x128xi32, #tpu.memory_space<hbm>>
    %dma_start3A_18 = tpu.memref_squeeze %dma_start3A_17 : memref<1x1x1x2x128xi32, #tpu.memory_space<hbm>> -> memref<2x128xi32, #tpu.memory_space<hbm>>
    %dma_start3A_19 = arith.constant 0 : i32
    %dma_start3A_20 = arith.constant 0 : i32
    %dma_start3A_21 = tpu.memref_slice %arg3[%arg0, %arg1, %dma_start3A, %dma_start3A_19, %dma_start3A_20] : memref<2x16x157x2x128xi32, #tpu.memory_space<hbm>> -> memref<1x1x1x2x128xi32, #tpu.memory_space<hbm>>
    %dma_start3A_22 = tpu.memref_squeeze %dma_start3A_21 : memref<1x1x1x2x128xi32, #tpu.memory_space<hbm>> -> memref<2x128xi32, #tpu.memory_space<hbm>>
    tpu.enqueue_dma source(%dma_start3A_22 : memref<2x128xi32, #tpu.memory_space<hbm>>) target(%arg5 : memref<2x128xi32, #tpu.memory_space<vmem>>) target_semaphore(%arg12 : memref<!tpu.dma_semaphore, #tpu.memory_space<semaphore_mem>>)
    %dma_start3A_23 = arith.constant 1 : i32
    %dma_start3A_24 = arith.constant 0 : i32
    %dma_start3A_25 = arith.constant 0 : i32
    %dma_start3A_26 = tpu.memref_slice %arg3[%arg0, %arg1, %dma_start3A_23, %dma_start3A_24, %dma_start3A_25] : memref<2x16x157x2x128xi32, #tpu.memory_space<hbm>> -> memref<1x1x1x2x128xi32, #tpu.memory_space<hbm>>
    %dma_start3A_27 = tpu.memref_squeeze %dma_start3A_26 : memref<1x1x1x2x128xi32, #tpu.memory_space<hbm>> -> memref<2x128xi32, #tpu.memory_space<hbm>>
    %dma_start3A_28 = arith.constant 0 : i32
    %dma_start3A_29 = arith.constant 0 : i32
    %dma_start3A_30 = tpu.memref_slice %arg3[%arg0, %arg1, %dma_start3A_23, %dma_start3A_28, %dma_start3A_29] : memref<2x16x157x2x128xi32, #tpu.memory_space<hbm>> -> memref<1x1x1x2x128xi32, #tpu.memory_space<hbm>>
    %dma_start3A_31 = tpu.memref_squeeze %dma_start3A_30 : memref<1x1x1x2x128xi32, #tpu.memory_space<hbm>> -> memref<2x128xi32, #tpu.memory_space<hbm>>
    tpu.enqueue_dma source(%dma_start3A_31 : memref<2x128xi32, #tpu.memory_space<hbm>>) target(%arg6 : memref<2x128xi32, #tpu.memory_space<vmem>>) target_semaphore(%arg13 : memref<!tpu.dma_semaphore, #tpu.memory_space<semaphore_mem>>)
    %dma_wait3A = arith.constant 0 : i32
    %dma_wait3A_32 = arith.constant 0 : i32
    %dma_wait3A_33 = arith.constant 0 : i32
    %dma_wait3A_34 = tpu.memref_slice %arg3[%arg0, %arg1, %dma_wait3A, %dma_wait3A_32, %dma_wait3A_33] : memref<2x16x157x2x128xi32, #tpu.memory_space<hbm>> -> memref<1x1x1x2x128xi32, #tpu.memory_space<hbm>>
    %dma_wait3A_35 = tpu.memref_squeeze %dma_wait3A_34 : memref<1x1x1x2x128xi32, #tpu.memory_space<hbm>> -> memref<2x128xi32, #tpu.memory_space<hbm>>
    %dma_wait3A_36 = arith.constant 0 : i32
    %dma_wait3A_37 = arith.constant 0 : i32
    %dma_wait3A_38 = tpu.memref_slice %arg3[%arg0, %arg1, %dma_wait3A, %dma_wait3A_36, %dma_wait3A_37] : memref<2x16x157x2x128xi32, #tpu.memory_space<hbm>> -> memref<1x1x1x2x128xi32, #tpu.memory_space<hbm>>
    %dma_wait3A_39 = tpu.memref_squeeze %dma_wait3A_38 : memref<1x1x1x2x128xi32, #tpu.memory_space<hbm>> -> memref<2x128xi32, #tpu.memory_space<hbm>>
    tpu.wait_dma2 semaphore(%arg12 : memref<!tpu.dma_semaphore, #tpu.memory_space<semaphore_mem>>) src(%dma_wait3A_39 : memref<2x128xi32, #tpu.memory_space<hbm>>) dst(%arg5 : memref<2x128xi32, #tpu.memory_space<vmem>>)
    %dma_start3A_40 = arith.constant 0 : i32
    %dma_start3A_41 = arith.constant 0 : i32
    %dma_start3A_42 = tpu.memref_slice %arg5[%dma_start3A_40, %dma_start3A_41] : memref<2x128xi32, #tpu.memory_space<vmem>> -> memref<1x128xi32, #tpu.memory_space<vmem>>
    %dma_start3A_43 = tpu.memref_squeeze %dma_start3A_42 : memref<1x128xi32, #tpu.memory_space<vmem>> -> memref<128xi32, #tpu.memory_space<vmem>>
    %dma_start3A_44 = arith.constant 0 : i32
    %dma_start3A_45 = arith.constant 0 : i32
    %dma_start3A_46 = tpu.memref_slice %arg2[%arg0, %dma_start3A_44, %dma_start3A_45] : memref<2x10240x128xf32, #tpu.memory_space<hbm>> -> memref<1x10240x128xf32, #tpu.memory_space<hbm>>
    %dma_start3A_47 = tpu.memref_squeeze %dma_start3A_46 : memref<1x10240x128xf32, #tpu.memory_space<hbm>> -> memref<10240x128xf32, #tpu.memory_space<hbm>>
    %dma_start3A_48 = arith.constant 0 : i32
    %dma_start3A_49 = arith.constant 0 : i32
    %dma_start3A_50 = tpu.memref_slice %dma_start3A_47[%dma_start3A_48, %dma_start3A_49] : memref<10240x128xf32, #tpu.memory_space<hbm>> -> memref<10240x128xf32, #tpu.memory_space<hbm>>
    tpu.enqueue_indirect_dma source(%dma_start3A_50 : memref<10240x128xf32, #tpu.memory_space<hbm>>) target(%arg9 : memref<128x128xf32, #tpu.memory_space<vmem>>) offsets(%dma_start3A_43 : memref<128xi32, #tpu.memory_space<vmem>>) semaphore(%arg16 : memref<!tpu.dma_semaphore, #tpu.memory_space<semaphore_mem>>)
    %barrier3A = arith.constant 0 : index
    tpu.barrier barrier_id(%barrier3A)
    %scan3A_51 = arith.constant 0 : i32
    %scan3A_52 = arith.constant 13 : i32
    %scan3A_53 = arith.addi %scan3A_51, %scan3A_52 : i32
    %scan3A_54 = arith.constant 1 : i32
    scf.for %scan3A_98 = %scan3A_51 to %scan3A_53 step %scan3A_54  : i32 {
      %mul3A_99 = arith.constant 1 : i32
      %mul3A_100 = arith.muli %scan3A_98, %mul3A_99 : i32
      %add3A_101 = arith.constant 0 : i32
      %add3A_102 = arith.addi %add3A_101, %mul3A_100 : i32
      %mul3A_103 = arith.constant 12 : i32
      %mul3A_104 = arith.muli %add3A_102, %mul3A_103 : i32
      %add3A_105 = arith.constant 0 : i32
      %add3A_106 = arith.addi %mul3A_104, %add3A_105 : i32
      %add3A_107 = arith.constant 1 : i32
      %add3A_108 = arith.addi %add3A_106, %add3A_107 : i32
      %lt3A = arith.constant 157 : i32
      %lt3A_109 = arith.cmpi slt, %add3A_108, %lt3A : i32
      %convert_element_type3A = arith.extui %lt3A_109 : i1 to i32
      %cond3A = arith.constant 0 : i32
      %cond3A_110 = arith.cmpi ne, %convert_element_type3A, %cond3A : i32
      scf.if %cond3A_110 {
        %ge3A = arith.constant 2 : i32
        %ge3A_532 = arith.cmpi sge, %add3A_106, %ge3A : i32
        %convert_element_type3A_533 = arith.extui %ge3A_532 : i1 to i32
        %cond3A_534 = arith.constant 0 : i32
        %cond3A_535 = arith.cmpi ne, %convert_element_type3A_533, %cond3A_534 : i32
        scf.if %cond3A_535 {
          %dma_wait3A_556 = arith.constant 1 : i32
          %dma_wait3A_557 = arith.constant 0 : i32
          %dma_wait3A_558 = tpu.memref_slice %arg5[%dma_wait3A_556, %dma_wait3A_557] : memref<2x128xi32, #tpu.memory_space<vmem>> -> memref<1x128xi32, #tpu.memory_space<vmem>>
          %dma_wait3A_559 = tpu.memref_squeeze %dma_wait3A_558 : memref<1x128xi32, #tpu.memory_space<vmem>> -> memref<128xi32, #tpu.memory_space<vmem>>
          %dma_wait3A_560 = arith.constant 0 : i32
          %dma_wait3A_561 = arith.constant 0 : i32
          %dma_wait3A_562 = tpu.memref_slice %arg22[%dma_wait3A_560, %dma_wait3A_561] : memref<10112x128xf32, #tpu.memory_space<vmem_shared>> -> memref<10112x128xf32, #tpu.memory_space<vmem_shared>>
          tpu.wait_indirect_dma semaphore(%arg20 : memref<!tpu.dma_semaphore, #tpu.memory_space<semaphore_mem>>) src(%arg10 : memref<128x128xf32, #tpu.memory_space<vmem>>) dst(%dma_wait3A_562 : memref<10112x128xf32, #tpu.memory_space<vmem_shared>>)
        } else {
        }
        %dma_wait3A_536 = arith.constant 0 : i32
        %dma_wait3A_537 = arith.constant 0 : i32
        %dma_wait3A_538 = arith.constant 0 : i32
        %dma_wait3A_539 = tpu.memref_slice %arg3[%arg0, %arg1, %dma_wait3A_536, %dma_wait3A_537, %dma_wait3A_538] : memref<2x16x157x2x128xi32, #tpu.memory_space<hbm>> -> memref<1x1x1x2x128xi32, #tpu.memory_space<hbm>>
        %dma_wait3A_540 = tpu.memref_squeeze %dma_wait3A_539 : memref<1x1x1x2x128xi32, #tpu.memory_space<hbm>> -> memref<2x128xi32, #tpu.memory_space<hbm>>
        %dma_wait3A_541 = arith.constant 0 : i32
        %dma_wait3A_542 = arith.constant 0 : i32
        %dma_wait3A_543 = tpu.memref_slice %arg3[%arg0, %arg1, %dma_wait3A_536, %dma_wait3A_541, %dma_wait3A_542] : memref<2x16x157x2x128xi32, #tpu.memory_space<hbm>> -> memref<1x1x1x2x128xi32, #tpu.memory_space<hbm>>
        %dma_wait3A_544 = tpu.memref_squeeze %dma_wait3A_543 : memref<1x1x1x2x128xi32, #tpu.memory_space<hbm>> -> memref<2x128xi32, #tpu.memory_space<hbm>>
        tpu.wait_dma2 semaphore(%arg13 : memref<!tpu.dma_semaphore, #tpu.memory_space<semaphore_mem>>) src(%dma_wait3A_544 : memref<2x128xi32, #tpu.memory_space<hbm>>) dst(%arg6 : memref<2x128xi32, #tpu.memory_space<vmem>>)
        %dma_start3A_545 = arith.constant 0 : i32
        %dma_start3A_546 = arith.constant 0 : i32
        %dma_start3A_547 = tpu.memref_slice %arg6[%dma_start3A_545, %dma_start3A_546] : memref<2x128xi32, #tpu.memory_space<vmem>> -> memref<1x128xi32, #tpu.memory_space<vmem>>
        %dma_start3A_548 = tpu.memref_squeeze %dma_start3A_547 : memref<1x128xi32, #tpu.memory_space<vmem>> -> memref<128xi32, #tpu.memory_space<vmem>>
        %dma_start3A_549 = arith.constant 0 : i32
        %dma_start3A_550 = arith.constant 0 : i32
        %dma_start3A_551 = tpu.memref_slice %arg2[%arg0, %dma_start3A_549, %dma_start3A_550] : memref<2x10240x128xf32, #tpu.memory_space<hbm>> -> memref<1x10240x128xf32, #tpu.memory_space<hbm>>
        %dma_start3A_552 = tpu.memref_squeeze %dma_start3A_551 : memref<1x10240x128xf32, #tpu.memory_space<hbm>> -> memref<10240x128xf32, #tpu.memory_space<hbm>>
        %dma_start3A_553 = arith.constant 0 : i32
        %dma_start3A_554 = arith.constant 0 : i32
        %dma_start3A_555 = tpu.memref_slice %dma_start3A_552[%dma_start3A_553, %dma_start3A_554] : memref<10240x128xf32, #tpu.memory_space<hbm>> -> memref<10240x128xf32, #tpu.memory_space<hbm>>
        tpu.enqueue_indirect_dma source(%dma_start3A_555 : memref<10240x128xf32, #tpu.memory_space<hbm>>) target(%arg10 : memref<128x128xf32, #tpu.memory_space<vmem>>) offsets(%dma_start3A_548 : memref<128xi32, #tpu.memory_space<vmem>>) semaphore(%arg17 : memref<!tpu.dma_semaphore, #tpu.memory_space<semaphore_mem>>)
      } else {
      }
      %add3A_111 = arith.constant 2 : i32
      %add3A_112 = arith.addi %add3A_106, %add3A_111 : i32
      %lt3A_113 = arith.constant 157 : i32
      %lt3A_114 = arith.cmpi slt, %add3A_112, %lt3A_113 : i32
      %convert_element_type3A_115 = arith.extui %lt3A_114 : i1 to i32
      %cond3A_116 = arith.constant 0 : i32
      %cond3A_117 = arith.cmpi ne, %convert_element_type3A_115, %cond3A_116 : i32
      scf.if %cond3A_117 {
        %add3A_532 = arith.constant 2 : i32
        %add3A_533 = arith.addi %add3A_106, %add3A_532 : i32
        %dma_start3A_534 = arith.constant 0 : i32
        %dma_start3A_535 = arith.constant 0 : i32
        %dma_start3A_536 = tpu.memref_slice %arg3[%arg0, %arg1, %add3A_533, %dma_start3A_534, %dma_start3A_535] : memref<2x16x157x2x128xi32, #tpu.memory_space<hbm>> -> memref<1x1x1x2x128xi32, #tpu.memory_space<hbm>>
        %dma_start3A_537 = tpu.memref_squeeze %dma_start3A_536 : memref<1x1x1x2x128xi32, #tpu.memory_space<hbm>> -> memref<2x128xi32, #tpu.memory_space<hbm>>
        %dma_start3A_538 = arith.constant 0 : i32
        %dma_start3A_539 = arith.constant 0 : i32
        %dma_start3A_540 = tpu.memref_slice %arg3[%arg0, %arg1, %add3A_533, %dma_start3A_538, %dma_start3A_539] : memref<2x16x157x2x128xi32, #tpu.memory_space<hbm>> -> memref<1x1x1x2x128xi32, #tpu.memory_space<hbm>>
        %dma_start3A_541 = tpu.memref_squeeze %dma_start3A_540 : memref<1x1x1x2x128xi32, #tpu.memory_space<hbm>> -> memref<2x128xi32, #tpu.memory_space<hbm>>
        tpu.enqueue_dma source(%dma_start3A_541 : memref<2x128xi32, #tpu.memory_space<hbm>>) target(%arg7 : memref<2x128xi32, #tpu.memory_space<vmem>>) target_semaphore(%arg14 : memref<!tpu.dma_semaphore, #tpu.memory_space<semaphore_mem>>)
      } else {
      }
      %dma_wait3A_118 = arith.constant 0 : i32
      %dma_wait3A_119 = arith.constant 0 : i32
      %dma_wait3A_120 = tpu.memref_slice %arg5[%dma_wait3A_118, %dma_wait3A_119] : memref<2x128xi32, #tpu.memory_space<vmem>> -> memref<1x128xi32, #tpu.memory_space<vmem>>
      %dma_wait3A_121 = tpu.memref_squeeze %dma_wait3A_120 : memref<1x128xi32, #tpu.memory_space<vmem>> -> memref<128xi32, #tpu.memory_space<vmem>>
      %dma_wait3A_122 = arith.constant 0 : i32
      %dma_wait3A_123 = arith.constant 0 : i32
      %dma_wait3A_124 = tpu.memref_slice %arg2[%arg0, %dma_wait3A_122, %dma_wait3A_123] : memref<2x10240x128xf32, #tpu.memory_space<hbm>> -> memref<1x10240x128xf32, #tpu.memory_space<hbm>>
      %dma_wait3A_125 = tpu.memref_squeeze %dma_wait3A_124 : memref<1x10240x128xf32, #tpu.memory_space<hbm>> -> memref<10240x128xf32, #tpu.memory_space<hbm>>
      %dma_wait3A_126 = arith.constant 0 : i32
      %dma_wait3A_127 = arith.constant 0 : i32
      %dma_wait3A_128 = tpu.memref_slice %dma_wait3A_125[%dma_wait3A_126, %dma_wait3A_127] : memref<10240x128xf32, #tpu.memory_space<hbm>> -> memref<10240x128xf32, #tpu.memory_space<hbm>>
      tpu.wait_indirect_dma semaphore(%arg16 : memref<!tpu.dma_semaphore, #tpu.memory_space<semaphore_mem>>) src(%dma_wait3A_128 : memref<10240x128xf32, #tpu.memory_space<hbm>>) dst(%arg9 : memref<128x128xf32, #tpu.memory_space<vmem>>)
      %dma_start3A_129 = arith.constant 1 : i32
      %dma_start3A_130 = arith.constant 0 : i32
      %dma_start3A_131 = tpu.memref_slice %arg5[%dma_start3A_129, %dma_start3A_130] : memref<2x128xi32, #tpu.memory_space<vmem>> -> memref<1x128xi32, #tpu.memory_space<vmem>>
      %dma_start3A_132 = tpu.memref_squeeze %dma_start3A_131 : memref<1x128xi32, #tpu.memory_space<vmem>> -> memref<128xi32, #tpu.memory_space<vmem>>
      %dma_start3A_133 = arith.constant 0 : i32
      %dma_start3A_134 = arith.constant 0 : i32
      %dma_start3A_135 = tpu.memref_slice %arg22[%dma_start3A_133, %dma_start3A_134] : memref<10112x128xf32, #tpu.memory_space<vmem_shared>> -> memref<10112x128xf32, #tpu.memory_space<vmem_shared>>
      tpu.enqueue_indirect_dma source(%arg9 : memref<128x128xf32, #tpu.memory_space<vmem>>) target(%dma_start3A_135 : memref<10112x128xf32, #tpu.memory_space<vmem_shared>>) offsets(%dma_start3A_132 : memref<128xi32, #tpu.memory_space<vmem>>) semaphore(%arg19 : memref<!tpu.dma_semaphore, #tpu.memory_space<semaphore_mem>>) {add = true}
      %mul3A_136 = arith.constant 12 : i32
      %mul3A_137 = arith.muli %add3A_102, %mul3A_136 : i32
      %add3A_138 = arith.constant 1 : i32
      %add3A_139 = arith.addi %mul3A_137, %add3A_138 : i32
      %add3A_140 = arith.constant 1 : i32
      %add3A_141 = arith.addi %add3A_139, %add3A_140 : i32
      %lt3A_142 = arith.constant 157 : i32
      %lt3A_143 = arith.cmpi slt, %add3A_141, %lt3A_142 : i32
      %convert_element_type3A_144 = arith.extui %lt3A_143 : i1 to i32
      %cond3A_145 = arith.constant 0 : i32
      %cond3A_146 = arith.cmpi ne, %convert_element_type3A_144, %cond3A_145 : i32
      scf.if %cond3A_146 {
        %ge3A = arith.constant 2 : i32
        %ge3A_532 = arith.cmpi sge, %add3A_139, %ge3A : i32
        %convert_element_type3A_533 = arith.extui %ge3A_532 : i1 to i32
        %cond3A_534 = arith.constant 0 : i32
        %cond3A_535 = arith.cmpi ne, %convert_element_type3A_533, %cond3A_534 : i32
        scf.if %cond3A_535 {
          %dma_wait3A_556 = arith.constant 1 : i32
          %dma_wait3A_557 = arith.constant 0 : i32
          %dma_wait3A_558 = tpu.memref_slice %arg5[%dma_wait3A_556, %dma_wait3A_557] : memref<2x128xi32, #tpu.memory_space<vmem>> -> memref<1x128xi32, #tpu.memory_space<vmem>>
          %dma_wait3A_559 = tpu.memref_squeeze %dma_wait3A_558 : memref<1x128xi32, #tpu.memory_space<vmem>> -> memref<128xi32, #tpu.memory_space<vmem>>
          %dma_wait3A_560 = arith.constant 0 : i32
          %dma_wait3A_561 = arith.constant 0 : i32
          %dma_wait3A_562 = tpu.memref_slice %arg22[%dma_wait3A_560, %dma_wait3A_561] : memref<10112x128xf32, #tpu.memory_space<vmem_shared>> -> memref<10112x128xf32, #tpu.memory_space<vmem_shared>>
          tpu.wait_indirect_dma semaphore(%arg21 : memref<!tpu.dma_semaphore, #tpu.memory_space<semaphore_mem>>) src(%arg11 : memref<128x128xf32, #tpu.memory_space<vmem>>) dst(%dma_wait3A_562 : memref<10112x128xf32, #tpu.memory_space<vmem_shared>>)
        } else {
        }
        %dma_wait3A_536 = arith.constant 0 : i32
        %dma_wait3A_537 = arith.constant 0 : i32
        %dma_wait3A_538 = arith.constant 0 : i32
        %dma_wait3A_539 = tpu.memref_slice %arg3[%arg0, %arg1, %dma_wait3A_536, %dma_wait3A_537, %dma_wait3A_538] : memref<2x16x157x2x128xi32, #tpu.memory_space<hbm>> -> memref<1x1x1x2x128xi32, #tpu.memory_space<hbm>>
        %dma_wait3A_540 = tpu.memref_squeeze %dma_wait3A_539 : memref<1x1x1x2x128xi32, #tpu.memory_space<hbm>> -> memref<2x128xi32, #tpu.memory_space<hbm>>
        %dma_wait3A_541 = arith.constant 0 : i32
        %dma_wait3A_542 = arith.constant 0 : i32
        %dma_wait3A_543 = tpu.memref_slice %arg3[%arg0, %arg1, %dma_wait3A_536, %dma_wait3A_541, %dma_wait3A_542] : memref<2x16x157x2x128xi32, #tpu.memory_space<hbm>> -> memref<1x1x1x2x128xi32, #tpu.memory_space<hbm>>
        %dma_wait3A_544 = tpu.memref_squeeze %dma_wait3A_543 : memref<1x1x1x2x128xi32, #tpu.memory_space<hbm>> -> memref<2x128xi32, #tpu.memory_space<hbm>>
        tpu.wait_dma2 semaphore(%arg14 : memref<!tpu.dma_semaphore, #tpu.memory_space<semaphore_mem>>) src(%dma_wait3A_544 : memref<2x128xi32, #tpu.memory_space<hbm>>) dst(%arg7 : memref<2x128xi32, #tpu.memory_space<vmem>>)
        %dma_start3A_545 = arith.constant 0 : i32
        %dma_start3A_546 = arith.constant 0 : i32
        %dma_start3A_547 = tpu.memref_slice %arg7[%dma_start3A_545, %dma_start3A_546] : memref<2x128xi32, #tpu.memory_space<vmem>> -> memref<1x128xi32, #tpu.memory_space<vmem>>
        %dma_start3A_548 = tpu.memref_squeeze %dma_start3A_547 : memref<1x128xi32, #tpu.memory_space<vmem>> -> memref<128xi32, #tpu.memory_space<vmem>>
        %dma_start3A_549 = arith.constant 0 : i32
        %dma_start3A_550 = arith.constant 0 : i32
        %dma_start3A_551 = tpu.memref_slice %arg2[%arg0, %dma_start3A_549, %dma_start3A_550] : memref<2x10240x128xf32, #tpu.memory_space<hbm>> -> memref<1x10240x128xf32, #tpu.memory_space<hbm>>
        %dma_start3A_552 = tpu.memref_squeeze %dma_start3A_551 : memref<1x10240x128xf32, #tpu.memory_space<hbm>> -> memref<10240x128xf32, #tpu.memory_space<hbm>>
        %dma_start3A_553 = arith.constant 0 : i32
        %dma_start3A_554 = arith.constant 0 : i32
        %dma_start3A_555 = tpu.memref_slice %dma_start3A_552[%dma_start3A_553, %dma_start3A_554] : memref<10240x128xf32, #tpu.memory_space<hbm>> -> memref<10240x128xf32, #tpu.memory_space<hbm>>
        tpu.enqueue_indirect_dma source(%dma_start3A_555 : memref<10240x128xf32, #tpu.memory_space<hbm>>) target(%arg11 : memref<128x128xf32, #tpu.memory_space<vmem>>) offsets(%dma_start3A_548 : memref<128xi32, #tpu.memory_space<vmem>>) semaphore(%arg18 : memref<!tpu.dma_semaphore, #tpu.memory_space<semaphore_mem>>)
      } else {
      }
      %add3A_147 = arith.constant 2 : i32
      %add3A_148 = arith.addi %add3A_139, %add3A_147 : i32
      %lt3A_149 = arith.constant 157 : i32
      %lt3A_150 = arith.cmpi slt, %add3A_148, %lt3A_149 : i32
      %convert_element_type3A_151 = arith.extui %lt3A_150 : i1 to i32
      %cond3A_152 = arith.constant 0 : i32
      %cond3A_153 = arith.cmpi ne, %convert_element_type3A_151, %cond3A_152 : i32
      scf.if %cond3A_153 {
        %add3A_532 = arith.constant 2 : i32
        %add3A_533 = arith.addi %add3A_139, %add3A_532 : i32
        %dma_start3A_534 = arith.constant 0 : i32
        %dma_start3A_535 = arith.constant 0 : i32
        %dma_start3A_536 = tpu.memref_slice %arg3[%arg0, %arg1, %add3A_533, %dma_start3A_534, %dma_start3A_535] : memref<2x16x157x2x128xi32, #tpu.memory_space<hbm>> -> memref<1x1x1x2x128xi32, #tpu.memory_space<hbm>>
        %dma_start3A_537 = tpu.memref_squeeze %dma_start3A_536 : memref<1x1x1x2x128xi32, #tpu.memory_space<hbm>> -> memref<2x128xi32, #tpu.memory_space<hbm>>
        %dma_start3A_538 = arith.constant 0 : i32
        %dma_start3A_539 = arith.constant 0 : i32
        %dma_start3A_540 = tpu.memref_slice %arg3[%arg0, %arg1, %add3A_533, %dma_start3A_538, %dma_start3A_539] : memref<2x16x157x2x128xi32, #tpu.memory_space<hbm>> -> memref<1x1x1x2x128xi32, #tpu.memory_space<hbm>>
        %dma_start3A_541 = tpu.memref_squeeze %dma_start3A_540 : memref<1x1x1x2x128xi32, #tpu.memory_space<hbm>> -> memref<2x128xi32, #tpu.memory_space<hbm>>
        tpu.enqueue_dma source(%dma_start3A_541 : memref<2x128xi32, #tpu.memory_space<hbm>>) target(%arg8 : memref<2x128xi32, #tpu.memory_space<vmem>>) target_semaphore(%arg15 : memref<!tpu.dma_semaphore, #tpu.memory_space<semaphore_mem>>)
      } else {
      }
      %dma_wait3A_154 = arith.constant 0 : i32
      %dma_wait3A_155 = arith.constant 0 : i32
      %dma_wait3A_156 = tpu.memref_slice %arg5[%dma_wait3A_154, %dma_wait3A_155] : memref<2x128xi32, #tpu.memory_space<vmem>> -> memref<1x128xi32, #tpu.memory_space<vmem>>
      %dma_wait3A_157 = tpu.memref_squeeze %dma_wait3A_156 : memref<1x128xi32, #tpu.memory_space<vmem>> -> memref<128xi32, #tpu.memory_space<vmem>>
      %dma_wait3A_158 = arith.constant 0 : i32
      %dma_wait3A_159 = arith.constant 0 : i32
      %dma_wait3A_160 = tpu.memref_slice %arg2[%arg0, %dma_wait3A_158, %dma_wait3A_159] : memref<2x10240x128xf32, #tpu.memory_space<hbm>> -> memref<1x10240x128xf32, #tpu.memory_space<hbm>>
      %dma_wait3A_161 = tpu.memref_squeeze %dma_wait3A_160 : memref<1x10240x128xf32, #tpu.memory_space<hbm>> -> memref<10240x128xf32, #tpu.memory_space<hbm>>
      %dma_wait3A_162 = arith.constant 0 : i32
      %dma_wait3A_163 = arith.constant 0 : i32
      %dma_wait3A_164 = tpu.memref_slice %dma_wait3A_161[%dma_wait3A_162, %dma_wait3A_163] : memref<10240x128xf32, #tpu.memory_space<hbm>> -> memref<10240x128xf32, #tpu.memory_space<hbm>>
      tpu.wait_indirect_dma semaphore(%arg17 : memref<!tpu.dma_semaphore, #tpu.memory_space<semaphore_mem>>) src(%dma_wait3A_164 : memref<10240x128xf32, #tpu.memory_space<hbm>>) dst(%arg10 : memref<128x128xf32, #tpu.memory_space<vmem>>)
      %dma_start3A_165 = arith.constant 1 : i32
      %dma_start3A_166 = arith.constant 0 : i32
      %dma_start3A_167 = tpu.memref_slice %arg6[%dma_start3A_165, %dma_start3A_166] : memref<2x128xi32, #tpu.memory_space<vmem>> -> memref<1x128xi32, #tpu.memory_space<vmem>>
      %dma_start3A_168 = tpu.memref_squeeze %dma_start3A_167 : memref<1x128xi32, #tpu.memory_space<vmem>> -> memref<128xi32, #tpu.memory_space<vmem>>
      %dma_start3A_169 = arith.constant 0 : i32
      %dma_start3A_170 = arith.constant 0 : i32
      %dma_start3A_171 = tpu.memref_slice %arg22[%dma_start3A_169, %dma_start3A_170] : memref<10112x128xf32, #tpu.memory_space<vmem_shared>> -> memref<10112x128xf32, #tpu.memory_space<vmem_shared>>
      tpu.enqueue_indirect_dma source(%arg10 : memref<128x128xf32, #tpu.memory_space<vmem>>) target(%dma_start3A_171 : memref<10112x128xf32, #tpu.memory_space<vmem_shared>>) offsets(%dma_start3A_168 : memref<128xi32, #tpu.memory_space<vmem>>) semaphore(%arg20 : memref<!tpu.dma_semaphore, #tpu.memory_space<semaphore_mem>>) {add = true}
      %mul3A_172 = arith.constant 12 : i32
      %mul3A_173 = arith.muli %add3A_102, %mul3A_172 : i32
      %add3A_174 = arith.constant 2 : i32
      %add3A_175 = arith.addi %mul3A_173, %add3A_174 : i32
      %add3A_176 = arith.constant 1 : i32
      %add3A_177 = arith.addi %add3A_175, %add3A_176 : i32
      %lt3A_178 = arith.constant 157 : i32
      %lt3A_179 = arith.cmpi slt, %add3A_177, %lt3A_178 : i32
      %convert_element_type3A_180 = arith.extui %lt3A_179 : i1 to i32
      %cond3A_181 = arith.constant 0 : i32
      %cond3A_182 = arith.cmpi ne, %convert_element_type3A_180, %cond3A_181 : i32
      scf.if %cond3A_182 {
        %ge3A = arith.constant 2 : i32
        %ge3A_532 = arith.cmpi sge, %add3A_175, %ge3A : i32
        %convert_element_type3A_533 = arith.extui %ge3A_532 : i1 to i32
        %cond3A_534 = arith.constant 0 : i32
        %cond3A_535 = arith.cmpi ne, %convert_element_type3A_533, %cond3A_534 : i32
        scf.if %cond3A_535 {
          %dma_wait3A_556 = arith.constant 1 : i32
          %dma_wait3A_557 = arith.constant 0 : i32
          %dma_wait3A_558 = tpu.memref_slice %arg5[%dma_wait3A_556, %dma_wait3A_557] : memref<2x128xi32, #tpu.memory_space<vmem>> -> memref<1x128xi32, #tpu.memory_space<vmem>>
          %dma_wait3A_559 = tpu.memref_squeeze %dma_wait3A_558 : memref<1x128xi32, #tpu.memory_space<vmem>> -> memref<128xi32, #tpu.memory_space<vmem>>
          %dma_wait3A_560 = arith.constant 0 : i32
          %dma_wait3A_561 = arith.constant 0 : i32
          %dma_wait3A_562 = tpu.memref_slice %arg22[%dma_wait3A_560, %dma_wait3A_561] : memref<10112x128xf32, #tpu.memory_space<vmem_shared>> -> memref<10112x128xf32, #tpu.memory_space<vmem_shared>>
          tpu.wait_indirect_dma semaphore(%arg19 : memref<!tpu.dma_semaphore, #tpu.memory_space<semaphore_mem>>) src(%arg9 : memref<128x128xf32, #tpu.memory_space<vmem>>) dst(%dma_wait3A_562 : memref<10112x128xf32, #tpu.memory_space<vmem_shared>>)
        } else {
        }
        %dma_wait3A_536 = arith.constant 0 : i32
        %dma_wait3A_537 = arith.constant 0 : i32
        %dma_wait3A_538 = arith.constant 0 : i32
        %dma_wait3A_539 = tpu.memref_slice %arg3[%arg0, %arg1, %dma_wait3A_536, %dma_wait3A_537, %dma_wait3A_538] : memref<2x16x157x2x128xi32, #tpu.memory_space<hbm>> -> memref<1x1x1x2x128xi32, #tpu.memory_space<hbm>>
        %dma_wait3A_540 = tpu.memref_squeeze %dma_wait3A_539 : memref<1x1x1x2x128xi32, #tpu.memory_space<hbm>> -> memref<2x128xi32, #tpu.memory_space<hbm>>
        %dma_wait3A_541 = arith.constant 0 : i32
        %dma_wait3A_542 = arith.constant 0 : i32
        %dma_wait3A_543 = tpu.memref_slice %arg3[%arg0, %arg1, %dma_wait3A_536, %dma_wait3A_541, %dma_wait3A_542] : memref<2x16x157x2x128xi32, #tpu.memory_space<hbm>> -> memref<1x1x1x2x128xi32, #tpu.memory_space<hbm>>
        %dma_wait3A_544 = tpu.memref_squeeze %dma_wait3A_543 : memref<1x1x1x2x128xi32, #tpu.memory_space<hbm>> -> memref<2x128xi32, #tpu.memory_space<hbm>>
        tpu.wait_dma2 semaphore(%arg15 : memref<!tpu.dma_semaphore, #tpu.memory_space<semaphore_mem>>) src(%dma_wait3A_544 : memref<2x128xi32, #tpu.memory_space<hbm>>) dst(%arg8 : memref<2x128xi32, #tpu.memory_space<vmem>>)
        %dma_start3A_545 = arith.constant 0 : i32
        %dma_start3A_546 = arith.constant 0 : i32
        %dma_start3A_547 = tpu.memref_slice %arg8[%dma_start3A_545, %dma_start3A_546] : memref<2x128xi32, #tpu.memory_space<vmem>> -> memref<1x128xi32, #tpu.memory_space<vmem>>
        %dma_start3A_548 = tpu.memref_squeeze %dma_start3A_547 : memref<1x128xi32, #tpu.memory_space<vmem>> -> memref<128xi32, #tpu.memory_space<vmem>>
        %dma_start3A_549 = arith.constant 0 : i32
        %dma_start3A_550 = arith.constant 0 : i32
        %dma_start3A_551 = tpu.memref_slice %arg2[%arg0, %dma_start3A_549, %dma_start3A_550] : memref<2x10240x128xf32, #tpu.memory_space<hbm>> -> memref<1x10240x128xf32, #tpu.memory_space<hbm>>
        %dma_start3A_552 = tpu.memref_squeeze %dma_start3A_551 : memref<1x10240x128xf32, #tpu.memory_space<hbm>> -> memref<10240x128xf32, #tpu.memory_space<hbm>>
        %dma_start3A_553 = arith.constant 0 : i32
        %dma_start3A_554 = arith.constant 0 : i32
        %dma_start3A_555 = tpu.memref_slice %dma_start3A_552[%dma_start3A_553, %dma_start3A_554] : memref<10240x128xf32, #tpu.memory_space<hbm>> -> memref<10240x128xf32, #tpu.memory_space<hbm>>
        tpu.enqueue_indirect_dma source(%dma_start3A_555 : memref<10240x128xf32, #tpu.memory_space<hbm>>) target(%arg9 : memref<128x128xf32, #tpu.memory_space<vmem>>) offsets(%dma_start3A_548 : memref<128xi32, #tpu.memory_space<vmem>>) semaphore(%arg16 : memref<!tpu.dma_semaphore, #tpu.memory_space<semaphore_mem>>)
      } else {
      }
      %add3A_183 = arith.constant 2 : i32
      %add3A_184 = arith.addi %add3A_175, %add3A_183 : i32
      %lt3A_185 = arith.constant 157 : i32
      %lt3A_186 = arith.cmpi slt, %add3A_184, %lt3A_185 : i32
      %convert_element_type3A_187 = arith.extui %lt3A_186 : i1 to i32
      %cond3A_188 = arith.constant 0 : i32
      %cond3A_189 = arith.cmpi ne, %convert_element_type3A_187, %cond3A_188 : i32
      scf.if %cond3A_189 {
        %add3A_532 = arith.constant 2 : i32
        %add3A_533 = arith.addi %add3A_175, %add3A_532 : i32
        %dma_start3A_534 = arith.constant 0 : i32
        %dma_start3A_535 = arith.constant 0 : i32
        %dma_start3A_536 = tpu.memref_slice %arg3[%arg0, %arg1, %add3A_533, %dma_start3A_534, %dma_start3A_535] : memref<2x16x157x2x128xi32, #tpu.memory_space<hbm>> -> memref<1x1x1x2x128xi32, #tpu.memory_space<hbm>>
        %dma_start3A_537 = tpu.memref_squeeze %dma_start3A_536 : memref<1x1x1x2x128xi32, #tpu.memory_space<hbm>> -> memref<2x128xi32, #tpu.memory_space<hbm>>
        %dma_start3A_538 = arith.constant 0 : i32
        %dma_start3A_539 = arith.constant 0 : i32
        %dma_start3A_540 = tpu.memref_slice %arg3[%arg0, %arg1, %add3A_533, %dma_start3A_538, %dma_start3A_539] : memref<2x16x157x2x128xi32, #tpu.memory_space<hbm>> -> memref<1x1x1x2x128xi32, #tpu.memory_space<hbm>>
        %dma_start3A_541 = tpu.memref_squeeze %dma_start3A_540 : memref<1x1x1x2x128xi32, #tpu.memory_space<hbm>> -> memref<2x128xi32, #tpu.memory_space<hbm>>
        tpu.enqueue_dma source(%dma_start3A_541 : memref<2x128xi32, #tpu.memory_space<hbm>>) target(%arg5 : memref<2x128xi32, #tpu.memory_space<vmem>>) target_semaphore(%arg12 : memref<!tpu.dma_semaphore, #tpu.memory_space<semaphore_mem>>)
      } else {
      }
      %dma_wait3A_190 = arith.constant 0 : i32
      %dma_wait3A_191 = arith.constant 0 : i32
      %dma_wait3A_192 = tpu.memref_slice %arg5[%dma_wait3A_190, %dma_wait3A_191] : memref<2x128xi32, #tpu.memory_space<vmem>> -> memref<1x128xi32, #tpu.memory_space<vmem>>
      %dma_wait3A_193 = tpu.memref_squeeze %dma_wait3A_192 : memref<1x128xi32, #tpu.memory_space<vmem>> -> memref<128xi32, #tpu.memory_space<vmem>>
      %dma_wait3A_194 = arith.constant 0 : i32
      %dma_wait3A_195 = arith.constant 0 : i32
      %dma_wait3A_196 = tpu.memref_slice %arg2[%arg0, %dma_wait3A_194, %dma_wait3A_195] : memref<2x10240x128xf32, #tpu.memory_space<hbm>> -> memref<1x10240x128xf32, #tpu.memory_space<hbm>>
      %dma_wait3A_197 = tpu.memref_squeeze %dma_wait3A_196 : memref<1x10240x128xf32, #tpu.memory_space<hbm>> -> memref<10240x128xf32, #tpu.memory_space<hbm>>
      %dma_wait3A_198 = arith.constant 0 : i32
      %dma_wait3A_199 = arith.constant 0 : i32
      %dma_wait3A_200 = tpu.memref_slice %dma_wait3A_197[%dma_wait3A_198, %dma_wait3A_199] : memref<10240x128xf32, #tpu.memory_space<hbm>> -> memref<10240x128xf32, #tpu.memory_space<hbm>>
      tpu.wait_indirect_dma semaphore(%arg18 : memref<!tpu.dma_semaphore, #tpu.memory_space<semaphore_mem>>) src(%dma_wait3A_200 : memref<10240x128xf32, #tpu.memory_space<hbm>>) dst(%arg11 : memref<128x128xf32, #tpu.memory_space<vmem>>)
      %dma_start3A_201 = arith.constant 1 : i32
      %dma_start3A_202 = arith.constant 0 : i32
      %dma_start3A_203 = tpu.memref_slice %arg7[%dma_start3A_201, %dma_start3A_202] : memref<2x128xi32, #tpu.memory_space<vmem>> -> memref<1x128xi32, #tpu.memory_space<vmem>>
      %dma_start3A_204 = tpu.memref_squeeze %dma_start3A_203 : memref<1x128xi32, #tpu.memory_space<vmem>> -> memref<128xi32, #tpu.memory_space<vmem>>
      %dma_start3A_205 = arith.constant 0 : i32
      %dma_start3A_206 = arith.constant 0 : i32
      %dma_start3A_207 = tpu.memref_slice %arg22[%dma_start3A_205, %dma_start3A_206] : memref<10112x128xf32, #tpu.memory_space<vmem_shared>> -> memref<10112x128xf32, #tpu.memory_space<vmem_shared>>
      tpu.enqueue_indirect_dma source(%arg11 : memref<128x128xf32, #tpu.memory_space<vmem>>) target(%dma_start3A_207 : memref<10112x128xf32, #tpu.memory_space<vmem_shared>>) offsets(%dma_start3A_204 : memref<128xi32, #tpu.memory_space<vmem>>) semaphore(%arg21 : memref<!tpu.dma_semaphore, #tpu.memory_space<semaphore_mem>>) {add = true}
      %mul3A_208 = arith.constant 12 : i32
      %mul3A_209 = arith.muli %add3A_102, %mul3A_208 : i32
      %add3A_210 = arith.constant 3 : i32
      %add3A_211 = arith.addi %mul3A_209, %add3A_210 : i32
      %add3A_212 = arith.constant 1 : i32
      %add3A_213 = arith.addi %add3A_211, %add3A_212 : i32
      %lt3A_214 = arith.constant 157 : i32
      %lt3A_215 = arith.cmpi slt, %add3A_213, %lt3A_214 : i32
      %convert_element_type3A_216 = arith.extui %lt3A_215 : i1 to i32
      %cond3A_217 = arith.constant 0 : i32
      %cond3A_218 = arith.cmpi ne, %convert_element_type3A_216, %cond3A_217 : i32
      scf.if %cond3A_218 {
        %ge3A = arith.constant 2 : i32
        %ge3A_532 = arith.cmpi sge, %add3A_211, %ge3A : i32
        %convert_element_type3A_533 = arith.extui %ge3A_532 : i1 to i32
        %cond3A_534 = arith.constant 0 : i32
        %cond3A_535 = arith.cmpi ne, %convert_element_type3A_533, %cond3A_534 : i32
        scf.if %cond3A_535 {
          %dma_wait3A_556 = arith.constant 1 : i32
          %dma_wait3A_557 = arith.constant 0 : i32
          %dma_wait3A_558 = tpu.memref_slice %arg5[%dma_wait3A_556, %dma_wait3A_557] : memref<2x128xi32, #tpu.memory_space<vmem>> -> memref<1x128xi32, #tpu.memory_space<vmem>>
          %dma_wait3A_559 = tpu.memref_squeeze %dma_wait3A_558 : memref<1x128xi32, #tpu.memory_space<vmem>> -> memref<128xi32, #tpu.memory_space<vmem>>
          %dma_wait3A_560 = arith.constant 0 : i32
          %dma_wait3A_561 = arith.constant 0 : i32
          %dma_wait3A_562 = tpu.memref_slice %arg22[%dma_wait3A_560, %dma_wait3A_561] : memref<10112x128xf32, #tpu.memory_space<vmem_shared>> -> memref<10112x128xf32, #tpu.memory_space<vmem_shared>>
          tpu.wait_indirect_dma semaphore(%arg20 : memref<!tpu.dma_semaphore, #tpu.memory_space<semaphore_mem>>) src(%arg10 : memref<128x128xf32, #tpu.memory_space<vmem>>) dst(%dma_wait3A_562 : memref<10112x128xf32, #tpu.memory_space<vmem_shared>>)
        } else {
        }
        %dma_wait3A_536 = arith.constant 0 : i32
        %dma_wait3A_537 = arith.constant 0 : i32
        %dma_wait3A_538 = arith.constant 0 : i32
        %dma_wait3A_539 = tpu.memref_slice %arg3[%arg0, %arg1, %dma_wait3A_536, %dma_wait3A_537, %dma_wait3A_538] : memref<2x16x157x2x128xi32, #tpu.memory_space<hbm>> -> memref<1x1x1x2x128xi32, #tpu.memory_space<hbm>>
        %dma_wait3A_540 = tpu.memref_squeeze %dma_wait3A_539 : memref<1x1x1x2x128xi32, #tpu.memory_space<hbm>> -> memref<2x128xi32, #tpu.memory_space<hbm>>
        %dma_wait3A_541 = arith.constant 0 : i32
        %dma_wait3A_542 = arith.constant 0 : i32
        %dma_wait3A_543 = tpu.memref_slice %arg3[%arg0, %arg1, %dma_wait3A_536, %dma_wait3A_541, %dma_wait3A_542] : memref<2x16x157x2x128xi32, #tpu.memory_space<hbm>> -> memref<1x1x1x2x128xi32, #tpu.memory_space<hbm>>
        %dma_wait3A_544 = tpu.memref_squeeze %dma_wait3A_543 : memref<1x1x1x2x128xi32, #tpu.memory_space<hbm>> -> memref<2x128xi32, #tpu.memory_space<hbm>>
        tpu.wait_dma2 semaphore(%arg12 : memref<!tpu.dma_semaphore, #tpu.memory_space<semaphore_mem>>) src(%dma_wait3A_544 : memref<2x128xi32, #tpu.memory_space<hbm>>) dst(%arg5 : memref<2x128xi32, #tpu.memory_space<vmem>>)
        %dma_start3A_545 = arith.constant 0 : i32
        %dma_start3A_546 = arith.constant 0 : i32
        %dma_start3A_547 = tpu.memref_slice %arg5[%dma_start3A_545, %dma_start3A_546] : memref<2x128xi32, #tpu.memory_space<vmem>> -> memref<1x128xi32, #tpu.memory_space<vmem>>
        %dma_start3A_548 = tpu.memref_squeeze %dma_start3A_547 : memref<1x128xi32, #tpu.memory_space<vmem>> -> memref<128xi32, #tpu.memory_space<vmem>>
        %dma_start3A_549 = arith.constant 0 : i32
        %dma_start3A_550 = arith.constant 0 : i32
        %dma_start3A_551 = tpu.memref_slice %arg2[%arg0, %dma_start3A_549, %dma_start3A_550] : memref<2x10240x128xf32, #tpu.memory_space<hbm>> -> memref<1x10240x128xf32, #tpu.memory_space<hbm>>
        %dma_start3A_552 = tpu.memref_squeeze %dma_start3A_551 : memref<1x10240x128xf32, #tpu.memory_space<hbm>> -> memref<10240x128xf32, #tpu.memory_space<hbm>>
        %dma_start3A_553 = arith.constant 0 : i32
        %dma_start3A_554 = arith.constant 0 : i32
        %dma_start3A_555 = tpu.memref_slice %dma_start3A_552[%dma_start3A_553, %dma_start3A_554] : memref<10240x128xf32, #tpu.memory_space<hbm>> -> memref<10240x128xf32, #tpu.memory_space<hbm>>
        tpu.enqueue_indirect_dma source(%dma_start3A_555 : memref<10240x128xf32, #tpu.memory_space<hbm>>) target(%arg10 : memref<128x128xf32, #tpu.memory_space<vmem>>) offsets(%dma_start3A_548 : memref<128xi32, #tpu.memory_space<vmem>>) semaphore(%arg17 : memref<!tpu.dma_semaphore, #tpu.memory_space<semaphore_mem>>)
      } else {
      }
      %add3A_219 = arith.constant 2 : i32
      %add3A_220 = arith.addi %add3A_211, %add3A_219 : i32
      %lt3A_221 = arith.constant 157 : i32
      %lt3A_222 = arith.cmpi slt, %add3A_220, %lt3A_221 : i32
      %convert_element_type3A_223 = arith.extui %lt3A_222 : i1 to i32
      %cond3A_224 = arith.constant 0 : i32
      %cond3A_225 = arith.cmpi ne, %convert_element_type3A_223, %cond3A_224 : i32
      scf.if %cond3A_225 {
        %add3A_532 = arith.constant 2 : i32
        %add3A_533 = arith.addi %add3A_211, %add3A_532 : i32
        %dma_start3A_534 = arith.constant 0 : i32
        %dma_start3A_535 = arith.constant 0 : i32
        %dma_start3A_536 = tpu.memref_slice %arg3[%arg0, %arg1, %add3A_533, %dma_start3A_534, %dma_start3A_535] : memref<2x16x157x2x128xi32, #tpu.memory_space<hbm>> -> memref<1x1x1x2x128xi32, #tpu.memory_space<hbm>>
        %dma_start3A_537 = tpu.memref_squeeze %dma_start3A_536 : memref<1x1x1x2x128xi32, #tpu.memory_space<hbm>> -> memref<2x128xi32, #tpu.memory_space<hbm>>
        %dma_start3A_538 = arith.constant 0 : i32
        %dma_start3A_539 = arith.constant 0 : i32
        %dma_start3A_540 = tpu.memref_slice %arg3[%arg0, %arg1, %add3A_533, %dma_start3A_538, %dma_start3A_539] : memref<2x16x157x2x128xi32, #tpu.memory_space<hbm>> -> memref<1x1x1x2x128xi32, #tpu.memory_space<hbm>>
        %dma_start3A_541 = tpu.memref_squeeze %dma_start3A_540 : memref<1x1x1x2x128xi32, #tpu.memory_space<hbm>> -> memref<2x128xi32, #tpu.memory_space<hbm>>
        tpu.enqueue_dma source(%dma_start3A_541 : memref<2x128xi32, #tpu.memory_space<hbm>>) target(%arg6 : memref<2x128xi32, #tpu.memory_space<vmem>>) target_semaphore(%arg13 : memref<!tpu.dma_semaphore, #tpu.memory_space<semaphore_mem>>)
      } else {
      }
      %dma_wait3A_226 = arith.constant 0 : i32
      %dma_wait3A_227 = arith.constant 0 : i32
      %dma_wait3A_228 = tpu.memref_slice %arg5[%dma_wait3A_226, %dma_wait3A_227] : memref<2x128xi32, #tpu.memory_space<vmem>> -> memref<1x128xi32, #tpu.memory_space<vmem>>
      %dma_wait3A_229 = tpu.memref_squeeze %dma_wait3A_228 : memref<1x128xi32, #tpu.memory_space<vmem>> -> memref<128xi32, #tpu.memory_space<vmem>>
      %dma_wait3A_230 = arith.constant 0 : i32
      %dma_wait3A_231 = arith.constant 0 : i32
      %dma_wait3A_232 = tpu.memref_slice %arg2[%arg0, %dma_wait3A_230, %dma_wait3A_231] : memref<2x10240x128xf32, #tpu.memory_space<hbm>> -> memref<1x10240x128xf32, #tpu.memory_space<hbm>>
      %dma_wait3A_233 = tpu.memref_squeeze %dma_wait3A_232 : memref<1x10240x128xf32, #tpu.memory_space<hbm>> -> memref<10240x128xf32, #tpu.memory_space<hbm>>
      %dma_wait3A_234 = arith.constant 0 : i32
      %dma_wait3A_235 = arith.constant 0 : i32
      %dma_wait3A_236 = tpu.memref_slice %dma_wait3A_233[%dma_wait3A_234, %dma_wait3A_235] : memref<10240x128xf32, #tpu.memory_space<hbm>> -> memref<10240x128xf32, #tpu.memory_space<hbm>>
      tpu.wait_indirect_dma semaphore(%arg16 : memref<!tpu.dma_semaphore, #tpu.memory_space<semaphore_mem>>) src(%dma_wait3A_236 : memref<10240x128xf32, #tpu.memory_space<hbm>>) dst(%arg9 : memref<128x128xf32, #tpu.memory_space<vmem>>)
      %dma_start3A_237 = arith.constant 1 : i32
      %dma_start3A_238 = arith.constant 0 : i32
      %dma_start3A_239 = tpu.memref_slice %arg8[%dma_start3A_237, %dma_start3A_238] : memref<2x128xi32, #tpu.memory_space<vmem>> -> memref<1x128xi32, #tpu.memory_space<vmem>>
      %dma_start3A_240 = tpu.memref_squeeze %dma_start3A_239 : memref<1x128xi32, #tpu.memory_space<vmem>> -> memref<128xi32, #tpu.memory_space<vmem>>
      %dma_start3A_241 = arith.constant 0 : i32
      %dma_start3A_242 = arith.constant 0 : i32
      %dma_start3A_243 = tpu.memref_slice %arg22[%dma_start3A_241, %dma_start3A_242] : memref<10112x128xf32, #tpu.memory_space<vmem_shared>> -> memref<10112x128xf32, #tpu.memory_space<vmem_shared>>
      tpu.enqueue_indirect_dma source(%arg9 : memref<128x128xf32, #tpu.memory_space<vmem>>) target(%dma_start3A_243 : memref<10112x128xf32, #tpu.memory_space<vmem_shared>>) offsets(%dma_start3A_240 : memref<128xi32, #tpu.memory_space<vmem>>) semaphore(%arg19 : memref<!tpu.dma_semaphore, #tpu.memory_space<semaphore_mem>>) {add = true}
      %mul3A_244 = arith.constant 12 : i32
      %mul3A_245 = arith.muli %add3A_102, %mul3A_244 : i32
      %add3A_246 = arith.constant 4 : i32
      %add3A_247 = arith.addi %mul3A_245, %add3A_246 : i32
      %add3A_248 = arith.constant 1 : i32
      %add3A_249 = arith.addi %add3A_247, %add3A_248 : i32
      %lt3A_250 = arith.constant 157 : i32
      %lt3A_251 = arith.cmpi slt, %add3A_249, %lt3A_250 : i32
      %convert_element_type3A_252 = arith.extui %lt3A_251 : i1 to i32
      %cond3A_253 = arith.constant 0 : i32
      %cond3A_254 = arith.cmpi ne, %convert_element_type3A_252, %cond3A_253 : i32
      scf.if %cond3A_254 {
        %ge3A = arith.constant 2 : i32
        %ge3A_532 = arith.cmpi sge, %add3A_247, %ge3A : i32
        %convert_element_type3A_533 = arith.extui %ge3A_532 : i1 to i32
        %cond3A_534 = arith.constant 0 : i32
        %cond3A_535 = arith.cmpi ne, %convert_element_type3A_533, %cond3A_534 : i32
        scf.if %cond3A_535 {
          %dma_wait3A_556 = arith.constant 1 : i32
          %dma_wait3A_557 = arith.constant 0 : i32
          %dma_wait3A_558 = tpu.memref_slice %arg5[%dma_wait3A_556, %dma_wait3A_557] : memref<2x128xi32, #tpu.memory_space<vmem>> -> memref<1x128xi32, #tpu.memory_space<vmem>>
          %dma_wait3A_559 = tpu.memref_squeeze %dma_wait3A_558 : memref<1x128xi32, #tpu.memory_space<vmem>> -> memref<128xi32, #tpu.memory_space<vmem>>
          %dma_wait3A_560 = arith.constant 0 : i32
          %dma_wait3A_561 = arith.constant 0 : i32
          %dma_wait3A_562 = tpu.memref_slice %arg22[%dma_wait3A_560, %dma_wait3A_561] : memref<10112x128xf32, #tpu.memory_space<vmem_shared>> -> memref<10112x128xf32, #tpu.memory_space<vmem_shared>>
          tpu.wait_indirect_dma semaphore(%arg21 : memref<!tpu.dma_semaphore, #tpu.memory_space<semaphore_mem>>) src(%arg11 : memref<128x128xf32, #tpu.memory_space<vmem>>) dst(%dma_wait3A_562 : memref<10112x128xf32, #tpu.memory_space<vmem_shared>>)
        } else {
        }
        %dma_wait3A_536 = arith.constant 0 : i32
        %dma_wait3A_537 = arith.constant 0 : i32
        %dma_wait3A_538 = arith.constant 0 : i32
        %dma_wait3A_539 = tpu.memref_slice %arg3[%arg0, %arg1, %dma_wait3A_536, %dma_wait3A_537, %dma_wait3A_538] : memref<2x16x157x2x128xi32, #tpu.memory_space<hbm>> -> memref<1x1x1x2x128xi32, #tpu.memory_space<hbm>>
        %dma_wait3A_540 = tpu.memref_squeeze %dma_wait3A_539 : memref<1x1x1x2x128xi32, #tpu.memory_space<hbm>> -> memref<2x128xi32, #tpu.memory_space<hbm>>
        %dma_wait3A_541 = arith.constant 0 : i32
        %dma_wait3A_542 = arith.constant 0 : i32
        %dma_wait3A_543 = tpu.memref_slice %arg3[%arg0, %arg1, %dma_wait3A_536, %dma_wait3A_541, %dma_wait3A_542] : memref<2x16x157x2x128xi32, #tpu.memory_space<hbm>> -> memref<1x1x1x2x128xi32, #tpu.memory_space<hbm>>
        %dma_wait3A_544 = tpu.memref_squeeze %dma_wait3A_543 : memref<1x1x1x2x128xi32, #tpu.memory_space<hbm>> -> memref<2x128xi32, #tpu.memory_space<hbm>>
        tpu.wait_dma2 semaphore(%arg13 : memref<!tpu.dma_semaphore, #tpu.memory_space<semaphore_mem>>) src(%dma_wait3A_544 : memref<2x128xi32, #tpu.memory_space<hbm>>) dst(%arg6 : memref<2x128xi32, #tpu.memory_space<vmem>>)
        %dma_start3A_545 = arith.constant 0 : i32
        %dma_start3A_546 = arith.constant 0 : i32
        %dma_start3A_547 = tpu.memref_slice %arg6[%dma_start3A_545, %dma_start3A_546] : memref<2x128xi32, #tpu.memory_space<vmem>> -> memref<1x128xi32, #tpu.memory_space<vmem>>
        %dma_start3A_548 = tpu.memref_squeeze %dma_start3A_547 : memref<1x128xi32, #tpu.memory_space<vmem>> -> memref<128xi32, #tpu.memory_space<vmem>>
        %dma_start3A_549 = arith.constant 0 : i32
        %dma_start3A_550 = arith.constant 0 : i32
        %dma_start3A_551 = tpu.memref_slice %arg2[%arg0, %dma_start3A_549, %dma_start3A_550] : memref<2x10240x128xf32, #tpu.memory_space<hbm>> -> memref<1x10240x128xf32, #tpu.memory_space<hbm>>
        %dma_start3A_552 = tpu.memref_squeeze %dma_start3A_551 : memref<1x10240x128xf32, #tpu.memory_space<hbm>> -> memref<10240x128xf32, #tpu.memory_space<hbm>>
        %dma_start3A_553 = arith.constant 0 : i32
        %dma_start3A_554 = arith.constant 0 : i32
        %dma_start3A_555 = tpu.memref_slice %dma_start3A_552[%dma_start3A_553, %dma_start3A_554] : memref<10240x128xf32, #tpu.memory_space<hbm>> -> memref<10240x128xf32, #tpu.memory_space<hbm>>
        tpu.enqueue_indirect_dma source(%dma_start3A_555 : memref<10240x128xf32, #tpu.memory_space<hbm>>) target(%arg11 : memref<128x128xf32, #tpu.memory_space<vmem>>) offsets(%dma_start3A_548 : memref<128xi32, #tpu.memory_space<vmem>>) semaphore(%arg18 : memref<!tpu.dma_semaphore, #tpu.memory_space<semaphore_mem>>)
      } else {
      }
      %add3A_255 = arith.constant 2 : i32
      %add3A_256 = arith.addi %add3A_247, %add3A_255 : i32
      %lt3A_257 = arith.constant 157 : i32
      %lt3A_258 = arith.cmpi slt, %add3A_256, %lt3A_257 : i32
      %convert_element_type3A_259 = arith.extui %lt3A_258 : i1 to i32
      %cond3A_260 = arith.constant 0 : i32
      %cond3A_261 = arith.cmpi ne, %convert_element_type3A_259, %cond3A_260 : i32
      scf.if %cond3A_261 {
        %add3A_532 = arith.constant 2 : i32
        %add3A_533 = arith.addi %add3A_247, %add3A_532 : i32
        %dma_start3A_534 = arith.constant 0 : i32
        %dma_start3A_535 = arith.constant 0 : i32
        %dma_start3A_536 = tpu.memref_slice %arg3[%arg0, %arg1, %add3A_533, %dma_start3A_534, %dma_start3A_535] : memref<2x16x157x2x128xi32, #tpu.memory_space<hbm>> -> memref<1x1x1x2x128xi32, #tpu.memory_space<hbm>>
        %dma_start3A_537 = tpu.memref_squeeze %dma_start3A_536 : memref<1x1x1x2x128xi32, #tpu.memory_space<hbm>> -> memref<2x128xi32, #tpu.memory_space<hbm>>
        %dma_start3A_538 = arith.constant 0 : i32
        %dma_start3A_539 = arith.constant 0 : i32
        %dma_start3A_540 = tpu.memref_slice %arg3[%arg0, %arg1, %add3A_533, %dma_start3A_538, %dma_start3A_539] : memref<2x16x157x2x128xi32, #tpu.memory_space<hbm>> -> memref<1x1x1x2x128xi32, #tpu.memory_space<hbm>>
        %dma_start3A_541 = tpu.memref_squeeze %dma_start3A_540 : memref<1x1x1x2x128xi32, #tpu.memory_space<hbm>> -> memref<2x128xi32, #tpu.memory_space<hbm>>
        tpu.enqueue_dma source(%dma_start3A_541 : memref<2x128xi32, #tpu.memory_space<hbm>>) target(%arg7 : memref<2x128xi32, #tpu.memory_space<vmem>>) target_semaphore(%arg14 : memref<!tpu.dma_semaphore, #tpu.memory_space<semaphore_mem>>)
      } else {
      }
      %dma_wait3A_262 = arith.constant 0 : i32
      %dma_wait3A_263 = arith.constant 0 : i32
      %dma_wait3A_264 = tpu.memref_slice %arg5[%dma_wait3A_262, %dma_wait3A_263] : memref<2x128xi32, #tpu.memory_space<vmem>> -> memref<1x128xi32, #tpu.memory_space<vmem>>
      %dma_wait3A_265 = tpu.memref_squeeze %dma_wait3A_264 : memref<1x128xi32, #tpu.memory_space<vmem>> -> memref<128xi32, #tpu.memory_space<vmem>>
      %dma_wait3A_266 = arith.constant 0 : i32
      %dma_wait3A_267 = arith.constant 0 : i32
      %dma_wait3A_268 = tpu.memref_slice %arg2[%arg0, %dma_wait3A_266, %dma_wait3A_267] : memref<2x10240x128xf32, #tpu.memory_space<hbm>> -> memref<1x10240x128xf32, #tpu.memory_space<hbm>>
      %dma_wait3A_269 = tpu.memref_squeeze %dma_wait3A_268 : memref<1x10240x128xf32, #tpu.memory_space<hbm>> -> memref<10240x128xf32, #tpu.memory_space<hbm>>
      %dma_wait3A_270 = arith.constant 0 : i32
      %dma_wait3A_271 = arith.constant 0 : i32
      %dma_wait3A_272 = tpu.memref_slice %dma_wait3A_269[%dma_wait3A_270, %dma_wait3A_271] : memref<10240x128xf32, #tpu.memory_space<hbm>> -> memref<10240x128xf32, #tpu.memory_space<hbm>>
      tpu.wait_indirect_dma semaphore(%arg17 : memref<!tpu.dma_semaphore, #tpu.memory_space<semaphore_mem>>) src(%dma_wait3A_272 : memref<10240x128xf32, #tpu.memory_space<hbm>>) dst(%arg10 : memref<128x128xf32, #tpu.memory_space<vmem>>)
      %dma_start3A_273 = arith.constant 1 : i32
      %dma_start3A_274 = arith.constant 0 : i32
      %dma_start3A_275 = tpu.memref_slice %arg5[%dma_start3A_273, %dma_start3A_274] : memref<2x128xi32, #tpu.memory_space<vmem>> -> memref<1x128xi32, #tpu.memory_space<vmem>>
      %dma_start3A_276 = tpu.memref_squeeze %dma_start3A_275 : memref<1x128xi32, #tpu.memory_space<vmem>> -> memref<128xi32, #tpu.memory_space<vmem>>
      %dma_start3A_277 = arith.constant 0 : i32
      %dma_start3A_278 = arith.constant 0 : i32
      %dma_start3A_279 = tpu.memref_slice %arg22[%dma_start3A_277, %dma_start3A_278] : memref<10112x128xf32, #tpu.memory_space<vmem_shared>> -> memref<10112x128xf32, #tpu.memory_space<vmem_shared>>
      tpu.enqueue_indirect_dma source(%arg10 : memref<128x128xf32, #tpu.memory_space<vmem>>) target(%dma_start3A_279 : memref<10112x128xf32, #tpu.memory_space<vmem_shared>>) offsets(%dma_start3A_276 : memref<128xi32, #tpu.memory_space<vmem>>) semaphore(%arg20 : memref<!tpu.dma_semaphore, #tpu.memory_space<semaphore_mem>>) {add = true}
      %mul3A_280 = arith.constant 12 : i32
      %mul3A_281 = arith.muli %add3A_102, %mul3A_280 : i32
      %add3A_282 = arith.constant 5 : i32
      %add3A_283 = arith.addi %mul3A_281, %add3A_282 : i32
      %add3A_284 = arith.constant 1 : i32
      %add3A_285 = arith.addi %add3A_283, %add3A_284 : i32
      %lt3A_286 = arith.constant 157 : i32
      %lt3A_287 = arith.cmpi slt, %add3A_285, %lt3A_286 : i32
      %convert_element_type3A_288 = arith.extui %lt3A_287 : i1 to i32
      %cond3A_289 = arith.constant 0 : i32
      %cond3A_290 = arith.cmpi ne, %convert_element_type3A_288, %cond3A_289 : i32
      scf.if %cond3A_290 {
        %ge3A = arith.constant 2 : i32
        %ge3A_532 = arith.cmpi sge, %add3A_283, %ge3A : i32
        %convert_element_type3A_533 = arith.extui %ge3A_532 : i1 to i32
        %cond3A_534 = arith.constant 0 : i32
        %cond3A_535 = arith.cmpi ne, %convert_element_type3A_533, %cond3A_534 : i32
        scf.if %cond3A_535 {
          %dma_wait3A_556 = arith.constant 1 : i32
          %dma_wait3A_557 = arith.constant 0 : i32
          %dma_wait3A_558 = tpu.memref_slice %arg5[%dma_wait3A_556, %dma_wait3A_557] : memref<2x128xi32, #tpu.memory_space<vmem>> -> memref<1x128xi32, #tpu.memory_space<vmem>>
          %dma_wait3A_559 = tpu.memref_squeeze %dma_wait3A_558 : memref<1x128xi32, #tpu.memory_space<vmem>> -> memref<128xi32, #tpu.memory_space<vmem>>
          %dma_wait3A_560 = arith.constant 0 : i32
          %dma_wait3A_561 = arith.constant 0 : i32
          %dma_wait3A_562 = tpu.memref_slice %arg22[%dma_wait3A_560, %dma_wait3A_561] : memref<10112x128xf32, #tpu.memory_space<vmem_shared>> -> memref<10112x128xf32, #tpu.memory_space<vmem_shared>>
          tpu.wait_indirect_dma semaphore(%arg19 : memref<!tpu.dma_semaphore, #tpu.memory_space<semaphore_mem>>) src(%arg9 : memref<128x128xf32, #tpu.memory_space<vmem>>) dst(%dma_wait3A_562 : memref<10112x128xf32, #tpu.memory_space<vmem_shared>>)
        } else {
        }
        %dma_wait3A_536 = arith.constant 0 : i32
        %dma_wait3A_537 = arith.constant 0 : i32
        %dma_wait3A_538 = arith.constant 0 : i32
        %dma_wait3A_539 = tpu.memref_slice %arg3[%arg0, %arg1, %dma_wait3A_536, %dma_wait3A_537, %dma_wait3A_538] : memref<2x16x157x2x128xi32, #tpu.memory_space<hbm>> -> memref<1x1x1x2x128xi32, #tpu.memory_space<hbm>>
        %dma_wait3A_540 = tpu.memref_squeeze %dma_wait3A_539 : memref<1x1x1x2x128xi32, #tpu.memory_space<hbm>> -> memref<2x128xi32, #tpu.memory_space<hbm>>
        %dma_wait3A_541 = arith.constant 0 : i32
        %dma_wait3A_542 = arith.constant 0 : i32
        %dma_wait3A_543 = tpu.memref_slice %arg3[%arg0, %arg1, %dma_wait3A_536, %dma_wait3A_541, %dma_wait3A_542] : memref<2x16x157x2x128xi32, #tpu.memory_space<hbm>> -> memref<1x1x1x2x128xi32, #tpu.memory_space<hbm>>
        %dma_wait3A_544 = tpu.memref_squeeze %dma_wait3A_543 : memref<1x1x1x2x128xi32, #tpu.memory_space<hbm>> -> memref<2x128xi32, #tpu.memory_space<hbm>>
        tpu.wait_dma2 semaphore(%arg14 : memref<!tpu.dma_semaphore, #tpu.memory_space<semaphore_mem>>) src(%dma_wait3A_544 : memref<2x128xi32, #tpu.memory_space<hbm>>) dst(%arg7 : memref<2x128xi32, #tpu.memory_space<vmem>>)
        %dma_start3A_545 = arith.constant 0 : i32
        %dma_start3A_546 = arith.constant 0 : i32
        %dma_start3A_547 = tpu.memref_slice %arg7[%dma_start3A_545, %dma_start3A_546] : memref<2x128xi32, #tpu.memory_space<vmem>> -> memref<1x128xi32, #tpu.memory_space<vmem>>
        %dma_start3A_548 = tpu.memref_squeeze %dma_start3A_547 : memref<1x128xi32, #tpu.memory_space<vmem>> -> memref<128xi32, #tpu.memory_space<vmem>>
        %dma_start3A_549 = arith.constant 0 : i32
        %dma_start3A_550 = arith.constant 0 : i32
        %dma_start3A_551 = tpu.memref_slice %arg2[%arg0, %dma_start3A_549, %dma_start3A_550] : memref<2x10240x128xf32, #tpu.memory_space<hbm>> -> memref<1x10240x128xf32, #tpu.memory_space<hbm>>
        %dma_start3A_552 = tpu.memref_squeeze %dma_start3A_551 : memref<1x10240x128xf32, #tpu.memory_space<hbm>> -> memref<10240x128xf32, #tpu.memory_space<hbm>>
        %dma_start3A_553 = arith.constant 0 : i32
        %dma_start3A_554 = arith.constant 0 : i32
        %dma_start3A_555 = tpu.memref_slice %dma_start3A_552[%dma_start3A_553, %dma_start3A_554] : memref<10240x128xf32, #tpu.memory_space<hbm>> -> memref<10240x128xf32, #tpu.memory_space<hbm>>
        tpu.enqueue_indirect_dma source(%dma_start3A_555 : memref<10240x128xf32, #tpu.memory_space<hbm>>) target(%arg9 : memref<128x128xf32, #tpu.memory_space<vmem>>) offsets(%dma_start3A_548 : memref<128xi32, #tpu.memory_space<vmem>>) semaphore(%arg16 : memref<!tpu.dma_semaphore, #tpu.memory_space<semaphore_mem>>)
      } else {
      }
      %add3A_291 = arith.constant 2 : i32
      %add3A_292 = arith.addi %add3A_283, %add3A_291 : i32
      %lt3A_293 = arith.constant 157 : i32
      %lt3A_294 = arith.cmpi slt, %add3A_292, %lt3A_293 : i32
      %convert_element_type3A_295 = arith.extui %lt3A_294 : i1 to i32
      %cond3A_296 = arith.constant 0 : i32
      %cond3A_297 = arith.cmpi ne, %convert_element_type3A_295, %cond3A_296 : i32
      scf.if %cond3A_297 {
        %add3A_532 = arith.constant 2 : i32
        %add3A_533 = arith.addi %add3A_283, %add3A_532 : i32
        %dma_start3A_534 = arith.constant 0 : i32
        %dma_start3A_535 = arith.constant 0 : i32
        %dma_start3A_536 = tpu.memref_slice %arg3[%arg0, %arg1, %add3A_533, %dma_start3A_534, %dma_start3A_535] : memref<2x16x157x2x128xi32, #tpu.memory_space<hbm>> -> memref<1x1x1x2x128xi32, #tpu.memory_space<hbm>>
        %dma_start3A_537 = tpu.memref_squeeze %dma_start3A_536 : memref<1x1x1x2x128xi32, #tpu.memory_space<hbm>> -> memref<2x128xi32, #tpu.memory_space<hbm>>
        %dma_start3A_538 = arith.constant 0 : i32
        %dma_start3A_539 = arith.constant 0 : i32
        %dma_start3A_540 = tpu.memref_slice %arg3[%arg0, %arg1, %add3A_533, %dma_start3A_538, %dma_start3A_539] : memref<2x16x157x2x128xi32, #tpu.memory_space<hbm>> -> memref<1x1x1x2x128xi32, #tpu.memory_space<hbm>>
        %dma_start3A_541 = tpu.memref_squeeze %dma_start3A_540 : memref<1x1x1x2x128xi32, #tpu.memory_space<hbm>> -> memref<2x128xi32, #tpu.memory_space<hbm>>
        tpu.enqueue_dma source(%dma_start3A_541 : memref<2x128xi32, #tpu.memory_space<hbm>>) target(%arg8 : memref<2x128xi32, #tpu.memory_space<vmem>>) target_semaphore(%arg15 : memref<!tpu.dma_semaphore, #tpu.memory_space<semaphore_mem>>)
      } else {
      }
      %dma_wait3A_298 = arith.constant 0 : i32
      %dma_wait3A_299 = arith.constant 0 : i32
      %dma_wait3A_300 = tpu.memref_slice %arg5[%dma_wait3A_298, %dma_wait3A_299] : memref<2x128xi32, #tpu.memory_space<vmem>> -> memref<1x128xi32, #tpu.memory_space<vmem>>
      %dma_wait3A_301 = tpu.memref_squeeze %dma_wait3A_300 : memref<1x128xi32, #tpu.memory_space<vmem>> -> memref<128xi32, #tpu.memory_space<vmem>>
      %dma_wait3A_302 = arith.constant 0 : i32
      %dma_wait3A_303 = arith.constant 0 : i32
      %dma_wait3A_304 = tpu.memref_slice %arg2[%arg0, %dma_wait3A_302, %dma_wait3A_303] : memref<2x10240x128xf32, #tpu.memory_space<hbm>> -> memref<1x10240x128xf32, #tpu.memory_space<hbm>>
      %dma_wait3A_305 = tpu.memref_squeeze %dma_wait3A_304 : memref<1x10240x128xf32, #tpu.memory_space<hbm>> -> memref<10240x128xf32, #tpu.memory_space<hbm>>
      %dma_wait3A_306 = arith.constant 0 : i32
      %dma_wait3A_307 = arith.constant 0 : i32
      %dma_wait3A_308 = tpu.memref_slice %dma_wait3A_305[%dma_wait3A_306, %dma_wait3A_307] : memref<10240x128xf32, #tpu.memory_space<hbm>> -> memref<10240x128xf32, #tpu.memory_space<hbm>>
      tpu.wait_indirect_dma semaphore(%arg18 : memref<!tpu.dma_semaphore, #tpu.memory_space<semaphore_mem>>) src(%dma_wait3A_308 : memref<10240x128xf32, #tpu.memory_space<hbm>>) dst(%arg11 : memref<128x128xf32, #tpu.memory_space<vmem>>)
      %dma_start3A_309 = arith.constant 1 : i32
      %dma_start3A_310 = arith.constant 0 : i32
      %dma_start3A_311 = tpu.memref_slice %arg6[%dma_start3A_309, %dma_start3A_310] : memref<2x128xi32, #tpu.memory_space<vmem>> -> memref<1x128xi32, #tpu.memory_space<vmem>>
      %dma_start3A_312 = tpu.memref_squeeze %dma_start3A_311 : memref<1x128xi32, #tpu.memory_space<vmem>> -> memref<128xi32, #tpu.memory_space<vmem>>
      %dma_start3A_313 = arith.constant 0 : i32
      %dma_start3A_314 = arith.constant 0 : i32
      %dma_start3A_315 = tpu.memref_slice %arg22[%dma_start3A_313, %dma_start3A_314] : memref<10112x128xf32, #tpu.memory_space<vmem_shared>> -> memref<10112x128xf32, #tpu.memory_space<vmem_shared>>
      tpu.enqueue_indirect_dma source(%arg11 : memref<128x128xf32, #tpu.memory_space<vmem>>) target(%dma_start3A_315 : memref<10112x128xf32, #tpu.memory_space<vmem_shared>>) offsets(%dma_start3A_312 : memref<128xi32, #tpu.memory_space<vmem>>) semaphore(%arg21 : memref<!tpu.dma_semaphore, #tpu.memory_space<semaphore_mem>>) {add = true}
      %mul3A_316 = arith.constant 12 : i32
      %mul3A_317 = arith.muli %add3A_102, %mul3A_316 : i32
      %add3A_318 = arith.constant 6 : i32
      %add3A_319 = arith.addi %mul3A_317, %add3A_318 : i32
      %add3A_320 = arith.constant 1 : i32
      %add3A_321 = arith.addi %add3A_319, %add3A_320 : i32
      %lt3A_322 = arith.constant 157 : i32
      %lt3A_323 = arith.cmpi slt, %add3A_321, %lt3A_322 : i32
      %convert_element_type3A_324 = arith.extui %lt3A_323 : i1 to i32
      %cond3A_325 = arith.constant 0 : i32
      %cond3A_326 = arith.cmpi ne, %convert_element_type3A_324, %cond3A_325 : i32
      scf.if %cond3A_326 {
        %ge3A = arith.constant 2 : i32
        %ge3A_532 = arith.cmpi sge, %add3A_319, %ge3A : i32
        %convert_element_type3A_533 = arith.extui %ge3A_532 : i1 to i32
        %cond3A_534 = arith.constant 0 : i32
        %cond3A_535 = arith.cmpi ne, %convert_element_type3A_533, %cond3A_534 : i32
        scf.if %cond3A_535 {
          %dma_wait3A_556 = arith.constant 1 : i32
          %dma_wait3A_557 = arith.constant 0 : i32
          %dma_wait3A_558 = tpu.memref_slice %arg5[%dma_wait3A_556, %dma_wait3A_557] : memref<2x128xi32, #tpu.memory_space<vmem>> -> memref<1x128xi32, #tpu.memory_space<vmem>>
          %dma_wait3A_559 = tpu.memref_squeeze %dma_wait3A_558 : memref<1x128xi32, #tpu.memory_space<vmem>> -> memref<128xi32, #tpu.memory_space<vmem>>
          %dma_wait3A_560 = arith.constant 0 : i32
          %dma_wait3A_561 = arith.constant 0 : i32
          %dma_wait3A_562 = tpu.memref_slice %arg22[%dma_wait3A_560, %dma_wait3A_561] : memref<10112x128xf32, #tpu.memory_space<vmem_shared>> -> memref<10112x128xf32, #tpu.memory_space<vmem_shared>>
          tpu.wait_indirect_dma semaphore(%arg20 : memref<!tpu.dma_semaphore, #tpu.memory_space<semaphore_mem>>) src(%arg10 : memref<128x128xf32, #tpu.memory_space<vmem>>) dst(%dma_wait3A_562 : memref<10112x128xf32, #tpu.memory_space<vmem_shared>>)
        } else {
        }
        %dma_wait3A_536 = arith.constant 0 : i32
        %dma_wait3A_537 = arith.constant 0 : i32
        %dma_wait3A_538 = arith.constant 0 : i32
        %dma_wait3A_539 = tpu.memref_slice %arg3[%arg0, %arg1, %dma_wait3A_536, %dma_wait3A_537, %dma_wait3A_538] : memref<2x16x157x2x128xi32, #tpu.memory_space<hbm>> -> memref<1x1x1x2x128xi32, #tpu.memory_space<hbm>>
        %dma_wait3A_540 = tpu.memref_squeeze %dma_wait3A_539 : memref<1x1x1x2x128xi32, #tpu.memory_space<hbm>> -> memref<2x128xi32, #tpu.memory_space<hbm>>
        %dma_wait3A_541 = arith.constant 0 : i32
        %dma_wait3A_542 = arith.constant 0 : i32
        %dma_wait3A_543 = tpu.memref_slice %arg3[%arg0, %arg1, %dma_wait3A_536, %dma_wait3A_541, %dma_wait3A_542] : memref<2x16x157x2x128xi32, #tpu.memory_space<hbm>> -> memref<1x1x1x2x128xi32, #tpu.memory_space<hbm>>
        %dma_wait3A_544 = tpu.memref_squeeze %dma_wait3A_543 : memref<1x1x1x2x128xi32, #tpu.memory_space<hbm>> -> memref<2x128xi32, #tpu.memory_space<hbm>>
        tpu.wait_dma2 semaphore(%arg15 : memref<!tpu.dma_semaphore, #tpu.memory_space<semaphore_mem>>) src(%dma_wait3A_544 : memref<2x128xi32, #tpu.memory_space<hbm>>) dst(%arg8 : memref<2x128xi32, #tpu.memory_space<vmem>>)
        %dma_start3A_545 = arith.constant 0 : i32
        %dma_start3A_546 = arith.constant 0 : i32
        %dma_start3A_547 = tpu.memref_slice %arg8[%dma_start3A_545, %dma_start3A_546] : memref<2x128xi32, #tpu.memory_space<vmem>> -> memref<1x128xi32, #tpu.memory_space<vmem>>
        %dma_start3A_548 = tpu.memref_squeeze %dma_start3A_547 : memref<1x128xi32, #tpu.memory_space<vmem>> -> memref<128xi32, #tpu.memory_space<vmem>>
        %dma_start3A_549 = arith.constant 0 : i32
        %dma_start3A_550 = arith.constant 0 : i32
        %dma_start3A_551 = tpu.memref_slice %arg2[%arg0, %dma_start3A_549, %dma_start3A_550] : memref<2x10240x128xf32, #tpu.memory_space<hbm>> -> memref<1x10240x128xf32, #tpu.memory_space<hbm>>
        %dma_start3A_552 = tpu.memref_squeeze %dma_start3A_551 : memref<1x10240x128xf32, #tpu.memory_space<hbm>> -> memref<10240x128xf32, #tpu.memory_space<hbm>>
        %dma_start3A_553 = arith.constant 0 : i32
        %dma_start3A_554 = arith.constant 0 : i32
        %dma_start3A_555 = tpu.memref_slice %dma_start3A_552[%dma_start3A_553, %dma_start3A_554] : memref<10240x128xf32, #tpu.memory_space<hbm>> -> memref<10240x128xf32, #tpu.memory_space<hbm>>
        tpu.enqueue_indirect_dma source(%dma_start3A_555 : memref<10240x128xf32, #tpu.memory_space<hbm>>) target(%arg10 : memref<128x128xf32, #tpu.memory_space<vmem>>) offsets(%dma_start3A_548 : memref<128xi32, #tpu.memory_space<vmem>>) semaphore(%arg17 : memref<!tpu.dma_semaphore, #tpu.memory_space<semaphore_mem>>)
      } else {
      }
      %add3A_327 = arith.constant 2 : i32
      %add3A_328 = arith.addi %add3A_319, %add3A_327 : i32
      %lt3A_329 = arith.constant 157 : i32
      %lt3A_330 = arith.cmpi slt, %add3A_328, %lt3A_329 : i32
      %convert_element_type3A_331 = arith.extui %lt3A_330 : i1 to i32
      %cond3A_332 = arith.constant 0 : i32
      %cond3A_333 = arith.cmpi ne, %convert_element_type3A_331, %cond3A_332 : i32
      scf.if %cond3A_333 {
        %add3A_532 = arith.constant 2 : i32
        %add3A_533 = arith.addi %add3A_319, %add3A_532 : i32
        %dma_start3A_534 = arith.constant 0 : i32
        %dma_start3A_535 = arith.constant 0 : i32
        %dma_start3A_536 = tpu.memref_slice %arg3[%arg0, %arg1, %add3A_533, %dma_start3A_534, %dma_start3A_535] : memref<2x16x157x2x128xi32, #tpu.memory_space<hbm>> -> memref<1x1x1x2x128xi32, #tpu.memory_space<hbm>>
        %dma_start3A_537 = tpu.memref_squeeze %dma_start3A_536 : memref<1x1x1x2x128xi32, #tpu.memory_space<hbm>> -> memref<2x128xi32, #tpu.memory_space<hbm>>
        %dma_start3A_538 = arith.constant 0 : i32
        %dma_start3A_539 = arith.constant 0 : i32
        %dma_start3A_540 = tpu.memref_slice %arg3[%arg0, %arg1, %add3A_533, %dma_start3A_538, %dma_start3A_539] : memref<2x16x157x2x128xi32, #tpu.memory_space<hbm>> -> memref<1x1x1x2x128xi32, #tpu.memory_space<hbm>>
        %dma_start3A_541 = tpu.memref_squeeze %dma_start3A_540 : memref<1x1x1x2x128xi32, #tpu.memory_space<hbm>> -> memref<2x128xi32, #tpu.memory_space<hbm>>
        tpu.enqueue_dma source(%dma_start3A_541 : memref<2x128xi32, #tpu.memory_space<hbm>>) target(%arg5 : memref<2x128xi32, #tpu.memory_space<vmem>>) target_semaphore(%arg12 : memref<!tpu.dma_semaphore, #tpu.memory_space<semaphore_mem>>)
      } else {
      }
      %dma_wait3A_334 = arith.constant 0 : i32
      %dma_wait3A_335 = arith.constant 0 : i32
      %dma_wait3A_336 = tpu.memref_slice %arg5[%dma_wait3A_334, %dma_wait3A_335] : memref<2x128xi32, #tpu.memory_space<vmem>> -> memref<1x128xi32, #tpu.memory_space<vmem>>
      %dma_wait3A_337 = tpu.memref_squeeze %dma_wait3A_336 : memref<1x128xi32, #tpu.memory_space<vmem>> -> memref<128xi32, #tpu.memory_space<vmem>>
      %dma_wait3A_338 = arith.constant 0 : i32
      %dma_wait3A_339 = arith.constant 0 : i32
      %dma_wait3A_340 = tpu.memref_slice %arg2[%arg0, %dma_wait3A_338, %dma_wait3A_339] : memref<2x10240x128xf32, #tpu.memory_space<hbm>> -> memref<1x10240x128xf32, #tpu.memory_space<hbm>>
      %dma_wait3A_341 = tpu.memref_squeeze %dma_wait3A_340 : memref<1x10240x128xf32, #tpu.memory_space<hbm>> -> memref<10240x128xf32, #tpu.memory_space<hbm>>
      %dma_wait3A_342 = arith.constant 0 : i32
      %dma_wait3A_343 = arith.constant 0 : i32
      %dma_wait3A_344 = tpu.memref_slice %dma_wait3A_341[%dma_wait3A_342, %dma_wait3A_343] : memref<10240x128xf32, #tpu.memory_space<hbm>> -> memref<10240x128xf32, #tpu.memory_space<hbm>>
      tpu.wait_indirect_dma semaphore(%arg16 : memref<!tpu.dma_semaphore, #tpu.memory_space<semaphore_mem>>) src(%dma_wait3A_344 : memref<10240x128xf32, #tpu.memory_space<hbm>>) dst(%arg9 : memref<128x128xf32, #tpu.memory_space<vmem>>)
      %dma_start3A_345 = arith.constant 1 : i32
      %dma_start3A_346 = arith.constant 0 : i32
      %dma_start3A_347 = tpu.memref_slice %arg7[%dma_start3A_345, %dma_start3A_346] : memref<2x128xi32, #tpu.memory_space<vmem>> -> memref<1x128xi32, #tpu.memory_space<vmem>>
      %dma_start3A_348 = tpu.memref_squeeze %dma_start3A_347 : memref<1x128xi32, #tpu.memory_space<vmem>> -> memref<128xi32, #tpu.memory_space<vmem>>
      %dma_start3A_349 = arith.constant 0 : i32
      %dma_start3A_350 = arith.constant 0 : i32
      %dma_start3A_351 = tpu.memref_slice %arg22[%dma_start3A_349, %dma_start3A_350] : memref<10112x128xf32, #tpu.memory_space<vmem_shared>> -> memref<10112x128xf32, #tpu.memory_space<vmem_shared>>
      tpu.enqueue_indirect_dma source(%arg9 : memref<128x128xf32, #tpu.memory_space<vmem>>) target(%dma_start3A_351 : memref<10112x128xf32, #tpu.memory_space<vmem_shared>>) offsets(%dma_start3A_348 : memref<128xi32, #tpu.memory_space<vmem>>) semaphore(%arg19 : memref<!tpu.dma_semaphore, #tpu.memory_space<semaphore_mem>>) {add = true}
      %mul3A_352 = arith.constant 12 : i32
      %mul3A_353 = arith.muli %add3A_102, %mul3A_352 : i32
      %add3A_354 = arith.constant 7 : i32
      %add3A_355 = arith.addi %mul3A_353, %add3A_354 : i32
      %add3A_356 = arith.constant 1 : i32
      %add3A_357 = arith.addi %add3A_355, %add3A_356 : i32
      %lt3A_358 = arith.constant 157 : i32
      %lt3A_359 = arith.cmpi slt, %add3A_357, %lt3A_358 : i32
      %convert_element_type3A_360 = arith.extui %lt3A_359 : i1 to i32
      %cond3A_361 = arith.constant 0 : i32
      %cond3A_362 = arith.cmpi ne, %convert_element_type3A_360, %cond3A_361 : i32
      scf.if %cond3A_362 {
        %ge3A = arith.constant 2 : i32
        %ge3A_532 = arith.cmpi sge, %add3A_355, %ge3A : i32
        %convert_element_type3A_533 = arith.extui %ge3A_532 : i1 to i32
        %cond3A_534 = arith.constant 0 : i32
        %cond3A_535 = arith.cmpi ne, %convert_element_type3A_533, %cond3A_534 : i32
        scf.if %cond3A_535 {
          %dma_wait3A_556 = arith.constant 1 : i32
          %dma_wait3A_557 = arith.constant 0 : i32
          %dma_wait3A_558 = tpu.memref_slice %arg5[%dma_wait3A_556, %dma_wait3A_557] : memref<2x128xi32, #tpu.memory_space<vmem>> -> memref<1x128xi32, #tpu.memory_space<vmem>>
          %dma_wait3A_559 = tpu.memref_squeeze %dma_wait3A_558 : memref<1x128xi32, #tpu.memory_space<vmem>> -> memref<128xi32, #tpu.memory_space<vmem>>
          %dma_wait3A_560 = arith.constant 0 : i32
          %dma_wait3A_561 = arith.constant 0 : i32
          %dma_wait3A_562 = tpu.memref_slice %arg22[%dma_wait3A_560, %dma_wait3A_561] : memref<10112x128xf32, #tpu.memory_space<vmem_shared>> -> memref<10112x128xf32, #tpu.memory_space<vmem_shared>>
          tpu.wait_indirect_dma semaphore(%arg21 : memref<!tpu.dma_semaphore, #tpu.memory_space<semaphore_mem>>) src(%arg11 : memref<128x128xf32, #tpu.memory_space<vmem>>) dst(%dma_wait3A_562 : memref<10112x128xf32, #tpu.memory_space<vmem_shared>>)
        } else {
        }
        %dma_wait3A_536 = arith.constant 0 : i32
        %dma_wait3A_537 = arith.constant 0 : i32
        %dma_wait3A_538 = arith.constant 0 : i32
        %dma_wait3A_539 = tpu.memref_slice %arg3[%arg0, %arg1, %dma_wait3A_536, %dma_wait3A_537, %dma_wait3A_538] : memref<2x16x157x2x128xi32, #tpu.memory_space<hbm>> -> memref<1x1x1x2x128xi32, #tpu.memory_space<hbm>>
        %dma_wait3A_540 = tpu.memref_squeeze %dma_wait3A_539 : memref<1x1x1x2x128xi32, #tpu.memory_space<hbm>> -> memref<2x128xi32, #tpu.memory_space<hbm>>
        %dma_wait3A_541 = arith.constant 0 : i32
        %dma_wait3A_542 = arith.constant 0 : i32
        %dma_wait3A_543 = tpu.memref_slice %arg3[%arg0, %arg1, %dma_wait3A_536, %dma_wait3A_541, %dma_wait3A_542] : memref<2x16x157x2x128xi32, #tpu.memory_space<hbm>> -> memref<1x1x1x2x128xi32, #tpu.memory_space<hbm>>
        %dma_wait3A_544 = tpu.memref_squeeze %dma_wait3A_543 : memref<1x1x1x2x128xi32, #tpu.memory_space<hbm>> -> memref<2x128xi32, #tpu.memory_space<hbm>>
        tpu.wait_dma2 semaphore(%arg12 : memref<!tpu.dma_semaphore, #tpu.memory_space<semaphore_mem>>) src(%dma_wait3A_544 : memref<2x128xi32, #tpu.memory_space<hbm>>) dst(%arg5 : memref<2x128xi32, #tpu.memory_space<vmem>>)
        %dma_start3A_545 = arith.constant 0 : i32
        %dma_start3A_546 = arith.constant 0 : i32
        %dma_start3A_547 = tpu.memref_slice %arg5[%dma_start3A_545, %dma_start3A_546] : memref<2x128xi32, #tpu.memory_space<vmem>> -> memref<1x128xi32, #tpu.memory_space<vmem>>
        %dma_start3A_548 = tpu.memref_squeeze %dma_start3A_547 : memref<1x128xi32, #tpu.memory_space<vmem>> -> memref<128xi32, #tpu.memory_space<vmem>>
        %dma_start3A_549 = arith.constant 0 : i32
        %dma_start3A_550 = arith.constant 0 : i32
        %dma_start3A_551 = tpu.memref_slice %arg2[%arg0, %dma_start3A_549, %dma_start3A_550] : memref<2x10240x128xf32, #tpu.memory_space<hbm>> -> memref<1x10240x128xf32, #tpu.memory_space<hbm>>
        %dma_start3A_552 = tpu.memref_squeeze %dma_start3A_551 : memref<1x10240x128xf32, #tpu.memory_space<hbm>> -> memref<10240x128xf32, #tpu.memory_space<hbm>>
        %dma_start3A_553 = arith.constant 0 : i32
        %dma_start3A_554 = arith.constant 0 : i32
        %dma_start3A_555 = tpu.memref_slice %dma_start3A_552[%dma_start3A_553, %dma_start3A_554] : memref<10240x128xf32, #tpu.memory_space<hbm>> -> memref<10240x128xf32, #tpu.memory_space<hbm>>
        tpu.enqueue_indirect_dma source(%dma_start3A_555 : memref<10240x128xf32, #tpu.memory_space<hbm>>) target(%arg11 : memref<128x128xf32, #tpu.memory_space<vmem>>) offsets(%dma_start3A_548 : memref<128xi32, #tpu.memory_space<vmem>>) semaphore(%arg18 : memref<!tpu.dma_semaphore, #tpu.memory_space<semaphore_mem>>)
      } else {
      }
      %add3A_363 = arith.constant 2 : i32
      %add3A_364 = arith.addi %add3A_355, %add3A_363 : i32
      %lt3A_365 = arith.constant 157 : i32
      %lt3A_366 = arith.cmpi slt, %add3A_364, %lt3A_365 : i32
      %convert_element_type3A_367 = arith.extui %lt3A_366 : i1 to i32
      %cond3A_368 = arith.constant 0 : i32
      %cond3A_369 = arith.cmpi ne, %convert_element_type3A_367, %cond3A_368 : i32
      scf.if %cond3A_369 {
        %add3A_532 = arith.constant 2 : i32
        %add3A_533 = arith.addi %add3A_355, %add3A_532 : i32
        %dma_start3A_534 = arith.constant 0 : i32
        %dma_start3A_535 = arith.constant 0 : i32
        %dma_start3A_536 = tpu.memref_slice %arg3[%arg0, %arg1, %add3A_533, %dma_start3A_534, %dma_start3A_535] : memref<2x16x157x2x128xi32, #tpu.memory_space<hbm>> -> memref<1x1x1x2x128xi32, #tpu.memory_space<hbm>>
        %dma_start3A_537 = tpu.memref_squeeze %dma_start3A_536 : memref<1x1x1x2x128xi32, #tpu.memory_space<hbm>> -> memref<2x128xi32, #tpu.memory_space<hbm>>
        %dma_start3A_538 = arith.constant 0 : i32
        %dma_start3A_539 = arith.constant 0 : i32
        %dma_start3A_540 = tpu.memref_slice %arg3[%arg0, %arg1, %add3A_533, %dma_start3A_538, %dma_start3A_539] : memref<2x16x157x2x128xi32, #tpu.memory_space<hbm>> -> memref<1x1x1x2x128xi32, #tpu.memory_space<hbm>>
        %dma_start3A_541 = tpu.memref_squeeze %dma_start3A_540 : memref<1x1x1x2x128xi32, #tpu.memory_space<hbm>> -> memref<2x128xi32, #tpu.memory_space<hbm>>
        tpu.enqueue_dma source(%dma_start3A_541 : memref<2x128xi32, #tpu.memory_space<hbm>>) target(%arg6 : memref<2x128xi32, #tpu.memory_space<vmem>>) target_semaphore(%arg13 : memref<!tpu.dma_semaphore, #tpu.memory_space<semaphore_mem>>)
      } else {
      }
      %dma_wait3A_370 = arith.constant 0 : i32
      %dma_wait3A_371 = arith.constant 0 : i32
      %dma_wait3A_372 = tpu.memref_slice %arg5[%dma_wait3A_370, %dma_wait3A_371] : memref<2x128xi32, #tpu.memory_space<vmem>> -> memref<1x128xi32, #tpu.memory_space<vmem>>
      %dma_wait3A_373 = tpu.memref_squeeze %dma_wait3A_372 : memref<1x128xi32, #tpu.memory_space<vmem>> -> memref<128xi32, #tpu.memory_space<vmem>>
      %dma_wait3A_374 = arith.constant 0 : i32
      %dma_wait3A_375 = arith.constant 0 : i32
      %dma_wait3A_376 = tpu.memref_slice %arg2[%arg0, %dma_wait3A_374, %dma_wait3A_375] : memref<2x10240x128xf32, #tpu.memory_space<hbm>> -> memref<1x10240x128xf32, #tpu.memory_space<hbm>>
      %dma_wait3A_377 = tpu.memref_squeeze %dma_wait3A_376 : memref<1x10240x128xf32, #tpu.memory_space<hbm>> -> memref<10240x128xf32, #tpu.memory_space<hbm>>
      %dma_wait3A_378 = arith.constant 0 : i32
      %dma_wait3A_379 = arith.constant 0 : i32
      %dma_wait3A_380 = tpu.memref_slice %dma_wait3A_377[%dma_wait3A_378, %dma_wait3A_379] : memref<10240x128xf32, #tpu.memory_space<hbm>> -> memref<10240x128xf32, #tpu.memory_space<hbm>>
      tpu.wait_indirect_dma semaphore(%arg17 : memref<!tpu.dma_semaphore, #tpu.memory_space<semaphore_mem>>) src(%dma_wait3A_380 : memref<10240x128xf32, #tpu.memory_space<hbm>>) dst(%arg10 : memref<128x128xf32, #tpu.memory_space<vmem>>)
      %dma_start3A_381 = arith.constant 1 : i32
      %dma_start3A_382 = arith.constant 0 : i32
      %dma_start3A_383 = tpu.memref_slice %arg8[%dma_start3A_381, %dma_start3A_382] : memref<2x128xi32, #tpu.memory_space<vmem>> -> memref<1x128xi32, #tpu.memory_space<vmem>>
      %dma_start3A_384 = tpu.memref_squeeze %dma_start3A_383 : memref<1x128xi32, #tpu.memory_space<vmem>> -> memref<128xi32, #tpu.memory_space<vmem>>
      %dma_start3A_385 = arith.constant 0 : i32
      %dma_start3A_386 = arith.constant 0 : i32
      %dma_start3A_387 = tpu.memref_slice %arg22[%dma_start3A_385, %dma_start3A_386] : memref<10112x128xf32, #tpu.memory_space<vmem_shared>> -> memref<10112x128xf32, #tpu.memory_space<vmem_shared>>
      tpu.enqueue_indirect_dma source(%arg10 : memref<128x128xf32, #tpu.memory_space<vmem>>) target(%dma_start3A_387 : memref<10112x128xf32, #tpu.memory_space<vmem_shared>>) offsets(%dma_start3A_384 : memref<128xi32, #tpu.memory_space<vmem>>) semaphore(%arg20 : memref<!tpu.dma_semaphore, #tpu.memory_space<semaphore_mem>>) {add = true}
      %mul3A_388 = arith.constant 12 : i32
      %mul3A_389 = arith.muli %add3A_102, %mul3A_388 : i32
      %add3A_390 = arith.constant 8 : i32
      %add3A_391 = arith.addi %mul3A_389, %add3A_390 : i32
      %add3A_392 = arith.constant 1 : i32
      %add3A_393 = arith.addi %add3A_391, %add3A_392 : i32
      %lt3A_394 = arith.constant 157 : i32
      %lt3A_395 = arith.cmpi slt, %add3A_393, %lt3A_394 : i32
      %convert_element_type3A_396 = arith.extui %lt3A_395 : i1 to i32
      %cond3A_397 = arith.constant 0 : i32
      %cond3A_398 = arith.cmpi ne, %convert_element_type3A_396, %cond3A_397 : i32
      scf.if %cond3A_398 {
        %ge3A = arith.constant 2 : i32
        %ge3A_532 = arith.cmpi sge, %add3A_391, %ge3A : i32
        %convert_element_type3A_533 = arith.extui %ge3A_532 : i1 to i32
        %cond3A_534 = arith.constant 0 : i32
        %cond3A_535 = arith.cmpi ne, %convert_element_type3A_533, %cond3A_534 : i32
        scf.if %cond3A_535 {
          %dma_wait3A_556 = arith.constant 1 : i32
          %dma_wait3A_557 = arith.constant 0 : i32
          %dma_wait3A_558 = tpu.memref_slice %arg5[%dma_wait3A_556, %dma_wait3A_557] : memref<2x128xi32, #tpu.memory_space<vmem>> -> memref<1x128xi32, #tpu.memory_space<vmem>>
          %dma_wait3A_559 = tpu.memref_squeeze %dma_wait3A_558 : memref<1x128xi32, #tpu.memory_space<vmem>> -> memref<128xi32, #tpu.memory_space<vmem>>
          %dma_wait3A_560 = arith.constant 0 : i32
          %dma_wait3A_561 = arith.constant 0 : i32
          %dma_wait3A_562 = tpu.memref_slice %arg22[%dma_wait3A_560, %dma_wait3A_561] : memref<10112x128xf32, #tpu.memory_space<vmem_shared>> -> memref<10112x128xf32, #tpu.memory_space<vmem_shared>>
          tpu.wait_indirect_dma semaphore(%arg19 : memref<!tpu.dma_semaphore, #tpu.memory_space<semaphore_mem>>) src(%arg9 : memref<128x128xf32, #tpu.memory_space<vmem>>) dst(%dma_wait3A_562 : memref<10112x128xf32, #tpu.memory_space<vmem_shared>>)
        } else {
        }
        %dma_wait3A_536 = arith.constant 0 : i32
        %dma_wait3A_537 = arith.constant 0 : i32
        %dma_wait3A_538 = arith.constant 0 : i32
        %dma_wait3A_539 = tpu.memref_slice %arg3[%arg0, %arg1, %dma_wait3A_536, %dma_wait3A_537, %dma_wait3A_538] : memref<2x16x157x2x128xi32, #tpu.memory_space<hbm>> -> memref<1x1x1x2x128xi32, #tpu.memory_space<hbm>>
        %dma_wait3A_540 = tpu.memref_squeeze %dma_wait3A_539 : memref<1x1x1x2x128xi32, #tpu.memory_space<hbm>> -> memref<2x128xi32, #tpu.memory_space<hbm>>
        %dma_wait3A_541 = arith.constant 0 : i32
        %dma_wait3A_542 = arith.constant 0 : i32
        %dma_wait3A_543 = tpu.memref_slice %arg3[%arg0, %arg1, %dma_wait3A_536, %dma_wait3A_541, %dma_wait3A_542] : memref<2x16x157x2x128xi32, #tpu.memory_space<hbm>> -> memref<1x1x1x2x128xi32, #tpu.memory_space<hbm>>
        %dma_wait3A_544 = tpu.memref_squeeze %dma_wait3A_543 : memref<1x1x1x2x128xi32, #tpu.memory_space<hbm>> -> memref<2x128xi32, #tpu.memory_space<hbm>>
        tpu.wait_dma2 semaphore(%arg13 : memref<!tpu.dma_semaphore, #tpu.memory_space<semaphore_mem>>) src(%dma_wait3A_544 : memref<2x128xi32, #tpu.memory_space<hbm>>) dst(%arg6 : memref<2x128xi32, #tpu.memory_space<vmem>>)
        %dma_start3A_545 = arith.constant 0 : i32
        %dma_start3A_546 = arith.constant 0 : i32
        %dma_start3A_547 = tpu.memref_slice %arg6[%dma_start3A_545, %dma_start3A_546] : memref<2x128xi32, #tpu.memory_space<vmem>> -> memref<1x128xi32, #tpu.memory_space<vmem>>
        %dma_start3A_548 = tpu.memref_squeeze %dma_start3A_547 : memref<1x128xi32, #tpu.memory_space<vmem>> -> memref<128xi32, #tpu.memory_space<vmem>>
        %dma_start3A_549 = arith.constant 0 : i32
        %dma_start3A_550 = arith.constant 0 : i32
        %dma_start3A_551 = tpu.memref_slice %arg2[%arg0, %dma_start3A_549, %dma_start3A_550] : memref<2x10240x128xf32, #tpu.memory_space<hbm>> -> memref<1x10240x128xf32, #tpu.memory_space<hbm>>
        %dma_start3A_552 = tpu.memref_squeeze %dma_start3A_551 : memref<1x10240x128xf32, #tpu.memory_space<hbm>> -> memref<10240x128xf32, #tpu.memory_space<hbm>>
        %dma_start3A_553 = arith.constant 0 : i32
        %dma_start3A_554 = arith.constant 0 : i32
        %dma_start3A_555 = tpu.memref_slice %dma_start3A_552[%dma_start3A_553, %dma_start3A_554] : memref<10240x128xf32, #tpu.memory_space<hbm>> -> memref<10240x128xf32, #tpu.memory_space<hbm>>
        tpu.enqueue_indirect_dma source(%dma_start3A_555 : memref<10240x128xf32, #tpu.memory_space<hbm>>) target(%arg9 : memref<128x128xf32, #tpu.memory_space<vmem>>) offsets(%dma_start3A_548 : memref<128xi32, #tpu.memory_space<vmem>>) semaphore(%arg16 : memref<!tpu.dma_semaphore, #tpu.memory_space<semaphore_mem>>)
      } else {
      }
      %add3A_399 = arith.constant 2 : i32
      %add3A_400 = arith.addi %add3A_391, %add3A_399 : i32
      %lt3A_401 = arith.constant 157 : i32
      %lt3A_402 = arith.cmpi slt, %add3A_400, %lt3A_401 : i32
      %convert_element_type3A_403 = arith.extui %lt3A_402 : i1 to i32
      %cond3A_404 = arith.constant 0 : i32
      %cond3A_405 = arith.cmpi ne, %convert_element_type3A_403, %cond3A_404 : i32
      scf.if %cond3A_405 {
        %add3A_532 = arith.constant 2 : i32
        %add3A_533 = arith.addi %add3A_391, %add3A_532 : i32
        %dma_start3A_534 = arith.constant 0 : i32
        %dma_start3A_535 = arith.constant 0 : i32
        %dma_start3A_536 = tpu.memref_slice %arg3[%arg0, %arg1, %add3A_533, %dma_start3A_534, %dma_start3A_535] : memref<2x16x157x2x128xi32, #tpu.memory_space<hbm>> -> memref<1x1x1x2x128xi32, #tpu.memory_space<hbm>>
        %dma_start3A_537 = tpu.memref_squeeze %dma_start3A_536 : memref<1x1x1x2x128xi32, #tpu.memory_space<hbm>> -> memref<2x128xi32, #tpu.memory_space<hbm>>
        %dma_start3A_538 = arith.constant 0 : i32
        %dma_start3A_539 = arith.constant 0 : i32
        %dma_start3A_540 = tpu.memref_slice %arg3[%arg0, %arg1, %add3A_533, %dma_start3A_538, %dma_start3A_539] : memref<2x16x157x2x128xi32, #tpu.memory_space<hbm>> -> memref<1x1x1x2x128xi32, #tpu.memory_space<hbm>>
        %dma_start3A_541 = tpu.memref_squeeze %dma_start3A_540 : memref<1x1x1x2x128xi32, #tpu.memory_space<hbm>> -> memref<2x128xi32, #tpu.memory_space<hbm>>
        tpu.enqueue_dma source(%dma_start3A_541 : memref<2x128xi32, #tpu.memory_space<hbm>>) target(%arg7 : memref<2x128xi32, #tpu.memory_space<vmem>>) target_semaphore(%arg14 : memref<!tpu.dma_semaphore, #tpu.memory_space<semaphore_mem>>)
      } else {
      }
      %dma_wait3A_406 = arith.constant 0 : i32
      %dma_wait3A_407 = arith.constant 0 : i32
      %dma_wait3A_408 = tpu.memref_slice %arg5[%dma_wait3A_406, %dma_wait3A_407] : memref<2x128xi32, #tpu.memory_space<vmem>> -> memref<1x128xi32, #tpu.memory_space<vmem>>
      %dma_wait3A_409 = tpu.memref_squeeze %dma_wait3A_408 : memref<1x128xi32, #tpu.memory_space<vmem>> -> memref<128xi32, #tpu.memory_space<vmem>>
      %dma_wait3A_410 = arith.constant 0 : i32
      %dma_wait3A_411 = arith.constant 0 : i32
      %dma_wait3A_412 = tpu.memref_slice %arg2[%arg0, %dma_wait3A_410, %dma_wait3A_411] : memref<2x10240x128xf32, #tpu.memory_space<hbm>> -> memref<1x10240x128xf32, #tpu.memory_space<hbm>>
      %dma_wait3A_413 = tpu.memref_squeeze %dma_wait3A_412 : memref<1x10240x128xf32, #tpu.memory_space<hbm>> -> memref<10240x128xf32, #tpu.memory_space<hbm>>
      %dma_wait3A_414 = arith.constant 0 : i32
      %dma_wait3A_415 = arith.constant 0 : i32
      %dma_wait3A_416 = tpu.memref_slice %dma_wait3A_413[%dma_wait3A_414, %dma_wait3A_415] : memref<10240x128xf32, #tpu.memory_space<hbm>> -> memref<10240x128xf32, #tpu.memory_space<hbm>>
      tpu.wait_indirect_dma semaphore(%arg18 : memref<!tpu.dma_semaphore, #tpu.memory_space<semaphore_mem>>) src(%dma_wait3A_416 : memref<10240x128xf32, #tpu.memory_space<hbm>>) dst(%arg11 : memref<128x128xf32, #tpu.memory_space<vmem>>)
      %dma_start3A_417 = arith.constant 1 : i32
      %dma_start3A_418 = arith.constant 0 : i32
      %dma_start3A_419 = tpu.memref_slice %arg5[%dma_start3A_417, %dma_start3A_418] : memref<2x128xi32, #tpu.memory_space<vmem>> -> memref<1x128xi32, #tpu.memory_space<vmem>>
      %dma_start3A_420 = tpu.memref_squeeze %dma_start3A_419 : memref<1x128xi32, #tpu.memory_space<vmem>> -> memref<128xi32, #tpu.memory_space<vmem>>
      %dma_start3A_421 = arith.constant 0 : i32
      %dma_start3A_422 = arith.constant 0 : i32
      %dma_start3A_423 = tpu.memref_slice %arg22[%dma_start3A_421, %dma_start3A_422] : memref<10112x128xf32, #tpu.memory_space<vmem_shared>> -> memref<10112x128xf32, #tpu.memory_space<vmem_shared>>
      tpu.enqueue_indirect_dma source(%arg11 : memref<128x128xf32, #tpu.memory_space<vmem>>) target(%dma_start3A_423 : memref<10112x128xf32, #tpu.memory_space<vmem_shared>>) offsets(%dma_start3A_420 : memref<128xi32, #tpu.memory_space<vmem>>) semaphore(%arg21 : memref<!tpu.dma_semaphore, #tpu.memory_space<semaphore_mem>>) {add = true}
      %mul3A_424 = arith.constant 12 : i32
      %mul3A_425 = arith.muli %add3A_102, %mul3A_424 : i32
      %add3A_426 = arith.constant 9 : i32
      %add3A_427 = arith.addi %mul3A_425, %add3A_426 : i32
      %add3A_428 = arith.constant 1 : i32
      %add3A_429 = arith.addi %add3A_427, %add3A_428 : i32
      %lt3A_430 = arith.constant 157 : i32
      %lt3A_431 = arith.cmpi slt, %add3A_429, %lt3A_430 : i32
      %convert_element_type3A_432 = arith.extui %lt3A_431 : i1 to i32
      %cond3A_433 = arith.constant 0 : i32
      %cond3A_434 = arith.cmpi ne, %convert_element_type3A_432, %cond3A_433 : i32
      scf.if %cond3A_434 {
        %ge3A = arith.constant 2 : i32
        %ge3A_532 = arith.cmpi sge, %add3A_427, %ge3A : i32
        %convert_element_type3A_533 = arith.extui %ge3A_532 : i1 to i32
        %cond3A_534 = arith.constant 0 : i32
        %cond3A_535 = arith.cmpi ne, %convert_element_type3A_533, %cond3A_534 : i32
        scf.if %cond3A_535 {
          %dma_wait3A_556 = arith.constant 1 : i32
          %dma_wait3A_557 = arith.constant 0 : i32
          %dma_wait3A_558 = tpu.memref_slice %arg5[%dma_wait3A_556, %dma_wait3A_557] : memref<2x128xi32, #tpu.memory_space<vmem>> -> memref<1x128xi32, #tpu.memory_space<vmem>>
          %dma_wait3A_559 = tpu.memref_squeeze %dma_wait3A_558 : memref<1x128xi32, #tpu.memory_space<vmem>> -> memref<128xi32, #tpu.memory_space<vmem>>
          %dma_wait3A_560 = arith.constant 0 : i32
          %dma_wait3A_561 = arith.constant 0 : i32
          %dma_wait3A_562 = tpu.memref_slice %arg22[%dma_wait3A_560, %dma_wait3A_561] : memref<10112x128xf32, #tpu.memory_space<vmem_shared>> -> memref<10112x128xf32, #tpu.memory_space<vmem_shared>>
          tpu.wait_indirect_dma semaphore(%arg20 : memref<!tpu.dma_semaphore, #tpu.memory_space<semaphore_mem>>) src(%arg10 : memref<128x128xf32, #tpu.memory_space<vmem>>) dst(%dma_wait3A_562 : memref<10112x128xf32, #tpu.memory_space<vmem_shared>>)
        } else {
        }
        %dma_wait3A_536 = arith.constant 0 : i32
        %dma_wait3A_537 = arith.constant 0 : i32
        %dma_wait3A_538 = arith.constant 0 : i32
        %dma_wait3A_539 = tpu.memref_slice %arg3[%arg0, %arg1, %dma_wait3A_536, %dma_wait3A_537, %dma_wait3A_538] : memref<2x16x157x2x128xi32, #tpu.memory_space<hbm>> -> memref<1x1x1x2x128xi32, #tpu.memory_space<hbm>>
        %dma_wait3A_540 = tpu.memref_squeeze %dma_wait3A_539 : memref<1x1x1x2x128xi32, #tpu.memory_space<hbm>> -> memref<2x128xi32, #tpu.memory_space<hbm>>
        %dma_wait3A_541 = arith.constant 0 : i32
        %dma_wait3A_542 = arith.constant 0 : i32
        %dma_wait3A_543 = tpu.memref_slice %arg3[%arg0, %arg1, %dma_wait3A_536, %dma_wait3A_541, %dma_wait3A_542] : memref<2x16x157x2x128xi32, #tpu.memory_space<hbm>> -> memref<1x1x1x2x128xi32, #tpu.memory_space<hbm>>
        %dma_wait3A_544 = tpu.memref_squeeze %dma_wait3A_543 : memref<1x1x1x2x128xi32, #tpu.memory_space<hbm>> -> memref<2x128xi32, #tpu.memory_space<hbm>>
        tpu.wait_dma2 semaphore(%arg14 : memref<!tpu.dma_semaphore, #tpu.memory_space<semaphore_mem>>) src(%dma_wait3A_544 : memref<2x128xi32, #tpu.memory_space<hbm>>) dst(%arg7 : memref<2x128xi32, #tpu.memory_space<vmem>>)
        %dma_start3A_545 = arith.constant 0 : i32
        %dma_start3A_546 = arith.constant 0 : i32
        %dma_start3A_547 = tpu.memref_slice %arg7[%dma_start3A_545, %dma_start3A_546] : memref<2x128xi32, #tpu.memory_space<vmem>> -> memref<1x128xi32, #tpu.memory_space<vmem>>
        %dma_start3A_548 = tpu.memref_squeeze %dma_start3A_547 : memref<1x128xi32, #tpu.memory_space<vmem>> -> memref<128xi32, #tpu.memory_space<vmem>>
        %dma_start3A_549 = arith.constant 0 : i32
        %dma_start3A_550 = arith.constant 0 : i32
        %dma_start3A_551 = tpu.memref_slice %arg2[%arg0, %dma_start3A_549, %dma_start3A_550] : memref<2x10240x128xf32, #tpu.memory_space<hbm>> -> memref<1x10240x128xf32, #tpu.memory_space<hbm>>
        %dma_start3A_552 = tpu.memref_squeeze %dma_start3A_551 : memref<1x10240x128xf32, #tpu.memory_space<hbm>> -> memref<10240x128xf32, #tpu.memory_space<hbm>>
        %dma_start3A_553 = arith.constant 0 : i32
        %dma_start3A_554 = arith.constant 0 : i32
        %dma_start3A_555 = tpu.memref_slice %dma_start3A_552[%dma_start3A_553, %dma_start3A_554] : memref<10240x128xf32, #tpu.memory_space<hbm>> -> memref<10240x128xf32, #tpu.memory_space<hbm>>
        tpu.enqueue_indirect_dma source(%dma_start3A_555 : memref<10240x128xf32, #tpu.memory_space<hbm>>) target(%arg10 : memref<128x128xf32, #tpu.memory_space<vmem>>) offsets(%dma_start3A_548 : memref<128xi32, #tpu.memory_space<vmem>>) semaphore(%arg17 : memref<!tpu.dma_semaphore, #tpu.memory_space<semaphore_mem>>)
      } else {
      }
      %add3A_435 = arith.constant 2 : i32
      %add3A_436 = arith.addi %add3A_427, %add3A_435 : i32
      %lt3A_437 = arith.constant 157 : i32
      %lt3A_438 = arith.cmpi slt, %add3A_436, %lt3A_437 : i32
      %convert_element_type3A_439 = arith.extui %lt3A_438 : i1 to i32
      %cond3A_440 = arith.constant 0 : i32
      %cond3A_441 = arith.cmpi ne, %convert_element_type3A_439, %cond3A_440 : i32
      scf.if %cond3A_441 {
        %add3A_532 = arith.constant 2 : i32
        %add3A_533 = arith.addi %add3A_427, %add3A_532 : i32
        %dma_start3A_534 = arith.constant 0 : i32
        %dma_start3A_535 = arith.constant 0 : i32
        %dma_start3A_536 = tpu.memref_slice %arg3[%arg0, %arg1, %add3A_533, %dma_start3A_534, %dma_start3A_535] : memref<2x16x157x2x128xi32, #tpu.memory_space<hbm>> -> memref<1x1x1x2x128xi32, #tpu.memory_space<hbm>>
        %dma_start3A_537 = tpu.memref_squeeze %dma_start3A_536 : memref<1x1x1x2x128xi32, #tpu.memory_space<hbm>> -> memref<2x128xi32, #tpu.memory_space<hbm>>
        %dma_start3A_538 = arith.constant 0 : i32
        %dma_start3A_539 = arith.constant 0 : i32
        %dma_start3A_540 = tpu.memref_slice %arg3[%arg0, %arg1, %add3A_533, %dma_start3A_538, %dma_start3A_539] : memref<2x16x157x2x128xi32, #tpu.memory_space<hbm>> -> memref<1x1x1x2x128xi32, #tpu.memory_space<hbm>>
        %dma_start3A_541 = tpu.memref_squeeze %dma_start3A_540 : memref<1x1x1x2x128xi32, #tpu.memory_space<hbm>> -> memref<2x128xi32, #tpu.memory_space<hbm>>
        tpu.enqueue_dma source(%dma_start3A_541 : memref<2x128xi32, #tpu.memory_space<hbm>>) target(%arg8 : memref<2x128xi32, #tpu.memory_space<vmem>>) target_semaphore(%arg15 : memref<!tpu.dma_semaphore, #tpu.memory_space<semaphore_mem>>)
      } else {
      }
      %dma_wait3A_442 = arith.constant 0 : i32
      %dma_wait3A_443 = arith.constant 0 : i32
      %dma_wait3A_444 = tpu.memref_slice %arg5[%dma_wait3A_442, %dma_wait3A_443] : memref<2x128xi32, #tpu.memory_space<vmem>> -> memref<1x128xi32, #tpu.memory_space<vmem>>
      %dma_wait3A_445 = tpu.memref_squeeze %dma_wait3A_444 : memref<1x128xi32, #tpu.memory_space<vmem>> -> memref<128xi32, #tpu.memory_space<vmem>>
      %dma_wait3A_446 = arith.constant 0 : i32
      %dma_wait3A_447 = arith.constant 0 : i32
      %dma_wait3A_448 = tpu.memref_slice %arg2[%arg0, %dma_wait3A_446, %dma_wait3A_447] : memref<2x10240x128xf32, #tpu.memory_space<hbm>> -> memref<1x10240x128xf32, #tpu.memory_space<hbm>>
      %dma_wait3A_449 = tpu.memref_squeeze %dma_wait3A_448 : memref<1x10240x128xf32, #tpu.memory_space<hbm>> -> memref<10240x128xf32, #tpu.memory_space<hbm>>
      %dma_wait3A_450 = arith.constant 0 : i32
      %dma_wait3A_451 = arith.constant 0 : i32
      %dma_wait3A_452 = tpu.memref_slice %dma_wait3A_449[%dma_wait3A_450, %dma_wait3A_451] : memref<10240x128xf32, #tpu.memory_space<hbm>> -> memref<10240x128xf32, #tpu.memory_space<hbm>>
      tpu.wait_indirect_dma semaphore(%arg16 : memref<!tpu.dma_semaphore, #tpu.memory_space<semaphore_mem>>) src(%dma_wait3A_452 : memref<10240x128xf32, #tpu.memory_space<hbm>>) dst(%arg9 : memref<128x128xf32, #tpu.memory_space<vmem>>)
      %dma_start3A_453 = arith.constant 1 : i32
      %dma_start3A_454 = arith.constant 0 : i32
      %dma_start3A_455 = tpu.memref_slice %arg6[%dma_start3A_453, %dma_start3A_454] : memref<2x128xi32, #tpu.memory_space<vmem>> -> memref<1x128xi32, #tpu.memory_space<vmem>>
      %dma_start3A_456 = tpu.memref_squeeze %dma_start3A_455 : memref<1x128xi32, #tpu.memory_space<vmem>> -> memref<128xi32, #tpu.memory_space<vmem>>
      %dma_start3A_457 = arith.constant 0 : i32
      %dma_start3A_458 = arith.constant 0 : i32
      %dma_start3A_459 = tpu.memref_slice %arg22[%dma_start3A_457, %dma_start3A_458] : memref<10112x128xf32, #tpu.memory_space<vmem_shared>> -> memref<10112x128xf32, #tpu.memory_space<vmem_shared>>
      tpu.enqueue_indirect_dma source(%arg9 : memref<128x128xf32, #tpu.memory_space<vmem>>) target(%dma_start3A_459 : memref<10112x128xf32, #tpu.memory_space<vmem_shared>>) offsets(%dma_start3A_456 : memref<128xi32, #tpu.memory_space<vmem>>) semaphore(%arg19 : memref<!tpu.dma_semaphore, #tpu.memory_space<semaphore_mem>>) {add = true}
      %mul3A_460 = arith.constant 12 : i32
      %mul3A_461 = arith.muli %add3A_102, %mul3A_460 : i32
      %add3A_462 = arith.constant 10 : i32
      %add3A_463 = arith.addi %mul3A_461, %add3A_462 : i32
      %add3A_464 = arith.constant 1 : i32
      %add3A_465 = arith.addi %add3A_463, %add3A_464 : i32
      %lt3A_466 = arith.constant 157 : i32
      %lt3A_467 = arith.cmpi slt, %add3A_465, %lt3A_466 : i32
      %convert_element_type3A_468 = arith.extui %lt3A_467 : i1 to i32
      %cond3A_469 = arith.constant 0 : i32
      %cond3A_470 = arith.cmpi ne, %convert_element_type3A_468, %cond3A_469 : i32
      scf.if %cond3A_470 {
        %ge3A = arith.constant 2 : i32
        %ge3A_532 = arith.cmpi sge, %add3A_463, %ge3A : i32
        %convert_element_type3A_533 = arith.extui %ge3A_532 : i1 to i32
        %cond3A_534 = arith.constant 0 : i32
        %cond3A_535 = arith.cmpi ne, %convert_element_type3A_533, %cond3A_534 : i32
        scf.if %cond3A_535 {
          %dma_wait3A_556 = arith.constant 1 : i32
          %dma_wait3A_557 = arith.constant 0 : i32
          %dma_wait3A_558 = tpu.memref_slice %arg5[%dma_wait3A_556, %dma_wait3A_557] : memref<2x128xi32, #tpu.memory_space<vmem>> -> memref<1x128xi32, #tpu.memory_space<vmem>>
          %dma_wait3A_559 = tpu.memref_squeeze %dma_wait3A_558 : memref<1x128xi32, #tpu.memory_space<vmem>> -> memref<128xi32, #tpu.memory_space<vmem>>
          %dma_wait3A_560 = arith.constant 0 : i32
          %dma_wait3A_561 = arith.constant 0 : i32
          %dma_wait3A_562 = tpu.memref_slice %arg22[%dma_wait3A_560, %dma_wait3A_561] : memref<10112x128xf32, #tpu.memory_space<vmem_shared>> -> memref<10112x128xf32, #tpu.memory_space<vmem_shared>>
          tpu.wait_indirect_dma semaphore(%arg21 : memref<!tpu.dma_semaphore, #tpu.memory_space<semaphore_mem>>) src(%arg11 : memref<128x128xf32, #tpu.memory_space<vmem>>) dst(%dma_wait3A_562 : memref<10112x128xf32, #tpu.memory_space<vmem_shared>>)
        } else {
        }
        %dma_wait3A_536 = arith.constant 0 : i32
        %dma_wait3A_537 = arith.constant 0 : i32
        %dma_wait3A_538 = arith.constant 0 : i32
        %dma_wait3A_539 = tpu.memref_slice %arg3[%arg0, %arg1, %dma_wait3A_536, %dma_wait3A_537, %dma_wait3A_538] : memref<2x16x157x2x128xi32, #tpu.memory_space<hbm>> -> memref<1x1x1x2x128xi32, #tpu.memory_space<hbm>>
        %dma_wait3A_540 = tpu.memref_squeeze %dma_wait3A_539 : memref<1x1x1x2x128xi32, #tpu.memory_space<hbm>> -> memref<2x128xi32, #tpu.memory_space<hbm>>
        %dma_wait3A_541 = arith.constant 0 : i32
        %dma_wait3A_542 = arith.constant 0 : i32
        %dma_wait3A_543 = tpu.memref_slice %arg3[%arg0, %arg1, %dma_wait3A_536, %dma_wait3A_541, %dma_wait3A_542] : memref<2x16x157x2x128xi32, #tpu.memory_space<hbm>> -> memref<1x1x1x2x128xi32, #tpu.memory_space<hbm>>
        %dma_wait3A_544 = tpu.memref_squeeze %dma_wait3A_543 : memref<1x1x1x2x128xi32, #tpu.memory_space<hbm>> -> memref<2x128xi32, #tpu.memory_space<hbm>>
        tpu.wait_dma2 semaphore(%arg15 : memref<!tpu.dma_semaphore, #tpu.memory_space<semaphore_mem>>) src(%dma_wait3A_544 : memref<2x128xi32, #tpu.memory_space<hbm>>) dst(%arg8 : memref<2x128xi32, #tpu.memory_space<vmem>>)
        %dma_start3A_545 = arith.constant 0 : i32
        %dma_start3A_546 = arith.constant 0 : i32
        %dma_start3A_547 = tpu.memref_slice %arg8[%dma_start3A_545, %dma_start3A_546] : memref<2x128xi32, #tpu.memory_space<vmem>> -> memref<1x128xi32, #tpu.memory_space<vmem>>
        %dma_start3A_548 = tpu.memref_squeeze %dma_start3A_547 : memref<1x128xi32, #tpu.memory_space<vmem>> -> memref<128xi32, #tpu.memory_space<vmem>>
        %dma_start3A_549 = arith.constant 0 : i32
        %dma_start3A_550 = arith.constant 0 : i32
        %dma_start3A_551 = tpu.memref_slice %arg2[%arg0, %dma_start3A_549, %dma_start3A_550] : memref<2x10240x128xf32, #tpu.memory_space<hbm>> -> memref<1x10240x128xf32, #tpu.memory_space<hbm>>
        %dma_start3A_552 = tpu.memref_squeeze %dma_start3A_551 : memref<1x10240x128xf32, #tpu.memory_space<hbm>> -> memref<10240x128xf32, #tpu.memory_space<hbm>>
        %dma_start3A_553 = arith.constant 0 : i32
        %dma_start3A_554 = arith.constant 0 : i32
        %dma_start3A_555 = tpu.memref_slice %dma_start3A_552[%dma_start3A_553, %dma_start3A_554] : memref<10240x128xf32, #tpu.memory_space<hbm>> -> memref<10240x128xf32, #tpu.memory_space<hbm>>
        tpu.enqueue_indirect_dma source(%dma_start3A_555 : memref<10240x128xf32, #tpu.memory_space<hbm>>) target(%arg11 : memref<128x128xf32, #tpu.memory_space<vmem>>) offsets(%dma_start3A_548 : memref<128xi32, #tpu.memory_space<vmem>>) semaphore(%arg18 : memref<!tpu.dma_semaphore, #tpu.memory_space<semaphore_mem>>)
      } else {
      }
      %add3A_471 = arith.constant 2 : i32
      %add3A_472 = arith.addi %add3A_463, %add3A_471 : i32
      %lt3A_473 = arith.constant 157 : i32
      %lt3A_474 = arith.cmpi slt, %add3A_472, %lt3A_473 : i32
      %convert_element_type3A_475 = arith.extui %lt3A_474 : i1 to i32
      %cond3A_476 = arith.constant 0 : i32
      %cond3A_477 = arith.cmpi ne, %convert_element_type3A_475, %cond3A_476 : i32
      scf.if %cond3A_477 {
        %add3A_532 = arith.constant 2 : i32
        %add3A_533 = arith.addi %add3A_463, %add3A_532 : i32
        %dma_start3A_534 = arith.constant 0 : i32
        %dma_start3A_535 = arith.constant 0 : i32
        %dma_start3A_536 = tpu.memref_slice %arg3[%arg0, %arg1, %add3A_533, %dma_start3A_534, %dma_start3A_535] : memref<2x16x157x2x128xi32, #tpu.memory_space<hbm>> -> memref<1x1x1x2x128xi32, #tpu.memory_space<hbm>>
        %dma_start3A_537 = tpu.memref_squeeze %dma_start3A_536 : memref<1x1x1x2x128xi32, #tpu.memory_space<hbm>> -> memref<2x128xi32, #tpu.memory_space<hbm>>
        %dma_start3A_538 = arith.constant 0 : i32
        %dma_start3A_539 = arith.constant 0 : i32
        %dma_start3A_540 = tpu.memref_slice %arg3[%arg0, %arg1, %add3A_533, %dma_start3A_538, %dma_start3A_539] : memref<2x16x157x2x128xi32, #tpu.memory_space<hbm>> -> memref<1x1x1x2x128xi32, #tpu.memory_space<hbm>>
        %dma_start3A_541 = tpu.memref_squeeze %dma_start3A_540 : memref<1x1x1x2x128xi32, #tpu.memory_space<hbm>> -> memref<2x128xi32, #tpu.memory_space<hbm>>
        tpu.enqueue_dma source(%dma_start3A_541 : memref<2x128xi32, #tpu.memory_space<hbm>>) target(%arg5 : memref<2x128xi32, #tpu.memory_space<vmem>>) target_semaphore(%arg12 : memref<!tpu.dma_semaphore, #tpu.memory_space<semaphore_mem>>)
      } else {
      }
      %dma_wait3A_478 = arith.constant 0 : i32
      %dma_wait3A_479 = arith.constant 0 : i32
      %dma_wait3A_480 = tpu.memref_slice %arg5[%dma_wait3A_478, %dma_wait3A_479] : memref<2x128xi32, #tpu.memory_space<vmem>> -> memref<1x128xi32, #tpu.memory_space<vmem>>
      %dma_wait3A_481 = tpu.memref_squeeze %dma_wait3A_480 : memref<1x128xi32, #tpu.memory_space<vmem>> -> memref<128xi32, #tpu.memory_space<vmem>>
      %dma_wait3A_482 = arith.constant 0 : i32
      %dma_wait3A_483 = arith.constant 0 : i32
      %dma_wait3A_484 = tpu.memref_slice %arg2[%arg0, %dma_wait3A_482, %dma_wait3A_483] : memref<2x10240x128xf32, #tpu.memory_space<hbm>> -> memref<1x10240x128xf32, #tpu.memory_space<hbm>>
      %dma_wait3A_485 = tpu.memref_squeeze %dma_wait3A_484 : memref<1x10240x128xf32, #tpu.memory_space<hbm>> -> memref<10240x128xf32, #tpu.memory_space<hbm>>
      %dma_wait3A_486 = arith.constant 0 : i32
      %dma_wait3A_487 = arith.constant 0 : i32
      %dma_wait3A_488 = tpu.memref_slice %dma_wait3A_485[%dma_wait3A_486, %dma_wait3A_487] : memref<10240x128xf32, #tpu.memory_space<hbm>> -> memref<10240x128xf32, #tpu.memory_space<hbm>>
      tpu.wait_indirect_dma semaphore(%arg17 : memref<!tpu.dma_semaphore, #tpu.memory_space<semaphore_mem>>) src(%dma_wait3A_488 : memref<10240x128xf32, #tpu.memory_space<hbm>>) dst(%arg10 : memref<128x128xf32, #tpu.memory_space<vmem>>)
      %dma_start3A_489 = arith.constant 1 : i32
      %dma_start3A_490 = arith.constant 0 : i32
      %dma_start3A_491 = tpu.memref_slice %arg7[%dma_start3A_489, %dma_start3A_490] : memref<2x128xi32, #tpu.memory_space<vmem>> -> memref<1x128xi32, #tpu.memory_space<vmem>>
      %dma_start3A_492 = tpu.memref_squeeze %dma_start3A_491 : memref<1x128xi32, #tpu.memory_space<vmem>> -> memref<128xi32, #tpu.memory_space<vmem>>
      %dma_start3A_493 = arith.constant 0 : i32
      %dma_start3A_494 = arith.constant 0 : i32
      %dma_start3A_495 = tpu.memref_slice %arg22[%dma_start3A_493, %dma_start3A_494] : memref<10112x128xf32, #tpu.memory_space<vmem_shared>> -> memref<10112x128xf32, #tpu.memory_space<vmem_shared>>
      tpu.enqueue_indirect_dma source(%arg10 : memref<128x128xf32, #tpu.memory_space<vmem>>) target(%dma_start3A_495 : memref<10112x128xf32, #tpu.memory_space<vmem_shared>>) offsets(%dma_start3A_492 : memref<128xi32, #tpu.memory_space<vmem>>) semaphore(%arg20 : memref<!tpu.dma_semaphore, #tpu.memory_space<semaphore_mem>>) {add = true}
      %mul3A_496 = arith.constant 12 : i32
      %mul3A_497 = arith.muli %add3A_102, %mul3A_496 : i32
      %add3A_498 = arith.constant 11 : i32
      %add3A_499 = arith.addi %mul3A_497, %add3A_498 : i32
      %add3A_500 = arith.constant 1 : i32
      %add3A_501 = arith.addi %add3A_499, %add3A_500 : i32
      %lt3A_502 = arith.constant 157 : i32
      %lt3A_503 = arith.cmpi slt, %add3A_501, %lt3A_502 : i32
      %convert_element_type3A_504 = arith.extui %lt3A_503 : i1 to i32
      %cond3A_505 = arith.constant 0 : i32
      %cond3A_506 = arith.cmpi ne, %convert_element_type3A_504, %cond3A_505 : i32
      scf.if %cond3A_506 {
        %ge3A = arith.constant 2 : i32
        %ge3A_532 = arith.cmpi sge, %add3A_499, %ge3A : i32
        %convert_element_type3A_533 = arith.extui %ge3A_532 : i1 to i32
        %cond3A_534 = arith.constant 0 : i32
        %cond3A_535 = arith.cmpi ne, %convert_element_type3A_533, %cond3A_534 : i32
        scf.if %cond3A_535 {
          %dma_wait3A_556 = arith.constant 1 : i32
          %dma_wait3A_557 = arith.constant 0 : i32
          %dma_wait3A_558 = tpu.memref_slice %arg5[%dma_wait3A_556, %dma_wait3A_557] : memref<2x128xi32, #tpu.memory_space<vmem>> -> memref<1x128xi32, #tpu.memory_space<vmem>>
          %dma_wait3A_559 = tpu.memref_squeeze %dma_wait3A_558 : memref<1x128xi32, #tpu.memory_space<vmem>> -> memref<128xi32, #tpu.memory_space<vmem>>
          %dma_wait3A_560 = arith.constant 0 : i32
          %dma_wait3A_561 = arith.constant 0 : i32
          %dma_wait3A_562 = tpu.memref_slice %arg22[%dma_wait3A_560, %dma_wait3A_561] : memref<10112x128xf32, #tpu.memory_space<vmem_shared>> -> memref<10112x128xf32, #tpu.memory_space<vmem_shared>>
          tpu.wait_indirect_dma semaphore(%arg19 : memref<!tpu.dma_semaphore, #tpu.memory_space<semaphore_mem>>) src(%arg9 : memref<128x128xf32, #tpu.memory_space<vmem>>) dst(%dma_wait3A_562 : memref<10112x128xf32, #tpu.memory_space<vmem_shared>>)
        } else {
        }
        %dma_wait3A_536 = arith.constant 0 : i32
        %dma_wait3A_537 = arith.constant 0 : i32
        %dma_wait3A_538 = arith.constant 0 : i32
        %dma_wait3A_539 = tpu.memref_slice %arg3[%arg0, %arg1, %dma_wait3A_536, %dma_wait3A_537, %dma_wait3A_538] : memref<2x16x157x2x128xi32, #tpu.memory_space<hbm>> -> memref<1x1x1x2x128xi32, #tpu.memory_space<hbm>>
        %dma_wait3A_540 = tpu.memref_squeeze %dma_wait3A_539 : memref<1x1x1x2x128xi32, #tpu.memory_space<hbm>> -> memref<2x128xi32, #tpu.memory_space<hbm>>
        %dma_wait3A_541 = arith.constant 0 : i32
        %dma_wait3A_542 = arith.constant 0 : i32
        %dma_wait3A_543 = tpu.memref_slice %arg3[%arg0, %arg1, %dma_wait3A_536, %dma_wait3A_541, %dma_wait3A_542] : memref<2x16x157x2x128xi32, #tpu.memory_space<hbm>> -> memref<1x1x1x2x128xi32, #tpu.memory_space<hbm>>
        %dma_wait3A_544 = tpu.memref_squeeze %dma_wait3A_543 : memref<1x1x1x2x128xi32, #tpu.memory_space<hbm>> -> memref<2x128xi32, #tpu.memory_space<hbm>>
        tpu.wait_dma2 semaphore(%arg12 : memref<!tpu.dma_semaphore, #tpu.memory_space<semaphore_mem>>) src(%dma_wait3A_544 : memref<2x128xi32, #tpu.memory_space<hbm>>) dst(%arg5 : memref<2x128xi32, #tpu.memory_space<vmem>>)
        %dma_start3A_545 = arith.constant 0 : i32
        %dma_start3A_546 = arith.constant 0 : i32
        %dma_start3A_547 = tpu.memref_slice %arg5[%dma_start3A_545, %dma_start3A_546] : memref<2x128xi32, #tpu.memory_space<vmem>> -> memref<1x128xi32, #tpu.memory_space<vmem>>
        %dma_start3A_548 = tpu.memref_squeeze %dma_start3A_547 : memref<1x128xi32, #tpu.memory_space<vmem>> -> memref<128xi32, #tpu.memory_space<vmem>>
        %dma_start3A_549 = arith.constant 0 : i32
        %dma_start3A_550 = arith.constant 0 : i32
        %dma_start3A_551 = tpu.memref_slice %arg2[%arg0, %dma_start3A_549, %dma_start3A_550] : memref<2x10240x128xf32, #tpu.memory_space<hbm>> -> memref<1x10240x128xf32, #tpu.memory_space<hbm>>
        %dma_start3A_552 = tpu.memref_squeeze %dma_start3A_551 : memref<1x10240x128xf32, #tpu.memory_space<hbm>> -> memref<10240x128xf32, #tpu.memory_space<hbm>>
        %dma_start3A_553 = arith.constant 0 : i32
        %dma_start3A_554 = arith.constant 0 : i32
        %dma_start3A_555 = tpu.memref_slice %dma_start3A_552[%dma_start3A_553, %dma_start3A_554] : memref<10240x128xf32, #tpu.memory_space<hbm>> -> memref<10240x128xf32, #tpu.memory_space<hbm>>
        tpu.enqueue_indirect_dma source(%dma_start3A_555 : memref<10240x128xf32, #tpu.memory_space<hbm>>) target(%arg9 : memref<128x128xf32, #tpu.memory_space<vmem>>) offsets(%dma_start3A_548 : memref<128xi32, #tpu.memory_space<vmem>>) semaphore(%arg16 : memref<!tpu.dma_semaphore, #tpu.memory_space<semaphore_mem>>)
      } else {
      }
      %add3A_507 = arith.constant 2 : i32
      %add3A_508 = arith.addi %add3A_499, %add3A_507 : i32
      %lt3A_509 = arith.constant 157 : i32
      %lt3A_510 = arith.cmpi slt, %add3A_508, %lt3A_509 : i32
      %convert_element_type3A_511 = arith.extui %lt3A_510 : i1 to i32
      %cond3A_512 = arith.constant 0 : i32
      %cond3A_513 = arith.cmpi ne, %convert_element_type3A_511, %cond3A_512 : i32
      scf.if %cond3A_513 {
        %add3A_532 = arith.constant 2 : i32
        %add3A_533 = arith.addi %add3A_499, %add3A_532 : i32
        %dma_start3A_534 = arith.constant 0 : i32
        %dma_start3A_535 = arith.constant 0 : i32
        %dma_start3A_536 = tpu.memref_slice %arg3[%arg0, %arg1, %add3A_533, %dma_start3A_534, %dma_start3A_535] : memref<2x16x157x2x128xi32, #tpu.memory_space<hbm>> -> memref<1x1x1x2x128xi32, #tpu.memory_space<hbm>>
        %dma_start3A_537 = tpu.memref_squeeze %dma_start3A_536 : memref<1x1x1x2x128xi32, #tpu.memory_space<hbm>> -> memref<2x128xi32, #tpu.memory_space<hbm>>
        %dma_start3A_538 = arith.constant 0 : i32
        %dma_start3A_539 = arith.constant 0 : i32
        %dma_start3A_540 = tpu.memref_slice %arg3[%arg0, %arg1, %add3A_533, %dma_start3A_538, %dma_start3A_539] : memref<2x16x157x2x128xi32, #tpu.memory_space<hbm>> -> memref<1x1x1x2x128xi32, #tpu.memory_space<hbm>>
        %dma_start3A_541 = tpu.memref_squeeze %dma_start3A_540 : memref<1x1x1x2x128xi32, #tpu.memory_space<hbm>> -> memref<2x128xi32, #tpu.memory_space<hbm>>
        tpu.enqueue_dma source(%dma_start3A_541 : memref<2x128xi32, #tpu.memory_space<hbm>>) target(%arg6 : memref<2x128xi32, #tpu.memory_space<vmem>>) target_semaphore(%arg13 : memref<!tpu.dma_semaphore, #tpu.memory_space<semaphore_mem>>)
      } else {
      }
      %dma_wait3A_514 = arith.constant 0 : i32
      %dma_wait3A_515 = arith.constant 0 : i32
      %dma_wait3A_516 = tpu.memref_slice %arg5[%dma_wait3A_514, %dma_wait3A_515] : memref<2x128xi32, #tpu.memory_space<vmem>> -> memref<1x128xi32, #tpu.memory_space<vmem>>
      %dma_wait3A_517 = tpu.memref_squeeze %dma_wait3A_516 : memref<1x128xi32, #tpu.memory_space<vmem>> -> memref<128xi32, #tpu.memory_space<vmem>>
      %dma_wait3A_518 = arith.constant 0 : i32
      %dma_wait3A_519 = arith.constant 0 : i32
      %dma_wait3A_520 = tpu.memref_slice %arg2[%arg0, %dma_wait3A_518, %dma_wait3A_519] : memref<2x10240x128xf32, #tpu.memory_space<hbm>> -> memref<1x10240x128xf32, #tpu.memory_space<hbm>>
      %dma_wait3A_521 = tpu.memref_squeeze %dma_wait3A_520 : memref<1x10240x128xf32, #tpu.memory_space<hbm>> -> memref<10240x128xf32, #tpu.memory_space<hbm>>
      %dma_wait3A_522 = arith.constant 0 : i32
      %dma_wait3A_523 = arith.constant 0 : i32
      %dma_wait3A_524 = tpu.memref_slice %dma_wait3A_521[%dma_wait3A_522, %dma_wait3A_523] : memref<10240x128xf32, #tpu.memory_space<hbm>> -> memref<10240x128xf32, #tpu.memory_space<hbm>>
      tpu.wait_indirect_dma semaphore(%arg18 : memref<!tpu.dma_semaphore, #tpu.memory_space<semaphore_mem>>) src(%dma_wait3A_524 : memref<10240x128xf32, #tpu.memory_space<hbm>>) dst(%arg11 : memref<128x128xf32, #tpu.memory_space<vmem>>)
      %dma_start3A_525 = arith.constant 1 : i32
      %dma_start3A_526 = arith.constant 0 : i32
      %dma_start3A_527 = tpu.memref_slice %arg8[%dma_start3A_525, %dma_start3A_526] : memref<2x128xi32, #tpu.memory_space<vmem>> -> memref<1x128xi32, #tpu.memory_space<vmem>>
      %dma_start3A_528 = tpu.memref_squeeze %dma_start3A_527 : memref<1x128xi32, #tpu.memory_space<vmem>> -> memref<128xi32, #tpu.memory_space<vmem>>
      %dma_start3A_529 = arith.constant 0 : i32
      %dma_start3A_530 = arith.constant 0 : i32
      %dma_start3A_531 = tpu.memref_slice %arg22[%dma_start3A_529, %dma_start3A_530] : memref<10112x128xf32, #tpu.memory_space<vmem_shared>> -> memref<10112x128xf32, #tpu.memory_space<vmem_shared>>
      tpu.enqueue_indirect_dma source(%arg11 : memref<128x128xf32, #tpu.memory_space<vmem>>) target(%dma_start3A_531 : memref<10112x128xf32, #tpu.memory_space<vmem_shared>>) offsets(%dma_start3A_528 : memref<128xi32, #tpu.memory_space<vmem>>) semaphore(%arg21 : memref<!tpu.dma_semaphore, #tpu.memory_space<semaphore_mem>>) {add = true}
    }
    %scan3A_55 = arith.constant 13 : i32
    %dma_wait3A_56 = arith.constant 0 : i32
    %dma_wait3A_57 = arith.constant 0 : i32
    %dma_wait3A_58 = tpu.memref_slice %arg5[%dma_wait3A_56, %dma_wait3A_57] : memref<2x128xi32, #tpu.memory_space<vmem>> -> memref<1x128xi32, #tpu.memory_space<vmem>>
    %dma_wait3A_59 = tpu.memref_squeeze %dma_wait3A_58 : memref<1x128xi32, #tpu.memory_space<vmem>> -> memref<128xi32, #tpu.memory_space<vmem>>
    %dma_wait3A_60 = arith.constant 0 : i32
    %dma_wait3A_61 = arith.constant 0 : i32
    %dma_wait3A_62 = tpu.memref_slice %arg2[%arg0, %dma_wait3A_60, %dma_wait3A_61] : memref<2x10240x128xf32, #tpu.memory_space<hbm>> -> memref<1x10240x128xf32, #tpu.memory_space<hbm>>
    %dma_wait3A_63 = tpu.memref_squeeze %dma_wait3A_62 : memref<1x10240x128xf32, #tpu.memory_space<hbm>> -> memref<10240x128xf32, #tpu.memory_space<hbm>>
    %dma_wait3A_64 = arith.constant 0 : i32
    %dma_wait3A_65 = arith.constant 0 : i32
    %dma_wait3A_66 = tpu.memref_slice %dma_wait3A_63[%dma_wait3A_64, %dma_wait3A_65] : memref<10240x128xf32, #tpu.memory_space<hbm>> -> memref<10240x128xf32, #tpu.memory_space<hbm>>
    tpu.wait_indirect_dma semaphore(%arg16 : memref<!tpu.dma_semaphore, #tpu.memory_space<semaphore_mem>>) src(%dma_wait3A_66 : memref<10240x128xf32, #tpu.memory_space<hbm>>) dst(%arg9 : memref<128x128xf32, #tpu.memory_space<vmem>>)
    %dma_start3A_67 = arith.constant 1 : i32
    %dma_start3A_68 = arith.constant 0 : i32
    %dma_start3A_69 = tpu.memref_slice %arg5[%dma_start3A_67, %dma_start3A_68] : memref<2x128xi32, #tpu.memory_space<vmem>> -> memref<1x128xi32, #tpu.memory_space<vmem>>
    %dma_start3A_70 = tpu.memref_squeeze %dma_start3A_69 : memref<1x128xi32, #tpu.memory_space<vmem>> -> memref<128xi32, #tpu.memory_space<vmem>>
    %dma_start3A_71 = arith.constant 0 : i32
    %dma_start3A_72 = arith.constant 0 : i32
    %dma_start3A_73 = tpu.memref_slice %arg22[%dma_start3A_71, %dma_start3A_72] : memref<10112x128xf32, #tpu.memory_space<vmem_shared>> -> memref<10112x128xf32, #tpu.memory_space<vmem_shared>>
    tpu.enqueue_indirect_dma source(%arg9 : memref<128x128xf32, #tpu.memory_space<vmem>>) target(%dma_start3A_73 : memref<10112x128xf32, #tpu.memory_space<vmem_shared>>) offsets(%dma_start3A_70 : memref<128xi32, #tpu.memory_space<vmem>>) semaphore(%arg19 : memref<!tpu.dma_semaphore, #tpu.memory_space<semaphore_mem>>) {add = true}
    %dma_wait3A_74 = arith.constant 1 : i32
    %dma_wait3A_75 = arith.constant 0 : i32
    %dma_wait3A_76 = tpu.memref_slice %arg5[%dma_wait3A_74, %dma_wait3A_75] : memref<2x128xi32, #tpu.memory_space<vmem>> -> memref<1x128xi32, #tpu.memory_space<vmem>>
    %dma_wait3A_77 = tpu.memref_squeeze %dma_wait3A_76 : memref<1x128xi32, #tpu.memory_space<vmem>> -> memref<128xi32, #tpu.memory_space<vmem>>
    %dma_wait3A_78 = arith.constant 0 : i32
    %dma_wait3A_79 = arith.constant 0 : i32
    %dma_wait3A_80 = tpu.memref_slice %arg22[%dma_wait3A_78, %dma_wait3A_79] : memref<10112x128xf32, #tpu.memory_space<vmem_shared>> -> memref<10112x128xf32, #tpu.memory_space<vmem_shared>>
    tpu.wait_indirect_dma semaphore(%arg19 : memref<!tpu.dma_semaphore, #tpu.memory_space<semaphore_mem>>) src(%arg9 : memref<128x128xf32, #tpu.memory_space<vmem>>) dst(%dma_wait3A_80 : memref<10112x128xf32, #tpu.memory_space<vmem_shared>>)
    %dma_wait3A_81 = arith.constant 1 : i32
    %dma_wait3A_82 = arith.constant 0 : i32
    %dma_wait3A_83 = tpu.memref_slice %arg5[%dma_wait3A_81, %dma_wait3A_82] : memref<2x128xi32, #tpu.memory_space<vmem>> -> memref<1x128xi32, #tpu.memory_space<vmem>>
    %dma_wait3A_84 = tpu.memref_squeeze %dma_wait3A_83 : memref<1x128xi32, #tpu.memory_space<vmem>> -> memref<128xi32, #tpu.memory_space<vmem>>
    %dma_wait3A_85 = arith.constant 0 : i32
    %dma_wait3A_86 = arith.constant 0 : i32
    %dma_wait3A_87 = tpu.memref_slice %arg22[%dma_wait3A_85, %dma_wait3A_86] : memref<10112x128xf32, #tpu.memory_space<vmem_shared>> -> memref<10112x128xf32, #tpu.memory_space<vmem_shared>>
    tpu.wait_indirect_dma semaphore(%arg20 : memref<!tpu.dma_semaphore, #tpu.memory_space<semaphore_mem>>) src(%arg10 : memref<128x128xf32, #tpu.memory_space<vmem>>) dst(%dma_wait3A_87 : memref<10112x128xf32, #tpu.memory_space<vmem_shared>>)
    %dma_wait3A_88 = arith.constant 1 : i32
    %dma_wait3A_89 = arith.constant 0 : i32
    %dma_wait3A_90 = tpu.memref_slice %arg5[%dma_wait3A_88, %dma_wait3A_89] : memref<2x128xi32, #tpu.memory_space<vmem>> -> memref<1x128xi32, #tpu.memory_space<vmem>>
    %dma_wait3A_91 = tpu.memref_squeeze %dma_wait3A_90 : memref<1x128xi32, #tpu.memory_space<vmem>> -> memref<128xi32, #tpu.memory_space<vmem>>
    %dma_wait3A_92 = arith.constant 0 : i32
    %dma_wait3A_93 = arith.constant 0 : i32
    %dma_wait3A_94 = tpu.memref_slice %arg22[%dma_wait3A_92, %dma_wait3A_93] : memref<10112x128xf32, #tpu.memory_space<vmem_shared>> -> memref<10112x128xf32, #tpu.memory_space<vmem_shared>>
    tpu.wait_indirect_dma semaphore(%arg21 : memref<!tpu.dma_semaphore, #tpu.memory_space<semaphore_mem>>) src(%arg11 : memref<128x128xf32, #tpu.memory_space<vmem>>) dst(%dma_wait3A_94 : memref<10112x128xf32, #tpu.memory_space<vmem_shared>>)
    %barrier3A_95 = arith.constant 0 : index
    tpu.barrier barrier_id(%barrier3A_95)
    %mul3A_96 = arith.constant 632 : i32
    %mul3A_97 = arith.muli %arg1, %mul3A_96 : i32
    "tpu.region"() ({
      %run_scoped3A = tpu.sem_alloc : memref<!tpu.dma_semaphore, #tpu.memory_space<semaphore_mem>>
      %dma_start3A_98 = arith.constant 0 : i32
      %dma_start3A_99 = tpu.memref_slice %arg4[%arg0, %mul3A_97, %dma_start3A_98] : memref<2x10240x128xf32, #tpu.memory_space<hbm>> -> memref<1x632x128xf32, #tpu.memory_space<hbm>>
      %dma_start3A_100 = tpu.memref_squeeze %dma_start3A_99 : memref<1x632x128xf32, #tpu.memory_space<hbm>> -> memref<632x128xf32, #tpu.memory_space<hbm>>
      %dma_start3A_101 = arith.constant 0 : i32
      %dma_start3A_102 = tpu.memref_slice %arg22[%mul3A_97, %dma_start3A_101] : memref<10112x128xf32, #tpu.memory_space<vmem_shared>> -> memref<632x128xf32, #tpu.memory_space<vmem_shared>>
      tpu.enqueue_dma source(%dma_start3A_102 : memref<632x128xf32, #tpu.memory_space<vmem_shared>>) target(%dma_start3A_100 : memref<632x128xf32, #tpu.memory_space<hbm>>) target_semaphore(%run_scoped3A : memref<!tpu.dma_semaphore, #tpu.memory_space<semaphore_mem>>)
      %dma_wait3A_103 = arith.constant 0 : i32
      %dma_wait3A_104 = tpu.memref_slice %arg4[%arg0, %mul3A_97, %dma_wait3A_103] : memref<2x10240x128xf32, #tpu.memory_space<hbm>> -> memref<1x632x128xf32, #tpu.memory_space<hbm>>
      %dma_wait3A_105 = tpu.memref_squeeze %dma_wait3A_104 : memref<1x632x128xf32, #tpu.memory_space<hbm>> -> memref<632x128xf32, #tpu.memory_space<hbm>>
      %dma_wait3A_106 = arith.constant 0 : i32
      %dma_wait3A_107 = tpu.memref_slice %arg22[%mul3A_97, %dma_wait3A_106] : memref<10112x128xf32, #tpu.memory_space<vmem_shared>> -> memref<632x128xf32, #tpu.memory_space<vmem_shared>>
      tpu.wait_dma2 semaphore(%run_scoped3A : memref<!tpu.dma_semaphore, #tpu.memory_space<semaphore_mem>>) src(%dma_wait3A_107 : memref<632x128xf32, #tpu.memory_space<vmem_shared>>) dst(%dma_wait3A_105 : memref<632x128xf32, #tpu.memory_space<hbm>>)
      tpu.yield
    }) : () -> ()
    return
  }
}

#map = affine_map<(d0, d1) -> (0, 0, 0)>
#map1 = affine_map<(d0, d1) -> (0, 0, 0, 0, 0)>
module attributes {stable_mosaic.version = 14 : i64} {
  func.func @_conv_kernel(%arg0: i32, %arg1: i32, %arg2: memref<2x10240x128xf32, #tpu.memory_space<hbm>>, %arg3: memref<2x16x157x2x128xi32, #tpu.memory_space<hbm>>, %arg4: memref<2x10240x128xf32, #tpu.memory_space<hbm>>, %arg5: memref<2x128xi32, #tpu.memory_space<vmem>>, %arg6: memref<2x128xi32, #tpu.memory_space<vmem>>, %arg7: memref<2x128xi32, #tpu.memory_space<vmem>>, %arg8: memref<2x128xi32, #tpu.memory_space<vmem>>, %arg9: memref<128x128xf32, #tpu.memory_space<vmem>>, %arg10: memref<128x128xf32, #tpu.memory_space<vmem>>, %arg11: memref<128x128xf32, #tpu.memory_space<vmem>>, %arg12: memref<!tpu.dma_semaphore, #tpu.memory_space<semaphore_mem>>, %arg13: memref<!tpu.dma_semaphore, #tpu.memory_space<semaphore_mem>>, %arg14: memref<!tpu.dma_semaphore, #tpu.memory_space<semaphore_mem>>, %arg15: memref<!tpu.dma_semaphore, #tpu.memory_space<semaphore_mem>>, %arg16: memref<!tpu.dma_semaphore, #tpu.memory_space<semaphore_mem>>, %arg17: memref<!tpu.dma_semaphore, #tpu.memory_space<semaphore_mem>>, %arg18: memref<!tpu.dma_semaphore, #tpu.memory_space<semaphore_mem>>, %arg19: memref<!tpu.dma_semaphore, #tpu.memory_space<semaphore_mem>>, %arg20: memref<!tpu.dma_semaphore, #tpu.memory_space<semaphore_mem>>, %arg21: memref<!tpu.dma_semaphore, #tpu.memory_space<semaphore_mem>>, %arg22: memref<10112x128xf32, #tpu.memory_space<vmem_shared>>) attributes {dimension_semantics = [#tpu.dimension_semantics<core_parallel>, #tpu.dimension_semantics<subcore_parallel>], iteration_bounds = array<i64: 2, 16>, scalar_prefetch = 0 : i64, scratch_operands = 18 : i64, tpu.core_type = #tpu.core_type<sc_vector_subcore>, window_params = [{transform_indices = #map}, {transform_indices = #map1}, {transform_indices = #map}]} {
    %scan3A = arith.constant 0 : i32
    %scan3A_0 = arith.constant 128 : i32
    %scan3A_1 = arith.addi %scan3A, %scan3A_0 : i32
    %scan3A_2 = arith.constant 1 : i32
    scf.for %scan3A_98 = %scan3A to %scan3A_1 step %scan3A_2  : i32 {
      %mul3A_99 = arith.constant 1 : i32
      %mul3A_100 = arith.muli %scan3A_98, %mul3A_99 : i32
      %add3A_101 = arith.constant 0 : i32
      %add3A_102 = arith.addi %add3A_101, %mul3A_100 : i32
      %broadcast_in_dim3A = arith.constant 0.000000e+00 : f32
      %broadcast_in_dim3A_103 = vector.broadcast %broadcast_in_dim3A : f32 to vector<16xf32>
      %swap3A = arith.index_cast %add3A_102 : i32 to index
      %swap3A_104 = arith.constant 0 : index
      %swap3A_105 = tpu.vector_load %arg9[%swap3A, %swap3A_104] {strides = array<i32>} : memref<128x128xf32, #tpu.memory_space<vmem>>, vector<1x16xf32>,
      %swap3A_106 = vector.shape_cast %swap3A_105 : vector<1x16xf32> to vector<16xf32>
      %swap3A_107 = vector.shape_cast %broadcast_in_dim3A_103 : vector<16xf32> to vector<1x16xf32>
      tpu.vector_store %arg9[%swap3A, %swap3A_104], %swap3A_107 {strides = array<i32>} : memref<128x128xf32, #tpu.memory_space<vmem>>, vector<1x16xf32>,
      %broadcast_in_dim3A_108 = arith.constant 0.000000e+00 : f32
      %broadcast_in_dim3A_109 = vector.broadcast %broadcast_in_dim3A_108 : f32 to vector<16xf32>
      %swap3A_110 = arith.index_cast %add3A_102 : i32 to index
      %swap3A_111 = arith.constant 16 : index
      %swap3A_112 = tpu.vector_load %arg9[%swap3A_110, %swap3A_111] {strides = array<i32>} : memref<128x128xf32, #tpu.memory_space<vmem>>, vector<1x16xf32>,
      %swap3A_113 = vector.shape_cast %swap3A_112 : vector<1x16xf32> to vector<16xf32>
      %swap3A_114 = vector.shape_cast %broadcast_in_dim3A_109 : vector<16xf32> to vector<1x16xf32>
      tpu.vector_store %arg9[%swap3A_110, %swap3A_111], %swap3A_114 {strides = array<i32>} : memref<128x128xf32, #tpu.memory_space<vmem>>, vector<1x16xf32>,
      %broadcast_in_dim3A_115 = arith.constant 0.000000e+00 : f32
      %broadcast_in_dim3A_116 = vector.broadcast %broadcast_in_dim3A_115 : f32 to vector<16xf32>
      %swap3A_117 = arith.index_cast %add3A_102 : i32 to index
      %swap3A_118 = arith.constant 32 : index
      %swap3A_119 = tpu.vector_load %arg9[%swap3A_117, %swap3A_118] {strides = array<i32>} : memref<128x128xf32, #tpu.memory_space<vmem>>, vector<1x16xf32>,
      %swap3A_120 = vector.shape_cast %swap3A_119 : vector<1x16xf32> to vector<16xf32>
      %swap3A_121 = vector.shape_cast %broadcast_in_dim3A_116 : vector<16xf32> to vector<1x16xf32>
      tpu.vector_store %arg9[%swap3A_117, %swap3A_118], %swap3A_121 {strides = array<i32>} : memref<128x128xf32, #tpu.memory_space<vmem>>, vector<1x16xf32>,
      %broadcast_in_dim3A_122 = arith.constant 0.000000e+00 : f32
      %broadcast_in_dim3A_123 = vector.broadcast %broadcast_in_dim3A_122 : f32 to vector<16xf32>
      %swap3A_124 = arith.index_cast %add3A_102 : i32 to index
      %swap3A_125 = arith.constant 48 : index
      %swap3A_126 = tpu.vector_load %arg9[%swap3A_124, %swap3A_125] {strides = array<i32>} : memref<128x128xf32, #tpu.memory_space<vmem>>, vector<1x16xf32>,
      %swap3A_127 = vector.shape_cast %swap3A_126 : vector<1x16xf32> to vector<16xf32>
      %swap3A_128 = vector.shape_cast %broadcast_in_dim3A_123 : vector<16xf32> to vector<1x16xf32>
      tpu.vector_store %arg9[%swap3A_124, %swap3A_125], %swap3A_128 {strides = array<i32>} : memref<128x128xf32, #tpu.memory_space<vmem>>, vector<1x16xf32>,
      %broadcast_in_dim3A_129 = arith.constant 0.000000e+00 : f32
      %broadcast_in_dim3A_130 = vector.broadcast %broadcast_in_dim3A_129 : f32 to vector<16xf32>
      %swap3A_131 = arith.index_cast %add3A_102 : i32 to index
      %swap3A_132 = arith.constant 64 : index
      %swap3A_133 = tpu.vector_load %arg9[%swap3A_131, %swap3A_132] {strides = array<i32>} : memref<128x128xf32, #tpu.memory_space<vmem>>, vector<1x16xf32>,
      %swap3A_134 = vector.shape_cast %swap3A_133 : vector<1x16xf32> to vector<16xf32>
      %swap3A_135 = vector.shape_cast %broadcast_in_dim3A_130 : vector<16xf32> to vector<1x16xf32>
      tpu.vector_store %arg9[%swap3A_131, %swap3A_132], %swap3A_135 {strides = array<i32>} : memref<128x128xf32, #tpu.memory_space<vmem>>, vector<1x16xf32>,
      %broadcast_in_dim3A_136 = arith.constant 0.000000e+00 : f32
      %broadcast_in_dim3A_137 = vector.broadcast %broadcast_in_dim3A_136 : f32 to vector<16xf32>
      %swap3A_138 = arith.index_cast %add3A_102 : i32 to index
      %swap3A_139 = arith.constant 80 : index
      %swap3A_140 = tpu.vector_load %arg9[%swap3A_138, %swap3A_139] {strides = array<i32>} : memref<128x128xf32, #tpu.memory_space<vmem>>, vector<1x16xf32>,
      %swap3A_141 = vector.shape_cast %swap3A_140 : vector<1x16xf32> to vector<16xf32>
      %swap3A_142 = vector.shape_cast %broadcast_in_dim3A_137 : vector<16xf32> to vector<1x16xf32>
      tpu.vector_store %arg9[%swap3A_138, %swap3A_139], %swap3A_142 {strides = array<i32>} : memref<128x128xf32, #tpu.memory_space<vmem>>, vector<1x16xf32>,
      %broadcast_in_dim3A_143 = arith.constant 0.000000e+00 : f32
      %broadcast_in_dim3A_144 = vector.broadcast %broadcast_in_dim3A_143 : f32 to vector<16xf32>
      %swap3A_145 = arith.index_cast %add3A_102 : i32 to index
      %swap3A_146 = arith.constant 96 : index
      %swap3A_147 = tpu.vector_load %arg9[%swap3A_145, %swap3A_146] {strides = array<i32>} : memref<128x128xf32, #tpu.memory_space<vmem>>, vector<1x16xf32>,
      %swap3A_148 = vector.shape_cast %swap3A_147 : vector<1x16xf32> to vector<16xf32>
      %swap3A_149 = vector.shape_cast %broadcast_in_dim3A_144 : vector<16xf32> to vector<1x16xf32>
      tpu.vector_store %arg9[%swap3A_145, %swap3A_146], %swap3A_149 {strides = array<i32>} : memref<128x128xf32, #tpu.memory_space<vmem>>, vector<1x16xf32>,
      %broadcast_in_dim3A_150 = arith.constant 0.000000e+00 : f32
      %broadcast_in_dim3A_151 = vector.broadcast %broadcast_in_dim3A_150 : f32 to vector<16xf32>
      %swap3A_152 = arith.index_cast %add3A_102 : i32 to index
      %swap3A_153 = arith.constant 112 : index
      %swap3A_154 = tpu.vector_load %arg9[%swap3A_152, %swap3A_153] {strides = array<i32>} : memref<128x128xf32, #tpu.memory_space<vmem>>, vector<1x16xf32>,
      %swap3A_155 = vector.shape_cast %swap3A_154 : vector<1x16xf32> to vector<16xf32>
      %swap3A_156 = vector.shape_cast %broadcast_in_dim3A_151 : vector<16xf32> to vector<1x16xf32>
      tpu.vector_store %arg9[%swap3A_152, %swap3A_153], %swap3A_156 {strides = array<i32>} : memref<128x128xf32, #tpu.memory_space<vmem>>, vector<1x16xf32>,
    }
    %scan3A_3 = arith.constant 128 : i32
    %mul3A = arith.constant 632 : i32
    %mul3A_4 = arith.muli %arg1, %mul3A : i32
    %add3A = arith.constant 0 : i32
    %add3A_5 = arith.addi %mul3A_4, %add3A : i32
    "tpu.region"() ({
      %run_scoped3A = tpu.sem_alloc : memref<!tpu.dma_semaphore, #tpu.memory_space<semaphore_mem>>
      %dma_start3A_98 = arith.constant 0 : i32
      %dma_start3A_99 = tpu.memref_slice %arg22[%add3A_5, %dma_start3A_98] : memref<10112x128xf32, #tpu.memory_space<vmem_shared>> -> memref<128x128xf32, #tpu.memory_space<vmem_shared>>
      %dma_start3A_100 = arith.constant 0 : i32
      %dma_start3A_101 = tpu.memref_slice %arg22[%add3A_5, %dma_start3A_100] : memref<10112x128xf32, #tpu.memory_space<vmem_shared>> -> memref<128x128xf32, #tpu.memory_space<vmem_shared>>
      tpu.enqueue_dma source(%arg9 : memref<128x128xf32, #tpu.memory_space<vmem>>) target(%dma_start3A_101 : memref<128x128xf32, #tpu.memory_space<vmem_shared>>) target_semaphore(%run_scoped3A : memref<!tpu.dma_semaphore, #tpu.memory_space<semaphore_mem>>)
      %dma_wait3A_102 = arith.constant 0 : i32
      %dma_wait3A_103 = tpu.memref_slice %arg22[%add3A_5, %dma_wait3A_102] : memref<10112x128xf32, #tpu.memory_space<vmem_shared>> -> memref<128x128xf32, #tpu.memory_space<vmem_shared>>
      %dma_wait3A_104 = arith.constant 0 : i32
      %dma_wait3A_105 = tpu.memref_slice %arg22[%add3A_5, %dma_wait3A_104] : memref<10112x128xf32, #tpu.memory_space<vmem_shared>> -> memref<128x128xf32, #tpu.memory_space<vmem_shared>>
      tpu.wait_dma2 semaphore(%run_scoped3A : memref<!tpu.dma_semaphore, #tpu.memory_space<semaphore_mem>>) src(%arg9 : memref<128x128xf32, #tpu.memory_space<vmem>>) dst(%dma_wait3A_105 : memref<128x128xf32, #tpu.memory_space<vmem_shared>>)
      tpu.yield
    }) : () -> ()
    %add3A_6 = arith.constant 128 : i32
    %add3A_7 = arith.addi %mul3A_4, %add3A_6 : i32
    "tpu.region"() ({
      %run_scoped3A = tpu.sem_alloc : memref<!tpu.dma_semaphore, #tpu.memory_space<semaphore_mem>>
      %dma_start3A_98 = arith.constant 0 : i32
      %dma_start3A_99 = tpu.memref_slice %arg22[%add3A_7, %dma_start3A_98] : memref<10112x128xf32, #tpu.memory_space<vmem_shared>> -> memref<128x128xf32, #tpu.memory_space<vmem_shared>>
      %dma_start3A_100 = arith.constant 0 : i32
      %dma_start3A_101 = tpu.memref_slice %arg22[%add3A_7, %dma_start3A_100] : memref<10112x128xf32, #tpu.memory_space<vmem_shared>> -> memref<128x128xf32, #tpu.memory_space<vmem_shared>>
      tpu.enqueue_dma source(%arg9 : memref<128x128xf32, #tpu.memory_space<vmem>>) target(%dma_start3A_101 : memref<128x128xf32, #tpu.memory_space<vmem_shared>>) target_semaphore(%run_scoped3A : memref<!tpu.dma_semaphore, #tpu.memory_space<semaphore_mem>>)
      %dma_wait3A_102 = arith.constant 0 : i32
      %dma_wait3A_103 = tpu.memref_slice %arg22[%add3A_7, %dma_wait3A_102] : memref<10112x128xf32, #tpu.memory_space<vmem_shared>> -> memref<128x128xf32, #tpu.memory_space<vmem_shared>>
      %dma_wait3A_104 = arith.constant 0 : i32
      %dma_wait3A_105 = tpu.memref_slice %arg22[%add3A_7, %dma_wait3A_104] : memref<10112x128xf32, #tpu.memory_space<vmem_shared>> -> memref<128x128xf32, #tpu.memory_space<vmem_shared>>
      tpu.wait_dma2 semaphore(%run_scoped3A : memref<!tpu.dma_semaphore, #tpu.memory_space<semaphore_mem>>) src(%arg9 : memref<128x128xf32, #tpu.memory_space<vmem>>) dst(%dma_wait3A_105 : memref<128x128xf32, #tpu.memory_space<vmem_shared>>)
      tpu.yield
    }) : () -> ()
    %add3A_8 = arith.constant 256 : i32
    %add3A_9 = arith.addi %mul3A_4, %add3A_8 : i32
    "tpu.region"() ({
      %run_scoped3A = tpu.sem_alloc : memref<!tpu.dma_semaphore, #tpu.memory_space<semaphore_mem>>
      %dma_start3A_98 = arith.constant 0 : i32
      %dma_start3A_99 = tpu.memref_slice %arg22[%add3A_9, %dma_start3A_98] : memref<10112x128xf32, #tpu.memory_space<vmem_shared>> -> memref<128x128xf32, #tpu.memory_space<vmem_shared>>
      %dma_start3A_100 = arith.constant 0 : i32
      %dma_start3A_101 = tpu.memref_slice %arg22[%add3A_9, %dma_start3A_100] : memref<10112x128xf32, #tpu.memory_space<vmem_shared>> -> memref<128x128xf32, #tpu.memory_space<vmem_shared>>
      tpu.enqueue_dma source(%arg9 : memref<128x128xf32, #tpu.memory_space<vmem>>) target(%dma_start3A_101 : memref<128x128xf32, #tpu.memory_space<vmem_shared>>) target_semaphore(%run_scoped3A : memref<!tpu.dma_semaphore, #tpu.memory_space<semaphore_mem>>)
      %dma_wait3A_102 = arith.constant 0 : i32
      %dma_wait3A_103 = tpu.memref_slice %arg22[%add3A_9, %dma_wait3A_102] : memref<10112x128xf32, #tpu.memory_space<vmem_shared>> -> memref<128x128xf32, #tpu.memory_space<vmem_shared>>
      %dma_wait3A_104 = arith.constant 0 : i32
      %dma_wait3A_105 = tpu.memref_slice %arg22[%add3A_9, %dma_wait3A_104] : memref<10112x128xf32, #tpu.memory_space<vmem_shared>> -> memref<128x128xf32, #tpu.memory_space<vmem_shared>>
      tpu.wait_dma2 semaphore(%run_scoped3A : memref<!tpu.dma_semaphore, #tpu.memory_space<semaphore_mem>>) src(%arg9 : memref<128x128xf32, #tpu.memory_space<vmem>>) dst(%dma_wait3A_105 : memref<128x128xf32, #tpu.memory_space<vmem_shared>>)
      tpu.yield
    }) : () -> ()
    %add3A_10 = arith.constant 384 : i32
    %add3A_11 = arith.addi %mul3A_4, %add3A_10 : i32
    "tpu.region"() ({
      %run_scoped3A = tpu.sem_alloc : memref<!tpu.dma_semaphore, #tpu.memory_space<semaphore_mem>>
      %dma_start3A_98 = arith.constant 0 : i32
      %dma_start3A_99 = tpu.memref_slice %arg22[%add3A_11, %dma_start3A_98] : memref<10112x128xf32, #tpu.memory_space<vmem_shared>> -> memref<128x128xf32, #tpu.memory_space<vmem_shared>>
      %dma_start3A_100 = arith.constant 0 : i32
      %dma_start3A_101 = tpu.memref_slice %arg22[%add3A_11, %dma_start3A_100] : memref<10112x128xf32, #tpu.memory_space<vmem_shared>> -> memref<128x128xf32, #tpu.memory_space<vmem_shared>>
      tpu.enqueue_dma source(%arg9 : memref<128x128xf32, #tpu.memory_space<vmem>>) target(%dma_start3A_101 : memref<128x128xf32, #tpu.memory_space<vmem_shared>>) target_semaphore(%run_scoped3A : memref<!tpu.dma_semaphore, #tpu.memory_space<semaphore_mem>>)
      %dma_wait3A_102 = arith.constant 0 : i32
      %dma_wait3A_103 = tpu.memref_slice %arg22[%add3A_11, %dma_wait3A_102] : memref<10112x128xf32, #tpu.memory_space<vmem_shared>> -> memref<128x128xf32, #tpu.memory_space<vmem_shared>>
      %dma_wait3A_104 = arith.constant 0 : i32
      %dma_wait3A_105 = tpu.memref_slice %arg22[%add3A_11, %dma_wait3A_104] : memref<10112x128xf32, #tpu.memory_space<vmem_shared>> -> memref<128x128xf32, #tpu.memory_space<vmem_shared>>
      tpu.wait_dma2 semaphore(%run_scoped3A : memref<!tpu.dma_semaphore, #tpu.memory_space<semaphore_mem>>) src(%arg9 : memref<128x128xf32, #tpu.memory_space<vmem>>) dst(%dma_wait3A_105 : memref<128x128xf32, #tpu.memory_space<vmem_shared>>)
      tpu.yield
    }) : () -> ()
    %add3A_12 = arith.constant 632 : i32
    %add3A_13 = arith.addi %mul3A_4, %add3A_12 : i32
    %sub3A = arith.constant 120 : i32
    %sub3A_14 = arith.subi %add3A_13, %sub3A : i32
    "tpu.region"() ({
      %run_scoped3A = tpu.sem_alloc : memref<!tpu.dma_semaphore, #tpu.memory_space<semaphore_mem>>
      %dma_start3A_98 = arith.constant 0 : i32
      %dma_start3A_99 = arith.constant 0 : i32
      %dma_start3A_100 = tpu.memref_slice %arg9[%dma_start3A_98, %dma_start3A_99] : memref<128x128xf32, #tpu.memory_space<vmem>> -> memref<120x128xf32, #tpu.memory_space<vmem>>
      %dma_start3A_101 = arith.constant 0 : i32
      %dma_start3A_102 = tpu.memref_slice %arg22[%sub3A_14, %dma_start3A_101] : memref<10112x128xf32, #tpu.memory_space<vmem_shared>> -> memref<120x128xf32, #tpu.memory_space<vmem_shared>>
      %dma_start3A_103 = arith.constant 0 : i32
      %dma_start3A_104 = tpu.memref_slice %arg22[%sub3A_14, %dma_start3A_103] : memref<10112x128xf32, #tpu.memory_space<vmem_shared>> -> memref<120x128xf32, #tpu.memory_space<vmem_shared>>
      %dma_start3A_105 = arith.constant 0 : i32
      %dma_start3A_106 = arith.constant 0 : i32
      %dma_start3A_107 = tpu.memref_slice %arg9[%dma_start3A_105, %dma_start3A_106] : memref<128x128xf32, #tpu.memory_space<vmem>> -> memref<120x128xf32, #tpu.memory_space<vmem>>
      tpu.enqueue_dma source(%dma_start3A_107 : memref<120x128xf32, #tpu.memory_space<vmem>>) target(%dma_start3A_104 : memref<120x128xf32, #tpu.memory_space<vmem_shared>>) target_semaphore(%run_scoped3A : memref<!tpu.dma_semaphore, #tpu.memory_space<semaphore_mem>>)
      %dma_wait3A_108 = arith.constant 0 : i32
      %dma_wait3A_109 = arith.constant 0 : i32
      %dma_wait3A_110 = tpu.memref_slice %arg9[%dma_wait3A_108, %dma_wait3A_109] : memref<128x128xf32, #tpu.memory_space<vmem>> -> memref<120x128xf32, #tpu.memory_space<vmem>>
      %dma_wait3A_111 = arith.constant 0 : i32
      %dma_wait3A_112 = tpu.memref_slice %arg22[%sub3A_14, %dma_wait3A_111] : memref<10112x128xf32, #tpu.memory_space<vmem_shared>> -> memref<120x128xf32, #tpu.memory_space<vmem_shared>>
      %dma_wait3A_113 = arith.constant 0 : i32
      %dma_wait3A_114 = tpu.memref_slice %arg22[%sub3A_14, %dma_wait3A_113] : memref<10112x128xf32, #tpu.memory_space<vmem_shared>> -> memref<120x128xf32, #tpu.memory_space<vmem_shared>>
      %dma_wait3A_115 = arith.constant 0 : i32
      %dma_wait3A_116 = arith.constant 0 : i32
      %dma_wait3A_117 = tpu.memref_slice %arg9[%dma_wait3A_115, %dma_wait3A_116] : memref<128x128xf32, #tpu.memory_space<vmem>> -> memref<120x128xf32, #tpu.memory_space<vmem>>
      tpu.wait_dma2 semaphore(%run_scoped3A : memref<!tpu.dma_semaphore, #tpu.memory_space<semaphore_mem>>) src(%dma_wait3A_117 : memref<120x128xf32, #tpu.memory_space<vmem>>) dst(%dma_wait3A_114 : memref<120x128xf32, #tpu.memory_space<vmem_shared>>)
      tpu.yield
    }) : () -> ()
    %dma_start3A = arith.constant 0 : i32
    %dma_start3A_15 = arith.constant 0 : i32
    %dma_start3A_16 = arith.constant 0 : i32
    %dma_start3A_17 = tpu.memref_slice %arg3[%arg0, %arg1, %dma_start3A, %dma_start3A_15, %dma_start3A_16] : memref<2x16x157x2x128xi32, #tpu.memory_space<hbm>> -> memref<1x1x1x2x128xi32, #tpu.memory_space<hbm>>
    %dma_start3A_18 = tpu.memref_squeeze %dma_start3A_17 : memref<1x1x1x2x128xi32, #tpu.memory_space<hbm>> -> memref<2x128xi32, #tpu.memory_space<hbm>>
    %dma_start3A_19 = arith.constant 0 : i32
    %dma_start3A_20 = arith.constant 0 : i32
    %dma_start3A_21 = tpu.memref_slice %arg3[%arg0, %arg1, %dma_start3A, %dma_start3A_19, %dma_start3A_20] : memref<2x16x157x2x128xi32, #tpu.memory_space<hbm>> -> memref<1x1x1x2x128xi32, #tpu.memory_space<hbm>>
    %dma_start3A_22 = tpu.memref_squeeze %dma_start3A_21 : memref<1x1x1x2x128xi32, #tpu.memory_space<hbm>> -> memref<2x128xi32, #tpu.memory_space<hbm>>
    tpu.enqueue_dma source(%dma_start3A_22 : memref<2x128xi32, #tpu.memory_space<hbm>>) target(%arg5 : memref<2x128xi32, #tpu.memory_space<vmem>>) target_semaphore(%arg12 : memref<!tpu.dma_semaphore, #tpu.memory_space<semaphore_mem>>)
    %dma_start3A_23 = arith.constant 1 : i32
    %dma_start3A_24 = arith.constant 0 : i32
    %dma_start3A_25 = arith.constant 0 : i32
    %dma_start3A_26 = tpu.memref_slice %arg3[%arg0, %arg1, %dma_start3A_23, %dma_start3A_24, %dma_start3A_25] : memref<2x16x157x2x128xi32, #tpu.memory_space<hbm>> -> memref<1x1x1x2x128xi32, #tpu.memory_space<hbm>>
    %dma_start3A_27 = tpu.memref_squeeze %dma_start3A_26 : memref<1x1x1x2x128xi32, #tpu.memory_space<hbm>> -> memref<2x128xi32, #tpu.memory_space<hbm>>
    %dma_start3A_28 = arith.constant 0 : i32
    %dma_start3A_29 = arith.constant 0 : i32
    %dma_start3A_30 = tpu.memref_slice %arg3[%arg0, %arg1, %dma_start3A_23, %dma_start3A_28, %dma_start3A_29] : memref<2x16x157x2x128xi32, #tpu.memory_space<hbm>> -> memref<1x1x1x2x128xi32, #tpu.memory_space<hbm>>
    %dma_start3A_31 = tpu.memref_squeeze %dma_start3A_30 : memref<1x1x1x2x128xi32, #tpu.memory_space<hbm>> -> memref<2x128xi32, #tpu.memory_space<hbm>>
    tpu.enqueue_dma source(%dma_start3A_31 : memref<2x128xi32, #tpu.memory_space<hbm>>) target(%arg6 : memref<2x128xi32, #tpu.memory_space<vmem>>) target_semaphore(%arg13 : memref<!tpu.dma_semaphore, #tpu.memory_space<semaphore_mem>>)
    %dma_wait3A = arith.constant 0 : i32
    %dma_wait3A_32 = arith.constant 0 : i32
    %dma_wait3A_33 = arith.constant 0 : i32
    %dma_wait3A_34 = tpu.memref_slice %arg3[%arg0, %arg1, %dma_wait3A, %dma_wait3A_32, %dma_wait3A_33] : memref<2x16x157x2x128xi32, #tpu.memory_space<hbm>> -> memref<1x1x1x2x128xi32, #tpu.memory_space<hbm>>
    %dma_wait3A_35 = tpu.memref_squeeze %dma_wait3A_34 : memref<1x1x1x2x128xi32, #tpu.memory_space<hbm>> -> memref<2x128xi32, #tpu.memory_space<hbm>>
    %dma_wait3A_36 = arith.constant 0 : i32
    %dma_wait3A_37 = arith.constant 0 : i32
    %dma_wait3A_38 = tpu.memref_slice %arg3[%arg0, %arg1, %dma_wait3A, %dma_wait3A_36, %dma_wait3A_37] : memref<2x16x157x2x128xi32, #tpu.memory_space<hbm>> -> memref<1x1x1x2x128xi32, #tpu.memory_space<hbm>>
    %dma_wait3A_39 = tpu.memref_squeeze %dma_wait3A_38 : memref<1x1x1x2x128xi32, #tpu.memory_space<hbm>> -> memref<2x128xi32, #tpu.memory_space<hbm>>
    tpu.wait_dma2 semaphore(%arg12 : memref<!tpu.dma_semaphore, #tpu.memory_space<semaphore_mem>>) src(%dma_wait3A_39 : memref<2x128xi32, #tpu.memory_space<hbm>>) dst(%arg5 : memref<2x128xi32, #tpu.memory_space<vmem>>)
    %dma_start3A_40 = arith.constant 0 : i32
    %dma_start3A_41 = arith.constant 0 : i32
    %dma_start3A_42 = tpu.memref_slice %arg5[%dma_start3A_40, %dma_start3A_41] : memref<2x128xi32, #tpu.memory_space<vmem>> -> memref<1x128xi32, #tpu.memory_space<vmem>>
    %dma_start3A_43 = tpu.memref_squeeze %dma_start3A_42 : memref<1x128xi32, #tpu.memory_space<vmem>> -> memref<128xi32, #tpu.memory_space<vmem>>
    %dma_start3A_44 = arith.constant 0 : i32
    %dma_start3A_45 = arith.constant 0 : i32
    %dma_start3A_46 = tpu.memref_slice %arg2[%arg0, %dma_start3A_44, %dma_start3A_45] : memref<2x10240x128xf32, #tpu.memory_space<hbm>> -> memref<1x10240x128xf32, #tpu.memory_space<hbm>>
    %dma_start3A_47 = tpu.memref_squeeze %dma_start3A_46 : memref<1x10240x128xf32, #tpu.memory_space<hbm>> -> memref<10240x128xf32, #tpu.memory_space<hbm>>
    %dma_start3A_48 = arith.constant 0 : i32
    %dma_start3A_49 = arith.constant 0 : i32
    %dma_start3A_50 = tpu.memref_slice %dma_start3A_47[%dma_start3A_48, %dma_start3A_49] : memref<10240x128xf32, #tpu.memory_space<hbm>> -> memref<10240x128xf32, #tpu.memory_space<hbm>>
    tpu.enqueue_indirect_dma source(%dma_start3A_50 : memref<10240x128xf32, #tpu.memory_space<hbm>>) target(%arg9 : memref<128x128xf32, #tpu.memory_space<vmem>>) offsets(%dma_start3A_43 : memref<128xi32, #tpu.memory_space<vmem>>) semaphore(%arg16 : memref<!tpu.dma_semaphore, #tpu.memory_space<semaphore_mem>>)
    %barrier3A = arith.constant 0 : index
    tpu.barrier barrier_id(%barrier3A)
    %scan3A_51 = arith.constant 0 : i32
    %scan3A_52 = arith.constant 13 : i32
    %scan3A_53 = arith.addi %scan3A_51, %scan3A_52 : i32
    %scan3A_54 = arith.constant 1 : i32
    scf.for %scan3A_98 = %scan3A_51 to %scan3A_53 step %scan3A_54  : i32 {
      %mul3A_99 = arith.constant 1 : i32
      %mul3A_100 = arith.muli %scan3A_98, %mul3A_99 : i32
      %add3A_101 = arith.constant 0 : i32
      %add3A_102 = arith.addi %add3A_101, %mul3A_100 : i32
      %mul3A_103 = arith.constant 12 : i32
      %mul3A_104 = arith.muli %add3A_102, %mul3A_103 : i32
      %add3A_105 = arith.constant 0 : i32
      %add3A_106 = arith.addi %mul3A_104, %add3A_105 : i32
      %add3A_107 = arith.constant 1 : i32
      %add3A_108 = arith.addi %add3A_106, %add3A_107 : i32
      %lt3A = arith.constant 157 : i32
      %lt3A_109 = arith.cmpi slt, %add3A_108, %lt3A : i32
      %convert_element_type3A = arith.extui %lt3A_109 : i1 to i32
      %cond3A = arith.constant 0 : i32
      %cond3A_110 = arith.cmpi ne, %convert_element_type3A, %cond3A : i32
      scf.if %cond3A_110 {
        %ge3A = arith.constant 2 : i32
        %ge3A_532 = arith.cmpi sge, %add3A_106, %ge3A : i32
        %convert_element_type3A_533 = arith.extui %ge3A_532 : i1 to i32
        %cond3A_534 = arith.constant 0 : i32
        %cond3A_535 = arith.cmpi ne, %convert_element_type3A_533, %cond3A_534 : i32
        scf.if %cond3A_535 {
          %dma_wait3A_556 = arith.constant 1 : i32
          %dma_wait3A_557 = arith.constant 0 : i32
          %dma_wait3A_558 = tpu.memref_slice %arg5[%dma_wait3A_556, %dma_wait3A_557] : memref<2x128xi32, #tpu.memory_space<vmem>> -> memref<1x128xi32, #tpu.memory_space<vmem>>
          %dma_wait3A_559 = tpu.memref_squeeze %dma_wait3A_558 : memref<1x128xi32, #tpu.memory_space<vmem>> -> memref<128xi32, #tpu.memory_space<vmem>>
          %dma_wait3A_560 = arith.constant 0 : i32
          %dma_wait3A_561 = arith.constant 0 : i32
          %dma_wait3A_562 = tpu.memref_slice %arg22[%dma_wait3A_560, %dma_wait3A_561] : memref<10112x128xf32, #tpu.memory_space<vmem_shared>> -> memref<10112x128xf32, #tpu.memory_space<vmem_shared>>
          tpu.wait_indirect_dma semaphore(%arg20 : memref<!tpu.dma_semaphore, #tpu.memory_space<semaphore_mem>>) src(%arg10 : memref<128x128xf32, #tpu.memory_space<vmem>>) dst(%dma_wait3A_562 : memref<10112x128xf32, #tpu.memory_space<vmem_shared>>)
        } else {
        }
        %dma_wait3A_536 = arith.constant 0 : i32
        %dma_wait3A_537 = arith.constant 0 : i32
        %dma_wait3A_538 = arith.constant 0 : i32
        %dma_wait3A_539 = tpu.memref_slice %arg3[%arg0, %arg1, %dma_wait3A_536, %dma_wait3A_537, %dma_wait3A_538] : memref<2x16x157x2x128xi32, #tpu.memory_space<hbm>> -> memref<1x1x1x2x128xi32, #tpu.memory_space<hbm>>
        %dma_wait3A_540 = tpu.memref_squeeze %dma_wait3A_539 : memref<1x1x1x2x128xi32, #tpu.memory_space<hbm>> -> memref<2x128xi32, #tpu.memory_space<hbm>>
        %dma_wait3A_541 = arith.constant 0 : i32
        %dma_wait3A_542 = arith.constant 0 : i32
        %dma_wait3A_543 = tpu.memref_slice %arg3[%arg0, %arg1, %dma_wait3A_536, %dma_wait3A_541, %dma_wait3A_542] : memref<2x16x157x2x128xi32, #tpu.memory_space<hbm>> -> memref<1x1x1x2x128xi32, #tpu.memory_space<hbm>>
        %dma_wait3A_544 = tpu.memref_squeeze %dma_wait3A_543 : memref<1x1x1x2x128xi32, #tpu.memory_space<hbm>> -> memref<2x128xi32, #tpu.memory_space<hbm>>
        tpu.wait_dma2 semaphore(%arg13 : memref<!tpu.dma_semaphore, #tpu.memory_space<semaphore_mem>>) src(%dma_wait3A_544 : memref<2x128xi32, #tpu.memory_space<hbm>>) dst(%arg6 : memref<2x128xi32, #tpu.memory_space<vmem>>)
        %dma_start3A_545 = arith.constant 0 : i32
        %dma_start3A_546 = arith.constant 0 : i32
        %dma_start3A_547 = tpu.memref_slice %arg6[%dma_start3A_545, %dma_start3A_546] : memref<2x128xi32, #tpu.memory_space<vmem>> -> memref<1x128xi32, #tpu.memory_space<vmem>>
        %dma_start3A_548 = tpu.memref_squeeze %dma_start3A_547 : memref<1x128xi32, #tpu.memory_space<vmem>> -> memref<128xi32, #tpu.memory_space<vmem>>
        %dma_start3A_549 = arith.constant 0 : i32
        %dma_start3A_550 = arith.constant 0 : i32
        %dma_start3A_551 = tpu.memref_slice %arg2[%arg0, %dma_start3A_549, %dma_start3A_550] : memref<2x10240x128xf32, #tpu.memory_space<hbm>> -> memref<1x10240x128xf32, #tpu.memory_space<hbm>>
        %dma_start3A_552 = tpu.memref_squeeze %dma_start3A_551 : memref<1x10240x128xf32, #tpu.memory_space<hbm>> -> memref<10240x128xf32, #tpu.memory_space<hbm>>
        %dma_start3A_553 = arith.constant 0 : i32
        %dma_start3A_554 = arith.constant 0 : i32
        %dma_start3A_555 = tpu.memref_slice %dma_start3A_552[%dma_start3A_553, %dma_start3A_554] : memref<10240x128xf32, #tpu.memory_space<hbm>> -> memref<10240x128xf32, #tpu.memory_space<hbm>>
        tpu.enqueue_indirect_dma source(%dma_start3A_555 : memref<10240x128xf32, #tpu.memory_space<hbm>>) target(%arg10 : memref<128x128xf32, #tpu.memory_space<vmem>>) offsets(%dma_start3A_548 : memref<128xi32, #tpu.memory_space<vmem>>) semaphore(%arg17 : memref<!tpu.dma_semaphore, #tpu.memory_space<semaphore_mem>>)
      } else {
      }
      %add3A_111 = arith.constant 2 : i32
      %add3A_112 = arith.addi %add3A_106, %add3A_111 : i32
      %lt3A_113 = arith.constant 157 : i32
      %lt3A_114 = arith.cmpi slt, %add3A_112, %lt3A_113 : i32
      %convert_element_type3A_115 = arith.extui %lt3A_114 : i1 to i32
      %cond3A_116 = arith.constant 0 : i32
      %cond3A_117 = arith.cmpi ne, %convert_element_type3A_115, %cond3A_116 : i32
      scf.if %cond3A_117 {
        %add3A_532 = arith.constant 2 : i32
        %add3A_533 = arith.addi %add3A_106, %add3A_532 : i32
        %dma_start3A_534 = arith.constant 0 : i32
        %dma_start3A_535 = arith.constant 0 : i32
        %dma_start3A_536 = tpu.memref_slice %arg3[%arg0, %arg1, %add3A_533, %dma_start3A_534, %dma_start3A_535] : memref<2x16x157x2x128xi32, #tpu.memory_space<hbm>> -> memref<1x1x1x2x128xi32, #tpu.memory_space<hbm>>
        %dma_start3A_537 = tpu.memref_squeeze %dma_start3A_536 : memref<1x1x1x2x128xi32, #tpu.memory_space<hbm>> -> memref<2x128xi32, #tpu.memory_space<hbm>>
        %dma_start3A_538 = arith.constant 0 : i32
        %dma_start3A_539 = arith.constant 0 : i32
        %dma_start3A_540 = tpu.memref_slice %arg3[%arg0, %arg1, %add3A_533, %dma_start3A_538, %dma_start3A_539] : memref<2x16x157x2x128xi32, #tpu.memory_space<hbm>> -> memref<1x1x1x2x128xi32, #tpu.memory_space<hbm>>
        %dma_start3A_541 = tpu.memref_squeeze %dma_start3A_540 : memref<1x1x1x2x128xi32, #tpu.memory_space<hbm>> -> memref<2x128xi32, #tpu.memory_space<hbm>>
        tpu.enqueue_dma source(%dma_start3A_541 : memref<2x128xi32, #tpu.memory_space<hbm>>) target(%arg7 : memref<2x128xi32, #tpu.memory_space<vmem>>) target_semaphore(%arg14 : memref<!tpu.dma_semaphore, #tpu.memory_space<semaphore_mem>>)
      } else {
      }
      %dma_wait3A_118 = arith.constant 0 : i32
      %dma_wait3A_119 = arith.constant 0 : i32
      %dma_wait3A_120 = tpu.memref_slice %arg5[%dma_wait3A_118, %dma_wait3A_119] : memref<2x128xi32, #tpu.memory_space<vmem>> -> memref<1x128xi32, #tpu.memory_space<vmem>>
      %dma_wait3A_121 = tpu.memref_squeeze %dma_wait3A_120 : memref<1x128xi32, #tpu.memory_space<vmem>> -> memref<128xi32, #tpu.memory_space<vmem>>
      %dma_wait3A_122 = arith.constant 0 : i32
      %dma_wait3A_123 = arith.constant 0 : i32
      %dma_wait3A_124 = tpu.memref_slice %arg2[%arg0, %dma_wait3A_122, %dma_wait3A_123] : memref<2x10240x128xf32, #tpu.memory_space<hbm>> -> memref<1x10240x128xf32, #tpu.memory_space<hbm>>
      %dma_wait3A_125 = tpu.memref_squeeze %dma_wait3A_124 : memref<1x10240x128xf32, #tpu.memory_space<hbm>> -> memref<10240x128xf32, #tpu.memory_space<hbm>>
      %dma_wait3A_126 = arith.constant 0 : i32
      %dma_wait3A_127 = arith.constant 0 : i32
      %dma_wait3A_128 = tpu.memref_slice %dma_wait3A_125[%dma_wait3A_126, %dma_wait3A_127] : memref<10240x128xf32, #tpu.memory_space<hbm>> -> memref<10240x128xf32, #tpu.memory_space<hbm>>
      tpu.wait_indirect_dma semaphore(%arg16 : memref<!tpu.dma_semaphore, #tpu.memory_space<semaphore_mem>>) src(%dma_wait3A_128 : memref<10240x128xf32, #tpu.memory_space<hbm>>) dst(%arg9 : memref<128x128xf32, #tpu.memory_space<vmem>>)
      %dma_start3A_129 = arith.constant 1 : i32
      %dma_start3A_130 = arith.constant 0 : i32
      %dma_start3A_131 = tpu.memref_slice %arg5[%dma_start3A_129, %dma_start3A_130] : memref<2x128xi32, #tpu.memory_space<vmem>> -> memref<1x128xi32, #tpu.memory_space<vmem>>
      %dma_start3A_132 = tpu.memref_squeeze %dma_start3A_131 : memref<1x128xi32, #tpu.memory_space<vmem>> -> memref<128xi32, #tpu.memory_space<vmem>>
      %dma_start3A_133 = arith.constant 0 : i32
      %dma_start3A_134 = arith.constant 0 : i32
      %dma_start3A_135 = tpu.memref_slice %arg22[%dma_start3A_133, %dma_start3A_134] : memref<10112x128xf32, #tpu.memory_space<vmem_shared>> -> memref<10112x128xf32, #tpu.memory_space<vmem_shared>>
      tpu.enqueue_indirect_dma source(%arg9 : memref<128x128xf32, #tpu.memory_space<vmem>>) target(%dma_start3A_135 : memref<10112x128xf32, #tpu.memory_space<vmem_shared>>) offsets(%dma_start3A_132 : memref<128xi32, #tpu.memory_space<vmem>>) semaphore(%arg19 : memref<!tpu.dma_semaphore, #tpu.memory_space<semaphore_mem>>) {add = true}
      %mul3A_136 = arith.constant 12 : i32
      %mul3A_137 = arith.muli %add3A_102, %mul3A_136 : i32
      %add3A_138 = arith.constant 1 : i32
      %add3A_139 = arith.addi %mul3A_137, %add3A_138 : i32
      %add3A_140 = arith.constant 1 : i32
      %add3A_141 = arith.addi %add3A_139, %add3A_140 : i32
      %lt3A_142 = arith.constant 157 : i32
      %lt3A_143 = arith.cmpi slt, %add3A_141, %lt3A_142 : i32
      %convert_element_type3A_144 = arith.extui %lt3A_143 : i1 to i32
      %cond3A_145 = arith.constant 0 : i32
      %cond3A_146 = arith.cmpi ne, %convert_element_type3A_144, %cond3A_145 : i32
      scf.if %cond3A_146 {
        %ge3A = arith.constant 2 : i32
        %ge3A_532 = arith.cmpi sge, %add3A_139, %ge3A : i32
        %convert_element_type3A_533 = arith.extui %ge3A_532 : i1 to i32
        %cond3A_534 = arith.constant 0 : i32
        %cond3A_535 = arith.cmpi ne, %convert_element_type3A_533, %cond3A_534 : i32
        scf.if %cond3A_535 {
          %dma_wait3A_556 = arith.constant 1 : i32
          %dma_wait3A_557 = arith.constant 0 : i32
          %dma_wait3A_558 = tpu.memref_slice %arg5[%dma_wait3A_556, %dma_wait3A_557] : memref<2x128xi32, #tpu.memory_space<vmem>> -> memref<1x128xi32, #tpu.memory_space<vmem>>
          %dma_wait3A_559 = tpu.memref_squeeze %dma_wait3A_558 : memref<1x128xi32, #tpu.memory_space<vmem>> -> memref<128xi32, #tpu.memory_space<vmem>>
          %dma_wait3A_560 = arith.constant 0 : i32
          %dma_wait3A_561 = arith.constant 0 : i32
          %dma_wait3A_562 = tpu.memref_slice %arg22[%dma_wait3A_560, %dma_wait3A_561] : memref<10112x128xf32, #tpu.memory_space<vmem_shared>> -> memref<10112x128xf32, #tpu.memory_space<vmem_shared>>
          tpu.wait_indirect_dma semaphore(%arg21 : memref<!tpu.dma_semaphore, #tpu.memory_space<semaphore_mem>>) src(%arg11 : memref<128x128xf32, #tpu.memory_space<vmem>>) dst(%dma_wait3A_562 : memref<10112x128xf32, #tpu.memory_space<vmem_shared>>)
        } else {
        }
        %dma_wait3A_536 = arith.constant 0 : i32
        %dma_wait3A_537 = arith.constant 0 : i32
        %dma_wait3A_538 = arith.constant 0 : i32
        %dma_wait3A_539 = tpu.memref_slice %arg3[%arg0, %arg1, %dma_wait3A_536, %dma_wait3A_537, %dma_wait3A_538] : memref<2x16x157x2x128xi32, #tpu.memory_space<hbm>> -> memref<1x1x1x2x128xi32, #tpu.memory_space<hbm>>
        %dma_wait3A_540 = tpu.memref_squeeze %dma_wait3A_539 : memref<1x1x1x2x128xi32, #tpu.memory_space<hbm>> -> memref<2x128xi32, #tpu.memory_space<hbm>>
        %dma_wait3A_541 = arith.constant 0 : i32
        %dma_wait3A_542 = arith.constant 0 : i32
        %dma_wait3A_543 = tpu.memref_slice %arg3[%arg0, %arg1, %dma_wait3A_536, %dma_wait3A_541, %dma_wait3A_542] : memref<2x16x157x2x128xi32, #tpu.memory_space<hbm>> -> memref<1x1x1x2x128xi32, #tpu.memory_space<hbm>>
        %dma_wait3A_544 = tpu.memref_squeeze %dma_wait3A_543 : memref<1x1x1x2x128xi32, #tpu.memory_space<hbm>> -> memref<2x128xi32, #tpu.memory_space<hbm>>
        tpu.wait_dma2 semaphore(%arg14 : memref<!tpu.dma_semaphore, #tpu.memory_space<semaphore_mem>>) src(%dma_wait3A_544 : memref<2x128xi32, #tpu.memory_space<hbm>>) dst(%arg7 : memref<2x128xi32, #tpu.memory_space<vmem>>)
        %dma_start3A_545 = arith.constant 0 : i32
        %dma_start3A_546 = arith.constant 0 : i32
        %dma_start3A_547 = tpu.memref_slice %arg7[%dma_start3A_545, %dma_start3A_546] : memref<2x128xi32, #tpu.memory_space<vmem>> -> memref<1x128xi32, #tpu.memory_space<vmem>>
        %dma_start3A_548 = tpu.memref_squeeze %dma_start3A_547 : memref<1x128xi32, #tpu.memory_space<vmem>> -> memref<128xi32, #tpu.memory_space<vmem>>
        %dma_start3A_549 = arith.constant 0 : i32
        %dma_start3A_550 = arith.constant 0 : i32
        %dma_start3A_551 = tpu.memref_slice %arg2[%arg0, %dma_start3A_549, %dma_start3A_550] : memref<2x10240x128xf32, #tpu.memory_space<hbm>> -> memref<1x10240x128xf32, #tpu.memory_space<hbm>>
        %dma_start3A_552 = tpu.memref_squeeze %dma_start3A_551 : memref<1x10240x128xf32, #tpu.memory_space<hbm>> -> memref<10240x128xf32, #tpu.memory_space<hbm>>
        %dma_start3A_553 = arith.constant 0 : i32
        %dma_start3A_554 = arith.constant 0 : i32
        %dma_start3A_555 = tpu.memref_slice %dma_start3A_552[%dma_start3A_553, %dma_start3A_554] : memref<10240x128xf32, #tpu.memory_space<hbm>> -> memref<10240x128xf32, #tpu.memory_space<hbm>>
        tpu.enqueue_indirect_dma source(%dma_start3A_555 : memref<10240x128xf32, #tpu.memory_space<hbm>>) target(%arg11 : memref<128x128xf32, #tpu.memory_space<vmem>>) offsets(%dma_start3A_548 : memref<128xi32, #tpu.memory_space<vmem>>) semaphore(%arg18 : memref<!tpu.dma_semaphore, #tpu.memory_space<semaphore_mem>>)
      } else {
      }
      %add3A_147 = arith.constant 2 : i32
      %add3A_148 = arith.addi %add3A_139, %add3A_147 : i32
      %lt3A_149 = arith.constant 157 : i32
      %lt3A_150 = arith.cmpi slt, %add3A_148, %lt3A_149 : i32
      %convert_element_type3A_151 = arith.extui %lt3A_150 : i1 to i32
      %cond3A_152 = arith.constant 0 : i32
      %cond3A_153 = arith.cmpi ne, %convert_element_type3A_151, %cond3A_152 : i32
      scf.if %cond3A_153 {
        %add3A_532 = arith.constant 2 : i32
        %add3A_533 = arith.addi %add3A_139, %add3A_532 : i32
        %dma_start3A_534 = arith.constant 0 : i32
        %dma_start3A_535 = arith.constant 0 : i32
        %dma_start3A_536 = tpu.memref_slice %arg3[%arg0, %arg1, %add3A_533, %dma_start3A_534, %dma_start3A_535] : memref<2x16x157x2x128xi32, #tpu.memory_space<hbm>> -> memref<1x1x1x2x128xi32, #tpu.memory_space<hbm>>
        %dma_start3A_537 = tpu.memref_squeeze %dma_start3A_536 : memref<1x1x1x2x128xi32, #tpu.memory_space<hbm>> -> memref<2x128xi32, #tpu.memory_space<hbm>>
        %dma_start3A_538 = arith.constant 0 : i32
        %dma_start3A_539 = arith.constant 0 : i32
        %dma_start3A_540 = tpu.memref_slice %arg3[%arg0, %arg1, %add3A_533, %dma_start3A_538, %dma_start3A_539] : memref<2x16x157x2x128xi32, #tpu.memory_space<hbm>> -> memref<1x1x1x2x128xi32, #tpu.memory_space<hbm>>
        %dma_start3A_541 = tpu.memref_squeeze %dma_start3A_540 : memref<1x1x1x2x128xi32, #tpu.memory_space<hbm>> -> memref<2x128xi32, #tpu.memory_space<hbm>>
        tpu.enqueue_dma source(%dma_start3A_541 : memref<2x128xi32, #tpu.memory_space<hbm>>) target(%arg8 : memref<2x128xi32, #tpu.memory_space<vmem>>) target_semaphore(%arg15 : memref<!tpu.dma_semaphore, #tpu.memory_space<semaphore_mem>>)
      } else {
      }
      %dma_wait3A_154 = arith.constant 0 : i32
      %dma_wait3A_155 = arith.constant 0 : i32
      %dma_wait3A_156 = tpu.memref_slice %arg5[%dma_wait3A_154, %dma_wait3A_155] : memref<2x128xi32, #tpu.memory_space<vmem>> -> memref<1x128xi32, #tpu.memory_space<vmem>>
      %dma_wait3A_157 = tpu.memref_squeeze %dma_wait3A_156 : memref<1x128xi32, #tpu.memory_space<vmem>> -> memref<128xi32, #tpu.memory_space<vmem>>
      %dma_wait3A_158 = arith.constant 0 : i32
      %dma_wait3A_159 = arith.constant 0 : i32
      %dma_wait3A_160 = tpu.memref_slice %arg2[%arg0, %dma_wait3A_158, %dma_wait3A_159] : memref<2x10240x128xf32, #tpu.memory_space<hbm>> -> memref<1x10240x128xf32, #tpu.memory_space<hbm>>
      %dma_wait3A_161 = tpu.memref_squeeze %dma_wait3A_160 : memref<1x10240x128xf32, #tpu.memory_space<hbm>> -> memref<10240x128xf32, #tpu.memory_space<hbm>>
      %dma_wait3A_162 = arith.constant 0 : i32
      %dma_wait3A_163 = arith.constant 0 : i32
      %dma_wait3A_164 = tpu.memref_slice %dma_wait3A_161[%dma_wait3A_162, %dma_wait3A_163] : memref<10240x128xf32, #tpu.memory_space<hbm>> -> memref<10240x128xf32, #tpu.memory_space<hbm>>
      tpu.wait_indirect_dma semaphore(%arg17 : memref<!tpu.dma_semaphore, #tpu.memory_space<semaphore_mem>>) src(%dma_wait3A_164 : memref<10240x128xf32, #tpu.memory_space<hbm>>) dst(%arg10 : memref<128x128xf32, #tpu.memory_space<vmem>>)
      %dma_start3A_165 = arith.constant 1 : i32
      %dma_start3A_166 = arith.constant 0 : i32
      %dma_start3A_167 = tpu.memref_slice %arg6[%dma_start3A_165, %dma_start3A_166] : memref<2x128xi32, #tpu.memory_space<vmem>> -> memref<1x128xi32, #tpu.memory_space<vmem>>
      %dma_start3A_168 = tpu.memref_squeeze %dma_start3A_167 : memref<1x128xi32, #tpu.memory_space<vmem>> -> memref<128xi32, #tpu.memory_space<vmem>>
      %dma_start3A_169 = arith.constant 0 : i32
      %dma_start3A_170 = arith.constant 0 : i32
      %dma_start3A_171 = tpu.memref_slice %arg22[%dma_start3A_169, %dma_start3A_170] : memref<10112x128xf32, #tpu.memory_space<vmem_shared>> -> memref<10112x128xf32, #tpu.memory_space<vmem_shared>>
      tpu.enqueue_indirect_dma source(%arg10 : memref<128x128xf32, #tpu.memory_space<vmem>>) target(%dma_start3A_171 : memref<10112x128xf32, #tpu.memory_space<vmem_shared>>) offsets(%dma_start3A_168 : memref<128xi32, #tpu.memory_space<vmem>>) semaphore(%arg20 : memref<!tpu.dma_semaphore, #tpu.memory_space<semaphore_mem>>) {add = true}
      %mul3A_172 = arith.constant 12 : i32
      %mul3A_173 = arith.muli %add3A_102, %mul3A_172 : i32
      %add3A_174 = arith.constant 2 : i32
      %add3A_175 = arith.addi %mul3A_173, %add3A_174 : i32
      %add3A_176 = arith.constant 1 : i32
      %add3A_177 = arith.addi %add3A_175, %add3A_176 : i32
      %lt3A_178 = arith.constant 157 : i32
      %lt3A_179 = arith.cmpi slt, %add3A_177, %lt3A_178 : i32
      %convert_element_type3A_180 = arith.extui %lt3A_179 : i1 to i32
      %cond3A_181 = arith.constant 0 : i32
      %cond3A_182 = arith.cmpi ne, %convert_element_type3A_180, %cond3A_181 : i32
      scf.if %cond3A_182 {
        %ge3A = arith.constant 2 : i32
        %ge3A_532 = arith.cmpi sge, %add3A_175, %ge3A : i32
        %convert_element_type3A_533 = arith.extui %ge3A_532 : i1 to i32
        %cond3A_534 = arith.constant 0 : i32
        %cond3A_535 = arith.cmpi ne, %convert_element_type3A_533, %cond3A_534 : i32
        scf.if %cond3A_535 {
          %dma_wait3A_556 = arith.constant 1 : i32
          %dma_wait3A_557 = arith.constant 0 : i32
          %dma_wait3A_558 = tpu.memref_slice %arg5[%dma_wait3A_556, %dma_wait3A_557] : memref<2x128xi32, #tpu.memory_space<vmem>> -> memref<1x128xi32, #tpu.memory_space<vmem>>
          %dma_wait3A_559 = tpu.memref_squeeze %dma_wait3A_558 : memref<1x128xi32, #tpu.memory_space<vmem>> -> memref<128xi32, #tpu.memory_space<vmem>>
          %dma_wait3A_560 = arith.constant 0 : i32
          %dma_wait3A_561 = arith.constant 0 : i32
          %dma_wait3A_562 = tpu.memref_slice %arg22[%dma_wait3A_560, %dma_wait3A_561] : memref<10112x128xf32, #tpu.memory_space<vmem_shared>> -> memref<10112x128xf32, #tpu.memory_space<vmem_shared>>
          tpu.wait_indirect_dma semaphore(%arg19 : memref<!tpu.dma_semaphore, #tpu.memory_space<semaphore_mem>>) src(%arg9 : memref<128x128xf32, #tpu.memory_space<vmem>>) dst(%dma_wait3A_562 : memref<10112x128xf32, #tpu.memory_space<vmem_shared>>)
        } else {
        }
        %dma_wait3A_536 = arith.constant 0 : i32
        %dma_wait3A_537 = arith.constant 0 : i32
        %dma_wait3A_538 = arith.constant 0 : i32
        %dma_wait3A_539 = tpu.memref_slice %arg3[%arg0, %arg1, %dma_wait3A_536, %dma_wait3A_537, %dma_wait3A_538] : memref<2x16x157x2x128xi32, #tpu.memory_space<hbm>> -> memref<1x1x1x2x128xi32, #tpu.memory_space<hbm>>
        %dma_wait3A_540 = tpu.memref_squeeze %dma_wait3A_539 : memref<1x1x1x2x128xi32, #tpu.memory_space<hbm>> -> memref<2x128xi32, #tpu.memory_space<hbm>>
        %dma_wait3A_541 = arith.constant 0 : i32
        %dma_wait3A_542 = arith.constant 0 : i32
        %dma_wait3A_543 = tpu.memref_slice %arg3[%arg0, %arg1, %dma_wait3A_536, %dma_wait3A_541, %dma_wait3A_542] : memref<2x16x157x2x128xi32, #tpu.memory_space<hbm>> -> memref<1x1x1x2x128xi32, #tpu.memory_space<hbm>>
        %dma_wait3A_544 = tpu.memref_squeeze %dma_wait3A_543 : memref<1x1x1x2x128xi32, #tpu.memory_space<hbm>> -> memref<2x128xi32, #tpu.memory_space<hbm>>
        tpu.wait_dma2 semaphore(%arg15 : memref<!tpu.dma_semaphore, #tpu.memory_space<semaphore_mem>>) src(%dma_wait3A_544 : memref<2x128xi32, #tpu.memory_space<hbm>>) dst(%arg8 : memref<2x128xi32, #tpu.memory_space<vmem>>)
        %dma_start3A_545 = arith.constant 0 : i32
        %dma_start3A_546 = arith.constant 0 : i32
        %dma_start3A_547 = tpu.memref_slice %arg8[%dma_start3A_545, %dma_start3A_546] : memref<2x128xi32, #tpu.memory_space<vmem>> -> memref<1x128xi32, #tpu.memory_space<vmem>>
        %dma_start3A_548 = tpu.memref_squeeze %dma_start3A_547 : memref<1x128xi32, #tpu.memory_space<vmem>> -> memref<128xi32, #tpu.memory_space<vmem>>
        %dma_start3A_549 = arith.constant 0 : i32
        %dma_start3A_550 = arith.constant 0 : i32
        %dma_start3A_551 = tpu.memref_slice %arg2[%arg0, %dma_start3A_549, %dma_start3A_550] : memref<2x10240x128xf32, #tpu.memory_space<hbm>> -> memref<1x10240x128xf32, #tpu.memory_space<hbm>>
        %dma_start3A_552 = tpu.memref_squeeze %dma_start3A_551 : memref<1x10240x128xf32, #tpu.memory_space<hbm>> -> memref<10240x128xf32, #tpu.memory_space<hbm>>
        %dma_start3A_553 = arith.constant 0 : i32
        %dma_start3A_554 = arith.constant 0 : i32
        %dma_start3A_555 = tpu.memref_slice %dma_start3A_552[%dma_start3A_553, %dma_start3A_554] : memref<10240x128xf32, #tpu.memory_space<hbm>> -> memref<10240x128xf32, #tpu.memory_space<hbm>>
        tpu.enqueue_indirect_dma source(%dma_start3A_555 : memref<10240x128xf32, #tpu.memory_space<hbm>>) target(%arg9 : memref<128x128xf32, #tpu.memory_space<vmem>>) offsets(%dma_start3A_548 : memref<128xi32, #tpu.memory_space<vmem>>) semaphore(%arg16 : memref<!tpu.dma_semaphore, #tpu.memory_space<semaphore_mem>>)
      } else {
      }
      %add3A_183 = arith.constant 2 : i32
      %add3A_184 = arith.addi %add3A_175, %add3A_183 : i32
      %lt3A_185 = arith.constant 157 : i32
      %lt3A_186 = arith.cmpi slt, %add3A_184, %lt3A_185 : i32
      %convert_element_type3A_187 = arith.extui %lt3A_186 : i1 to i32
      %cond3A_188 = arith.constant 0 : i32
      %cond3A_189 = arith.cmpi ne, %convert_element_type3A_187, %cond3A_188 : i32
      scf.if %cond3A_189 {
        %add3A_532 = arith.constant 2 : i32
        %add3A_533 = arith.addi %add3A_175, %add3A_532 : i32
        %dma_start3A_534 = arith.constant 0 : i32
        %dma_start3A_535 = arith.constant 0 : i32
        %dma_start3A_536 = tpu.memref_slice %arg3[%arg0, %arg1, %add3A_533, %dma_start3A_534, %dma_start3A_535] : memref<2x16x157x2x128xi32, #tpu.memory_space<hbm>> -> memref<1x1x1x2x128xi32, #tpu.memory_space<hbm>>
        %dma_start3A_537 = tpu.memref_squeeze %dma_start3A_536 : memref<1x1x1x2x128xi32, #tpu.memory_space<hbm>> -> memref<2x128xi32, #tpu.memory_space<hbm>>
        %dma_start3A_538 = arith.constant 0 : i32
        %dma_start3A_539 = arith.constant 0 : i32
        %dma_start3A_540 = tpu.memref_slice %arg3[%arg0, %arg1, %add3A_533, %dma_start3A_538, %dma_start3A_539] : memref<2x16x157x2x128xi32, #tpu.memory_space<hbm>> -> memref<1x1x1x2x128xi32, #tpu.memory_space<hbm>>
        %dma_start3A_541 = tpu.memref_squeeze %dma_start3A_540 : memref<1x1x1x2x128xi32, #tpu.memory_space<hbm>> -> memref<2x128xi32, #tpu.memory_space<hbm>>
        tpu.enqueue_dma source(%dma_start3A_541 : memref<2x128xi32, #tpu.memory_space<hbm>>) target(%arg5 : memref<2x128xi32, #tpu.memory_space<vmem>>) target_semaphore(%arg12 : memref<!tpu.dma_semaphore, #tpu.memory_space<semaphore_mem>>)
      } else {
      }
      %dma_wait3A_190 = arith.constant 0 : i32
      %dma_wait3A_191 = arith.constant 0 : i32
      %dma_wait3A_192 = tpu.memref_slice %arg5[%dma_wait3A_190, %dma_wait3A_191] : memref<2x128xi32, #tpu.memory_space<vmem>> -> memref<1x128xi32, #tpu.memory_space<vmem>>
      %dma_wait3A_193 = tpu.memref_squeeze %dma_wait3A_192 : memref<1x128xi32, #tpu.memory_space<vmem>> -> memref<128xi32, #tpu.memory_space<vmem>>
      %dma_wait3A_194 = arith.constant 0 : i32
      %dma_wait3A_195 = arith.constant 0 : i32
      %dma_wait3A_196 = tpu.memref_slice %arg2[%arg0, %dma_wait3A_194, %dma_wait3A_195] : memref<2x10240x128xf32, #tpu.memory_space<hbm>> -> memref<1x10240x128xf32, #tpu.memory_space<hbm>>
      %dma_wait3A_197 = tpu.memref_squeeze %dma_wait3A_196 : memref<1x10240x128xf32, #tpu.memory_space<hbm>> -> memref<10240x128xf32, #tpu.memory_space<hbm>>
      %dma_wait3A_198 = arith.constant 0 : i32
      %dma_wait3A_199 = arith.constant 0 : i32
      %dma_wait3A_200 = tpu.memref_slice %dma_wait3A_197[%dma_wait3A_198, %dma_wait3A_199] : memref<10240x128xf32, #tpu.memory_space<hbm>> -> memref<10240x128xf32, #tpu.memory_space<hbm>>
      tpu.wait_indirect_dma semaphore(%arg18 : memref<!tpu.dma_semaphore, #tpu.memory_space<semaphore_mem>>) src(%dma_wait3A_200 : memref<10240x128xf32, #tpu.memory_space<hbm>>) dst(%arg11 : memref<128x128xf32, #tpu.memory_space<vmem>>)
      %dma_start3A_201 = arith.constant 1 : i32
      %dma_start3A_202 = arith.constant 0 : i32
      %dma_start3A_203 = tpu.memref_slice %arg7[%dma_start3A_201, %dma_start3A_202] : memref<2x128xi32, #tpu.memory_space<vmem>> -> memref<1x128xi32, #tpu.memory_space<vmem>>
      %dma_start3A_204 = tpu.memref_squeeze %dma_start3A_203 : memref<1x128xi32, #tpu.memory_space<vmem>> -> memref<128xi32, #tpu.memory_space<vmem>>
      %dma_start3A_205 = arith.constant 0 : i32
      %dma_start3A_206 = arith.constant 0 : i32
      %dma_start3A_207 = tpu.memref_slice %arg22[%dma_start3A_205, %dma_start3A_206] : memref<10112x128xf32, #tpu.memory_space<vmem_shared>> -> memref<10112x128xf32, #tpu.memory_space<vmem_shared>>
      tpu.enqueue_indirect_dma source(%arg11 : memref<128x128xf32, #tpu.memory_space<vmem>>) target(%dma_start3A_207 : memref<10112x128xf32, #tpu.memory_space<vmem_shared>>) offsets(%dma_start3A_204 : memref<128xi32, #tpu.memory_space<vmem>>) semaphore(%arg21 : memref<!tpu.dma_semaphore, #tpu.memory_space<semaphore_mem>>) {add = true}
      %mul3A_208 = arith.constant 12 : i32
      %mul3A_209 = arith.muli %add3A_102, %mul3A_208 : i32
      %add3A_210 = arith.constant 3 : i32
      %add3A_211 = arith.addi %mul3A_209, %add3A_210 : i32
      %add3A_212 = arith.constant 1 : i32
      %add3A_213 = arith.addi %add3A_211, %add3A_212 : i32
      %lt3A_214 = arith.constant 157 : i32
      %lt3A_215 = arith.cmpi slt, %add3A_213, %lt3A_214 : i32
      %convert_element_type3A_216 = arith.extui %lt3A_215 : i1 to i32
      %cond3A_217 = arith.constant 0 : i32
      %cond3A_218 = arith.cmpi ne, %convert_element_type3A_216, %cond3A_217 : i32
      scf.if %cond3A_218 {
        %ge3A = arith.constant 2 : i32
        %ge3A_532 = arith.cmpi sge, %add3A_211, %ge3A : i32
        %convert_element_type3A_533 = arith.extui %ge3A_532 : i1 to i32
        %cond3A_534 = arith.constant 0 : i32
        %cond3A_535 = arith.cmpi ne, %convert_element_type3A_533, %cond3A_534 : i32
        scf.if %cond3A_535 {
          %dma_wait3A_556 = arith.constant 1 : i32
          %dma_wait3A_557 = arith.constant 0 : i32
          %dma_wait3A_558 = tpu.memref_slice %arg5[%dma_wait3A_556, %dma_wait3A_557] : memref<2x128xi32, #tpu.memory_space<vmem>> -> memref<1x128xi32, #tpu.memory_space<vmem>>
          %dma_wait3A_559 = tpu.memref_squeeze %dma_wait3A_558 : memref<1x128xi32, #tpu.memory_space<vmem>> -> memref<128xi32, #tpu.memory_space<vmem>>
          %dma_wait3A_560 = arith.constant 0 : i32
          %dma_wait3A_561 = arith.constant 0 : i32
          %dma_wait3A_562 = tpu.memref_slice %arg22[%dma_wait3A_560, %dma_wait3A_561] : memref<10112x128xf32, #tpu.memory_space<vmem_shared>> -> memref<10112x128xf32, #tpu.memory_space<vmem_shared>>
          tpu.wait_indirect_dma semaphore(%arg20 : memref<!tpu.dma_semaphore, #tpu.memory_space<semaphore_mem>>) src(%arg10 : memref<128x128xf32, #tpu.memory_space<vmem>>) dst(%dma_wait3A_562 : memref<10112x128xf32, #tpu.memory_space<vmem_shared>>)
        } else {
        }
        %dma_wait3A_536 = arith.constant 0 : i32
        %dma_wait3A_537 = arith.constant 0 : i32
        %dma_wait3A_538 = arith.constant 0 : i32
        %dma_wait3A_539 = tpu.memref_slice %arg3[%arg0, %arg1, %dma_wait3A_536, %dma_wait3A_537, %dma_wait3A_538] : memref<2x16x157x2x128xi32, #tpu.memory_space<hbm>> -> memref<1x1x1x2x128xi32, #tpu.memory_space<hbm>>
        %dma_wait3A_540 = tpu.memref_squeeze %dma_wait3A_539 : memref<1x1x1x2x128xi32, #tpu.memory_space<hbm>> -> memref<2x128xi32, #tpu.memory_space<hbm>>
        %dma_wait3A_541 = arith.constant 0 : i32
        %dma_wait3A_542 = arith.constant 0 : i32
        %dma_wait3A_543 = tpu.memref_slice %arg3[%arg0, %arg1, %dma_wait3A_536, %dma_wait3A_541, %dma_wait3A_542] : memref<2x16x157x2x128xi32, #tpu.memory_space<hbm>> -> memref<1x1x1x2x128xi32, #tpu.memory_space<hbm>>
        %dma_wait3A_544 = tpu.memref_squeeze %dma_wait3A_543 : memref<1x1x1x2x128xi32, #tpu.memory_space<hbm>> -> memref<2x128xi32, #tpu.memory_space<hbm>>
        tpu.wait_dma2 semaphore(%arg12 : memref<!tpu.dma_semaphore, #tpu.memory_space<semaphore_mem>>) src(%dma_wait3A_544 : memref<2x128xi32, #tpu.memory_space<hbm>>) dst(%arg5 : memref<2x128xi32, #tpu.memory_space<vmem>>)
        %dma_start3A_545 = arith.constant 0 : i32
        %dma_start3A_546 = arith.constant 0 : i32
        %dma_start3A_547 = tpu.memref_slice %arg5[%dma_start3A_545, %dma_start3A_546] : memref<2x128xi32, #tpu.memory_space<vmem>> -> memref<1x128xi32, #tpu.memory_space<vmem>>
        %dma_start3A_548 = tpu.memref_squeeze %dma_start3A_547 : memref<1x128xi32, #tpu.memory_space<vmem>> -> memref<128xi32, #tpu.memory_space<vmem>>
        %dma_start3A_549 = arith.constant 0 : i32
        %dma_start3A_550 = arith.constant 0 : i32
        %dma_start3A_551 = tpu.memref_slice %arg2[%arg0, %dma_start3A_549, %dma_start3A_550] : memref<2x10240x128xf32, #tpu.memory_space<hbm>> -> memref<1x10240x128xf32, #tpu.memory_space<hbm>>
        %dma_start3A_552 = tpu.memref_squeeze %dma_start3A_551 : memref<1x10240x128xf32, #tpu.memory_space<hbm>> -> memref<10240x128xf32, #tpu.memory_space<hbm>>
        %dma_start3A_553 = arith.constant 0 : i32
        %dma_start3A_554 = arith.constant 0 : i32
        %dma_start3A_555 = tpu.memref_slice %dma_start3A_552[%dma_start3A_553, %dma_start3A_554] : memref<10240x128xf32, #tpu.memory_space<hbm>> -> memref<10240x128xf32, #tpu.memory_space<hbm>>
        tpu.enqueue_indirect_dma source(%dma_start3A_555 : memref<10240x128xf32, #tpu.memory_space<hbm>>) target(%arg10 : memref<128x128xf32, #tpu.memory_space<vmem>>) offsets(%dma_start3A_548 : memref<128xi32, #tpu.memory_space<vmem>>) semaphore(%arg17 : memref<!tpu.dma_semaphore, #tpu.memory_space<semaphore_mem>>)
      } else {
      }
      %add3A_219 = arith.constant 2 : i32
      %add3A_220 = arith.addi %add3A_211, %add3A_219 : i32
      %lt3A_221 = arith.constant 157 : i32
      %lt3A_222 = arith.cmpi slt, %add3A_220, %lt3A_221 : i32
      %convert_element_type3A_223 = arith.extui %lt3A_222 : i1 to i32
      %cond3A_224 = arith.constant 0 : i32
      %cond3A_225 = arith.cmpi ne, %convert_element_type3A_223, %cond3A_224 : i32
      scf.if %cond3A_225 {
        %add3A_532 = arith.constant 2 : i32
        %add3A_533 = arith.addi %add3A_211, %add3A_532 : i32
        %dma_start3A_534 = arith.constant 0 : i32
        %dma_start3A_535 = arith.constant 0 : i32
        %dma_start3A_536 = tpu.memref_slice %arg3[%arg0, %arg1, %add3A_533, %dma_start3A_534, %dma_start3A_535] : memref<2x16x157x2x128xi32, #tpu.memory_space<hbm>> -> memref<1x1x1x2x128xi32, #tpu.memory_space<hbm>>
        %dma_start3A_537 = tpu.memref_squeeze %dma_start3A_536 : memref<1x1x1x2x128xi32, #tpu.memory_space<hbm>> -> memref<2x128xi32, #tpu.memory_space<hbm>>
        %dma_start3A_538 = arith.constant 0 : i32
        %dma_start3A_539 = arith.constant 0 : i32
        %dma_start3A_540 = tpu.memref_slice %arg3[%arg0, %arg1, %add3A_533, %dma_start3A_538, %dma_start3A_539] : memref<2x16x157x2x128xi32, #tpu.memory_space<hbm>> -> memref<1x1x1x2x128xi32, #tpu.memory_space<hbm>>
        %dma_start3A_541 = tpu.memref_squeeze %dma_start3A_540 : memref<1x1x1x2x128xi32, #tpu.memory_space<hbm>> -> memref<2x128xi32, #tpu.memory_space<hbm>>
        tpu.enqueue_dma source(%dma_start3A_541 : memref<2x128xi32, #tpu.memory_space<hbm>>) target(%arg6 : memref<2x128xi32, #tpu.memory_space<vmem>>) target_semaphore(%arg13 : memref<!tpu.dma_semaphore, #tpu.memory_space<semaphore_mem>>)
      } else {
      }
      %dma_wait3A_226 = arith.constant 0 : i32
      %dma_wait3A_227 = arith.constant 0 : i32
      %dma_wait3A_228 = tpu.memref_slice %arg5[%dma_wait3A_226, %dma_wait3A_227] : memref<2x128xi32, #tpu.memory_space<vmem>> -> memref<1x128xi32, #tpu.memory_space<vmem>>
      %dma_wait3A_229 = tpu.memref_squeeze %dma_wait3A_228 : memref<1x128xi32, #tpu.memory_space<vmem>> -> memref<128xi32, #tpu.memory_space<vmem>>
      %dma_wait3A_230 = arith.constant 0 : i32
      %dma_wait3A_231 = arith.constant 0 : i32
      %dma_wait3A_232 = tpu.memref_slice %arg2[%arg0, %dma_wait3A_230, %dma_wait3A_231] : memref<2x10240x128xf32, #tpu.memory_space<hbm>> -> memref<1x10240x128xf32, #tpu.memory_space<hbm>>
      %dma_wait3A_233 = tpu.memref_squeeze %dma_wait3A_232 : memref<1x10240x128xf32, #tpu.memory_space<hbm>> -> memref<10240x128xf32, #tpu.memory_space<hbm>>
      %dma_wait3A_234 = arith.constant 0 : i32
      %dma_wait3A_235 = arith.constant 0 : i32
      %dma_wait3A_236 = tpu.memref_slice %dma_wait3A_233[%dma_wait3A_234, %dma_wait3A_235] : memref<10240x128xf32, #tpu.memory_space<hbm>> -> memref<10240x128xf32, #tpu.memory_space<hbm>>
      tpu.wait_indirect_dma semaphore(%arg16 : memref<!tpu.dma_semaphore, #tpu.memory_space<semaphore_mem>>) src(%dma_wait3A_236 : memref<10240x128xf32, #tpu.memory_space<hbm>>) dst(%arg9 : memref<128x128xf32, #tpu.memory_space<vmem>>)
      %dma_start3A_237 = arith.constant 1 : i32
      %dma_start3A_238 = arith.constant 0 : i32
      %dma_start3A_239 = tpu.memref_slice %arg8[%dma_start3A_237, %dma_start3A_238] : memref<2x128xi32, #tpu.memory_space<vmem>> -> memref<1x128xi32, #tpu.memory_space<vmem>>
      %dma_start3A_240 = tpu.memref_squeeze %dma_start3A_239 : memref<1x128xi32, #tpu.memory_space<vmem>> -> memref<128xi32, #tpu.memory_space<vmem>>
      %dma_start3A_241 = arith.constant 0 : i32
      %dma_start3A_242 = arith.constant 0 : i32
      %dma_start3A_243 = tpu.memref_slice %arg22[%dma_start3A_241, %dma_start3A_242] : memref<10112x128xf32, #tpu.memory_space<vmem_shared>> -> memref<10112x128xf32, #tpu.memory_space<vmem_shared>>
      tpu.enqueue_indirect_dma source(%arg9 : memref<128x128xf32, #tpu.memory_space<vmem>>) target(%dma_start3A_243 : memref<10112x128xf32, #tpu.memory_space<vmem_shared>>) offsets(%dma_start3A_240 : memref<128xi32, #tpu.memory_space<vmem>>) semaphore(%arg19 : memref<!tpu.dma_semaphore, #tpu.memory_space<semaphore_mem>>) {add = true}
      %mul3A_244 = arith.constant 12 : i32
      %mul3A_245 = arith.muli %add3A_102, %mul3A_244 : i32
      %add3A_246 = arith.constant 4 : i32
      %add3A_247 = arith.addi %mul3A_245, %add3A_246 : i32
      %add3A_248 = arith.constant 1 : i32
      %add3A_249 = arith.addi %add3A_247, %add3A_248 : i32
      %lt3A_250 = arith.constant 157 : i32
      %lt3A_251 = arith.cmpi slt, %add3A_249, %lt3A_250 : i32
      %convert_element_type3A_252 = arith.extui %lt3A_251 : i1 to i32
      %cond3A_253 = arith.constant 0 : i32
      %cond3A_254 = arith.cmpi ne, %convert_element_type3A_252, %cond3A_253 : i32
      scf.if %cond3A_254 {
        %ge3A = arith.constant 2 : i32
        %ge3A_532 = arith.cmpi sge, %add3A_247, %ge3A : i32
        %convert_element_type3A_533 = arith.extui %ge3A_532 : i1 to i32
        %cond3A_534 = arith.constant 0 : i32
        %cond3A_535 = arith.cmpi ne, %convert_element_type3A_533, %cond3A_534 : i32
        scf.if %cond3A_535 {
          %dma_wait3A_556 = arith.constant 1 : i32
          %dma_wait3A_557 = arith.constant 0 : i32
          %dma_wait3A_558 = tpu.memref_slice %arg5[%dma_wait3A_556, %dma_wait3A_557] : memref<2x128xi32, #tpu.memory_space<vmem>> -> memref<1x128xi32, #tpu.memory_space<vmem>>
          %dma_wait3A_559 = tpu.memref_squeeze %dma_wait3A_558 : memref<1x128xi32, #tpu.memory_space<vmem>> -> memref<128xi32, #tpu.memory_space<vmem>>
          %dma_wait3A_560 = arith.constant 0 : i32
          %dma_wait3A_561 = arith.constant 0 : i32
          %dma_wait3A_562 = tpu.memref_slice %arg22[%dma_wait3A_560, %dma_wait3A_561] : memref<10112x128xf32, #tpu.memory_space<vmem_shared>> -> memref<10112x128xf32, #tpu.memory_space<vmem_shared>>
          tpu.wait_indirect_dma semaphore(%arg21 : memref<!tpu.dma_semaphore, #tpu.memory_space<semaphore_mem>>) src(%arg11 : memref<128x128xf32, #tpu.memory_space<vmem>>) dst(%dma_wait3A_562 : memref<10112x128xf32, #tpu.memory_space<vmem_shared>>)
        } else {
        }
        %dma_wait3A_536 = arith.constant 0 : i32
        %dma_wait3A_537 = arith.constant 0 : i32
        %dma_wait3A_538 = arith.constant 0 : i32
        %dma_wait3A_539 = tpu.memref_slice %arg3[%arg0, %arg1, %dma_wait3A_536, %dma_wait3A_537, %dma_wait3A_538] : memref<2x16x157x2x128xi32, #tpu.memory_space<hbm>> -> memref<1x1x1x2x128xi32, #tpu.memory_space<hbm>>
        %dma_wait3A_540 = tpu.memref_squeeze %dma_wait3A_539 : memref<1x1x1x2x128xi32, #tpu.memory_space<hbm>> -> memref<2x128xi32, #tpu.memory_space<hbm>>
        %dma_wait3A_541 = arith.constant 0 : i32
        %dma_wait3A_542 = arith.constant 0 : i32
        %dma_wait3A_543 = tpu.memref_slice %arg3[%arg0, %arg1, %dma_wait3A_536, %dma_wait3A_541, %dma_wait3A_542] : memref<2x16x157x2x128xi32, #tpu.memory_space<hbm>> -> memref<1x1x1x2x128xi32, #tpu.memory_space<hbm>>
        %dma_wait3A_544 = tpu.memref_squeeze %dma_wait3A_543 : memref<1x1x1x2x128xi32, #tpu.memory_space<hbm>> -> memref<2x128xi32, #tpu.memory_space<hbm>>
        tpu.wait_dma2 semaphore(%arg13 : memref<!tpu.dma_semaphore, #tpu.memory_space<semaphore_mem>>) src(%dma_wait3A_544 : memref<2x128xi32, #tpu.memory_space<hbm>>) dst(%arg6 : memref<2x128xi32, #tpu.memory_space<vmem>>)
        %dma_start3A_545 = arith.constant 0 : i32
        %dma_start3A_546 = arith.constant 0 : i32
        %dma_start3A_547 = tpu.memref_slice %arg6[%dma_start3A_545, %dma_start3A_546] : memref<2x128xi32, #tpu.memory_space<vmem>> -> memref<1x128xi32, #tpu.memory_space<vmem>>
        %dma_start3A_548 = tpu.memref_squeeze %dma_start3A_547 : memref<1x128xi32, #tpu.memory_space<vmem>> -> memref<128xi32, #tpu.memory_space<vmem>>
        %dma_start3A_549 = arith.constant 0 : i32
        %dma_start3A_550 = arith.constant 0 : i32
        %dma_start3A_551 = tpu.memref_slice %arg2[%arg0, %dma_start3A_549, %dma_start3A_550] : memref<2x10240x128xf32, #tpu.memory_space<hbm>> -> memref<1x10240x128xf32, #tpu.memory_space<hbm>>
        %dma_start3A_552 = tpu.memref_squeeze %dma_start3A_551 : memref<1x10240x128xf32, #tpu.memory_space<hbm>> -> memref<10240x128xf32, #tpu.memory_space<hbm>>
        %dma_start3A_553 = arith.constant 0 : i32
        %dma_start3A_554 = arith.constant 0 : i32
        %dma_start3A_555 = tpu.memref_slice %dma_start3A_552[%dma_start3A_553, %dma_start3A_554] : memref<10240x128xf32, #tpu.memory_space<hbm>> -> memref<10240x128xf32, #tpu.memory_space<hbm>>
        tpu.enqueue_indirect_dma source(%dma_start3A_555 : memref<10240x128xf32, #tpu.memory_space<hbm>>) target(%arg11 : memref<128x128xf32, #tpu.memory_space<vmem>>) offsets(%dma_start3A_548 : memref<128xi32, #tpu.memory_space<vmem>>) semaphore(%arg18 : memref<!tpu.dma_semaphore, #tpu.memory_space<semaphore_mem>>)
      } else {
      }
      %add3A_255 = arith.constant 2 : i32
      %add3A_256 = arith.addi %add3A_247, %add3A_255 : i32
      %lt3A_257 = arith.constant 157 : i32
      %lt3A_258 = arith.cmpi slt, %add3A_256, %lt3A_257 : i32
      %convert_element_type3A_259 = arith.extui %lt3A_258 : i1 to i32
      %cond3A_260 = arith.constant 0 : i32
      %cond3A_261 = arith.cmpi ne, %convert_element_type3A_259, %cond3A_260 : i32
      scf.if %cond3A_261 {
        %add3A_532 = arith.constant 2 : i32
        %add3A_533 = arith.addi %add3A_247, %add3A_532 : i32
        %dma_start3A_534 = arith.constant 0 : i32
        %dma_start3A_535 = arith.constant 0 : i32
        %dma_start3A_536 = tpu.memref_slice %arg3[%arg0, %arg1, %add3A_533, %dma_start3A_534, %dma_start3A_535] : memref<2x16x157x2x128xi32, #tpu.memory_space<hbm>> -> memref<1x1x1x2x128xi32, #tpu.memory_space<hbm>>
        %dma_start3A_537 = tpu.memref_squeeze %dma_start3A_536 : memref<1x1x1x2x128xi32, #tpu.memory_space<hbm>> -> memref<2x128xi32, #tpu.memory_space<hbm>>
        %dma_start3A_538 = arith.constant 0 : i32
        %dma_start3A_539 = arith.constant 0 : i32
        %dma_start3A_540 = tpu.memref_slice %arg3[%arg0, %arg1, %add3A_533, %dma_start3A_538, %dma_start3A_539] : memref<2x16x157x2x128xi32, #tpu.memory_space<hbm>> -> memref<1x1x1x2x128xi32, #tpu.memory_space<hbm>>
        %dma_start3A_541 = tpu.memref_squeeze %dma_start3A_540 : memref<1x1x1x2x128xi32, #tpu.memory_space<hbm>> -> memref<2x128xi32, #tpu.memory_space<hbm>>
        tpu.enqueue_dma source(%dma_start3A_541 : memref<2x128xi32, #tpu.memory_space<hbm>>) target(%arg7 : memref<2x128xi32, #tpu.memory_space<vmem>>) target_semaphore(%arg14 : memref<!tpu.dma_semaphore, #tpu.memory_space<semaphore_mem>>)
      } else {
      }
      %dma_wait3A_262 = arith.constant 0 : i32
      %dma_wait3A_263 = arith.constant 0 : i32
      %dma_wait3A_264 = tpu.memref_slice %arg5[%dma_wait3A_262, %dma_wait3A_263] : memref<2x128xi32, #tpu.memory_space<vmem>> -> memref<1x128xi32, #tpu.memory_space<vmem>>
      %dma_wait3A_265 = tpu.memref_squeeze %dma_wait3A_264 : memref<1x128xi32, #tpu.memory_space<vmem>> -> memref<128xi32, #tpu.memory_space<vmem>>
      %dma_wait3A_266 = arith.constant 0 : i32
      %dma_wait3A_267 = arith.constant 0 : i32
      %dma_wait3A_268 = tpu.memref_slice %arg2[%arg0, %dma_wait3A_266, %dma_wait3A_267] : memref<2x10240x128xf32, #tpu.memory_space<hbm>> -> memref<1x10240x128xf32, #tpu.memory_space<hbm>>
      %dma_wait3A_269 = tpu.memref_squeeze %dma_wait3A_268 : memref<1x10240x128xf32, #tpu.memory_space<hbm>> -> memref<10240x128xf32, #tpu.memory_space<hbm>>
      %dma_wait3A_270 = arith.constant 0 : i32
      %dma_wait3A_271 = arith.constant 0 : i32
      %dma_wait3A_272 = tpu.memref_slice %dma_wait3A_269[%dma_wait3A_270, %dma_wait3A_271] : memref<10240x128xf32, #tpu.memory_space<hbm>> -> memref<10240x128xf32, #tpu.memory_space<hbm>>
      tpu.wait_indirect_dma semaphore(%arg17 : memref<!tpu.dma_semaphore, #tpu.memory_space<semaphore_mem>>) src(%dma_wait3A_272 : memref<10240x128xf32, #tpu.memory_space<hbm>>) dst(%arg10 : memref<128x128xf32, #tpu.memory_space<vmem>>)
      %dma_start3A_273 = arith.constant 1 : i32
      %dma_start3A_274 = arith.constant 0 : i32
      %dma_start3A_275 = tpu.memref_slice %arg5[%dma_start3A_273, %dma_start3A_274] : memref<2x128xi32, #tpu.memory_space<vmem>> -> memref<1x128xi32, #tpu.memory_space<vmem>>
      %dma_start3A_276 = tpu.memref_squeeze %dma_start3A_275 : memref<1x128xi32, #tpu.memory_space<vmem>> -> memref<128xi32, #tpu.memory_space<vmem>>
      %dma_start3A_277 = arith.constant 0 : i32
      %dma_start3A_278 = arith.constant 0 : i32
      %dma_start3A_279 = tpu.memref_slice %arg22[%dma_start3A_277, %dma_start3A_278] : memref<10112x128xf32, #tpu.memory_space<vmem_shared>> -> memref<10112x128xf32, #tpu.memory_space<vmem_shared>>
      tpu.enqueue_indirect_dma source(%arg10 : memref<128x128xf32, #tpu.memory_space<vmem>>) target(%dma_start3A_279 : memref<10112x128xf32, #tpu.memory_space<vmem_shared>>) offsets(%dma_start3A_276 : memref<128xi32, #tpu.memory_space<vmem>>) semaphore(%arg20 : memref<!tpu.dma_semaphore, #tpu.memory_space<semaphore_mem>>) {add = true}
      %mul3A_280 = arith.constant 12 : i32
      %mul3A_281 = arith.muli %add3A_102, %mul3A_280 : i32
      %add3A_282 = arith.constant 5 : i32
      %add3A_283 = arith.addi %mul3A_281, %add3A_282 : i32
      %add3A_284 = arith.constant 1 : i32
      %add3A_285 = arith.addi %add3A_283, %add3A_284 : i32
      %lt3A_286 = arith.constant 157 : i32
      %lt3A_287 = arith.cmpi slt, %add3A_285, %lt3A_286 : i32
      %convert_element_type3A_288 = arith.extui %lt3A_287 : i1 to i32
      %cond3A_289 = arith.constant 0 : i32
      %cond3A_290 = arith.cmpi ne, %convert_element_type3A_288, %cond3A_289 : i32
      scf.if %cond3A_290 {
        %ge3A = arith.constant 2 : i32
        %ge3A_532 = arith.cmpi sge, %add3A_283, %ge3A : i32
        %convert_element_type3A_533 = arith.extui %ge3A_532 : i1 to i32
        %cond3A_534 = arith.constant 0 : i32
        %cond3A_535 = arith.cmpi ne, %convert_element_type3A_533, %cond3A_534 : i32
        scf.if %cond3A_535 {
          %dma_wait3A_556 = arith.constant 1 : i32
          %dma_wait3A_557 = arith.constant 0 : i32
          %dma_wait3A_558 = tpu.memref_slice %arg5[%dma_wait3A_556, %dma_wait3A_557] : memref<2x128xi32, #tpu.memory_space<vmem>> -> memref<1x128xi32, #tpu.memory_space<vmem>>
          %dma_wait3A_559 = tpu.memref_squeeze %dma_wait3A_558 : memref<1x128xi32, #tpu.memory_space<vmem>> -> memref<128xi32, #tpu.memory_space<vmem>>
          %dma_wait3A_560 = arith.constant 0 : i32
          %dma_wait3A_561 = arith.constant 0 : i32
          %dma_wait3A_562 = tpu.memref_slice %arg22[%dma_wait3A_560, %dma_wait3A_561] : memref<10112x128xf32, #tpu.memory_space<vmem_shared>> -> memref<10112x128xf32, #tpu.memory_space<vmem_shared>>
          tpu.wait_indirect_dma semaphore(%arg19 : memref<!tpu.dma_semaphore, #tpu.memory_space<semaphore_mem>>) src(%arg9 : memref<128x128xf32, #tpu.memory_space<vmem>>) dst(%dma_wait3A_562 : memref<10112x128xf32, #tpu.memory_space<vmem_shared>>)
        } else {
        }
        %dma_wait3A_536 = arith.constant 0 : i32
        %dma_wait3A_537 = arith.constant 0 : i32
        %dma_wait3A_538 = arith.constant 0 : i32
        %dma_wait3A_539 = tpu.memref_slice %arg3[%arg0, %arg1, %dma_wait3A_536, %dma_wait3A_537, %dma_wait3A_538] : memref<2x16x157x2x128xi32, #tpu.memory_space<hbm>> -> memref<1x1x1x2x128xi32, #tpu.memory_space<hbm>>
        %dma_wait3A_540 = tpu.memref_squeeze %dma_wait3A_539 : memref<1x1x1x2x128xi32, #tpu.memory_space<hbm>> -> memref<2x128xi32, #tpu.memory_space<hbm>>
        %dma_wait3A_541 = arith.constant 0 : i32
        %dma_wait3A_542 = arith.constant 0 : i32
        %dma_wait3A_543 = tpu.memref_slice %arg3[%arg0, %arg1, %dma_wait3A_536, %dma_wait3A_541, %dma_wait3A_542] : memref<2x16x157x2x128xi32, #tpu.memory_space<hbm>> -> memref<1x1x1x2x128xi32, #tpu.memory_space<hbm>>
        %dma_wait3A_544 = tpu.memref_squeeze %dma_wait3A_543 : memref<1x1x1x2x128xi32, #tpu.memory_space<hbm>> -> memref<2x128xi32, #tpu.memory_space<hbm>>
        tpu.wait_dma2 semaphore(%arg14 : memref<!tpu.dma_semaphore, #tpu.memory_space<semaphore_mem>>) src(%dma_wait3A_544 : memref<2x128xi32, #tpu.memory_space<hbm>>) dst(%arg7 : memref<2x128xi32, #tpu.memory_space<vmem>>)
        %dma_start3A_545 = arith.constant 0 : i32
        %dma_start3A_546 = arith.constant 0 : i32
        %dma_start3A_547 = tpu.memref_slice %arg7[%dma_start3A_545, %dma_start3A_546] : memref<2x128xi32, #tpu.memory_space<vmem>> -> memref<1x128xi32, #tpu.memory_space<vmem>>
        %dma_start3A_548 = tpu.memref_squeeze %dma_start3A_547 : memref<1x128xi32, #tpu.memory_space<vmem>> -> memref<128xi32, #tpu.memory_space<vmem>>
        %dma_start3A_549 = arith.constant 0 : i32
        %dma_start3A_550 = arith.constant 0 : i32
        %dma_start3A_551 = tpu.memref_slice %arg2[%arg0, %dma_start3A_549, %dma_start3A_550] : memref<2x10240x128xf32, #tpu.memory_space<hbm>> -> memref<1x10240x128xf32, #tpu.memory_space<hbm>>
        %dma_start3A_552 = tpu.memref_squeeze %dma_start3A_551 : memref<1x10240x128xf32, #tpu.memory_space<hbm>> -> memref<10240x128xf32, #tpu.memory_space<hbm>>
        %dma_start3A_553 = arith.constant 0 : i32
        %dma_start3A_554 = arith.constant 0 : i32
        %dma_start3A_555 = tpu.memref_slice %dma_start3A_552[%dma_start3A_553, %dma_start3A_554] : memref<10240x128xf32, #tpu.memory_space<hbm>> -> memref<10240x128xf32, #tpu.memory_space<hbm>>
        tpu.enqueue_indirect_dma source(%dma_start3A_555 : memref<10240x128xf32, #tpu.memory_space<hbm>>) target(%arg9 : memref<128x128xf32, #tpu.memory_space<vmem>>) offsets(%dma_start3A_548 : memref<128xi32, #tpu.memory_space<vmem>>) semaphore(%arg16 : memref<!tpu.dma_semaphore, #tpu.memory_space<semaphore_mem>>)
      } else {
      }
      %add3A_291 = arith.constant 2 : i32
      %add3A_292 = arith.addi %add3A_283, %add3A_291 : i32
      %lt3A_293 = arith.constant 157 : i32
      %lt3A_294 = arith.cmpi slt, %add3A_292, %lt3A_293 : i32
      %convert_element_type3A_295 = arith.extui %lt3A_294 : i1 to i32
      %cond3A_296 = arith.constant 0 : i32
      %cond3A_297 = arith.cmpi ne, %convert_element_type3A_295, %cond3A_296 : i32
      scf.if %cond3A_297 {
        %add3A_532 = arith.constant 2 : i32
        %add3A_533 = arith.addi %add3A_283, %add3A_532 : i32
        %dma_start3A_534 = arith.constant 0 : i32
        %dma_start3A_535 = arith.constant 0 : i32
        %dma_start3A_536 = tpu.memref_slice %arg3[%arg0, %arg1, %add3A_533, %dma_start3A_534, %dma_start3A_535] : memref<2x16x157x2x128xi32, #tpu.memory_space<hbm>> -> memref<1x1x1x2x128xi32, #tpu.memory_space<hbm>>
        %dma_start3A_537 = tpu.memref_squeeze %dma_start3A_536 : memref<1x1x1x2x128xi32, #tpu.memory_space<hbm>> -> memref<2x128xi32, #tpu.memory_space<hbm>>
        %dma_start3A_538 = arith.constant 0 : i32
        %dma_start3A_539 = arith.constant 0 : i32
        %dma_start3A_540 = tpu.memref_slice %arg3[%arg0, %arg1, %add3A_533, %dma_start3A_538, %dma_start3A_539] : memref<2x16x157x2x128xi32, #tpu.memory_space<hbm>> -> memref<1x1x1x2x128xi32, #tpu.memory_space<hbm>>
        %dma_start3A_541 = tpu.memref_squeeze %dma_start3A_540 : memref<1x1x1x2x128xi32, #tpu.memory_space<hbm>> -> memref<2x128xi32, #tpu.memory_space<hbm>>
        tpu.enqueue_dma source(%dma_start3A_541 : memref<2x128xi32, #tpu.memory_space<hbm>>) target(%arg8 : memref<2x128xi32, #tpu.memory_space<vmem>>) target_semaphore(%arg15 : memref<!tpu.dma_semaphore, #tpu.memory_space<semaphore_mem>>)
      } else {
      }
      %dma_wait3A_298 = arith.constant 0 : i32
      %dma_wait3A_299 = arith.constant 0 : i32
      %dma_wait3A_300 = tpu.memref_slice %arg5[%dma_wait3A_298, %dma_wait3A_299] : memref<2x128xi32, #tpu.memory_space<vmem>> -> memref<1x128xi32, #tpu.memory_space<vmem>>
      %dma_wait3A_301 = tpu.memref_squeeze %dma_wait3A_300 : memref<1x128xi32, #tpu.memory_space<vmem>> -> memref<128xi32, #tpu.memory_space<vmem>>
      %dma_wait3A_302 = arith.constant 0 : i32
      %dma_wait3A_303 = arith.constant 0 : i32
      %dma_wait3A_304 = tpu.memref_slice %arg2[%arg0, %dma_wait3A_302, %dma_wait3A_303] : memref<2x10240x128xf32, #tpu.memory_space<hbm>> -> memref<1x10240x128xf32, #tpu.memory_space<hbm>>
      %dma_wait3A_305 = tpu.memref_squeeze %dma_wait3A_304 : memref<1x10240x128xf32, #tpu.memory_space<hbm>> -> memref<10240x128xf32, #tpu.memory_space<hbm>>
      %dma_wait3A_306 = arith.constant 0 : i32
      %dma_wait3A_307 = arith.constant 0 : i32
      %dma_wait3A_308 = tpu.memref_slice %dma_wait3A_305[%dma_wait3A_306, %dma_wait3A_307] : memref<10240x128xf32, #tpu.memory_space<hbm>> -> memref<10240x128xf32, #tpu.memory_space<hbm>>
      tpu.wait_indirect_dma semaphore(%arg18 : memref<!tpu.dma_semaphore, #tpu.memory_space<semaphore_mem>>) src(%dma_wait3A_308 : memref<10240x128xf32, #tpu.memory_space<hbm>>) dst(%arg11 : memref<128x128xf32, #tpu.memory_space<vmem>>)
      %dma_start3A_309 = arith.constant 1 : i32
      %dma_start3A_310 = arith.constant 0 : i32
      %dma_start3A_311 = tpu.memref_slice %arg6[%dma_start3A_309, %dma_start3A_310] : memref<2x128xi32, #tpu.memory_space<vmem>> -> memref<1x128xi32, #tpu.memory_space<vmem>>
      %dma_start3A_312 = tpu.memref_squeeze %dma_start3A_311 : memref<1x128xi32, #tpu.memory_space<vmem>> -> memref<128xi32, #tpu.memory_space<vmem>>
      %dma_start3A_313 = arith.constant 0 : i32
      %dma_start3A_314 = arith.constant 0 : i32
      %dma_start3A_315 = tpu.memref_slice %arg22[%dma_start3A_313, %dma_start3A_314] : memref<10112x128xf32, #tpu.memory_space<vmem_shared>> -> memref<10112x128xf32, #tpu.memory_space<vmem_shared>>
      tpu.enqueue_indirect_dma source(%arg11 : memref<128x128xf32, #tpu.memory_space<vmem>>) target(%dma_start3A_315 : memref<10112x128xf32, #tpu.memory_space<vmem_shared>>) offsets(%dma_start3A_312 : memref<128xi32, #tpu.memory_space<vmem>>) semaphore(%arg21 : memref<!tpu.dma_semaphore, #tpu.memory_space<semaphore_mem>>) {add = true}
      %mul3A_316 = arith.constant 12 : i32
      %mul3A_317 = arith.muli %add3A_102, %mul3A_316 : i32
      %add3A_318 = arith.constant 6 : i32
      %add3A_319 = arith.addi %mul3A_317, %add3A_318 : i32
      %add3A_320 = arith.constant 1 : i32
      %add3A_321 = arith.addi %add3A_319, %add3A_320 : i32
      %lt3A_322 = arith.constant 157 : i32
      %lt3A_323 = arith.cmpi slt, %add3A_321, %lt3A_322 : i32
      %convert_element_type3A_324 = arith.extui %lt3A_323 : i1 to i32
      %cond3A_325 = arith.constant 0 : i32
      %cond3A_326 = arith.cmpi ne, %convert_element_type3A_324, %cond3A_325 : i32
      scf.if %cond3A_326 {
        %ge3A = arith.constant 2 : i32
        %ge3A_532 = arith.cmpi sge, %add3A_319, %ge3A : i32
        %convert_element_type3A_533 = arith.extui %ge3A_532 : i1 to i32
        %cond3A_534 = arith.constant 0 : i32
        %cond3A_535 = arith.cmpi ne, %convert_element_type3A_533, %cond3A_534 : i32
        scf.if %cond3A_535 {
          %dma_wait3A_556 = arith.constant 1 : i32
          %dma_wait3A_557 = arith.constant 0 : i32
          %dma_wait3A_558 = tpu.memref_slice %arg5[%dma_wait3A_556, %dma_wait3A_557] : memref<2x128xi32, #tpu.memory_space<vmem>> -> memref<1x128xi32, #tpu.memory_space<vmem>>
          %dma_wait3A_559 = tpu.memref_squeeze %dma_wait3A_558 : memref<1x128xi32, #tpu.memory_space<vmem>> -> memref<128xi32, #tpu.memory_space<vmem>>
          %dma_wait3A_560 = arith.constant 0 : i32
          %dma_wait3A_561 = arith.constant 0 : i32
          %dma_wait3A_562 = tpu.memref_slice %arg22[%dma_wait3A_560, %dma_wait3A_561] : memref<10112x128xf32, #tpu.memory_space<vmem_shared>> -> memref<10112x128xf32, #tpu.memory_space<vmem_shared>>
          tpu.wait_indirect_dma semaphore(%arg20 : memref<!tpu.dma_semaphore, #tpu.memory_space<semaphore_mem>>) src(%arg10 : memref<128x128xf32, #tpu.memory_space<vmem>>) dst(%dma_wait3A_562 : memref<10112x128xf32, #tpu.memory_space<vmem_shared>>)
        } else {
        }
        %dma_wait3A_536 = arith.constant 0 : i32
        %dma_wait3A_537 = arith.constant 0 : i32
        %dma_wait3A_538 = arith.constant 0 : i32
        %dma_wait3A_539 = tpu.memref_slice %arg3[%arg0, %arg1, %dma_wait3A_536, %dma_wait3A_537, %dma_wait3A_538] : memref<2x16x157x2x128xi32, #tpu.memory_space<hbm>> -> memref<1x1x1x2x128xi32, #tpu.memory_space<hbm>>
        %dma_wait3A_540 = tpu.memref_squeeze %dma_wait3A_539 : memref<1x1x1x2x128xi32, #tpu.memory_space<hbm>> -> memref<2x128xi32, #tpu.memory_space<hbm>>
        %dma_wait3A_541 = arith.constant 0 : i32
        %dma_wait3A_542 = arith.constant 0 : i32
        %dma_wait3A_543 = tpu.memref_slice %arg3[%arg0, %arg1, %dma_wait3A_536, %dma_wait3A_541, %dma_wait3A_542] : memref<2x16x157x2x128xi32, #tpu.memory_space<hbm>> -> memref<1x1x1x2x128xi32, #tpu.memory_space<hbm>>
        %dma_wait3A_544 = tpu.memref_squeeze %dma_wait3A_543 : memref<1x1x1x2x128xi32, #tpu.memory_space<hbm>> -> memref<2x128xi32, #tpu.memory_space<hbm>>
        tpu.wait_dma2 semaphore(%arg15 : memref<!tpu.dma_semaphore, #tpu.memory_space<semaphore_mem>>) src(%dma_wait3A_544 : memref<2x128xi32, #tpu.memory_space<hbm>>) dst(%arg8 : memref<2x128xi32, #tpu.memory_space<vmem>>)
        %dma_start3A_545 = arith.constant 0 : i32
        %dma_start3A_546 = arith.constant 0 : i32
        %dma_start3A_547 = tpu.memref_slice %arg8[%dma_start3A_545, %dma_start3A_546] : memref<2x128xi32, #tpu.memory_space<vmem>> -> memref<1x128xi32, #tpu.memory_space<vmem>>
        %dma_start3A_548 = tpu.memref_squeeze %dma_start3A_547 : memref<1x128xi32, #tpu.memory_space<vmem>> -> memref<128xi32, #tpu.memory_space<vmem>>
        %dma_start3A_549 = arith.constant 0 : i32
        %dma_start3A_550 = arith.constant 0 : i32
        %dma_start3A_551 = tpu.memref_slice %arg2[%arg0, %dma_start3A_549, %dma_start3A_550] : memref<2x10240x128xf32, #tpu.memory_space<hbm>> -> memref<1x10240x128xf32, #tpu.memory_space<hbm>>
        %dma_start3A_552 = tpu.memref_squeeze %dma_start3A_551 : memref<1x10240x128xf32, #tpu.memory_space<hbm>> -> memref<10240x128xf32, #tpu.memory_space<hbm>>
        %dma_start3A_553 = arith.constant 0 : i32
        %dma_start3A_554 = arith.constant 0 : i32
        %dma_start3A_555 = tpu.memref_slice %dma_start3A_552[%dma_start3A_553, %dma_start3A_554] : memref<10240x128xf32, #tpu.memory_space<hbm>> -> memref<10240x128xf32, #tpu.memory_space<hbm>>
        tpu.enqueue_indirect_dma source(%dma_start3A_555 : memref<10240x128xf32, #tpu.memory_space<hbm>>) target(%arg10 : memref<128x128xf32, #tpu.memory_space<vmem>>) offsets(%dma_start3A_548 : memref<128xi32, #tpu.memory_space<vmem>>) semaphore(%arg17 : memref<!tpu.dma_semaphore, #tpu.memory_space<semaphore_mem>>)
      } else {
      }
      %add3A_327 = arith.constant 2 : i32
      %add3A_328 = arith.addi %add3A_319, %add3A_327 : i32
      %lt3A_329 = arith.constant 157 : i32
      %lt3A_330 = arith.cmpi slt, %add3A_328, %lt3A_329 : i32
      %convert_element_type3A_331 = arith.extui %lt3A_330 : i1 to i32
      %cond3A_332 = arith.constant 0 : i32
      %cond3A_333 = arith.cmpi ne, %convert_element_type3A_331, %cond3A_332 : i32
      scf.if %cond3A_333 {
        %add3A_532 = arith.constant 2 : i32
        %add3A_533 = arith.addi %add3A_319, %add3A_532 : i32
        %dma_start3A_534 = arith.constant 0 : i32
        %dma_start3A_535 = arith.constant 0 : i32
        %dma_start3A_536 = tpu.memref_slice %arg3[%arg0, %arg1, %add3A_533, %dma_start3A_534, %dma_start3A_535] : memref<2x16x157x2x128xi32, #tpu.memory_space<hbm>> -> memref<1x1x1x2x128xi32, #tpu.memory_space<hbm>>
        %dma_start3A_537 = tpu.memref_squeeze %dma_start3A_536 : memref<1x1x1x2x128xi32, #tpu.memory_space<hbm>> -> memref<2x128xi32, #tpu.memory_space<hbm>>
        %dma_start3A_538 = arith.constant 0 : i32
        %dma_start3A_539 = arith.constant 0 : i32
        %dma_start3A_540 = tpu.memref_slice %arg3[%arg0, %arg1, %add3A_533, %dma_start3A_538, %dma_start3A_539] : memref<2x16x157x2x128xi32, #tpu.memory_space<hbm>> -> memref<1x1x1x2x128xi32, #tpu.memory_space<hbm>>
        %dma_start3A_541 = tpu.memref_squeeze %dma_start3A_540 : memref<1x1x1x2x128xi32, #tpu.memory_space<hbm>> -> memref<2x128xi32, #tpu.memory_space<hbm>>
        tpu.enqueue_dma source(%dma_start3A_541 : memref<2x128xi32, #tpu.memory_space<hbm>>) target(%arg5 : memref<2x128xi32, #tpu.memory_space<vmem>>) target_semaphore(%arg12 : memref<!tpu.dma_semaphore, #tpu.memory_space<semaphore_mem>>)
      } else {
      }
      %dma_wait3A_334 = arith.constant 0 : i32
      %dma_wait3A_335 = arith.constant 0 : i32
      %dma_wait3A_336 = tpu.memref_slice %arg5[%dma_wait3A_334, %dma_wait3A_335] : memref<2x128xi32, #tpu.memory_space<vmem>> -> memref<1x128xi32, #tpu.memory_space<vmem>>
      %dma_wait3A_337 = tpu.memref_squeeze %dma_wait3A_336 : memref<1x128xi32, #tpu.memory_space<vmem>> -> memref<128xi32, #tpu.memory_space<vmem>>
      %dma_wait3A_338 = arith.constant 0 : i32
      %dma_wait3A_339 = arith.constant 0 : i32
      %dma_wait3A_340 = tpu.memref_slice %arg2[%arg0, %dma_wait3A_338, %dma_wait3A_339] : memref<2x10240x128xf32, #tpu.memory_space<hbm>> -> memref<1x10240x128xf32, #tpu.memory_space<hbm>>
      %dma_wait3A_341 = tpu.memref_squeeze %dma_wait3A_340 : memref<1x10240x128xf32, #tpu.memory_space<hbm>> -> memref<10240x128xf32, #tpu.memory_space<hbm>>
      %dma_wait3A_342 = arith.constant 0 : i32
      %dma_wait3A_343 = arith.constant 0 : i32
      %dma_wait3A_344 = tpu.memref_slice %dma_wait3A_341[%dma_wait3A_342, %dma_wait3A_343] : memref<10240x128xf32, #tpu.memory_space<hbm>> -> memref<10240x128xf32, #tpu.memory_space<hbm>>
      tpu.wait_indirect_dma semaphore(%arg16 : memref<!tpu.dma_semaphore, #tpu.memory_space<semaphore_mem>>) src(%dma_wait3A_344 : memref<10240x128xf32, #tpu.memory_space<hbm>>) dst(%arg9 : memref<128x128xf32, #tpu.memory_space<vmem>>)
      %dma_start3A_345 = arith.constant 1 : i32
      %dma_start3A_346 = arith.constant 0 : i32
      %dma_start3A_347 = tpu.memref_slice %arg7[%dma_start3A_345, %dma_start3A_346] : memref<2x128xi32, #tpu.memory_space<vmem>> -> memref<1x128xi32, #tpu.memory_space<vmem>>
      %dma_start3A_348 = tpu.memref_squeeze %dma_start3A_347 : memref<1x128xi32, #tpu.memory_space<vmem>> -> memref<128xi32, #tpu.memory_space<vmem>>
      %dma_start3A_349 = arith.constant 0 : i32
      %dma_start3A_350 = arith.constant 0 : i32
      %dma_start3A_351 = tpu.memref_slice %arg22[%dma_start3A_349, %dma_start3A_350] : memref<10112x128xf32, #tpu.memory_space<vmem_shared>> -> memref<10112x128xf32, #tpu.memory_space<vmem_shared>>
      tpu.enqueue_indirect_dma source(%arg9 : memref<128x128xf32, #tpu.memory_space<vmem>>) target(%dma_start3A_351 : memref<10112x128xf32, #tpu.memory_space<vmem_shared>>) offsets(%dma_start3A_348 : memref<128xi32, #tpu.memory_space<vmem>>) semaphore(%arg19 : memref<!tpu.dma_semaphore, #tpu.memory_space<semaphore_mem>>) {add = true}
      %mul3A_352 = arith.constant 12 : i32
      %mul3A_353 = arith.muli %add3A_102, %mul3A_352 : i32
      %add3A_354 = arith.constant 7 : i32
      %add3A_355 = arith.addi %mul3A_353, %add3A_354 : i32
      %add3A_356 = arith.constant 1 : i32
      %add3A_357 = arith.addi %add3A_355, %add3A_356 : i32
      %lt3A_358 = arith.constant 157 : i32
      %lt3A_359 = arith.cmpi slt, %add3A_357, %lt3A_358 : i32
      %convert_element_type3A_360 = arith.extui %lt3A_359 : i1 to i32
      %cond3A_361 = arith.constant 0 : i32
      %cond3A_362 = arith.cmpi ne, %convert_element_type3A_360, %cond3A_361 : i32
      scf.if %cond3A_362 {
        %ge3A = arith.constant 2 : i32
        %ge3A_532 = arith.cmpi sge, %add3A_355, %ge3A : i32
        %convert_element_type3A_533 = arith.extui %ge3A_532 : i1 to i32
        %cond3A_534 = arith.constant 0 : i32
        %cond3A_535 = arith.cmpi ne, %convert_element_type3A_533, %cond3A_534 : i32
        scf.if %cond3A_535 {
          %dma_wait3A_556 = arith.constant 1 : i32
          %dma_wait3A_557 = arith.constant 0 : i32
          %dma_wait3A_558 = tpu.memref_slice %arg5[%dma_wait3A_556, %dma_wait3A_557] : memref<2x128xi32, #tpu.memory_space<vmem>> -> memref<1x128xi32, #tpu.memory_space<vmem>>
          %dma_wait3A_559 = tpu.memref_squeeze %dma_wait3A_558 : memref<1x128xi32, #tpu.memory_space<vmem>> -> memref<128xi32, #tpu.memory_space<vmem>>
          %dma_wait3A_560 = arith.constant 0 : i32
          %dma_wait3A_561 = arith.constant 0 : i32
          %dma_wait3A_562 = tpu.memref_slice %arg22[%dma_wait3A_560, %dma_wait3A_561] : memref<10112x128xf32, #tpu.memory_space<vmem_shared>> -> memref<10112x128xf32, #tpu.memory_space<vmem_shared>>
          tpu.wait_indirect_dma semaphore(%arg21 : memref<!tpu.dma_semaphore, #tpu.memory_space<semaphore_mem>>) src(%arg11 : memref<128x128xf32, #tpu.memory_space<vmem>>) dst(%dma_wait3A_562 : memref<10112x128xf32, #tpu.memory_space<vmem_shared>>)
        } else {
        }
        %dma_wait3A_536 = arith.constant 0 : i32
        %dma_wait3A_537 = arith.constant 0 : i32
        %dma_wait3A_538 = arith.constant 0 : i32
        %dma_wait3A_539 = tpu.memref_slice %arg3[%arg0, %arg1, %dma_wait3A_536, %dma_wait3A_537, %dma_wait3A_538] : memref<2x16x157x2x128xi32, #tpu.memory_space<hbm>> -> memref<1x1x1x2x128xi32, #tpu.memory_space<hbm>>
        %dma_wait3A_540 = tpu.memref_squeeze %dma_wait3A_539 : memref<1x1x1x2x128xi32, #tpu.memory_space<hbm>> -> memref<2x128xi32, #tpu.memory_space<hbm>>
        %dma_wait3A_541 = arith.constant 0 : i32
        %dma_wait3A_542 = arith.constant 0 : i32
        %dma_wait3A_543 = tpu.memref_slice %arg3[%arg0, %arg1, %dma_wait3A_536, %dma_wait3A_541, %dma_wait3A_542] : memref<2x16x157x2x128xi32, #tpu.memory_space<hbm>> -> memref<1x1x1x2x128xi32, #tpu.memory_space<hbm>>
        %dma_wait3A_544 = tpu.memref_squeeze %dma_wait3A_543 : memref<1x1x1x2x128xi32, #tpu.memory_space<hbm>> -> memref<2x128xi32, #tpu.memory_space<hbm>>
        tpu.wait_dma2 semaphore(%arg12 : memref<!tpu.dma_semaphore, #tpu.memory_space<semaphore_mem>>) src(%dma_wait3A_544 : memref<2x128xi32, #tpu.memory_space<hbm>>) dst(%arg5 : memref<2x128xi32, #tpu.memory_space<vmem>>)
        %dma_start3A_545 = arith.constant 0 : i32
        %dma_start3A_546 = arith.constant 0 : i32
        %dma_start3A_547 = tpu.memref_slice %arg5[%dma_start3A_545, %dma_start3A_546] : memref<2x128xi32, #tpu.memory_space<vmem>> -> memref<1x128xi32, #tpu.memory_space<vmem>>
        %dma_start3A_548 = tpu.memref_squeeze %dma_start3A_547 : memref<1x128xi32, #tpu.memory_space<vmem>> -> memref<128xi32, #tpu.memory_space<vmem>>
        %dma_start3A_549 = arith.constant 0 : i32
        %dma_start3A_550 = arith.constant 0 : i32
        %dma_start3A_551 = tpu.memref_slice %arg2[%arg0, %dma_start3A_549, %dma_start3A_550] : memref<2x10240x128xf32, #tpu.memory_space<hbm>> -> memref<1x10240x128xf32, #tpu.memory_space<hbm>>
        %dma_start3A_552 = tpu.memref_squeeze %dma_start3A_551 : memref<1x10240x128xf32, #tpu.memory_space<hbm>> -> memref<10240x128xf32, #tpu.memory_space<hbm>>
        %dma_start3A_553 = arith.constant 0 : i32
        %dma_start3A_554 = arith.constant 0 : i32
        %dma_start3A_555 = tpu.memref_slice %dma_start3A_552[%dma_start3A_553, %dma_start3A_554] : memref<10240x128xf32, #tpu.memory_space<hbm>> -> memref<10240x128xf32, #tpu.memory_space<hbm>>
        tpu.enqueue_indirect_dma source(%dma_start3A_555 : memref<10240x128xf32, #tpu.memory_space<hbm>>) target(%arg11 : memref<128x128xf32, #tpu.memory_space<vmem>>) offsets(%dma_start3A_548 : memref<128xi32, #tpu.memory_space<vmem>>) semaphore(%arg18 : memref<!tpu.dma_semaphore, #tpu.memory_space<semaphore_mem>>)
      } else {
      }
      %add3A_363 = arith.constant 2 : i32
      %add3A_364 = arith.addi %add3A_355, %add3A_363 : i32
      %lt3A_365 = arith.constant 157 : i32
      %lt3A_366 = arith.cmpi slt, %add3A_364, %lt3A_365 : i32
      %convert_element_type3A_367 = arith.extui %lt3A_366 : i1 to i32
      %cond3A_368 = arith.constant 0 : i32
      %cond3A_369 = arith.cmpi ne, %convert_element_type3A_367, %cond3A_368 : i32
      scf.if %cond3A_369 {
        %add3A_532 = arith.constant 2 : i32
        %add3A_533 = arith.addi %add3A_355, %add3A_532 : i32
        %dma_start3A_534 = arith.constant 0 : i32
        %dma_start3A_535 = arith.constant 0 : i32
        %dma_start3A_536 = tpu.memref_slice %arg3[%arg0, %arg1, %add3A_533, %dma_start3A_534, %dma_start3A_535] : memref<2x16x157x2x128xi32, #tpu.memory_space<hbm>> -> memref<1x1x1x2x128xi32, #tpu.memory_space<hbm>>
        %dma_start3A_537 = tpu.memref_squeeze %dma_start3A_536 : memref<1x1x1x2x128xi32, #tpu.memory_space<hbm>> -> memref<2x128xi32, #tpu.memory_space<hbm>>
        %dma_start3A_538 = arith.constant 0 : i32
        %dma_start3A_539 = arith.constant 0 : i32
        %dma_start3A_540 = tpu.memref_slice %arg3[%arg0, %arg1, %add3A_533, %dma_start3A_538, %dma_start3A_539] : memref<2x16x157x2x128xi32, #tpu.memory_space<hbm>> -> memref<1x1x1x2x128xi32, #tpu.memory_space<hbm>>
        %dma_start3A_541 = tpu.memref_squeeze %dma_start3A_540 : memref<1x1x1x2x128xi32, #tpu.memory_space<hbm>> -> memref<2x128xi32, #tpu.memory_space<hbm>>
        tpu.enqueue_dma source(%dma_start3A_541 : memref<2x128xi32, #tpu.memory_space<hbm>>) target(%arg6 : memref<2x128xi32, #tpu.memory_space<vmem>>) target_semaphore(%arg13 : memref<!tpu.dma_semaphore, #tpu.memory_space<semaphore_mem>>)
      } else {
      }
      %dma_wait3A_370 = arith.constant 0 : i32
      %dma_wait3A_371 = arith.constant 0 : i32
      %dma_wait3A_372 = tpu.memref_slice %arg5[%dma_wait3A_370, %dma_wait3A_371] : memref<2x128xi32, #tpu.memory_space<vmem>> -> memref<1x128xi32, #tpu.memory_space<vmem>>
      %dma_wait3A_373 = tpu.memref_squeeze %dma_wait3A_372 : memref<1x128xi32, #tpu.memory_space<vmem>> -> memref<128xi32, #tpu.memory_space<vmem>>
      %dma_wait3A_374 = arith.constant 0 : i32
      %dma_wait3A_375 = arith.constant 0 : i32
      %dma_wait3A_376 = tpu.memref_slice %arg2[%arg0, %dma_wait3A_374, %dma_wait3A_375] : memref<2x10240x128xf32, #tpu.memory_space<hbm>> -> memref<1x10240x128xf32, #tpu.memory_space<hbm>>
      %dma_wait3A_377 = tpu.memref_squeeze %dma_wait3A_376 : memref<1x10240x128xf32, #tpu.memory_space<hbm>> -> memref<10240x128xf32, #tpu.memory_space<hbm>>
      %dma_wait3A_378 = arith.constant 0 : i32
      %dma_wait3A_379 = arith.constant 0 : i32
      %dma_wait3A_380 = tpu.memref_slice %dma_wait3A_377[%dma_wait3A_378, %dma_wait3A_379] : memref<10240x128xf32, #tpu.memory_space<hbm>> -> memref<10240x128xf32, #tpu.memory_space<hbm>>
      tpu.wait_indirect_dma semaphore(%arg17 : memref<!tpu.dma_semaphore, #tpu.memory_space<semaphore_mem>>) src(%dma_wait3A_380 : memref<10240x128xf32, #tpu.memory_space<hbm>>) dst(%arg10 : memref<128x128xf32, #tpu.memory_space<vmem>>)
      %dma_start3A_381 = arith.constant 1 : i32
      %dma_start3A_382 = arith.constant 0 : i32
      %dma_start3A_383 = tpu.memref_slice %arg8[%dma_start3A_381, %dma_start3A_382] : memref<2x128xi32, #tpu.memory_space<vmem>> -> memref<1x128xi32, #tpu.memory_space<vmem>>
      %dma_start3A_384 = tpu.memref_squeeze %dma_start3A_383 : memref<1x128xi32, #tpu.memory_space<vmem>> -> memref<128xi32, #tpu.memory_space<vmem>>
      %dma_start3A_385 = arith.constant 0 : i32
      %dma_start3A_386 = arith.constant 0 : i32
      %dma_start3A_387 = tpu.memref_slice %arg22[%dma_start3A_385, %dma_start3A_386] : memref<10112x128xf32, #tpu.memory_space<vmem_shared>> -> memref<10112x128xf32, #tpu.memory_space<vmem_shared>>
      tpu.enqueue_indirect_dma source(%arg10 : memref<128x128xf32, #tpu.memory_space<vmem>>) target(%dma_start3A_387 : memref<10112x128xf32, #tpu.memory_space<vmem_shared>>) offsets(%dma_start3A_384 : memref<128xi32, #tpu.memory_space<vmem>>) semaphore(%arg20 : memref<!tpu.dma_semaphore, #tpu.memory_space<semaphore_mem>>) {add = true}
      %mul3A_388 = arith.constant 12 : i32
      %mul3A_389 = arith.muli %add3A_102, %mul3A_388 : i32
      %add3A_390 = arith.constant 8 : i32
      %add3A_391 = arith.addi %mul3A_389, %add3A_390 : i32
      %add3A_392 = arith.constant 1 : i32
      %add3A_393 = arith.addi %add3A_391, %add3A_392 : i32
      %lt3A_394 = arith.constant 157 : i32
      %lt3A_395 = arith.cmpi slt, %add3A_393, %lt3A_394 : i32
      %convert_element_type3A_396 = arith.extui %lt3A_395 : i1 to i32
      %cond3A_397 = arith.constant 0 : i32
      %cond3A_398 = arith.cmpi ne, %convert_element_type3A_396, %cond3A_397 : i32
      scf.if %cond3A_398 {
        %ge3A = arith.constant 2 : i32
        %ge3A_532 = arith.cmpi sge, %add3A_391, %ge3A : i32
        %convert_element_type3A_533 = arith.extui %ge3A_532 : i1 to i32
        %cond3A_534 = arith.constant 0 : i32
        %cond3A_535 = arith.cmpi ne, %convert_element_type3A_533, %cond3A_534 : i32
        scf.if %cond3A_535 {
          %dma_wait3A_556 = arith.constant 1 : i32
          %dma_wait3A_557 = arith.constant 0 : i32
          %dma_wait3A_558 = tpu.memref_slice %arg5[%dma_wait3A_556, %dma_wait3A_557] : memref<2x128xi32, #tpu.memory_space<vmem>> -> memref<1x128xi32, #tpu.memory_space<vmem>>
          %dma_wait3A_559 = tpu.memref_squeeze %dma_wait3A_558 : memref<1x128xi32, #tpu.memory_space<vmem>> -> memref<128xi32, #tpu.memory_space<vmem>>
          %dma_wait3A_560 = arith.constant 0 : i32
          %dma_wait3A_561 = arith.constant 0 : i32
          %dma_wait3A_562 = tpu.memref_slice %arg22[%dma_wait3A_560, %dma_wait3A_561] : memref<10112x128xf32, #tpu.memory_space<vmem_shared>> -> memref<10112x128xf32, #tpu.memory_space<vmem_shared>>
          tpu.wait_indirect_dma semaphore(%arg19 : memref<!tpu.dma_semaphore, #tpu.memory_space<semaphore_mem>>) src(%arg9 : memref<128x128xf32, #tpu.memory_space<vmem>>) dst(%dma_wait3A_562 : memref<10112x128xf32, #tpu.memory_space<vmem_shared>>)
        } else {
        }
        %dma_wait3A_536 = arith.constant 0 : i32
        %dma_wait3A_537 = arith.constant 0 : i32
        %dma_wait3A_538 = arith.constant 0 : i32
        %dma_wait3A_539 = tpu.memref_slice %arg3[%arg0, %arg1, %dma_wait3A_536, %dma_wait3A_537, %dma_wait3A_538] : memref<2x16x157x2x128xi32, #tpu.memory_space<hbm>> -> memref<1x1x1x2x128xi32, #tpu.memory_space<hbm>>
        %dma_wait3A_540 = tpu.memref_squeeze %dma_wait3A_539 : memref<1x1x1x2x128xi32, #tpu.memory_space<hbm>> -> memref<2x128xi32, #tpu.memory_space<hbm>>
        %dma_wait3A_541 = arith.constant 0 : i32
        %dma_wait3A_542 = arith.constant 0 : i32
        %dma_wait3A_543 = tpu.memref_slice %arg3[%arg0, %arg1, %dma_wait3A_536, %dma_wait3A_541, %dma_wait3A_542] : memref<2x16x157x2x128xi32, #tpu.memory_space<hbm>> -> memref<1x1x1x2x128xi32, #tpu.memory_space<hbm>>
        %dma_wait3A_544 = tpu.memref_squeeze %dma_wait3A_543 : memref<1x1x1x2x128xi32, #tpu.memory_space<hbm>> -> memref<2x128xi32, #tpu.memory_space<hbm>>
        tpu.wait_dma2 semaphore(%arg13 : memref<!tpu.dma_semaphore, #tpu.memory_space<semaphore_mem>>) src(%dma_wait3A_544 : memref<2x128xi32, #tpu.memory_space<hbm>>) dst(%arg6 : memref<2x128xi32, #tpu.memory_space<vmem>>)
        %dma_start3A_545 = arith.constant 0 : i32
        %dma_start3A_546 = arith.constant 0 : i32
        %dma_start3A_547 = tpu.memref_slice %arg6[%dma_start3A_545, %dma_start3A_546] : memref<2x128xi32, #tpu.memory_space<vmem>> -> memref<1x128xi32, #tpu.memory_space<vmem>>
        %dma_start3A_548 = tpu.memref_squeeze %dma_start3A_547 : memref<1x128xi32, #tpu.memory_space<vmem>> -> memref<128xi32, #tpu.memory_space<vmem>>
        %dma_start3A_549 = arith.constant 0 : i32
        %dma_start3A_550 = arith.constant 0 : i32
        %dma_start3A_551 = tpu.memref_slice %arg2[%arg0, %dma_start3A_549, %dma_start3A_550] : memref<2x10240x128xf32, #tpu.memory_space<hbm>> -> memref<1x10240x128xf32, #tpu.memory_space<hbm>>
        %dma_start3A_552 = tpu.memref_squeeze %dma_start3A_551 : memref<1x10240x128xf32, #tpu.memory_space<hbm>> -> memref<10240x128xf32, #tpu.memory_space<hbm>>
        %dma_start3A_553 = arith.constant 0 : i32
        %dma_start3A_554 = arith.constant 0 : i32
        %dma_start3A_555 = tpu.memref_slice %dma_start3A_552[%dma_start3A_553, %dma_start3A_554] : memref<10240x128xf32, #tpu.memory_space<hbm>> -> memref<10240x128xf32, #tpu.memory_space<hbm>>
        tpu.enqueue_indirect_dma source(%dma_start3A_555 : memref<10240x128xf32, #tpu.memory_space<hbm>>) target(%arg9 : memref<128x128xf32, #tpu.memory_space<vmem>>) offsets(%dma_start3A_548 : memref<128xi32, #tpu.memory_space<vmem>>) semaphore(%arg16 : memref<!tpu.dma_semaphore, #tpu.memory_space<semaphore_mem>>)
      } else {
      }
      %add3A_399 = arith.constant 2 : i32
      %add3A_400 = arith.addi %add3A_391, %add3A_399 : i32
      %lt3A_401 = arith.constant 157 : i32
      %lt3A_402 = arith.cmpi slt, %add3A_400, %lt3A_401 : i32
      %convert_element_type3A_403 = arith.extui %lt3A_402 : i1 to i32
      %cond3A_404 = arith.constant 0 : i32
      %cond3A_405 = arith.cmpi ne, %convert_element_type3A_403, %cond3A_404 : i32
      scf.if %cond3A_405 {
        %add3A_532 = arith.constant 2 : i32
        %add3A_533 = arith.addi %add3A_391, %add3A_532 : i32
        %dma_start3A_534 = arith.constant 0 : i32
        %dma_start3A_535 = arith.constant 0 : i32
        %dma_start3A_536 = tpu.memref_slice %arg3[%arg0, %arg1, %add3A_533, %dma_start3A_534, %dma_start3A_535] : memref<2x16x157x2x128xi32, #tpu.memory_space<hbm>> -> memref<1x1x1x2x128xi32, #tpu.memory_space<hbm>>
        %dma_start3A_537 = tpu.memref_squeeze %dma_start3A_536 : memref<1x1x1x2x128xi32, #tpu.memory_space<hbm>> -> memref<2x128xi32, #tpu.memory_space<hbm>>
        %dma_start3A_538 = arith.constant 0 : i32
        %dma_start3A_539 = arith.constant 0 : i32
        %dma_start3A_540 = tpu.memref_slice %arg3[%arg0, %arg1, %add3A_533, %dma_start3A_538, %dma_start3A_539] : memref<2x16x157x2x128xi32, #tpu.memory_space<hbm>> -> memref<1x1x1x2x128xi32, #tpu.memory_space<hbm>>
        %dma_start3A_541 = tpu.memref_squeeze %dma_start3A_540 : memref<1x1x1x2x128xi32, #tpu.memory_space<hbm>> -> memref<2x128xi32, #tpu.memory_space<hbm>>
        tpu.enqueue_dma source(%dma_start3A_541 : memref<2x128xi32, #tpu.memory_space<hbm>>) target(%arg7 : memref<2x128xi32, #tpu.memory_space<vmem>>) target_semaphore(%arg14 : memref<!tpu.dma_semaphore, #tpu.memory_space<semaphore_mem>>)
      } else {
      }
      %dma_wait3A_406 = arith.constant 0 : i32
      %dma_wait3A_407 = arith.constant 0 : i32
      %dma_wait3A_408 = tpu.memref_slice %arg5[%dma_wait3A_406, %dma_wait3A_407] : memref<2x128xi32, #tpu.memory_space<vmem>> -> memref<1x128xi32, #tpu.memory_space<vmem>>
      %dma_wait3A_409 = tpu.memref_squeeze %dma_wait3A_408 : memref<1x128xi32, #tpu.memory_space<vmem>> -> memref<128xi32, #tpu.memory_space<vmem>>
      %dma_wait3A_410 = arith.constant 0 : i32
      %dma_wait3A_411 = arith.constant 0 : i32
      %dma_wait3A_412 = tpu.memref_slice %arg2[%arg0, %dma_wait3A_410, %dma_wait3A_411] : memref<2x10240x128xf32, #tpu.memory_space<hbm>> -> memref<1x10240x128xf32, #tpu.memory_space<hbm>>
      %dma_wait3A_413 = tpu.memref_squeeze %dma_wait3A_412 : memref<1x10240x128xf32, #tpu.memory_space<hbm>> -> memref<10240x128xf32, #tpu.memory_space<hbm>>
      %dma_wait3A_414 = arith.constant 0 : i32
      %dma_wait3A_415 = arith.constant 0 : i32
      %dma_wait3A_416 = tpu.memref_slice %dma_wait3A_413[%dma_wait3A_414, %dma_wait3A_415] : memref<10240x128xf32, #tpu.memory_space<hbm>> -> memref<10240x128xf32, #tpu.memory_space<hbm>>
      tpu.wait_indirect_dma semaphore(%arg18 : memref<!tpu.dma_semaphore, #tpu.memory_space<semaphore_mem>>) src(%dma_wait3A_416 : memref<10240x128xf32, #tpu.memory_space<hbm>>) dst(%arg11 : memref<128x128xf32, #tpu.memory_space<vmem>>)
      %dma_start3A_417 = arith.constant 1 : i32
      %dma_start3A_418 = arith.constant 0 : i32
      %dma_start3A_419 = tpu.memref_slice %arg5[%dma_start3A_417, %dma_start3A_418] : memref<2x128xi32, #tpu.memory_space<vmem>> -> memref<1x128xi32, #tpu.memory_space<vmem>>
      %dma_start3A_420 = tpu.memref_squeeze %dma_start3A_419 : memref<1x128xi32, #tpu.memory_space<vmem>> -> memref<128xi32, #tpu.memory_space<vmem>>
      %dma_start3A_421 = arith.constant 0 : i32
      %dma_start3A_422 = arith.constant 0 : i32
      %dma_start3A_423 = tpu.memref_slice %arg22[%dma_start3A_421, %dma_start3A_422] : memref<10112x128xf32, #tpu.memory_space<vmem_shared>> -> memref<10112x128xf32, #tpu.memory_space<vmem_shared>>
      tpu.enqueue_indirect_dma source(%arg11 : memref<128x128xf32, #tpu.memory_space<vmem>>) target(%dma_start3A_423 : memref<10112x128xf32, #tpu.memory_space<vmem_shared>>) offsets(%dma_start3A_420 : memref<128xi32, #tpu.memory_space<vmem>>) semaphore(%arg21 : memref<!tpu.dma_semaphore, #tpu.memory_space<semaphore_mem>>) {add = true}
      %mul3A_424 = arith.constant 12 : i32
      %mul3A_425 = arith.muli %add3A_102, %mul3A_424 : i32
      %add3A_426 = arith.constant 9 : i32
      %add3A_427 = arith.addi %mul3A_425, %add3A_426 : i32
      %add3A_428 = arith.constant 1 : i32
      %add3A_429 = arith.addi %add3A_427, %add3A_428 : i32
      %lt3A_430 = arith.constant 157 : i32
      %lt3A_431 = arith.cmpi slt, %add3A_429, %lt3A_430 : i32
      %convert_element_type3A_432 = arith.extui %lt3A_431 : i1 to i32
      %cond3A_433 = arith.constant 0 : i32
      %cond3A_434 = arith.cmpi ne, %convert_element_type3A_432, %cond3A_433 : i32
      scf.if %cond3A_434 {
        %ge3A = arith.constant 2 : i32
        %ge3A_532 = arith.cmpi sge, %add3A_427, %ge3A : i32
        %convert_element_type3A_533 = arith.extui %ge3A_532 : i1 to i32
        %cond3A_534 = arith.constant 0 : i32
        %cond3A_535 = arith.cmpi ne, %convert_element_type3A_533, %cond3A_534 : i32
        scf.if %cond3A_535 {
          %dma_wait3A_556 = arith.constant 1 : i32
          %dma_wait3A_557 = arith.constant 0 : i32
          %dma_wait3A_558 = tpu.memref_slice %arg5[%dma_wait3A_556, %dma_wait3A_557] : memref<2x128xi32, #tpu.memory_space<vmem>> -> memref<1x128xi32, #tpu.memory_space<vmem>>
          %dma_wait3A_559 = tpu.memref_squeeze %dma_wait3A_558 : memref<1x128xi32, #tpu.memory_space<vmem>> -> memref<128xi32, #tpu.memory_space<vmem>>
          %dma_wait3A_560 = arith.constant 0 : i32
          %dma_wait3A_561 = arith.constant 0 : i32
          %dma_wait3A_562 = tpu.memref_slice %arg22[%dma_wait3A_560, %dma_wait3A_561] : memref<10112x128xf32, #tpu.memory_space<vmem_shared>> -> memref<10112x128xf32, #tpu.memory_space<vmem_shared>>
          tpu.wait_indirect_dma semaphore(%arg20 : memref<!tpu.dma_semaphore, #tpu.memory_space<semaphore_mem>>) src(%arg10 : memref<128x128xf32, #tpu.memory_space<vmem>>) dst(%dma_wait3A_562 : memref<10112x128xf32, #tpu.memory_space<vmem_shared>>)
        } else {
        }
        %dma_wait3A_536 = arith.constant 0 : i32
        %dma_wait3A_537 = arith.constant 0 : i32
        %dma_wait3A_538 = arith.constant 0 : i32
        %dma_wait3A_539 = tpu.memref_slice %arg3[%arg0, %arg1, %dma_wait3A_536, %dma_wait3A_537, %dma_wait3A_538] : memref<2x16x157x2x128xi32, #tpu.memory_space<hbm>> -> memref<1x1x1x2x128xi32, #tpu.memory_space<hbm>>
        %dma_wait3A_540 = tpu.memref_squeeze %dma_wait3A_539 : memref<1x1x1x2x128xi32, #tpu.memory_space<hbm>> -> memref<2x128xi32, #tpu.memory_space<hbm>>
        %dma_wait3A_541 = arith.constant 0 : i32
        %dma_wait3A_542 = arith.constant 0 : i32
        %dma_wait3A_543 = tpu.memref_slice %arg3[%arg0, %arg1, %dma_wait3A_536, %dma_wait3A_541, %dma_wait3A_542] : memref<2x16x157x2x128xi32, #tpu.memory_space<hbm>> -> memref<1x1x1x2x128xi32, #tpu.memory_space<hbm>>
        %dma_wait3A_544 = tpu.memref_squeeze %dma_wait3A_543 : memref<1x1x1x2x128xi32, #tpu.memory_space<hbm>> -> memref<2x128xi32, #tpu.memory_space<hbm>>
        tpu.wait_dma2 semaphore(%arg14 : memref<!tpu.dma_semaphore, #tpu.memory_space<semaphore_mem>>) src(%dma_wait3A_544 : memref<2x128xi32, #tpu.memory_space<hbm>>) dst(%arg7 : memref<2x128xi32, #tpu.memory_space<vmem>>)
        %dma_start3A_545 = arith.constant 0 : i32
        %dma_start3A_546 = arith.constant 0 : i32
        %dma_start3A_547 = tpu.memref_slice %arg7[%dma_start3A_545, %dma_start3A_546] : memref<2x128xi32, #tpu.memory_space<vmem>> -> memref<1x128xi32, #tpu.memory_space<vmem>>
        %dma_start3A_548 = tpu.memref_squeeze %dma_start3A_547 : memref<1x128xi32, #tpu.memory_space<vmem>> -> memref<128xi32, #tpu.memory_space<vmem>>
        %dma_start3A_549 = arith.constant 0 : i32
        %dma_start3A_550 = arith.constant 0 : i32
        %dma_start3A_551 = tpu.memref_slice %arg2[%arg0, %dma_start3A_549, %dma_start3A_550] : memref<2x10240x128xf32, #tpu.memory_space<hbm>> -> memref<1x10240x128xf32, #tpu.memory_space<hbm>>
        %dma_start3A_552 = tpu.memref_squeeze %dma_start3A_551 : memref<1x10240x128xf32, #tpu.memory_space<hbm>> -> memref<10240x128xf32, #tpu.memory_space<hbm>>
        %dma_start3A_553 = arith.constant 0 : i32
        %dma_start3A_554 = arith.constant 0 : i32
        %dma_start3A_555 = tpu.memref_slice %dma_start3A_552[%dma_start3A_553, %dma_start3A_554] : memref<10240x128xf32, #tpu.memory_space<hbm>> -> memref<10240x128xf32, #tpu.memory_space<hbm>>
        tpu.enqueue_indirect_dma source(%dma_start3A_555 : memref<10240x128xf32, #tpu.memory_space<hbm>>) target(%arg10 : memref<128x128xf32, #tpu.memory_space<vmem>>) offsets(%dma_start3A_548 : memref<128xi32, #tpu.memory_space<vmem>>) semaphore(%arg17 : memref<!tpu.dma_semaphore, #tpu.memory_space<semaphore_mem>>)
      } else {
      }
      %add3A_435 = arith.constant 2 : i32
      %add3A_436 = arith.addi %add3A_427, %add3A_435 : i32
      %lt3A_437 = arith.constant 157 : i32
      %lt3A_438 = arith.cmpi slt, %add3A_436, %lt3A_437 : i32
      %convert_element_type3A_439 = arith.extui %lt3A_438 : i1 to i32
      %cond3A_440 = arith.constant 0 : i32
      %cond3A_441 = arith.cmpi ne, %convert_element_type3A_439, %cond3A_440 : i32
      scf.if %cond3A_441 {
        %add3A_532 = arith.constant 2 : i32
        %add3A_533 = arith.addi %add3A_427, %add3A_532 : i32
        %dma_start3A_534 = arith.constant 0 : i32
        %dma_start3A_535 = arith.constant 0 : i32
        %dma_start3A_536 = tpu.memref_slice %arg3[%arg0, %arg1, %add3A_533, %dma_start3A_534, %dma_start3A_535] : memref<2x16x157x2x128xi32, #tpu.memory_space<hbm>> -> memref<1x1x1x2x128xi32, #tpu.memory_space<hbm>>
        %dma_start3A_537 = tpu.memref_squeeze %dma_start3A_536 : memref<1x1x1x2x128xi32, #tpu.memory_space<hbm>> -> memref<2x128xi32, #tpu.memory_space<hbm>>
        %dma_start3A_538 = arith.constant 0 : i32
        %dma_start3A_539 = arith.constant 0 : i32
        %dma_start3A_540 = tpu.memref_slice %arg3[%arg0, %arg1, %add3A_533, %dma_start3A_538, %dma_start3A_539] : memref<2x16x157x2x128xi32, #tpu.memory_space<hbm>> -> memref<1x1x1x2x128xi32, #tpu.memory_space<hbm>>
        %dma_start3A_541 = tpu.memref_squeeze %dma_start3A_540 : memref<1x1x1x2x128xi32, #tpu.memory_space<hbm>> -> memref<2x128xi32, #tpu.memory_space<hbm>>
        tpu.enqueue_dma source(%dma_start3A_541 : memref<2x128xi32, #tpu.memory_space<hbm>>) target(%arg8 : memref<2x128xi32, #tpu.memory_space<vmem>>) target_semaphore(%arg15 : memref<!tpu.dma_semaphore, #tpu.memory_space<semaphore_mem>>)
      } else {
      }
      %dma_wait3A_442 = arith.constant 0 : i32
      %dma_wait3A_443 = arith.constant 0 : i32
      %dma_wait3A_444 = tpu.memref_slice %arg5[%dma_wait3A_442, %dma_wait3A_443] : memref<2x128xi32, #tpu.memory_space<vmem>> -> memref<1x128xi32, #tpu.memory_space<vmem>>
      %dma_wait3A_445 = tpu.memref_squeeze %dma_wait3A_444 : memref<1x128xi32, #tpu.memory_space<vmem>> -> memref<128xi32, #tpu.memory_space<vmem>>
      %dma_wait3A_446 = arith.constant 0 : i32
      %dma_wait3A_447 = arith.constant 0 : i32
      %dma_wait3A_448 = tpu.memref_slice %arg2[%arg0, %dma_wait3A_446, %dma_wait3A_447] : memref<2x10240x128xf32, #tpu.memory_space<hbm>> -> memref<1x10240x128xf32, #tpu.memory_space<hbm>>
      %dma_wait3A_449 = tpu.memref_squeeze %dma_wait3A_448 : memref<1x10240x128xf32, #tpu.memory_space<hbm>> -> memref<10240x128xf32, #tpu.memory_space<hbm>>
      %dma_wait3A_450 = arith.constant 0 : i32
      %dma_wait3A_451 = arith.constant 0 : i32
      %dma_wait3A_452 = tpu.memref_slice %dma_wait3A_449[%dma_wait3A_450, %dma_wait3A_451] : memref<10240x128xf32, #tpu.memory_space<hbm>> -> memref<10240x128xf32, #tpu.memory_space<hbm>>
      tpu.wait_indirect_dma semaphore(%arg16 : memref<!tpu.dma_semaphore, #tpu.memory_space<semaphore_mem>>) src(%dma_wait3A_452 : memref<10240x128xf32, #tpu.memory_space<hbm>>) dst(%arg9 : memref<128x128xf32, #tpu.memory_space<vmem>>)
      %dma_start3A_453 = arith.constant 1 : i32
      %dma_start3A_454 = arith.constant 0 : i32
      %dma_start3A_455 = tpu.memref_slice %arg6[%dma_start3A_453, %dma_start3A_454] : memref<2x128xi32, #tpu.memory_space<vmem>> -> memref<1x128xi32, #tpu.memory_space<vmem>>
      %dma_start3A_456 = tpu.memref_squeeze %dma_start3A_455 : memref<1x128xi32, #tpu.memory_space<vmem>> -> memref<128xi32, #tpu.memory_space<vmem>>
      %dma_start3A_457 = arith.constant 0 : i32
      %dma_start3A_458 = arith.constant 0 : i32
      %dma_start3A_459 = tpu.memref_slice %arg22[%dma_start3A_457, %dma_start3A_458] : memref<10112x128xf32, #tpu.memory_space<vmem_shared>> -> memref<10112x128xf32, #tpu.memory_space<vmem_shared>>
      tpu.enqueue_indirect_dma source(%arg9 : memref<128x128xf32, #tpu.memory_space<vmem>>) target(%dma_start3A_459 : memref<10112x128xf32, #tpu.memory_space<vmem_shared>>) offsets(%dma_start3A_456 : memref<128xi32, #tpu.memory_space<vmem>>) semaphore(%arg19 : memref<!tpu.dma_semaphore, #tpu.memory_space<semaphore_mem>>) {add = true}
      %mul3A_460 = arith.constant 12 : i32
      %mul3A_461 = arith.muli %add3A_102, %mul3A_460 : i32
      %add3A_462 = arith.constant 10 : i32
      %add3A_463 = arith.addi %mul3A_461, %add3A_462 : i32
      %add3A_464 = arith.constant 1 : i32
      %add3A_465 = arith.addi %add3A_463, %add3A_464 : i32
      %lt3A_466 = arith.constant 157 : i32
      %lt3A_467 = arith.cmpi slt, %add3A_465, %lt3A_466 : i32
      %convert_element_type3A_468 = arith.extui %lt3A_467 : i1 to i32
      %cond3A_469 = arith.constant 0 : i32
      %cond3A_470 = arith.cmpi ne, %convert_element_type3A_468, %cond3A_469 : i32
      scf.if %cond3A_470 {
        %ge3A = arith.constant 2 : i32
        %ge3A_532 = arith.cmpi sge, %add3A_463, %ge3A : i32
        %convert_element_type3A_533 = arith.extui %ge3A_532 : i1 to i32
        %cond3A_534 = arith.constant 0 : i32
        %cond3A_535 = arith.cmpi ne, %convert_element_type3A_533, %cond3A_534 : i32
        scf.if %cond3A_535 {
          %dma_wait3A_556 = arith.constant 1 : i32
          %dma_wait3A_557 = arith.constant 0 : i32
          %dma_wait3A_558 = tpu.memref_slice %arg5[%dma_wait3A_556, %dma_wait3A_557] : memref<2x128xi32, #tpu.memory_space<vmem>> -> memref<1x128xi32, #tpu.memory_space<vmem>>
          %dma_wait3A_559 = tpu.memref_squeeze %dma_wait3A_558 : memref<1x128xi32, #tpu.memory_space<vmem>> -> memref<128xi32, #tpu.memory_space<vmem>>
          %dma_wait3A_560 = arith.constant 0 : i32
          %dma_wait3A_561 = arith.constant 0 : i32
          %dma_wait3A_562 = tpu.memref_slice %arg22[%dma_wait3A_560, %dma_wait3A_561] : memref<10112x128xf32, #tpu.memory_space<vmem_shared>> -> memref<10112x128xf32, #tpu.memory_space<vmem_shared>>
          tpu.wait_indirect_dma semaphore(%arg21 : memref<!tpu.dma_semaphore, #tpu.memory_space<semaphore_mem>>) src(%arg11 : memref<128x128xf32, #tpu.memory_space<vmem>>) dst(%dma_wait3A_562 : memref<10112x128xf32, #tpu.memory_space<vmem_shared>>)
        } else {
        }
        %dma_wait3A_536 = arith.constant 0 : i32
        %dma_wait3A_537 = arith.constant 0 : i32
        %dma_wait3A_538 = arith.constant 0 : i32
        %dma_wait3A_539 = tpu.memref_slice %arg3[%arg0, %arg1, %dma_wait3A_536, %dma_wait3A_537, %dma_wait3A_538] : memref<2x16x157x2x128xi32, #tpu.memory_space<hbm>> -> memref<1x1x1x2x128xi32, #tpu.memory_space<hbm>>
        %dma_wait3A_540 = tpu.memref_squeeze %dma_wait3A_539 : memref<1x1x1x2x128xi32, #tpu.memory_space<hbm>> -> memref<2x128xi32, #tpu.memory_space<hbm>>
        %dma_wait3A_541 = arith.constant 0 : i32
        %dma_wait3A_542 = arith.constant 0 : i32
        %dma_wait3A_543 = tpu.memref_slice %arg3[%arg0, %arg1, %dma_wait3A_536, %dma_wait3A_541, %dma_wait3A_542] : memref<2x16x157x2x128xi32, #tpu.memory_space<hbm>> -> memref<1x1x1x2x128xi32, #tpu.memory_space<hbm>>
        %dma_wait3A_544 = tpu.memref_squeeze %dma_wait3A_543 : memref<1x1x1x2x128xi32, #tpu.memory_space<hbm>> -> memref<2x128xi32, #tpu.memory_space<hbm>>
        tpu.wait_dma2 semaphore(%arg15 : memref<!tpu.dma_semaphore, #tpu.memory_space<semaphore_mem>>) src(%dma_wait3A_544 : memref<2x128xi32, #tpu.memory_space<hbm>>) dst(%arg8 : memref<2x128xi32, #tpu.memory_space<vmem>>)
        %dma_start3A_545 = arith.constant 0 : i32
        %dma_start3A_546 = arith.constant 0 : i32
        %dma_start3A_547 = tpu.memref_slice %arg8[%dma_start3A_545, %dma_start3A_546] : memref<2x128xi32, #tpu.memory_space<vmem>> -> memref<1x128xi32, #tpu.memory_space<vmem>>
        %dma_start3A_548 = tpu.memref_squeeze %dma_start3A_547 : memref<1x128xi32, #tpu.memory_space<vmem>> -> memref<128xi32, #tpu.memory_space<vmem>>
        %dma_start3A_549 = arith.constant 0 : i32
        %dma_start3A_550 = arith.constant 0 : i32
        %dma_start3A_551 = tpu.memref_slice %arg2[%arg0, %dma_start3A_549, %dma_start3A_550] : memref<2x10240x128xf32, #tpu.memory_space<hbm>> -> memref<1x10240x128xf32, #tpu.memory_space<hbm>>
        %dma_start3A_552 = tpu.memref_squeeze %dma_start3A_551 : memref<1x10240x128xf32, #tpu.memory_space<hbm>> -> memref<10240x128xf32, #tpu.memory_space<hbm>>
        %dma_start3A_553 = arith.constant 0 : i32
        %dma_start3A_554 = arith.constant 0 : i32
        %dma_start3A_555 = tpu.memref_slice %dma_start3A_552[%dma_start3A_553, %dma_start3A_554] : memref<10240x128xf32, #tpu.memory_space<hbm>> -> memref<10240x128xf32, #tpu.memory_space<hbm>>
        tpu.enqueue_indirect_dma source(%dma_start3A_555 : memref<10240x128xf32, #tpu.memory_space<hbm>>) target(%arg11 : memref<128x128xf32, #tpu.memory_space<vmem>>) offsets(%dma_start3A_548 : memref<128xi32, #tpu.memory_space<vmem>>) semaphore(%arg18 : memref<!tpu.dma_semaphore, #tpu.memory_space<semaphore_mem>>)
      } else {
      }
      %add3A_471 = arith.constant 2 : i32
      %add3A_472 = arith.addi %add3A_463, %add3A_471 : i32
      %lt3A_473 = arith.constant 157 : i32
      %lt3A_474 = arith.cmpi slt, %add3A_472, %lt3A_473 : i32
      %convert_element_type3A_475 = arith.extui %lt3A_474 : i1 to i32
      %cond3A_476 = arith.constant 0 : i32
      %cond3A_477 = arith.cmpi ne, %convert_element_type3A_475, %cond3A_476 : i32
      scf.if %cond3A_477 {
        %add3A_532 = arith.constant 2 : i32
        %add3A_533 = arith.addi %add3A_463, %add3A_532 : i32
        %dma_start3A_534 = arith.constant 0 : i32
        %dma_start3A_535 = arith.constant 0 : i32
        %dma_start3A_536 = tpu.memref_slice %arg3[%arg0, %arg1, %add3A_533, %dma_start3A_534, %dma_start3A_535] : memref<2x16x157x2x128xi32, #tpu.memory_space<hbm>> -> memref<1x1x1x2x128xi32, #tpu.memory_space<hbm>>
        %dma_start3A_537 = tpu.memref_squeeze %dma_start3A_536 : memref<1x1x1x2x128xi32, #tpu.memory_space<hbm>> -> memref<2x128xi32, #tpu.memory_space<hbm>>
        %dma_start3A_538 = arith.constant 0 : i32
        %dma_start3A_539 = arith.constant 0 : i32
        %dma_start3A_540 = tpu.memref_slice %arg3[%arg0, %arg1, %add3A_533, %dma_start3A_538, %dma_start3A_539] : memref<2x16x157x2x128xi32, #tpu.memory_space<hbm>> -> memref<1x1x1x2x128xi32, #tpu.memory_space<hbm>>
        %dma_start3A_541 = tpu.memref_squeeze %dma_start3A_540 : memref<1x1x1x2x128xi32, #tpu.memory_space<hbm>> -> memref<2x128xi32, #tpu.memory_space<hbm>>
        tpu.enqueue_dma source(%dma_start3A_541 : memref<2x128xi32, #tpu.memory_space<hbm>>) target(%arg5 : memref<2x128xi32, #tpu.memory_space<vmem>>) target_semaphore(%arg12 : memref<!tpu.dma_semaphore, #tpu.memory_space<semaphore_mem>>)
      } else {
      }
      %dma_wait3A_478 = arith.constant 0 : i32
      %dma_wait3A_479 = arith.constant 0 : i32
      %dma_wait3A_480 = tpu.memref_slice %arg5[%dma_wait3A_478, %dma_wait3A_479] : memref<2x128xi32, #tpu.memory_space<vmem>> -> memref<1x128xi32, #tpu.memory_space<vmem>>
      %dma_wait3A_481 = tpu.memref_squeeze %dma_wait3A_480 : memref<1x128xi32, #tpu.memory_space<vmem>> -> memref<128xi32, #tpu.memory_space<vmem>>
      %dma_wait3A_482 = arith.constant 0 : i32
      %dma_wait3A_483 = arith.constant 0 : i32
      %dma_wait3A_484 = tpu.memref_slice %arg2[%arg0, %dma_wait3A_482, %dma_wait3A_483] : memref<2x10240x128xf32, #tpu.memory_space<hbm>> -> memref<1x10240x128xf32, #tpu.memory_space<hbm>>
      %dma_wait3A_485 = tpu.memref_squeeze %dma_wait3A_484 : memref<1x10240x128xf32, #tpu.memory_space<hbm>> -> memref<10240x128xf32, #tpu.memory_space<hbm>>
      %dma_wait3A_486 = arith.constant 0 : i32
      %dma_wait3A_487 = arith.constant 0 : i32
      %dma_wait3A_488 = tpu.memref_slice %dma_wait3A_485[%dma_wait3A_486, %dma_wait3A_487] : memref<10240x128xf32, #tpu.memory_space<hbm>> -> memref<10240x128xf32, #tpu.memory_space<hbm>>
      tpu.wait_indirect_dma semaphore(%arg17 : memref<!tpu.dma_semaphore, #tpu.memory_space<semaphore_mem>>) src(%dma_wait3A_488 : memref<10240x128xf32, #tpu.memory_space<hbm>>) dst(%arg10 : memref<128x128xf32, #tpu.memory_space<vmem>>)
      %dma_start3A_489 = arith.constant 1 : i32
      %dma_start3A_490 = arith.constant 0 : i32
      %dma_start3A_491 = tpu.memref_slice %arg7[%dma_start3A_489, %dma_start3A_490] : memref<2x128xi32, #tpu.memory_space<vmem>> -> memref<1x128xi32, #tpu.memory_space<vmem>>
      %dma_start3A_492 = tpu.memref_squeeze %dma_start3A_491 : memref<1x128xi32, #tpu.memory_space<vmem>> -> memref<128xi32, #tpu.memory_space<vmem>>
      %dma_start3A_493 = arith.constant 0 : i32
      %dma_start3A_494 = arith.constant 0 : i32
      %dma_start3A_495 = tpu.memref_slice %arg22[%dma_start3A_493, %dma_start3A_494] : memref<10112x128xf32, #tpu.memory_space<vmem_shared>> -> memref<10112x128xf32, #tpu.memory_space<vmem_shared>>
      tpu.enqueue_indirect_dma source(%arg10 : memref<128x128xf32, #tpu.memory_space<vmem>>) target(%dma_start3A_495 : memref<10112x128xf32, #tpu.memory_space<vmem_shared>>) offsets(%dma_start3A_492 : memref<128xi32, #tpu.memory_space<vmem>>) semaphore(%arg20 : memref<!tpu.dma_semaphore, #tpu.memory_space<semaphore_mem>>) {add = true}
      %mul3A_496 = arith.constant 12 : i32
      %mul3A_497 = arith.muli %add3A_102, %mul3A_496 : i32
      %add3A_498 = arith.constant 11 : i32
      %add3A_499 = arith.addi %mul3A_497, %add3A_498 : i32
      %add3A_500 = arith.constant 1 : i32
      %add3A_501 = arith.addi %add3A_499, %add3A_500 : i32
      %lt3A_502 = arith.constant 157 : i32
      %lt3A_503 = arith.cmpi slt, %add3A_501, %lt3A_502 : i32
      %convert_element_type3A_504 = arith.extui %lt3A_503 : i1 to i32
      %cond3A_505 = arith.constant 0 : i32
      %cond3A_506 = arith.cmpi ne, %convert_element_type3A_504, %cond3A_505 : i32
      scf.if %cond3A_506 {
        %ge3A = arith.constant 2 : i32
        %ge3A_532 = arith.cmpi sge, %add3A_499, %ge3A : i32
        %convert_element_type3A_533 = arith.extui %ge3A_532 : i1 to i32
        %cond3A_534 = arith.constant 0 : i32
        %cond3A_535 = arith.cmpi ne, %convert_element_type3A_533, %cond3A_534 : i32
        scf.if %cond3A_535 {
          %dma_wait3A_556 = arith.constant 1 : i32
          %dma_wait3A_557 = arith.constant 0 : i32
          %dma_wait3A_558 = tpu.memref_slice %arg5[%dma_wait3A_556, %dma_wait3A_557] : memref<2x128xi32, #tpu.memory_space<vmem>> -> memref<1x128xi32, #tpu.memory_space<vmem>>
          %dma_wait3A_559 = tpu.memref_squeeze %dma_wait3A_558 : memref<1x128xi32, #tpu.memory_space<vmem>> -> memref<128xi32, #tpu.memory_space<vmem>>
          %dma_wait3A_560 = arith.constant 0 : i32
          %dma_wait3A_561 = arith.constant 0 : i32
          %dma_wait3A_562 = tpu.memref_slice %arg22[%dma_wait3A_560, %dma_wait3A_561] : memref<10112x128xf32, #tpu.memory_space<vmem_shared>> -> memref<10112x128xf32, #tpu.memory_space<vmem_shared>>
          tpu.wait_indirect_dma semaphore(%arg19 : memref<!tpu.dma_semaphore, #tpu.memory_space<semaphore_mem>>) src(%arg9 : memref<128x128xf32, #tpu.memory_space<vmem>>) dst(%dma_wait3A_562 : memref<10112x128xf32, #tpu.memory_space<vmem_shared>>)
        } else {
        }
        %dma_wait3A_536 = arith.constant 0 : i32
        %dma_wait3A_537 = arith.constant 0 : i32
        %dma_wait3A_538 = arith.constant 0 : i32
        %dma_wait3A_539 = tpu.memref_slice %arg3[%arg0, %arg1, %dma_wait3A_536, %dma_wait3A_537, %dma_wait3A_538] : memref<2x16x157x2x128xi32, #tpu.memory_space<hbm>> -> memref<1x1x1x2x128xi32, #tpu.memory_space<hbm>>
        %dma_wait3A_540 = tpu.memref_squeeze %dma_wait3A_539 : memref<1x1x1x2x128xi32, #tpu.memory_space<hbm>> -> memref<2x128xi32, #tpu.memory_space<hbm>>
        %dma_wait3A_541 = arith.constant 0 : i32
        %dma_wait3A_542 = arith.constant 0 : i32
        %dma_wait3A_543 = tpu.memref_slice %arg3[%arg0, %arg1, %dma_wait3A_536, %dma_wait3A_541, %dma_wait3A_542] : memref<2x16x157x2x128xi32, #tpu.memory_space<hbm>> -> memref<1x1x1x2x128xi32, #tpu.memory_space<hbm>>
        %dma_wait3A_544 = tpu.memref_squeeze %dma_wait3A_543 : memref<1x1x1x2x128xi32, #tpu.memory_space<hbm>> -> memref<2x128xi32, #tpu.memory_space<hbm>>
        tpu.wait_dma2 semaphore(%arg12 : memref<!tpu.dma_semaphore, #tpu.memory_space<semaphore_mem>>) src(%dma_wait3A_544 : memref<2x128xi32, #tpu.memory_space<hbm>>) dst(%arg5 : memref<2x128xi32, #tpu.memory_space<vmem>>)
        %dma_start3A_545 = arith.constant 0 : i32
        %dma_start3A_546 = arith.constant 0 : i32
        %dma_start3A_547 = tpu.memref_slice %arg5[%dma_start3A_545, %dma_start3A_546] : memref<2x128xi32, #tpu.memory_space<vmem>> -> memref<1x128xi32, #tpu.memory_space<vmem>>
        %dma_start3A_548 = tpu.memref_squeeze %dma_start3A_547 : memref<1x128xi32, #tpu.memory_space<vmem>> -> memref<128xi32, #tpu.memory_space<vmem>>
        %dma_start3A_549 = arith.constant 0 : i32
        %dma_start3A_550 = arith.constant 0 : i32
        %dma_start3A_551 = tpu.memref_slice %arg2[%arg0, %dma_start3A_549, %dma_start3A_550] : memref<2x10240x128xf32, #tpu.memory_space<hbm>> -> memref<1x10240x128xf32, #tpu.memory_space<hbm>>
        %dma_start3A_552 = tpu.memref_squeeze %dma_start3A_551 : memref<1x10240x128xf32, #tpu.memory_space<hbm>> -> memref<10240x128xf32, #tpu.memory_space<hbm>>
        %dma_start3A_553 = arith.constant 0 : i32
        %dma_start3A_554 = arith.constant 0 : i32
        %dma_start3A_555 = tpu.memref_slice %dma_start3A_552[%dma_start3A_553, %dma_start3A_554] : memref<10240x128xf32, #tpu.memory_space<hbm>> -> memref<10240x128xf32, #tpu.memory_space<hbm>>
        tpu.enqueue_indirect_dma source(%dma_start3A_555 : memref<10240x128xf32, #tpu.memory_space<hbm>>) target(%arg9 : memref<128x128xf32, #tpu.memory_space<vmem>>) offsets(%dma_start3A_548 : memref<128xi32, #tpu.memory_space<vmem>>) semaphore(%arg16 : memref<!tpu.dma_semaphore, #tpu.memory_space<semaphore_mem>>)
      } else {
      }
      %add3A_507 = arith.constant 2 : i32
      %add3A_508 = arith.addi %add3A_499, %add3A_507 : i32
      %lt3A_509 = arith.constant 157 : i32
      %lt3A_510 = arith.cmpi slt, %add3A_508, %lt3A_509 : i32
      %convert_element_type3A_511 = arith.extui %lt3A_510 : i1 to i32
      %cond3A_512 = arith.constant 0 : i32
      %cond3A_513 = arith.cmpi ne, %convert_element_type3A_511, %cond3A_512 : i32
      scf.if %cond3A_513 {
        %add3A_532 = arith.constant 2 : i32
        %add3A_533 = arith.addi %add3A_499, %add3A_532 : i32
        %dma_start3A_534 = arith.constant 0 : i32
        %dma_start3A_535 = arith.constant 0 : i32
        %dma_start3A_536 = tpu.memref_slice %arg3[%arg0, %arg1, %add3A_533, %dma_start3A_534, %dma_start3A_535] : memref<2x16x157x2x128xi32, #tpu.memory_space<hbm>> -> memref<1x1x1x2x128xi32, #tpu.memory_space<hbm>>
        %dma_start3A_537 = tpu.memref_squeeze %dma_start3A_536 : memref<1x1x1x2x128xi32, #tpu.memory_space<hbm>> -> memref<2x128xi32, #tpu.memory_space<hbm>>
        %dma_start3A_538 = arith.constant 0 : i32
        %dma_start3A_539 = arith.constant 0 : i32
        %dma_start3A_540 = tpu.memref_slice %arg3[%arg0, %arg1, %add3A_533, %dma_start3A_538, %dma_start3A_539] : memref<2x16x157x2x128xi32, #tpu.memory_space<hbm>> -> memref<1x1x1x2x128xi32, #tpu.memory_space<hbm>>
        %dma_start3A_541 = tpu.memref_squeeze %dma_start3A_540 : memref<1x1x1x2x128xi32, #tpu.memory_space<hbm>> -> memref<2x128xi32, #tpu.memory_space<hbm>>
        tpu.enqueue_dma source(%dma_start3A_541 : memref<2x128xi32, #tpu.memory_space<hbm>>) target(%arg6 : memref<2x128xi32, #tpu.memory_space<vmem>>) target_semaphore(%arg13 : memref<!tpu.dma_semaphore, #tpu.memory_space<semaphore_mem>>)
      } else {
      }
      %dma_wait3A_514 = arith.constant 0 : i32
      %dma_wait3A_515 = arith.constant 0 : i32
      %dma_wait3A_516 = tpu.memref_slice %arg5[%dma_wait3A_514, %dma_wait3A_515] : memref<2x128xi32, #tpu.memory_space<vmem>> -> memref<1x128xi32, #tpu.memory_space<vmem>>
      %dma_wait3A_517 = tpu.memref_squeeze %dma_wait3A_516 : memref<1x128xi32, #tpu.memory_space<vmem>> -> memref<128xi32, #tpu.memory_space<vmem>>
      %dma_wait3A_518 = arith.constant 0 : i32
      %dma_wait3A_519 = arith.constant 0 : i32
      %dma_wait3A_520 = tpu.memref_slice %arg2[%arg0, %dma_wait3A_518, %dma_wait3A_519] : memref<2x10240x128xf32, #tpu.memory_space<hbm>> -> memref<1x10240x128xf32, #tpu.memory_space<hbm>>
      %dma_wait3A_521 = tpu.memref_squeeze %dma_wait3A_520 : memref<1x10240x128xf32, #tpu.memory_space<hbm>> -> memref<10240x128xf32, #tpu.memory_space<hbm>>
      %dma_wait3A_522 = arith.constant 0 : i32
      %dma_wait3A_523 = arith.constant 0 : i32
      %dma_wait3A_524 = tpu.memref_slice %dma_wait3A_521[%dma_wait3A_522, %dma_wait3A_523] : memref<10240x128xf32, #tpu.memory_space<hbm>> -> memref<10240x128xf32, #tpu.memory_space<hbm>>
      tpu.wait_indirect_dma semaphore(%arg18 : memref<!tpu.dma_semaphore, #tpu.memory_space<semaphore_mem>>) src(%dma_wait3A_524 : memref<10240x128xf32, #tpu.memory_space<hbm>>) dst(%arg11 : memref<128x128xf32, #tpu.memory_space<vmem>>)
      %dma_start3A_525 = arith.constant 1 : i32
      %dma_start3A_526 = arith.constant 0 : i32
      %dma_start3A_527 = tpu.memref_slice %arg8[%dma_start3A_525, %dma_start3A_526] : memref<2x128xi32, #tpu.memory_space<vmem>> -> memref<1x128xi32, #tpu.memory_space<vmem>>
      %dma_start3A_528 = tpu.memref_squeeze %dma_start3A_527 : memref<1x128xi32, #tpu.memory_space<vmem>> -> memref<128xi32, #tpu.memory_space<vmem>>
      %dma_start3A_529 = arith.constant 0 : i32
      %dma_start3A_530 = arith.constant 0 : i32
      %dma_start3A_531 = tpu.memref_slice %arg22[%dma_start3A_529, %dma_start3A_530] : memref<10112x128xf32, #tpu.memory_space<vmem_shared>> -> memref<10112x128xf32, #tpu.memory_space<vmem_shared>>
      tpu.enqueue_indirect_dma source(%arg11 : memref<128x128xf32, #tpu.memory_space<vmem>>) target(%dma_start3A_531 : memref<10112x128xf32, #tpu.memory_space<vmem_shared>>) offsets(%dma_start3A_528 : memref<128xi32, #tpu.memory_space<vmem>>) semaphore(%arg21 : memref<!tpu.dma_semaphore, #tpu.memory_space<semaphore_mem>>) {add = true}
    }
    %scan3A_55 = arith.constant 13 : i32
    %dma_wait3A_56 = arith.constant 0 : i32
    %dma_wait3A_57 = arith.constant 0 : i32
    %dma_wait3A_58 = tpu.memref_slice %arg5[%dma_wait3A_56, %dma_wait3A_57] : memref<2x128xi32, #tpu.memory_space<vmem>> -> memref<1x128xi32, #tpu.memory_space<vmem>>
    %dma_wait3A_59 = tpu.memref_squeeze %dma_wait3A_58 : memref<1x128xi32, #tpu.memory_space<vmem>> -> memref<128xi32, #tpu.memory_space<vmem>>
    %dma_wait3A_60 = arith.constant 0 : i32
    %dma_wait3A_61 = arith.constant 0 : i32
    %dma_wait3A_62 = tpu.memref_slice %arg2[%arg0, %dma_wait3A_60, %dma_wait3A_61] : memref<2x10240x128xf32, #tpu.memory_space<hbm>> -> memref<1x10240x128xf32, #tpu.memory_space<hbm>>
    %dma_wait3A_63 = tpu.memref_squeeze %dma_wait3A_62 : memref<1x10240x128xf32, #tpu.memory_space<hbm>> -> memref<10240x128xf32, #tpu.memory_space<hbm>>
    %dma_wait3A_64 = arith.constant 0 : i32
    %dma_wait3A_65 = arith.constant 0 : i32
    %dma_wait3A_66 = tpu.memref_slice %dma_wait3A_63[%dma_wait3A_64, %dma_wait3A_65] : memref<10240x128xf32, #tpu.memory_space<hbm>> -> memref<10240x128xf32, #tpu.memory_space<hbm>>
    tpu.wait_indirect_dma semaphore(%arg16 : memref<!tpu.dma_semaphore, #tpu.memory_space<semaphore_mem>>) src(%dma_wait3A_66 : memref<10240x128xf32, #tpu.memory_space<hbm>>) dst(%arg9 : memref<128x128xf32, #tpu.memory_space<vmem>>)
    %dma_start3A_67 = arith.constant 1 : i32
    %dma_start3A_68 = arith.constant 0 : i32
    %dma_start3A_69 = tpu.memref_slice %arg5[%dma_start3A_67, %dma_start3A_68] : memref<2x128xi32, #tpu.memory_space<vmem>> -> memref<1x128xi32, #tpu.memory_space<vmem>>
    %dma_start3A_70 = tpu.memref_squeeze %dma_start3A_69 : memref<1x128xi32, #tpu.memory_space<vmem>> -> memref<128xi32, #tpu.memory_space<vmem>>
    %dma_start3A_71 = arith.constant 0 : i32
    %dma_start3A_72 = arith.constant 0 : i32
    %dma_start3A_73 = tpu.memref_slice %arg22[%dma_start3A_71, %dma_start3A_72] : memref<10112x128xf32, #tpu.memory_space<vmem_shared>> -> memref<10112x128xf32, #tpu.memory_space<vmem_shared>>
    tpu.enqueue_indirect_dma source(%arg9 : memref<128x128xf32, #tpu.memory_space<vmem>>) target(%dma_start3A_73 : memref<10112x128xf32, #tpu.memory_space<vmem_shared>>) offsets(%dma_start3A_70 : memref<128xi32, #tpu.memory_space<vmem>>) semaphore(%arg19 : memref<!tpu.dma_semaphore, #tpu.memory_space<semaphore_mem>>) {add = true}
    %dma_wait3A_74 = arith.constant 1 : i32
    %dma_wait3A_75 = arith.constant 0 : i32
    %dma_wait3A_76 = tpu.memref_slice %arg5[%dma_wait3A_74, %dma_wait3A_75] : memref<2x128xi32, #tpu.memory_space<vmem>> -> memref<1x128xi32, #tpu.memory_space<vmem>>
    %dma_wait3A_77 = tpu.memref_squeeze %dma_wait3A_76 : memref<1x128xi32, #tpu.memory_space<vmem>> -> memref<128xi32, #tpu.memory_space<vmem>>
    %dma_wait3A_78 = arith.constant 0 : i32
    %dma_wait3A_79 = arith.constant 0 : i32
    %dma_wait3A_80 = tpu.memref_slice %arg22[%dma_wait3A_78, %dma_wait3A_79] : memref<10112x128xf32, #tpu.memory_space<vmem_shared>> -> memref<10112x128xf32, #tpu.memory_space<vmem_shared>>
    tpu.wait_indirect_dma semaphore(%arg19 : memref<!tpu.dma_semaphore, #tpu.memory_space<semaphore_mem>>) src(%arg9 : memref<128x128xf32, #tpu.memory_space<vmem>>) dst(%dma_wait3A_80 : memref<10112x128xf32, #tpu.memory_space<vmem_shared>>)
    %dma_wait3A_81 = arith.constant 1 : i32
    %dma_wait3A_82 = arith.constant 0 : i32
    %dma_wait3A_83 = tpu.memref_slice %arg5[%dma_wait3A_81, %dma_wait3A_82] : memref<2x128xi32, #tpu.memory_space<vmem>> -> memref<1x128xi32, #tpu.memory_space<vmem>>
    %dma_wait3A_84 = tpu.memref_squeeze %dma_wait3A_83 : memref<1x128xi32, #tpu.memory_space<vmem>> -> memref<128xi32, #tpu.memory_space<vmem>>
    %dma_wait3A_85 = arith.constant 0 : i32
    %dma_wait3A_86 = arith.constant 0 : i32
    %dma_wait3A_87 = tpu.memref_slice %arg22[%dma_wait3A_85, %dma_wait3A_86] : memref<10112x128xf32, #tpu.memory_space<vmem_shared>> -> memref<10112x128xf32, #tpu.memory_space<vmem_shared>>
    tpu.wait_indirect_dma semaphore(%arg20 : memref<!tpu.dma_semaphore, #tpu.memory_space<semaphore_mem>>) src(%arg10 : memref<128x128xf32, #tpu.memory_space<vmem>>) dst(%dma_wait3A_87 : memref<10112x128xf32, #tpu.memory_space<vmem_shared>>)
    %dma_wait3A_88 = arith.constant 1 : i32
    %dma_wait3A_89 = arith.constant 0 : i32
    %dma_wait3A_90 = tpu.memref_slice %arg5[%dma_wait3A_88, %dma_wait3A_89] : memref<2x128xi32, #tpu.memory_space<vmem>> -> memref<1x128xi32, #tpu.memory_space<vmem>>
    %dma_wait3A_91 = tpu.memref_squeeze %dma_wait3A_90 : memref<1x128xi32, #tpu.memory_space<vmem>> -> memref<128xi32, #tpu.memory_space<vmem>>
    %dma_wait3A_92 = arith.constant 0 : i32
    %dma_wait3A_93 = arith.constant 0 : i32
    %dma_wait3A_94 = tpu.memref_slice %arg22[%dma_wait3A_92, %dma_wait3A_93] : memref<10112x128xf32, #tpu.memory_space<vmem_shared>> -> memref<10112x128xf32, #tpu.memory_space<vmem_shared>>
    tpu.wait_indirect_dma semaphore(%arg21 : memref<!tpu.dma_semaphore, #tpu.memory_space<semaphore_mem>>) src(%arg11 : memref<128x128xf32, #tpu.memory_space<vmem>>) dst(%dma_wait3A_94 : memref<10112x128xf32, #tpu.memory_space<vmem_shared>>)
    %barrier3A_95 = arith.constant 0 : index
    tpu.barrier barrier_id(%barrier3A_95)
    %mul3A_96 = arith.constant 632 : i32
    %mul3A_97 = arith.muli %arg1, %mul3A_96 : i32
    "tpu.region"() ({
      %run_scoped3A = tpu.sem_alloc : memref<!tpu.dma_semaphore, #tpu.memory_space<semaphore_mem>>
      %dma_start3A_98 = arith.constant 0 : i32
      %dma_start3A_99 = tpu.memref_slice %arg4[%arg0, %mul3A_97, %dma_start3A_98] : memref<2x10240x128xf32, #tpu.memory_space<hbm>> -> memref<1x632x128xf32, #tpu.memory_space<hbm>>
      %dma_start3A_100 = tpu.memref_squeeze %dma_start3A_99 : memref<1x632x128xf32, #tpu.memory_space<hbm>> -> memref<632x128xf32, #tpu.memory_space<hbm>>
      %dma_start3A_101 = arith.constant 0 : i32
      %dma_start3A_102 = tpu.memref_slice %arg22[%mul3A_97, %dma_start3A_101] : memref<10112x128xf32, #tpu.memory_space<vmem_shared>> -> memref<632x128xf32, #tpu.memory_space<vmem_shared>>
      tpu.enqueue_dma source(%dma_start3A_102 : memref<632x128xf32, #tpu.memory_space<vmem_shared>>) target(%dma_start3A_100 : memref<632x128xf32, #tpu.memory_space<hbm>>) target_semaphore(%run_scoped3A : memref<!tpu.dma_semaphore, #tpu.memory_space<semaphore_mem>>)
      %dma_wait3A_103 = arith.constant 0 : i32
      %dma_wait3A_104 = tpu.memref_slice %arg4[%arg0, %mul3A_97, %dma_wait3A_103] : memref<2x10240x128xf32, #tpu.memory_space<hbm>> -> memref<1x632x128xf32, #tpu.memory_space<hbm>>
      %dma_wait3A_105 = tpu.memref_squeeze %dma_wait3A_104 : memref<1x632x128xf32, #tpu.memory_space<hbm>> -> memref<632x128xf32, #tpu.memory_space<hbm>>
      %dma_wait3A_106 = arith.constant 0 : i32
      %dma_wait3A_107 = tpu.memref_slice %arg22[%mul3A_97, %dma_wait3A_106] : memref<10112x128xf32, #tpu.memory_space<vmem_shared>> -> memref<632x128xf32, #tpu.memory_space<vmem_shared>>
      tpu.wait_dma2 semaphore(%run_scoped3A : memref<!tpu.dma_semaphore, #tpu.memory_space<semaphore_mem>>) src(%dma_wait3A_107 : memref<632x128xf32, #tpu.memory_space<vmem_shared>>) dst(%dma_wait3A_105 : memref<632x128xf32, #tpu.memory_space<hbm>>)
      tpu.yield
    }) : () -> ()
    return
  }
}

module attributes {stable_mosaic.version = 14 : i64} {
  func.func @_mm_body(%arg0: i32, %arg1: memref<512x128xf32, #tpu.memory_space<vmem>>, %arg2: memref<128x128xf32, #tpu.memory_space<vmem>>, %arg3: memref<128x128xf32, #tpu.memory_space<vmem>>, %arg4: memref<128x128xf32, #tpu.memory_space<vmem>>, %arg5: memref<2x512x128xf32, #tpu.memory_space<vmem>>, %arg6: memref<512x128xf32, #tpu.memory_space<vmem>>, %arg7: memref<1x512x128xf32, #tpu.memory_space<vmem>>, %arg8: memref<1x512x128xf32, #tpu.memory_space<vmem>>) attributes {dimension_semantics = [#tpu.dimension_semantics<arbitrary>], iteration_bounds = array<i64: 20>, scalar_prefetch = 0 : i64, scratch_operands = 0 : i64, tpu.core_type = #tpu.core_type<tc>, window_params = [{transform_indices = @transform_0, window_bounds = array<i64: 512, 128>}, {pipeline_mode = #tpu.pipeline_mode<synchronous>, transform_indices = @transform_1, window_bounds = array<i64: 128, 128>}, {pipeline_mode = #tpu.pipeline_mode<synchronous>, transform_indices = @transform_2, window_bounds = array<i64: 128, 128>}, {pipeline_mode = #tpu.pipeline_mode<synchronous>, transform_indices = @transform_3, window_bounds = array<i64: 128, 128>}, {transform_indices = @transform_4, window_bounds = array<i64: 2, 512, 128>}, {transform_indices = @transform_5, window_bounds = array<i64: 512, 128>}, {transform_indices = @transform_6, window_bounds = array<i64: 1, 512, 128>}, {transform_indices = @transform_7, window_bounds = array<i64: 1, 512, 128>}]} {
    %get3A = arith.constant 0 : index
    %get3A_0 = arith.constant 0 : index
    %get3A_1 = vector.load %arg1[%get3A, %get3A_0] : memref<512x128xf32, #tpu.memory_space<vmem>>, vector<512x128xf32>
    %get3A_2 = arith.constant 0 : index
    %get3A_3 = arith.constant 0 : index
    %get3A_4 = arith.constant 0 : index
    %get3A_5 = vector.load %arg5[%get3A_2, %get3A_3, %get3A_4] : memref<2x512x128xf32, #tpu.memory_space<vmem>>, vector<1x512x1xf32>
    %get3A_6 = vector.shape_cast %get3A_5 : vector<1x512x1xf32> to vector<512x1xf32>
    %gt3A = arith.constant 0.000000e+00 : f32
    %gt3A_7 = vector.broadcast %gt3A : f32 to vector<512x1xf32>
    %gt3A_8 = arith.cmpf ogt, %get3A_6, %gt3A_7 : vector<512x1xf32>
    %max3A = arith.constant 9.99999996E-13 : f32
    %max3A_9 = vector.broadcast %max3A : f32 to vector<512x1xf32>
    %max3A_10 = arith.maximumf %get3A_6, %max3A_9 : vector<512x1xf32>
    %rsqrt3A = math.rsqrt %max3A_10 : vector<512x1xf32>
    %jit3A = arith.constant 0.000000e+00 : f32
    %broadcast_in_dim3A = vector.broadcast %jit3A : f32 to vector<512x1xf32>
    %select_n3A = arith.select %gt3A_8, %rsqrt3A, %broadcast_in_dim3A : vector<512x1xi1>, vector<512x1xf32>
    %get3A_11 = arith.constant 1 : index
    %get3A_12 = arith.constant 0 : index
    %get3A_13 = arith.constant 0 : index
    %get3A_14 = vector.load %arg5[%get3A_11, %get3A_12, %get3A_13] : memref<2x512x128xf32, #tpu.memory_space<vmem>>, vector<1x512x1xf32>
    %get3A_15 = vector.shape_cast %get3A_14 : vector<1x512x1xf32> to vector<512x1xf32>
    %gt3A_16 = arith.constant 0.000000e+00 : f32
    %gt3A_17 = vector.broadcast %gt3A_16 : f32 to vector<512x1xf32>
    %gt3A_18 = arith.cmpf ogt, %get3A_15, %gt3A_17 : vector<512x1xf32>
    %max3A_19 = arith.constant 9.99999996E-13 : f32
    %max3A_20 = vector.broadcast %max3A_19 : f32 to vector<512x1xf32>
    %max3A_21 = arith.maximumf %get3A_15, %max3A_20 : vector<512x1xf32>
    %rsqrt3A_22 = math.rsqrt %max3A_21 : vector<512x1xf32>
    %jit3A_23 = arith.constant 0.000000e+00 : f32
    %broadcast_in_dim3A_24 = vector.broadcast %jit3A_23 : f32 to vector<512x1xf32>
    %select_n3A_25 = arith.select %gt3A_18, %rsqrt3A_22, %broadcast_in_dim3A_24 : vector<512x1xi1>, vector<512x1xf32>
    %get3A_26 = arith.constant 0 : index
    %get3A_27 = arith.constant 0 : index
    %get3A_28 = vector.load %arg2[%get3A_26, %get3A_27] : memref<128x128xf32, #tpu.memory_space<vmem>>, vector<128x128xf32>
    %dot_general3A = arith.constant dense<0.000000e+00> : vector<512x128xf32>
    %dot_general3A_29 = tpu.matmul %get3A_1, %get3A_28, %dot_general3A {dimension_numbers = #tpu.dot_dimension_numbers<[1], [1], [0], [0], [0, 0, 1, 0], [], []>, transpose_lhs_hint = false} : vector<512x128xf32>, vector<128x128xf32>, vector<512x128xf32> -> vector<512x128xf32>
    %swap3A = arith.constant 0 : index
    %swap3A_30 = arith.constant 0 : index
    %swap3A_31 = vector.load %arg6[%swap3A, %swap3A_30] : memref<512x128xf32, #tpu.memory_space<vmem>>, vector<512x128xf32>
    tpu.vector_store %arg6[%swap3A, %swap3A_30], %dot_general3A_29 {strides = array<i32>} : memref<512x128xf32, #tpu.memory_space<vmem>>, vector<512x128xf32>,
    %get3A_32 = arith.constant 0 : index
    %get3A_33 = arith.constant 0 : index
    %get3A_34 = vector.load %arg3[%get3A_32, %get3A_33] : memref<128x128xf32, #tpu.memory_space<vmem>>, vector<128x128xf32>
    %dot_general3A_35 = arith.constant dense<0.000000e+00> : vector<512x128xf32>
    %dot_general3A_36 = tpu.matmul %get3A_1, %get3A_34, %dot_general3A_35 {dimension_numbers = #tpu.dot_dimension_numbers<[1], [0], [0], [1], [0, 0, 1, 1], [], []>, transpose_lhs_hint = false} : vector<512x128xf32>, vector<128x128xf32>, vector<512x128xf32> -> vector<512x128xf32>
    %mul3A = vector.broadcast %select_n3A : vector<512x1xf32> to vector<512x128xf32>
    %mul3A_37 = arith.mulf %mul3A, %dot_general3A_36 : vector<512x128xf32>
    %swap3A_38 = arith.constant 0 : index
    %swap3A_39 = arith.constant 0 : index
    %swap3A_40 = arith.constant 0 : index
    %swap3A_41 = vector.load %arg7[%swap3A_38, %swap3A_39, %swap3A_40] : memref<1x512x128xf32, #tpu.memory_space<vmem>>, vector<1x512x128xf32>
    %swap3A_42 = vector.shape_cast %swap3A_41 : vector<1x512x128xf32> to vector<512x128xf32>
    %swap3A_43 = vector.shape_cast %mul3A_37 : vector<512x128xf32> to vector<1x512x128xf32>
    tpu.vector_store %arg7[%swap3A_38, %swap3A_39, %swap3A_40], %swap3A_43 {strides = array<i32>} : memref<1x512x128xf32, #tpu.memory_space<vmem>>, vector<1x512x128xf32>,
    %get3A_44 = arith.constant 0 : index
    %get3A_45 = arith.constant 0 : index
    %get3A_46 = vector.load %arg4[%get3A_44, %get3A_45] : memref<128x128xf32, #tpu.memory_space<vmem>>, vector<128x128xf32>
    %dot_general3A_47 = arith.constant dense<0.000000e+00> : vector<512x128xf32>
    %dot_general3A_48 = tpu.matmul %get3A_1, %get3A_46, %dot_general3A_47 {dimension_numbers = #tpu.dot_dimension_numbers<[1], [0], [0], [1], [0, 0, 1, 1], [], []>, transpose_lhs_hint = false} : vector<512x128xf32>, vector<128x128xf32>, vector<512x128xf32> -> vector<512x128xf32>
    %mul3A_49 = vector.broadcast %select_n3A_25 : vector<512x1xf32> to vector<512x128xf32>
    %mul3A_50 = arith.mulf %mul3A_49, %dot_general3A_48 : vector<512x128xf32>
    %swap3A_51 = arith.constant 0 : index
    %swap3A_52 = arith.constant 0 : index
    %swap3A_53 = arith.constant 0 : index
    %swap3A_54 = vector.load %arg8[%swap3A_51, %swap3A_52, %swap3A_53] : memref<1x512x128xf32, #tpu.memory_space<vmem>>, vector<1x512x128xf32>
    %swap3A_55 = vector.shape_cast %swap3A_54 : vector<1x512x128xf32> to vector<512x128xf32>
    %swap3A_56 = vector.shape_cast %mul3A_50 : vector<512x128xf32> to vector<1x512x128xf32>
    tpu.vector_store %arg8[%swap3A_51, %swap3A_52, %swap3A_53], %swap3A_56 {strides = array<i32>} : memref<1x512x128xf32, #tpu.memory_space<vmem>>, vector<1x512x128xf32>,
    return
  }
  func.func @transform_0(%arg0: i32) -> (i32, i32) {
    %c0_i32 = arith.constant 0 : i32
    %c0_i32_0 = arith.constant 0 : i32
    return %arg0, %c0_i32 : i32, i32
  }
  func.func @transform_1(%arg0: i32) -> (i32, i32) {
    %c0_i32 = arith.constant 0 : i32
    %c0_i32_0 = arith.constant 0 : i32
    %c0_i32_1 = arith.constant 0 : i32
    return %c0_i32, %c0_i32_0 : i32, i32
  }
  func.func @transform_2(%arg0: i32) -> (i32, i32) {
    %c0_i32 = arith.constant 0 : i32
    %c0_i32_0 = arith.constant 0 : i32
    %c0_i32_1 = arith.constant 0 : i32
    return %c0_i32, %c0_i32_0 : i32, i32
  }
  func.func @transform_3(%arg0: i32) -> (i32, i32) {
    %c0_i32 = arith.constant 0 : i32
    %c0_i32_0 = arith.constant 0 : i32
    %c0_i32_1 = arith.constant 0 : i32
    return %c0_i32, %c0_i32_0 : i32, i32
  }
  func.func @transform_4(%arg0: i32) -> (i32, i32, i32) {
    %c0_i32 = arith.constant 0 : i32
    %c0_i32_0 = arith.constant 0 : i32
    %c0_i32_1 = arith.constant 0 : i32
    return %c0_i32, %arg0, %c0_i32_0 : i32, i32, i32
  }
  func.func @transform_5(%arg0: i32) -> (i32, i32) {
    %c0_i32 = arith.constant 0 : i32
    %c0_i32_0 = arith.constant 0 : i32
    return %arg0, %c0_i32 : i32, i32
  }
  func.func @transform_6(%arg0: i32) -> (i32, i32, i32) {
    %c0_i32 = arith.constant 0 : i32
    %c0_i32_0 = arith.constant 0 : i32
    %c0_i32_1 = arith.constant 0 : i32
    return %c0_i32, %arg0, %c0_i32_0 : i32, i32, i32
  }
  func.func @transform_7(%arg0: i32) -> (i32, i32, i32) {
    %c0_i32 = arith.constant 0 : i32
    %c0_i32_0 = arith.constant 0 : i32
    %c0_i32_1 = arith.constant 0 : i32
    return %c0_i32, %arg0, %c0_i32_0 : i32, i32, i32
  }
}

module attributes {stable_mosaic.version = 14 : i64} {
  func.func @_combine_mm_body(%arg0: i32, %arg1: memref<512x128xf32, #tpu.memory_space<vmem>>, %arg2: memref<2x512x128xf32, #tpu.memory_space<vmem>>, %arg3: memref<2x512x128xf32, #tpu.memory_space<vmem>>, %arg4: memref<1x128xf32, #tpu.memory_space<vmem>>, %arg5: memref<1x128xf32, #tpu.memory_space<vmem>>, %arg6: memref<1x128xf32, #tpu.memory_space<vmem>>, %arg7: memref<128x128xf32, #tpu.memory_space<vmem>>, %arg8: memref<128x128xf32, #tpu.memory_space<vmem>>, %arg9: memref<128x128xf32, #tpu.memory_space<vmem>>, %arg10: memref<512x128xf32, #tpu.memory_space<vmem>>, %arg11: memref<1x512x128xf32, #tpu.memory_space<vmem>>, %arg12: memref<1x512x128xf32, #tpu.memory_space<vmem>>) attributes {dimension_semantics = [#tpu.dimension_semantics<arbitrary>], iteration_bounds = array<i64: 20>, scalar_prefetch = 0 : i64, scratch_operands = 0 : i64, tpu.core_type = #tpu.core_type<tc>, window_params = [{transform_indices = @transform_0, window_bounds = array<i64: 512, 128>}, {transform_indices = @transform_1, window_bounds = array<i64: 2, 512, 128>}, {transform_indices = @transform_2, window_bounds = array<i64: 2, 512, 128>}, {pipeline_mode = #tpu.pipeline_mode<synchronous>, transform_indices = @transform_3, window_bounds = array<i64: 1, 128>}, {pipeline_mode = #tpu.pipeline_mode<synchronous>, transform_indices = @transform_4, window_bounds = array<i64: 1, 128>}, {pipeline_mode = #tpu.pipeline_mode<synchronous>, transform_indices = @transform_5, window_bounds = array<i64: 1, 128>}, {pipeline_mode = #tpu.pipeline_mode<synchronous>, transform_indices = @transform_6, window_bounds = array<i64: 128, 128>}, {pipeline_mode = #tpu.pipeline_mode<synchronous>, transform_indices = @transform_7, window_bounds = array<i64: 128, 128>}, {pipeline_mode = #tpu.pipeline_mode<synchronous>, transform_indices = @transform_8, window_bounds = array<i64: 128, 128>}, {transform_indices = @transform_9, window_bounds = array<i64: 512, 128>}, {transform_indices = @transform_10, window_bounds = array<i64: 1, 512, 128>}, {transform_indices = @transform_11, window_bounds = array<i64: 1, 512, 128>}]} {
    %get3A = arith.constant 0 : index
    %get3A_0 = arith.constant 0 : index
    %get3A_1 = arith.constant 0 : index
    %get3A_2 = vector.load %arg3[%get3A, %get3A_0, %get3A_1] : memref<2x512x128xf32, #tpu.memory_space<vmem>>, vector<1x512x1xf32>
    %get3A_3 = vector.shape_cast %get3A_2 : vector<1x512x1xf32> to vector<512x1xf32>
    %gt3A = arith.constant 0.000000e+00 : f32
    %gt3A_4 = vector.broadcast %gt3A : f32 to vector<512x1xf32>
    %gt3A_5 = arith.cmpf ogt, %get3A_3, %gt3A_4 : vector<512x1xf32>
    %max3A = arith.constant 9.99999996E-13 : f32
    %max3A_6 = vector.broadcast %max3A : f32 to vector<512x1xf32>
    %max3A_7 = arith.maximumf %get3A_3, %max3A_6 : vector<512x1xf32>
    %rsqrt3A = math.rsqrt %max3A_7 : vector<512x1xf32>
    %jit3A = arith.constant 0.000000e+00 : f32
    %broadcast_in_dim3A = vector.broadcast %jit3A : f32 to vector<512x1xf32>
    %select_n3A = arith.select %gt3A_5, %rsqrt3A, %broadcast_in_dim3A : vector<512x1xi1>, vector<512x1xf32>
    %get3A_8 = arith.constant 1 : index
    %get3A_9 = arith.constant 0 : index
    %get3A_10 = arith.constant 0 : index
    %get3A_11 = vector.load %arg3[%get3A_8, %get3A_9, %get3A_10] : memref<2x512x128xf32, #tpu.memory_space<vmem>>, vector<1x512x1xf32>
    %get3A_12 = vector.shape_cast %get3A_11 : vector<1x512x1xf32> to vector<512x1xf32>
    %gt3A_13 = arith.constant 0.000000e+00 : f32
    %gt3A_14 = vector.broadcast %gt3A_13 : f32 to vector<512x1xf32>
    %gt3A_15 = arith.cmpf ogt, %get3A_12, %gt3A_14 : vector<512x1xf32>
    %max3A_16 = arith.constant 9.99999996E-13 : f32
    %max3A_17 = vector.broadcast %max3A_16 : f32 to vector<512x1xf32>
    %max3A_18 = arith.maximumf %get3A_12, %max3A_17 : vector<512x1xf32>
    %rsqrt3A_19 = math.rsqrt %max3A_18 : vector<512x1xf32>
    %jit3A_20 = arith.constant 0.000000e+00 : f32
    %broadcast_in_dim3A_21 = vector.broadcast %jit3A_20 : f32 to vector<512x1xf32>
    %select_n3A_22 = arith.select %gt3A_15, %rsqrt3A_19, %broadcast_in_dim3A_21 : vector<512x1xi1>, vector<512x1xf32>
    %get3A_23 = arith.constant 0 : index
    %get3A_24 = arith.constant 0 : index
    %get3A_25 = vector.load %arg1[%get3A_23, %get3A_24] : memref<512x128xf32, #tpu.memory_space<vmem>>, vector<512x128xf32>
    %get3A_26 = arith.constant 0 : index
    %get3A_27 = arith.constant 0 : index
    %get3A_28 = vector.load %arg4[%get3A_26, %get3A_27] : memref<1x128xf32, #tpu.memory_space<vmem>>, vector<1x128xf32>
    %add3A = vector.broadcast %get3A_28 : vector<1x128xf32> to vector<512x128xf32>
    %add3A_29 = arith.addf %get3A_25, %add3A : vector<512x128xf32>
    %get3A_30 = arith.constant 0 : index
    %get3A_31 = arith.constant 0 : index
    %get3A_32 = arith.constant 0 : index
    %get3A_33 = vector.load %arg2[%get3A_30, %get3A_31, %get3A_32] : memref<2x512x128xf32, #tpu.memory_space<vmem>>, vector<1x512x128xf32>
    %get3A_34 = vector.shape_cast %get3A_33 : vector<1x512x128xf32> to vector<512x128xf32>
    %mul3A = vector.broadcast %select_n3A : vector<512x1xf32> to vector<512x128xf32>
    %mul3A_35 = arith.mulf %mul3A, %get3A_34 : vector<512x128xf32>
    %add3A_36 = arith.addf %add3A_29, %mul3A_35 : vector<512x128xf32>
    %get3A_37 = arith.constant 0 : index
    %get3A_38 = arith.constant 0 : index
    %get3A_39 = vector.load %arg5[%get3A_37, %get3A_38] : memref<1x128xf32, #tpu.memory_space<vmem>>, vector<1x128xf32>
    %add3A_40 = vector.broadcast %get3A_39 : vector<1x128xf32> to vector<512x128xf32>
    %add3A_41 = arith.addf %add3A_36, %add3A_40 : vector<512x128xf32>
    %get3A_42 = arith.constant 1 : index
    %get3A_43 = arith.constant 0 : index
    %get3A_44 = arith.constant 0 : index
    %get3A_45 = vector.load %arg2[%get3A_42, %get3A_43, %get3A_44] : memref<2x512x128xf32, #tpu.memory_space<vmem>>, vector<1x512x128xf32>
    %get3A_46 = vector.shape_cast %get3A_45 : vector<1x512x128xf32> to vector<512x128xf32>
    %mul3A_47 = vector.broadcast %select_n3A_22 : vector<512x1xf32> to vector<512x128xf32>
    %mul3A_48 = arith.mulf %mul3A_47, %get3A_46 : vector<512x128xf32>
    %add3A_49 = arith.addf %add3A_41, %mul3A_48 : vector<512x128xf32>
    %get3A_50 = arith.constant 0 : index
    %get3A_51 = arith.constant 0 : index
    %get3A_52 = vector.load %arg6[%get3A_50, %get3A_51] : memref<1x128xf32, #tpu.memory_space<vmem>>, vector<1x128xf32>
    %add3A_53 = vector.broadcast %get3A_52 : vector<1x128xf32> to vector<512x128xf32>
    %add3A_54 = arith.addf %add3A_49, %add3A_53 : vector<512x128xf32>
    %max3A_55 = arith.constant 0.000000e+00 : f32
    %max3A_56 = vector.broadcast %max3A_55 : f32 to vector<512x128xf32>
    %max3A_57 = arith.maximumf %add3A_54, %max3A_56 : vector<512x128xf32>
    %get3A_58 = arith.constant 0 : index
    %get3A_59 = arith.constant 0 : index
    %get3A_60 = vector.load %arg7[%get3A_58, %get3A_59] : memref<128x128xf32, #tpu.memory_space<vmem>>, vector<128x128xf32>
    %dot_general3A = arith.constant dense<0.000000e+00> : vector<512x128xf32>
    %dot_general3A_61 = tpu.matmul %max3A_57, %get3A_60, %dot_general3A {dimension_numbers = #tpu.dot_dimension_numbers<[1], [1], [0], [0], [0, 0, 1, 0], [], []>, transpose_lhs_hint = false} : vector<512x128xf32>, vector<128x128xf32>, vector<512x128xf32> -> vector<512x128xf32>
    %swap3A = arith.constant 0 : index
    %swap3A_62 = arith.constant 0 : index
    %swap3A_63 = vector.load %arg10[%swap3A, %swap3A_62] : memref<512x128xf32, #tpu.memory_space<vmem>>, vector<512x128xf32>
    tpu.vector_store %arg10[%swap3A, %swap3A_62], %dot_general3A_61 {strides = array<i32>} : memref<512x128xf32, #tpu.memory_space<vmem>>, vector<512x128xf32>,
    %get3A_64 = arith.constant 0 : index
    %get3A_65 = arith.constant 0 : index
    %get3A_66 = vector.load %arg8[%get3A_64, %get3A_65] : memref<128x128xf32, #tpu.memory_space<vmem>>, vector<128x128xf32>
    %dot_general3A_67 = arith.constant dense<0.000000e+00> : vector<512x128xf32>
    %dot_general3A_68 = tpu.matmul %max3A_57, %get3A_66, %dot_general3A_67 {dimension_numbers = #tpu.dot_dimension_numbers<[1], [0], [0], [1], [0, 0, 1, 1], [], []>, transpose_lhs_hint = false} : vector<512x128xf32>, vector<128x128xf32>, vector<512x128xf32> -> vector<512x128xf32>
    %mul3A_69 = vector.broadcast %select_n3A : vector<512x1xf32> to vector<512x128xf32>
    %mul3A_70 = arith.mulf %mul3A_69, %dot_general3A_68 : vector<512x128xf32>
    %swap3A_71 = arith.constant 0 : index
    %swap3A_72 = arith.constant 0 : index
    %swap3A_73 = arith.constant 0 : index
    %swap3A_74 = vector.load %arg11[%swap3A_71, %swap3A_72, %swap3A_73] : memref<1x512x128xf32, #tpu.memory_space<vmem>>, vector<1x512x128xf32>
    %swap3A_75 = vector.shape_cast %swap3A_74 : vector<1x512x128xf32> to vector<512x128xf32>
    %swap3A_76 = vector.shape_cast %mul3A_70 : vector<512x128xf32> to vector<1x512x128xf32>
    tpu.vector_store %arg11[%swap3A_71, %swap3A_72, %swap3A_73], %swap3A_76 {strides = array<i32>} : memref<1x512x128xf32, #tpu.memory_space<vmem>>, vector<1x512x128xf32>,
    %get3A_77 = arith.constant 0 : index
    %get3A_78 = arith.constant 0 : index
    %get3A_79 = vector.load %arg9[%get3A_77, %get3A_78] : memref<128x128xf32, #tpu.memory_space<vmem>>, vector<128x128xf32>
    %dot_general3A_80 = arith.constant dense<0.000000e+00> : vector<512x128xf32>
    %dot_general3A_81 = tpu.matmul %max3A_57, %get3A_79, %dot_general3A_80 {dimension_numbers = #tpu.dot_dimension_numbers<[1], [0], [0], [1], [0, 0, 1, 1], [], []>, transpose_lhs_hint = false} : vector<512x128xf32>, vector<128x128xf32>, vector<512x128xf32> -> vector<512x128xf32>
    %mul3A_82 = vector.broadcast %select_n3A_22 : vector<512x1xf32> to vector<512x128xf32>
    %mul3A_83 = arith.mulf %mul3A_82, %dot_general3A_81 : vector<512x128xf32>
    %swap3A_84 = arith.constant 0 : index
    %swap3A_85 = arith.constant 0 : index
    %swap3A_86 = arith.constant 0 : index
    %swap3A_87 = vector.load %arg12[%swap3A_84, %swap3A_85, %swap3A_86] : memref<1x512x128xf32, #tpu.memory_space<vmem>>, vector<1x512x128xf32>
    %swap3A_88 = vector.shape_cast %swap3A_87 : vector<1x512x128xf32> to vector<512x128xf32>
    %swap3A_89 = vector.shape_cast %mul3A_83 : vector<512x128xf32> to vector<1x512x128xf32>
    tpu.vector_store %arg12[%swap3A_84, %swap3A_85, %swap3A_86], %swap3A_89 {strides = array<i32>} : memref<1x512x128xf32, #tpu.memory_space<vmem>>, vector<1x512x128xf32>,
    return
  }
  func.func @transform_0(%arg0: i32) -> (i32, i32) {
    %c0_i32 = arith.constant 0 : i32
    %c0_i32_0 = arith.constant 0 : i32
    return %arg0, %c0_i32 : i32, i32
  }
  func.func @transform_1(%arg0: i32) -> (i32, i32, i32) {
    %c0_i32 = arith.constant 0 : i32
    %c0_i32_0 = arith.constant 0 : i32
    %c0_i32_1 = arith.constant 0 : i32
    return %c0_i32, %arg0, %c0_i32_0 : i32, i32, i32
  }
  func.func @transform_2(%arg0: i32) -> (i32, i32, i32) {
    %c0_i32 = arith.constant 0 : i32
    %c0_i32_0 = arith.constant 0 : i32
    %c0_i32_1 = arith.constant 0 : i32
    return %c0_i32, %arg0, %c0_i32_0 : i32, i32, i32
  }
  func.func @transform_3(%arg0: i32) -> (i32, i32) {
    %c0_i32 = arith.constant 0 : i32
    %c0_i32_0 = arith.constant 0 : i32
    %c0_i32_1 = arith.constant 0 : i32
    return %c0_i32, %c0_i32_0 : i32, i32
  }
  func.func @transform_4(%arg0: i32) -> (i32, i32) {
    %c0_i32 = arith.constant 0 : i32
    %c0_i32_0 = arith.constant 0 : i32
    %c0_i32_1 = arith.constant 0 : i32
    return %c0_i32, %c0_i32_0 : i32, i32
  }
  func.func @transform_5(%arg0: i32) -> (i32, i32) {
    %c0_i32 = arith.constant 0 : i32
    %c0_i32_0 = arith.constant 0 : i32
    %c0_i32_1 = arith.constant 0 : i32
    return %c0_i32, %c0_i32_0 : i32, i32
  }
  func.func @transform_6(%arg0: i32) -> (i32, i32) {
    %c0_i32 = arith.constant 0 : i32
    %c0_i32_0 = arith.constant 0 : i32
    %c0_i32_1 = arith.constant 0 : i32
    return %c0_i32, %c0_i32_0 : i32, i32
  }
  func.func @transform_7(%arg0: i32) -> (i32, i32) {
    %c0_i32 = arith.constant 0 : i32
    %c0_i32_0 = arith.constant 0 : i32
    %c0_i32_1 = arith.constant 0 : i32
    return %c0_i32, %c0_i32_0 : i32, i32
  }
  func.func @transform_8(%arg0: i32) -> (i32, i32) {
    %c0_i32 = arith.constant 0 : i32
    %c0_i32_0 = arith.constant 0 : i32
    %c0_i32_1 = arith.constant 0 : i32
    return %c0_i32, %c0_i32_0 : i32, i32
  }
  func.func @transform_9(%arg0: i32) -> (i32, i32) {
    %c0_i32 = arith.constant 0 : i32
    %c0_i32_0 = arith.constant 0 : i32
    return %arg0, %c0_i32 : i32, i32
  }
  func.func @transform_10(%arg0: i32) -> (i32, i32, i32) {
    %c0_i32 = arith.constant 0 : i32
    %c0_i32_0 = arith.constant 0 : i32
    %c0_i32_1 = arith.constant 0 : i32
    return %c0_i32, %arg0, %c0_i32_0 : i32, i32, i32
  }
  func.func @transform_11(%arg0: i32) -> (i32, i32, i32) {
    %c0_i32 = arith.constant 0 : i32
    %c0_i32_0 = arith.constant 0 : i32
    %c0_i32_1 = arith.constant 0 : i32
    return %c0_i32, %arg0, %c0_i32_0 : i32, i32, i32
  }
}

module attributes {stable_mosaic.version = 14 : i64} {
  func.func @_combine_body(%arg0: i32, %arg1: memref<512x128xf32, #tpu.memory_space<vmem>>, %arg2: memref<2x512x128xf32, #tpu.memory_space<vmem>>, %arg3: memref<2x512x128xf32, #tpu.memory_space<vmem>>, %arg4: memref<1x128xf32, #tpu.memory_space<vmem>>, %arg5: memref<1x128xf32, #tpu.memory_space<vmem>>, %arg6: memref<1x128xf32, #tpu.memory_space<vmem>>, %arg7: memref<512x128xf32, #tpu.memory_space<vmem>>) attributes {dimension_semantics = [#tpu.dimension_semantics<arbitrary>], iteration_bounds = array<i64: 20>, scalar_prefetch = 0 : i64, scratch_operands = 0 : i64, tpu.core_type = #tpu.core_type<tc>, window_params = [{transform_indices = @transform_0, window_bounds = array<i64: 512, 128>}, {transform_indices = @transform_1, window_bounds = array<i64: 2, 512, 128>}, {transform_indices = @transform_2, window_bounds = array<i64: 2, 512, 128>}, {pipeline_mode = #tpu.pipeline_mode<synchronous>, transform_indices = @transform_3, window_bounds = array<i64: 1, 128>}, {pipeline_mode = #tpu.pipeline_mode<synchronous>, transform_indices = @transform_4, window_bounds = array<i64: 1, 128>}, {pipeline_mode = #tpu.pipeline_mode<synchronous>, transform_indices = @transform_5, window_bounds = array<i64: 1, 128>}, {transform_indices = @transform_6, window_bounds = array<i64: 512, 128>}]} {
    %get3A = arith.constant 0 : index
    %get3A_0 = arith.constant 0 : index
    %get3A_1 = arith.constant 0 : index
    %get3A_2 = vector.load %arg3[%get3A, %get3A_0, %get3A_1] : memref<2x512x128xf32, #tpu.memory_space<vmem>>, vector<1x512x1xf32>
    %get3A_3 = vector.shape_cast %get3A_2 : vector<1x512x1xf32> to vector<512x1xf32>
    %gt3A = arith.constant 0.000000e+00 : f32
    %gt3A_4 = vector.broadcast %gt3A : f32 to vector<512x1xf32>
    %gt3A_5 = arith.cmpf ogt, %get3A_3, %gt3A_4 : vector<512x1xf32>
    %max3A = arith.constant 9.99999996E-13 : f32
    %max3A_6 = vector.broadcast %max3A : f32 to vector<512x1xf32>
    %max3A_7 = arith.maximumf %get3A_3, %max3A_6 : vector<512x1xf32>
    %rsqrt3A = math.rsqrt %max3A_7 : vector<512x1xf32>
    %jit3A = arith.constant 0.000000e+00 : f32
    %broadcast_in_dim3A = vector.broadcast %jit3A : f32 to vector<512x1xf32>
    %select_n3A = arith.select %gt3A_5, %rsqrt3A, %broadcast_in_dim3A : vector<512x1xi1>, vector<512x1xf32>
    %get3A_8 = arith.constant 1 : index
    %get3A_9 = arith.constant 0 : index
    %get3A_10 = arith.constant 0 : index
    %get3A_11 = vector.load %arg3[%get3A_8, %get3A_9, %get3A_10] : memref<2x512x128xf32, #tpu.memory_space<vmem>>, vector<1x512x1xf32>
    %get3A_12 = vector.shape_cast %get3A_11 : vector<1x512x1xf32> to vector<512x1xf32>
    %gt3A_13 = arith.constant 0.000000e+00 : f32
    %gt3A_14 = vector.broadcast %gt3A_13 : f32 to vector<512x1xf32>
    %gt3A_15 = arith.cmpf ogt, %get3A_12, %gt3A_14 : vector<512x1xf32>
    %max3A_16 = arith.constant 9.99999996E-13 : f32
    %max3A_17 = vector.broadcast %max3A_16 : f32 to vector<512x1xf32>
    %max3A_18 = arith.maximumf %get3A_12, %max3A_17 : vector<512x1xf32>
    %rsqrt3A_19 = math.rsqrt %max3A_18 : vector<512x1xf32>
    %jit3A_20 = arith.constant 0.000000e+00 : f32
    %broadcast_in_dim3A_21 = vector.broadcast %jit3A_20 : f32 to vector<512x1xf32>
    %select_n3A_22 = arith.select %gt3A_15, %rsqrt3A_19, %broadcast_in_dim3A_21 : vector<512x1xi1>, vector<512x1xf32>
    %get3A_23 = arith.constant 0 : index
    %get3A_24 = arith.constant 0 : index
    %get3A_25 = vector.load %arg1[%get3A_23, %get3A_24] : memref<512x128xf32, #tpu.memory_space<vmem>>, vector<512x128xf32>
    %get3A_26 = arith.constant 0 : index
    %get3A_27 = arith.constant 0 : index
    %get3A_28 = vector.load %arg4[%get3A_26, %get3A_27] : memref<1x128xf32, #tpu.memory_space<vmem>>, vector<1x128xf32>
    %add3A = vector.broadcast %get3A_28 : vector<1x128xf32> to vector<512x128xf32>
    %add3A_29 = arith.addf %get3A_25, %add3A : vector<512x128xf32>
    %get3A_30 = arith.constant 0 : index
    %get3A_31 = arith.constant 0 : index
    %get3A_32 = arith.constant 0 : index
    %get3A_33 = vector.load %arg2[%get3A_30, %get3A_31, %get3A_32] : memref<2x512x128xf32, #tpu.memory_space<vmem>>, vector<1x512x128xf32>
    %get3A_34 = vector.shape_cast %get3A_33 : vector<1x512x128xf32> to vector<512x128xf32>
    %mul3A = vector.broadcast %select_n3A : vector<512x1xf32> to vector<512x128xf32>
    %mul3A_35 = arith.mulf %mul3A, %get3A_34 : vector<512x128xf32>
    %add3A_36 = arith.addf %add3A_29, %mul3A_35 : vector<512x128xf32>
    %get3A_37 = arith.constant 0 : index
    %get3A_38 = arith.constant 0 : index
    %get3A_39 = vector.load %arg5[%get3A_37, %get3A_38] : memref<1x128xf32, #tpu.memory_space<vmem>>, vector<1x128xf32>
    %add3A_40 = vector.broadcast %get3A_39 : vector<1x128xf32> to vector<512x128xf32>
    %add3A_41 = arith.addf %add3A_36, %add3A_40 : vector<512x128xf32>
    %get3A_42 = arith.constant 1 : index
    %get3A_43 = arith.constant 0 : index
    %get3A_44 = arith.constant 0 : index
    %get3A_45 = vector.load %arg2[%get3A_42, %get3A_43, %get3A_44] : memref<2x512x128xf32, #tpu.memory_space<vmem>>, vector<1x512x128xf32>
    %get3A_46 = vector.shape_cast %get3A_45 : vector<1x512x128xf32> to vector<512x128xf32>
    %mul3A_47 = vector.broadcast %select_n3A_22 : vector<512x1xf32> to vector<512x128xf32>
    %mul3A_48 = arith.mulf %mul3A_47, %get3A_46 : vector<512x128xf32>
    %add3A_49 = arith.addf %add3A_41, %mul3A_48 : vector<512x128xf32>
    %get3A_50 = arith.constant 0 : index
    %get3A_51 = arith.constant 0 : index
    %get3A_52 = vector.load %arg6[%get3A_50, %get3A_51] : memref<1x128xf32, #tpu.memory_space<vmem>>, vector<1x128xf32>
    %add3A_53 = vector.broadcast %get3A_52 : vector<1x128xf32> to vector<512x128xf32>
    %add3A_54 = arith.addf %add3A_49, %add3A_53 : vector<512x128xf32>
    %max3A_55 = arith.constant 0.000000e+00 : f32
    %max3A_56 = vector.broadcast %max3A_55 : f32 to vector<512x128xf32>
    %max3A_57 = arith.maximumf %add3A_54, %max3A_56 : vector<512x128xf32>
    %swap3A = arith.constant 0 : index
    %swap3A_58 = arith.constant 0 : index
    %swap3A_59 = vector.load %arg7[%swap3A, %swap3A_58] : memref<512x128xf32, #tpu.memory_space<vmem>>, vector<512x128xf32>
    tpu.vector_store %arg7[%swap3A, %swap3A_58], %max3A_57 {strides = array<i32>} : memref<512x128xf32, #tpu.memory_space<vmem>>, vector<512x128xf32>,
    return
  }
  func.func @transform_0(%arg0: i32) -> (i32, i32) {
    %c0_i32 = arith.constant 0 : i32
    %c0_i32_0 = arith.constant 0 : i32
    return %arg0, %c0_i32 : i32, i32
  }
  func.func @transform_1(%arg0: i32) -> (i32, i32, i32) {
    %c0_i32 = arith.constant 0 : i32
    %c0_i32_0 = arith.constant 0 : i32
    %c0_i32_1 = arith.constant 0 : i32
    return %c0_i32, %arg0, %c0_i32_0 : i32, i32, i32
  }
  func.func @transform_2(%arg0: i32) -> (i32, i32, i32) {
    %c0_i32 = arith.constant 0 : i32
    %c0_i32_0 = arith.constant 0 : i32
    %c0_i32_1 = arith.constant 0 : i32
    return %c0_i32, %arg0, %c0_i32_0 : i32, i32, i32
  }
  func.func @transform_3(%arg0: i32) -> (i32, i32) {
    %c0_i32 = arith.constant 0 : i32
    %c0_i32_0 = arith.constant 0 : i32
    %c0_i32_1 = arith.constant 0 : i32
    return %c0_i32, %c0_i32_0 : i32, i32
  }
  func.func @transform_4(%arg0: i32) -> (i32, i32) {
    %c0_i32 = arith.constant 0 : i32
    %c0_i32_0 = arith.constant 0 : i32
    %c0_i32_1 = arith.constant 0 : i32
    return %c0_i32, %c0_i32_0 : i32, i32
  }
  func.func @transform_5(%arg0: i32) -> (i32, i32) {
    %c0_i32 = arith.constant 0 : i32
    %c0_i32_0 = arith.constant 0 : i32
    %c0_i32_1 = arith.constant 0 : i32
    return %c0_i32, %c0_i32_0 : i32, i32
  }
  func.func @transform_6(%arg0: i32) -> (i32, i32) {
    %c0_i32 = arith.constant 0 : i32
    %c0_i32_0 = arith.constant 0 : i32
    return %arg0, %c0_i32 : i32, i32
  }
}

</mosaic_0001>

<sc_bundles>
// kernel: kernel.11.cloned.1.call-start
scs
__scs_entry_jumppad:
0x0: {  	(pc) =	sbr.rel $0x88, $3  }
0x1: {  	(tag) =	ssettag $0x0;
	lr =	simm.s32 $0x1  }
0x2: {  	[smem:$0x3F92] =	sst lr;
	_ =	strace $0xD0000000  }
0x3: {  	_ = 	snop  }
0x4: {  	_ = 	snop  }
0x5: {  	_ = 	snop  }
0x6: {  	_ = 	snop  }
0x7: {  	_ = 	snop  }
__scs_overlays_trampoline_lowered:
0x8: {  	[smem:$0x3FA1] =	sst s0  }
0x9: {  	[smem:$0x3FA2] =	sst s1  }
0xa: {  	[smem:$0x3FA3] =	sst s2  }
0xb: {  	[smem:$0x3FA4] =	sst s3  }
0xc: {  	[smem:$0x3FA5] =	sst s4  }
0xd: {  	[smem:$0x3FA6] =	sst s5  }
0xe: {  	[smem:$0x3FA7] =	sst s6  }
0xf: {  	[smem:$0x3FA8] =	sst s7  }
0x10: {  	[smem:$0x3FA9] =	sst s8  }
0x11: {  	[smem:$0x3FAA] =	sst s9;
	s0 =	simm.s32 @!p0 $0x0  }
0x12: {  	s1 =	sld [smem:$0x3F90];
	s0 =	simm.s32 @p0 $0x1  }
0x13: {  	[smem:$0x3FAB] =	sst s0;
	s0 =	simm.s32 @!p1 $0x0  }
0x14: {  	s2 =	sld [smem:$0x3F8F];
	s0 =	simm.s32 @p1 $0x1  }
0x15: {  	[smem:$0x3FAC] =	sst s0;
	s0 =	simm.s32 @!p2 $0x0  }
0x16: {  	s3 =	sld [smem:$0x3FDB];
	s0 =	simm.s32 @p2 $0x1  }
0x17: {  	s4 =	simm.s32 $0x1BF5;
	[smem:$0x3FAE] =	sst s0  }
0x18: {  	s0 =	sld [smem:$0x3F91];
	_ =	swait.ge [sflag:s4], $0x0  }
0x19: {  	s7 =	sld [smem:$0x3F92]  }
0x1a: {  	s8 =	sadd.s32 $0xFFFFE003, lr  }
0x1b: {  	s9 =	sadd.s32 $0xFFFFFEF7, lr;
	s5 =	simm.s32 $0xFFFFFFFF;
	p2 =	slt.u32 s8, $0xFFFFF086  }
0x1c: {  	p1 =	slt.u32 s9, $0xF7A;
	s5 =	simm.s32 @!p2 $0x0  }
0x1d: {  	s5 =	simm.s32 @p1 $0x1;
	p0 =	seq.s32 s7, s2  }
0x1e: {  	s7 =	smul.u32 @!p0 $0xF7A, s2;
	p2 =	seq.s32 @!p0 s5, $0x0  }
0x1f: {  	s9 =	smul.u32 $0xF7A, s1;
	s8 =	simm.s32 @!p0 $0x1BF5;
	p2 =	por !p2, p0  }
0x20: {  	[sflag:s8] =	ssyncset.s32 @!p0 $0xFFFFF086;
	s6 =	sadd.s32 @!p0 s3, s7;
	s7 =	simm.s32 @!p0 $0x108  }
0x21: {  	s3 =	sadd.s32 s3, s9;
	s6 =	sadd.s32 @!p0 $0x88, s6;
	s7 =	simm.s32 @p2 $0x1082  }
0x22: {  	[simem:s7], [sflag:s8] =	dma.local @!p0 [hbm:s6], $0xF7A  }
0x23: {  	s9 =	sor.u32 $0xD0000000, s2;
	s6 =	simm.s32 $0x108;
	_ =	swait.ge @!p0 [sflag:s8], $0x0  }
0x24: {  	s3 =	sadd.s32 $0x88, s3;
	s6 =	simm.s32 @!p1 $0x1082;
	[sflag:s4] =	ssyncset.s32 $0xFFFFF086  }
0x25: {  	[simem:s6], [sflag:s4] =	dma.local [hbm:s3], $0xF7A  }
0x26: {  	[smem:$0x3F92] =	sst s1;
	(tag) =	ssettag s2;
	_ =	strace s9  }
0x27: {  	s1 =	sld [smem:$0x3FA2]  }
0x28: {  	s2 =	sld [smem:$0x3FA3]  }
0x29: {  	s4 =	sld [smem:$0x3FA5]  }
0x2a: {  	p0 =	seq.s32 s5, $0x0;
	s5 =	sld [smem:$0x3FA6]  }
0x2b: {  	s6 =	sld [smem:$0x3FA7]  }
0x2c: {  	s7 =	sld [smem:$0x3FA8]  }
0x2d: {  	s3 =	simm.s32 $0x108;
	s8 =	sld [smem:$0x3FA9]  }
0x2e: {  	s3 =	simm.s32 @!p0 $0x1082;
	s9 =	sld [smem:$0x3FAA]  }
0x2f: {  	lr =	sadd.s32 s0, s3;
	s0 =	sld [smem:$0x3FA1]  }
0x30: {  	s3 =	sld [smem:$0x3FA4]  }
0x31: {  	[smem:$0x3FAD] =	sst s10  }
0x32: {  	s10 =	sld [smem:$0x3FAB];
	_ =	sdelay $0x3  }
0x33: {  	p0 =	seq.s32 s10, $0x1;
	s10 =	sld [smem:$0x3FAD];
	_ =	sdelay $0x3  }
0x34: {  	[smem:$0x3FAD] =	sst s10  }
0x35: {  	s10 =	sld [smem:$0x3FAC];
	_ =	sdelay $0x3  }
0x36: {  	p1 =	seq.s32 s10, $0x1;
	s10 =	sld [smem:$0x3FAD];
	_ =	sdelay $0x3  }
0x37: {  	[smem:$0x3FAD] =	sst s10  }
0x38: {  	s10 =	sld [smem:$0x3FAE]  }
0x39: {  	_ = 	snop;
	(pc) =	sbr.ind lr, $3  }
0x3a: {  	_ = 	snop  }
0x3b: {  	_ = 	snop  }
0x3c: {  	p2 =	seq.s32 s10, $0x1;
	s10 =	sld [smem:$0x3FAD]  }
0x3d: {  	_ =	shalt  }
0x3e: {  	_ =	shalt  }
0x3f: {  	_ =	shalt  }
0x40: {  	_ =	shalt  }
0x41: {  	_ =	shalt  }
0x42: {  	_ =	shalt  }
0x43: {  	_ =	shalt  }
0x44: {  	_ =	shalt  }
0x45: {  	_ =	shalt  }
0x46: {  	_ =	shalt  }
0x47: {  	_ =	shalt  }
0x48: {  	_ =	shalt  }
0x49: {  	_ =	shalt  }
0x4a: {  	_ =	shalt  }
0x4b: {  	_ =	shalt  }
0x4c: {  	_ =	shalt  }
0x4d: {  	_ =	shalt  }
0x4e: {  	_ =	shalt  }
0x4f: {  	_ =	shalt  }
0x50: {  	_ =	shalt  }
0x51: {  	_ =	shalt  }
0x52: {  	_ =	shalt  }
0x53: {  	_ =	shalt  }
0x54: {  	_ =	shalt  }
0x55: {  	_ =	shalt  }
0x56: {  	_ =	shalt  }
0x57: {  	_ =	shalt  }
0x58: {  	_ =	shalt  }
0x59: {  	_ =	shalt  }
0x5a: {  	_ =	shalt  }
0x5b: {  	_ =	shalt  }
0x5c: {  	_ =	shalt  }
0x5d: {  	_ =	shalt  }
0x5e: {  	_ =	shalt  }
0x5f: {  	_ =	shalt  }
0x60: {  	_ =	shalt  }
0x61: {  	_ =	shalt  }
0x62: {  	_ =	shalt  }
0x63: {  	_ =	shalt  }
0x64: {  	_ =	shalt  }
0x65: {  	_ =	shalt  }
0x66: {  	_ =	shalt  }
0x67: {  	_ =	shalt  }
0x68: {  	_ =	shalt  }
0x69: {  	_ =	shalt  }
0x6a: {  	_ =	shalt  }
0x6b: {  	_ =	shalt  }
0x6c: {  	_ =	shalt  }
0x6d: {  	_ =	shalt  }
0x6e: {  	_ =	shalt  }
0x6f: {  	_ =	shalt  }
0x70: {  	_ =	shalt  }
0x71: {  	_ =	shalt  }
0x72: {  	_ =	shalt  }
0x73: {  	_ =	shalt  }
0x74: {  	_ =	shalt  }
0x75: {  	_ =	shalt  }
0x76: {  	_ =	shalt  }
0x77: {  	_ =	shalt  }
0x78: {  	_ =	shalt  }
0x79: {  	_ =	shalt  }
0x7a: {  	_ =	shalt  }
0x7b: {  	_ =	shalt  }
0x7c: {  	_ =	shalt  }
0x7d: {  	_ =	shalt  }
0x7e: {  	_ =	shalt  }
0x7f: {  	_ =	shalt  }
0x80: {  	_ =	shalt  }
0x81: {  	_ =	shalt  }
0x82: {  	_ =	shalt  }
0x83: {  	_ =	shalt  }
0x84: {  	_ =	shalt  }
0x85: {  	_ =	shalt  }
0x86: {  	_ =	shalt  }
0x87: {  	_ =	shalt  }
.Lfunc_end0:
.L_simem_size_0:
called_computation.1_lowered:
.L_overlay_start_0:
0x88: {  	s2 =	sld [smem:$0x3FD9]  }
0x89: {  	s3 =	sld [smem:$0x3FFE];
	_ =	sdelay $0x1  }
0x8a: {  	s1 =	srdreg.scid  }
0x8b: {  	s0 =	sand.u32 $0x1, s1  }
0x8c: {  	s16 =	sshll.u32 s0, $0xA;
	s2 =	sadd.s32 s3, s2  }
0x8d: {  	s2 =	sadd.s32 s2, s16  }
0x8e: {  	[smem:$0x3FB9] =	sst s2  }
0x8f: {  	_ = 	snop  }
0x90: {  	(tm) =	ssettm $0x1  }
0x91: {  	s17 =	sld [smem:$0x3FFB];
	_ =	sdelay $0x3  }
0x92: {  	_ =	strace s17  }
0x93: {  	s2 =	sld [smem:$0x3FFC];
	_ =	sdelay $0x3  }
0x94: {  	_ =	strace s2  }
0x95: {  	s2 =	sld [smem:$0x3FFD];
	_ =	sdelay $0x3  }
0x96: {  	_ =	strace s2  }
0x97: {  	_ =	strace $0x8FFFFFFF  }
0x98: {  	s18 =	sld [smem:$0x3FDB];
	_ =	sdelay $0x1  }
0x99: {  	s19 =	simm.s32 $_scs_section_size  }
0x9a: {  	s4 =	simm.s32 $_size__tile_overlayer_lowered;
	s5 =	simm.s32 $_tile_overlayer_lowered  }
0x9b: {  	s22 =	simm.s32 $0x1BFF;
	s21 =	sshll.u32 s5, $0x1;
	s2 =	sadd.s32 s19, s18  }
0x9c: {  	s6 =	simm.s32 $0x0;
	s20 =	sshll.u32 s4, $0x1;
	s4 =	sadd.s32 s21, s2  }
0x9d: {  	[timem:s6], [sflag:s22] =	dma.local [hbm:s4], s20  }
0x9e: {  	_ =	swait.ge [sflag:s22], s20  }
0x9f: {  	s3 =	ssub.s32 $0x0, s20;
	[sflag:s22] =	ssyncset.done $0x0  }
0xa0: {  	[sflag:s22] =	ssyncadd.s32 s3;
	_ =	sdelay $0x1  }
0xa1: {  	s23 =	simm.s32 $0x1B8B  }
0xa2: {  	_ =	swait.ge [sflag:s23], $0x1  }
0xa3: {  	[sflag:s23] =	ssyncset.done $0x0  }
0xa4: {  	s25 =	simm.s32 $0x1B8E;
	s24 =	sld [smem:$0x3FFE];
	[sflag:s23] =	ssyncadd.s32 $0xFFFFFFFF  }
0xa5: {  	s26 =	simm.s32 $execute0_lowered;
	[smem:$0x3FD2] =	sst s25  }
0xa6: {  	s4 =	sshll.u32 s26, $0x1;
	_ =	strace $0x80000049;
	[dreg:$0x1] =	wrdreg $0xFFFFFFFF  }
0xa7: {  	s28 =	simm.s32 $_size_execute0_lowered;
	s2 =	sadd.s32 s2, s4;
	[dreg:$0x0] =	wrdreg $0x0  }
0xa8: {  	s4 =	sshll.u32 s28, $0x1;
	[dreg:$0x2] =	wrdreg s2  }
0xa9: {  	[dreg:$0x3] =	wrdreg s4  }
0xaa: {  	[dreg:$0x4] =	wrdreg $0xC0  }
0xab: {  	_ =	task [dreg:s6], $0x5FFFF  }
0xac: {  	[dreg:$0x1] =	wrdreg $0xFFFFFFFF  }
0xad: {  	[dreg:$0x0] =	wrdreg $0x60  }
0xae: {  	[dreg:$0x2] =	wrdreg s24  }
0xaf: {  	[dreg:$0x3] =	wrdreg $0xC4000  }
0xb0: {  	[dreg:$0x4] =	wrdreg $0x9  }
0xb1: {  	_ =	task.clear_ibuf [dreg:s6], $0x5FFFF;
	_ =	strace $0x90000049  }
0xb2: {  	s29 =	simm.s32 $0x9;
	_ =	strace $0x8000004B  }
0xb3: {  	_ =	swait.ge [sflag:s29], $0x1  }
0xb4: {  	[sflag:s29] =	ssyncadd.s32 $0xFFFFFFFF  }
0xb5: {  	_ =	strace $0x9000004B  }
0xb6: {  	_ =	sfence  }
0xb7: {  	s30 =	sld [smem:$0x0];
	_ =	sdelay $0x2  }
0xb8: {  	s31 =	sshll.u32 s1, $0xD;
	s1 =	sshrl.u32 s1, $0x2  }
0xb9: {  	s3 =	sand.u32 $0x4000, s31;
	s1 =	sadd.s32 s1, s30  }
0xba: {  	s0 =	sor.u32 s3, s0;
	s1 =	sshll.u32 s1, $0x11  }
0xbb: {  	s0 =	sor.u32 s1, s0  }
0xbc: {  	s0 =	sadd.s32 $0x8F2B, s0  }
0xbd: {  	[sflag:s0] =	ssyncadd.remote.s32 $0x1  }
0xbe: {  	_ =	sfence.sel $0xFFFF  }
0xbf: {  	[dreg:$0x0] =	wrdreg $0xFFFFFFFF;
	(pc) =	sbr.abs _section_cstart, $3  }
0xc0: {  	[dreg:$0x1] =	wrdreg $0xFFFFFFFF  }
0xc1: {  	_ =	task.clear_ibuf [dreg:s6], $0x2FFFF;
	_ =	strace $0x9FFFFFFF  }
0xc2: {  	(tm) =	ssettm $0x7FFFFFFF  }
0xc3: {  	_ =	shalt  }
tec
execute0_lowered:
.L_overlay_start_1:
0x0: {  	(tag) =	ssettag $0x1  }
0x1: {  	s0 =	rddreg [dreg:$0x0]  }
0x2: {  	s1 =	rddreg [dreg:$0x1]  }
0x3: {  	s2 =	srdreg.scid;
	s9 =	stileid.u32  }
0x4: {  	s3 =	simm.s32 $0x0;
	s28 =	simm.s32 $0x300;
	s5 =	smul.u32 $0x13C00, s9  }
0x5: {  	s29 =	simm.s32 $0x6;
	s30 =	simm.s32 $0x180;
	s7 =	smul.u32 $0x4F000, s9  }
0x6: {  	s2 =	sand.u32 $0x1, s2;
	[smem:$0x7FF] =	sst s3;
	s9 =	smul.u32 $0x9D00, s9  }
0x7: {  	s31 =	simm.s32 $0x8;
	s4 =	smul.u32 $0x140000, s2;
	_ =	strace $0x8000004A  }
0x8: {  	s8 =	smul.u32 $0x9D000, s2;
	s2 =	ssub.s32 $0x2, s2;
	s7 =	sshrl.u32 s7, $0x2  }
0x9: {  	s10 =	sshrl.u32 s2, $0x1;
	s6 =	sshrl.u32 s4, $0x3;
	s5 =	sadd.s32 s5, s4  }
0xa: {  	s4 =	sadd.s32 $0x52400, s0;
	s11 =	sadd.s32 s7, s1;
	s2 =	ssub.s32 s2, s10  }
0xb: {  	s6 =	sadd.s32 s6, s0;
	s12 =	sadd.s32 $0x4000, s11;
	[dreg:$0xe] =	wrdreg s11  }
0xc: {  	s5 =	sshrl.u32 s5, $0x3;
	s14 =	sadd.s32 $0x8000, s11;
	[dreg:$0xf] =	wrdreg s12  }
0xd: {  	s15 =	sadd.s32 $0xC000, s11;
	s16 =	sadd.s32 $0x10000, s11;
	[dreg:$0x10] =	wrdreg s14  }
0xe: {  	s2 =	smax.u32 s2, $0x1;
	s0 =	sadd.s32 s5, s0;
	[dreg:$0x11] =	wrdreg s15  }
0xf: {  	s5 =	sadd.s32 s9, s8;
	[dreg:$0x13] =	wrdreg s16;
	s12 =	sadd.s32 $0x79800, s6  }
0x10: {  	[dreg:$0x16] =	wrdreg s2;
	s2 =	simm.s32 $0x7;
	s13 =	sshrl.u32 s5, $0x3  }
0x11: {  	s17 =	sadd.s32 $0x400, s5;
	s19 =	sadd.s32 $0x500, s5;
	s0 =	sadd.s32 $0xC9800, s0  }
0x12: {  	s23 =	sadd.s32 $0x600, s5;
	s25 =	sadd.s32 $0x700, s5;
	s26 =	sadd.s32 $0x800, s5  }
0x13: {  	s10 =	sadd.s32 $0x900, s5;
	s14 =	sadd.s32 $0xA00, s5;
	s15 =	sadd.s32 $0xB00, s5  }
0x14: {  	s7 =	sadd.s32 s4, s13;
	s18 =	sshrl.u32 s17, $0x3;
	[dreg:$0x15] =	wrdreg s0  }
0x15: {  	s21 =	sshrl.u32 s19, $0x3;
	s24 =	sshrl.u32 s23, $0x3;
	s6 =	sshrl.u32 s25, $0x3  }
0x16: {  	s8 =	sshrl.u32 s26, $0x3;
	s13 =	sshrl.u32 s10, $0x3;
	s17 =	sshrl.u32 s15, $0x3  }
0x17: {  	s19 =	sadd.s32 $0xD00, s5;
	s26 =	sadd.s32 $0xC00, s5;
	[dreg:$0x12] =	wrdreg s7  }
0x18: {  	s10 =	simm.s32 $0xA;
	s7 =	sadd.s32 $0x20, s7;
	[dreg:$0x17] =	wrdreg s26  }
0x19: {  	s20 =	sadd.s32 s18, s4;
	s22 =	sadd.s32 s21, s4;
	[dreg:$0x14] =	wrdreg s7  }
0x1a: {  	s0 =	sadd.s32 s24, s4;
	s6 =	sadd.s32 s6, s4;
	[dreg:$0x3] =	wrdreg s20  }
0x1b: {  	s9 =	sadd.s32 s8, s4;
	s18 =	sadd.s32 s17, s4;
	[dreg:$0x4] =	wrdreg s22  }
0x1c: {  	s21 =	sadd.s32 $0x300, s5;
	s17 =	simm.s32 $0xB;
	[dreg:$0x5] =	wrdreg s0  }
0x1d: {  	s26 =	simm.s32 $0x8400;
	s8 =	simm.s32 $0x380;
	[dreg:$0x6] =	wrdreg s6  }
0x1e: {  	[dreg:$0x7] =	wrdreg s9;
	s0 =	sadd.s32 s13, s4;
	s6 =	sshrl.u32 s14, $0x3  }
0x1f: {  	[dreg:$0xa] =	wrdreg s18;
	s20 =	sshrl.u32 s19, $0x3;
	s22 =	sadd.s32 $0x200, s5  }
0x20: {  	s18 =	simm.s32 $0x100;
	s19 =	simm.s32 $0x1;
	s7 =	simm.s32 $0x9  }
0x21: {  	s9 =	simm.s32 $0x0;
	[dreg:$0x8] =	wrdreg s0;
	s16 =	sadd.s32 s6, s4  }
0x22: {  	s0 =	sadd.s32 s20, s4;
	s6 =	sshrl.u32 s21, $0x3;
	s24 =	sshrl.u32 s22, $0x3  }
0x23: {  	s20 =	simm.s32 $0x80;
	s21 =	simm.s32 $0x2;
	[dreg:$0x9] =	wrdreg s16  }
0x24: {  	s22 =	simm.s32 $0x4400;
	[dreg:$0xb] =	wrdreg s0;
	s23 =	sadd.s32 s6, s4  }
0x25: {  	s25 =	sadd.s32 s24, s4;
	s16 =	simm.s32 $0x400;
	s24 =	simm.s32 $0x5  }
0x26: {  	s0 =	simm.s32 $0x4;
	s6 =	simm.s32 $0x280;
	[dreg:$0xc] =	wrdreg s23  }
0x27: {  	v0 =	vimm.f32 $0.0e+00;
	[dreg:$0xd] =	wrdreg s25;
	s23 =	simm.s32 $0x200;
	s25 =	simm.s32 $0x3  }
.LBB2_1:
0x28: {  	[dreg:$0x18] =	wrdreg s9;
	s5 =	simm.s32 $0x0;
	s9 =	simm.s32 $0x200  }
.LBB2_2:
0x29: {  	p0 =	sne.s32 s9, $0xFE00;
	[tilespmem:s5+$0x470] =	vst v0  }
0x2a: {  	[tilespmem:s5+$0x400] =	vst v0  }
0x2b: {  	[tilespmem:s5+$0x410] =	vst v0  }
.Ltmp0:
0x2c: {  	[tilespmem:s5+$0x420] =	vst v0;
	(pc) =	sbr.rel @p0 .LBB2_2-.Ltmp0, $4  }
0x2d: {  	[tilespmem:s5+$0x430] =	vst v0  }
0x2e: {  	[tilespmem:s5+$0x440] =	vst v0  }
0x2f: {  	[tilespmem:s5+$0x450] =	vst v0  }
0x30: {  	[tilespmem:s5+$0x460] =	vst v0;
	s5 =	sshra.s32 s9, $0x2;
	s9 =	sadd.s32 $0x200, s9  }
0x31: {  	[tilespmem:s5+$0x470] =	vst v0  }
0x32: {  	[tilespmem:s5+$0x400] =	vst v0  }
0x33: {  	[tilespmem:s5+$0x410] =	vst v0  }
0x34: {  	[tilespmem:s5+$0x420] =	vst v0  }
0x35: {  	[tilespmem:s5+$0x430] =	vst v0  }
0x36: {  	[tilespmem:s5+$0x440] =	vst v0  }
0x37: {  	[tilespmem:s5+$0x450] =	vst v0  }
0x38: {  	[tilespmem:s5+$0x460] =	vst v0  }
0x39: {  	[spmem:s11] =	stream.linear.scatter [tilespmem:s16], [sflag:$0xB], $0x4000, $0x38;
	v63 =	vld [tilespmem:$0x0]  }
0x3a: {  	_ =	swait.ge [sflag:s17], $0x4000  }
0x3b: {  	[sflag:s17] =	ssyncset.done $0x0  }
0x3c: {  	s14 =	rddreg [dreg:$0xf];
	[sflag:s17] =	ssyncadd.s32 $0xFFFFC000  }
0x3d: {  	[spmem:s14] =	stream.linear.scatter [tilespmem:s16], [sflag:$0xB], $0x4000, $0x38;
	v63 =	vld [tilespmem:$0x0]  }
0x3e: {  	_ =	swait.ge [sflag:s17], $0x4000  }
0x3f: {  	[sflag:s17] =	ssyncset.done $0x0  }
0x40: {  	s15 =	rddreg [dreg:$0x10];
	[sflag:s17] =	ssyncadd.s32 $0xFFFFC000  }
0x41: {  	[spmem:s15] =	stream.linear.scatter [tilespmem:s16], [sflag:$0xB], $0x4000, $0x38;
	v63 =	vld [tilespmem:$0x0]  }
0x42: {  	_ =	swait.ge [sflag:s17], $0x4000  }
0x43: {  	[sflag:s17] =	ssyncset.done $0x0  }
0x44: {  	s9 =	rddreg [dreg:$0x11];
	[sflag:s17] =	ssyncadd.s32 $0xFFFFC000  }
0x45: {  	[spmem:s9] =	stream.linear.scatter [tilespmem:s16], [sflag:$0xB], $0x4000, $0x38;
	v63 =	vld [tilespmem:$0x0]  }
0x46: {  	_ =	swait.ge [sflag:s17], $0x4000  }
0x47: {  	[sflag:s17] =	ssyncset.done $0x0  }
0x48: {  	s11 =	rddreg [dreg:$0x13];
	[sflag:s17] =	ssyncadd.s32 $0xFFFFC000  }
0x49: {  	[spmem:s11] =	stream.linear.scatter [tilespmem:s16], [sflag:$0xB], $0x3C00, $0x38;
	v63 =	vld [tilespmem:$0x0]  }
0x4a: {  	_ =	swait.ge [sflag:s17], $0x3C00  }
0x4b: {  	[sflag:s17] =	ssyncset.done $0x0  }
0x4c: {  	s13 =	simm.s32 $0x0;
	s9 =	rddreg [dreg:$0x12];
	[sflag:s17] =	ssyncadd.s32 $0xFFFFC400  }
0x4d: {  	[tilespmem:s13], [sflag:$0x1] =	stream.linear.gather [hbm4b:s9+s13], $0x100, $0x38;
	v63 =	vld [tilespmem:$0x0]  }
0x4e: {  	s14 =	rddreg [dreg:$0x14]  }
0x4f: {  	[tilespmem:s18], [sflag:$0x2] =	stream.linear.gather [hbm4b:s14+s13], $0x100, $0x38;
	v63 =	vld [tilespmem:$0x0]  }
0x50: {  	_ =	swait.ge [sflag:s19], $0x100  }
0x51: {  	p0 =	por $0x1, $0x1;
	[sflag:s19] =	ssyncset.done $0x0  }
0x52: {  	p0 =	por p0, p0;
	[sflag:s19] =	ssyncadd.s32 $0xFFFFFF00  }
0x53: {  	[tilespmem:s16], [sflag:$0x5] =	stream.indirect.gather [hbm4b:s12+s20], $0x80, s13, s20, $0xb8;
	v63 =	vld [tilespmem:$0x0]  }
0x54: {  	s5 =	simm.s32 @!p0 $0x9;
	[bflag:$0x0] =	sbarrier.arrive $0xFFFF  }
0x55: {  	_ =	swait.ge @!p0 [sflag:s5], $0x4000  }
0x56: {  	[sflag:s5] =	ssyncset.done @!p0 $0x0  }
0x57: {  	[sflag:s5] =	ssyncadd.s32 @!p0 $0xFFFFC000  }
0x58: {  	_ =	swait.ge [sflag:s21], $0x100  }
0x59: {  	[sflag:s21] =	ssyncset.done $0x0  }
0x5a: {  	s15 =	rddreg [dreg:$0xd];
	[sflag:s21] =	ssyncadd.s32 $0xFFFFFF00  }
0x5b: {  	[tilespmem:s22], [sflag:$0x6] =	stream.indirect.gather [hbm4b:s12+s20], $0x80, s18, s20, $0xb8;
	v63 =	vld [tilespmem:$0x0]  }
0x5c: {  	s5 =	sadd.s32 $0x0, s15  }
0x5d: {  	[tilespmem:s23], [sflag:$0x3] =	stream.linear.gather [hbm4b:s5+s3], $0x100, $0x38;
	v63 =	vld [tilespmem:$0x0]  }
0x5e: {  	_ =	swait.ge [sflag:s24], $0x4000  }
0x5f: {  	[sflag:s24] =	ssyncset.done $0x0  }
0x60: {  	s5 =	simm.s32 @!p0 $0xA;
	[sflag:s24] =	ssyncadd.s32 $0xFFFFC000  }
0x61: {  	[spmem:s1] =	stream.indirect.scatter.add.f32 [tilespmem:s16], [sflag:$0x8], $0x80, s20, s20, $0xb8;
	v63 =	vld [tilespmem:$0x0]  }
0x62: {  	_ =	swait.ge @!p0 [sflag:s5], $0x4000  }
0x63: {  	[sflag:s5] =	ssyncset.done @!p0 $0x0  }
0x64: {  	[sflag:s5] =	ssyncadd.s32 @!p0 $0xFFFFC000  }
0x65: {  	_ =	swait.ge [sflag:s25], $0x100  }
0x66: {  	[sflag:s25] =	ssyncset.done $0x0  }
0x67: {  	s9 =	rddreg [dreg:$0xc];
	[sflag:s25] =	ssyncadd.s32 $0xFFFFFF00  }
0x68: {  	[tilespmem:s26], [sflag:$0x7] =	stream.indirect.gather [hbm4b:s12+s20], $0x80, s23, s20, $0xb8;
	v63 =	vld [tilespmem:$0x0]  }
0x69: {  	s5 =	sadd.s32 $0x0, s9  }
0x6a: {  	[tilespmem:s28], [sflag:$0x4] =	stream.linear.gather [hbm4b:s5+s3], $0x100, $0x38;
	v63 =	vld [tilespmem:$0x0]  }
0x6b: {  	_ =	swait.ge [sflag:s29], $0x4000  }
0x6c: {  	[sflag:s29] =	ssyncset.done $0x0  }
0x6d: {  	[sflag:s29] =	ssyncadd.s32 $0xFFFFC000  }
0x6e: {  	[spmem:s1] =	stream.indirect.scatter.add.f32 [tilespmem:s22], [sflag:$0x9], $0x80, s30, s20, $0xb8;
	v63 =	vld [tilespmem:$0x0]  }
0x6f: {  	_ =	swait.ge [sflag:s31], $0x4000  }
0x70: {  	[sflag:s31] =	ssyncset.done $0x0  }
0x71: {  	[sflag:s31] =	ssyncadd.s32 $0xFFFFC000  }
0x72: {  	_ =	swait.ge [sflag:s0], $0x100  }
0x73: {  	[sflag:s0] =	ssyncset.done $0x0  }
0x74: {  	s11 =	rddreg [dreg:$0x3];
	[sflag:s0] =	ssyncadd.s32 $0xFFFFFF00  }
0x75: {  	[tilespmem:s16], [sflag:$0x5] =	stream.indirect.gather [hbm4b:s12+s20], $0x80, s28, s20, $0xb8;
	v63 =	vld [tilespmem:$0x0]  }
0x76: {  	s5 =	sadd.s32 $0x0, s11  }
0x77: {  	[tilespmem:s3], [sflag:$0x1] =	stream.linear.gather [hbm4b:s5+s3], $0x100, $0x38;
	v63 =	vld [tilespmem:$0x0]  }
0x78: {  	_ =	swait.ge [sflag:s2], $0x4000  }
0x79: {  	[sflag:s2] =	ssyncset.done $0x0  }
0x7a: {  	[sflag:s2] =	ssyncadd.s32 $0xFFFFC000  }
0x7b: {  	[spmem:s1] =	stream.indirect.scatter.add.f32 [tilespmem:s26], [sflag:$0xA], $0x80, s6, s20, $0xb8;
	v63 =	vld [tilespmem:$0x0]  }
0x7c: {  	_ =	swait.ge [sflag:s7], $0x4000  }
0x7d: {  	[sflag:s7] =	ssyncset.done $0x0  }
0x7e: {  	[sflag:s7] =	ssyncadd.s32 $0xFFFFC000  }
0x7f: {  	_ =	swait.ge [sflag:s19], $0x100  }
0x80: {  	[sflag:s19] =	ssyncset.done $0x0  }
0x81: {  	s13 =	rddreg [dreg:$0x4];
	[sflag:s19] =	ssyncadd.s32 $0xFFFFFF00  }
0x82: {  	[tilespmem:s22], [sflag:$0x6] =	stream.indirect.gather [hbm4b:s12+s20], $0x80, s3, s20, $0xb8;
	v63 =	vld [tilespmem:$0x0]  }
0x83: {  	s5 =	sadd.s32 $0x0, s13  }
0x84: {  	[tilespmem:s18], [sflag:$0x2] =	stream.linear.gather [hbm4b:s5+s3], $0x100, $0x38;
	v63 =	vld [tilespmem:$0x0]  }
0x85: {  	_ =	swait.ge [sflag:s24], $0x4000  }
0x86: {  	[sflag:s24] =	ssyncset.done $0x0  }
0x87: {  	[sflag:s24] =	ssyncadd.s32 $0xFFFFC000  }
0x88: {  	[spmem:s1] =	stream.indirect.scatter.add.f32 [tilespmem:s16], [sflag:$0x8], $0x80, s8, s20, $0xb8;
	v63 =	vld [tilespmem:$0x0]  }
0x89: {  	_ =	swait.ge [sflag:s10], $0x4000  }
0x8a: {  	[sflag:s10] =	ssyncset.done $0x0  }
0x8b: {  	[sflag:s10] =	ssyncadd.s32 $0xFFFFC000  }
0x8c: {  	_ =	swait.ge [sflag:s21], $0x100  }
0x8d: {  	[sflag:s21] =	ssyncset.done $0x0  }
0x8e: {  	s14 =	rddreg [dreg:$0x5];
	[sflag:s21] =	ssyncadd.s32 $0xFFFFFF00  }
0x8f: {  	[tilespmem:s26], [sflag:$0x7] =	stream.indirect.gather [hbm4b:s12+s20], $0x80, s18, s20, $0xb8;
	v63 =	vld [tilespmem:$0x0]  }
0x90: {  	s5 =	sadd.s32 $0x0, s14  }
0x91: {  	[tilespmem:s23], [sflag:$0x3] =	stream.linear.gather [hbm4b:s5+s3], $0x100, $0x38;
	v63 =	vld [tilespmem:$0x0]  }
0x92: {  	_ =	swait.ge [sflag:s29], $0x4000  }
0x93: {  	[sflag:s29] =	ssyncset.done $0x0  }
0x94: {  	[sflag:s29] =	ssyncadd.s32 $0xFFFFC000  }
0x95: {  	[spmem:s1] =	stream.indirect.scatter.add.f32 [tilespmem:s22], [sflag:$0x9], $0x80, s20, s20, $0xb8;
	v63 =	vld [tilespmem:$0x0]  }
0x96: {  	_ =	swait.ge [sflag:s31], $0x4000  }
0x97: {  	[sflag:s31] =	ssyncset.done $0x0  }
0x98: {  	[sflag:s31] =	ssyncadd.s32 $0xFFFFC000  }
0x99: {  	_ =	swait.ge [sflag:s25], $0x100  }
0x9a: {  	[sflag:s25] =	ssyncset.done $0x0  }
0x9b: {  	s15 =	rddreg [dreg:$0x6];
	[sflag:s25] =	ssyncadd.s32 $0xFFFFFF00  }
0x9c: {  	[tilespmem:s16], [sflag:$0x5] =	stream.indirect.gather [hbm4b:s12+s20], $0x80, s23, s20, $0xb8;
	v63 =	vld [tilespmem:$0x0]  }
0x9d: {  	s5 =	sadd.s32 $0x0, s15  }
0x9e: {  	[tilespmem:s28], [sflag:$0x4] =	stream.linear.gather [hbm4b:s5+s3], $0x100, $0x38;
	v63 =	vld [tilespmem:$0x0]  }
0x9f: {  	_ =	swait.ge [sflag:s2], $0x4000  }
0xa0: {  	[sflag:s2] =	ssyncset.done $0x0  }
0xa1: {  	[sflag:s2] =	ssyncadd.s32 $0xFFFFC000  }
0xa2: {  	[spmem:s1] =	stream.indirect.scatter.add.f32 [tilespmem:s26], [sflag:$0xA], $0x80, s30, s20, $0xb8;
	v63 =	vld [tilespmem:$0x0]  }
0xa3: {  	_ =	swait.ge [sflag:s7], $0x4000  }
0xa4: {  	[sflag:s7] =	ssyncset.done $0x0  }
0xa5: {  	[sflag:s7] =	ssyncadd.s32 $0xFFFFC000  }
0xa6: {  	_ =	swait.ge [sflag:s0], $0x100  }
0xa7: {  	[sflag:s0] =	ssyncset.done $0x0  }
0xa8: {  	s9 =	rddreg [dreg:$0x7];
	[sflag:s0] =	ssyncadd.s32 $0xFFFFFF00  }
0xa9: {  	[tilespmem:s22], [sflag:$0x6] =	stream.indirect.gather [hbm4b:s12+s20], $0x80, s28, s20, $0xb8;
	v63 =	vld [tilespmem:$0x0]  }
0xaa: {  	s5 =	sadd.s32 $0x0, s9  }
0xab: {  	[tilespmem:s3], [sflag:$0x1] =	stream.linear.gather [hbm4b:s5+s3], $0x100, $0x38;
	v63 =	vld [tilespmem:$0x0]  }
0xac: {  	_ =	swait.ge [sflag:s24], $0x4000  }
0xad: {  	[sflag:s24] =	ssyncset.done $0x0  }
0xae: {  	[sflag:s24] =	ssyncadd.s32 $0xFFFFC000  }
0xaf: {  	[spmem:s1] =	stream.indirect.scatter.add.f32 [tilespmem:s16], [sflag:$0x8], $0x80, s6, s20, $0xb8;
	v63 =	vld [tilespmem:$0x0]  }
0xb0: {  	_ =	swait.ge [sflag:s10], $0x4000  }
0xb1: {  	[sflag:s10] =	ssyncset.done $0x0  }
0xb2: {  	[sflag:s10] =	ssyncadd.s32 $0xFFFFC000  }
0xb3: {  	_ =	swait.ge [sflag:s19], $0x100  }
0xb4: {  	[sflag:s19] =	ssyncset.done $0x0  }
0xb5: {  	s11 =	rddreg [dreg:$0x8];
	[sflag:s19] =	ssyncadd.s32 $0xFFFFFF00  }
0xb6: {  	[tilespmem:s26], [sflag:$0x7] =	stream.indirect.gather [hbm4b:s12+s20], $0x80, s3, s20, $0xb8;
	v63 =	vld [tilespmem:$0x0]  }
0xb7: {  	s5 =	sadd.s32 $0x0, s11  }
0xb8: {  	[tilespmem:s18], [sflag:$0x2] =	stream.linear.gather [hbm4b:s5+s3], $0x100, $0x38;
	v63 =	vld [tilespmem:$0x0]  }
0xb9: {  	_ =	swait.ge [sflag:s29], $0x4000  }
0xba: {  	[sflag:s29] =	ssyncset.done $0x0  }
0xbb: {  	[sflag:s29] =	ssyncadd.s32 $0xFFFFC000  }
0xbc: {  	[spmem:s1] =	stream.indirect.scatter.add.f32 [tilespmem:s22], [sflag:$0x9], $0x80, s8, s20, $0xb8;
	v63 =	vld [tilespmem:$0x0]  }
0xbd: {  	_ =	swait.ge [sflag:s31], $0x4000  }
0xbe: {  	[sflag:s31] =	ssyncset.done $0x0  }
0xbf: {  	[sflag:s31] =	ssyncadd.s32 $0xFFFFC000  }
0xc0: {  	_ =	swait.ge [sflag:s21], $0x100  }
0xc1: {  	[sflag:s21] =	ssyncset.done $0x0  }
0xc2: {  	s13 =	rddreg [dreg:$0x9];
	[sflag:s21] =	ssyncadd.s32 $0xFFFFFF00  }
0xc3: {  	[tilespmem:s16], [sflag:$0x5] =	stream.indirect.gather [hbm4b:s12+s20], $0x80, s18, s20, $0xb8;
	v63 =	vld [tilespmem:$0x0]  }
0xc4: {  	s5 =	sadd.s32 $0x0, s13  }
0xc5: {  	[tilespmem:s23], [sflag:$0x3] =	stream.linear.gather [hbm4b:s5+s3], $0x100, $0x38;
	v63 =	vld [tilespmem:$0x0]  }
0xc6: {  	_ =	swait.ge [sflag:s2], $0x4000  }
0xc7: {  	[sflag:s2] =	ssyncset.done $0x0  }
0xc8: {  	[sflag:s2] =	ssyncadd.s32 $0xFFFFC000  }
0xc9: {  	[spmem:s1] =	stream.indirect.scatter.add.f32 [tilespmem:s26], [sflag:$0xA], $0x80, s20, s20, $0xb8;
	v63 =	vld [tilespmem:$0x0]  }
0xca: {  	_ =	swait.ge [sflag:s7], $0x4000  }
0xcb: {  	[sflag:s7] =	ssyncset.done $0x0  }
0xcc: {  	[sflag:s7] =	ssyncadd.s32 $0xFFFFC000  }
0xcd: {  	_ =	swait.ge [sflag:s25], $0x100  }
0xce: {  	[sflag:s25] =	ssyncset.done $0x0  }
0xcf: {  	s14 =	rddreg [dreg:$0xa];
	[sflag:s25] =	ssyncadd.s32 $0xFFFFFF00  }
0xd0: {  	[tilespmem:s22], [sflag:$0x6] =	stream.indirect.gather [hbm4b:s12+s20], $0x80, s23, s20, $0xb8;
	v63 =	vld [tilespmem:$0x0]  }
0xd1: {  	s5 =	sadd.s32 $0x0, s14  }
0xd2: {  	[tilespmem:s28], [sflag:$0x4] =	stream.linear.gather [hbm4b:s5+s3], $0x100, $0x38;
	v63 =	vld [tilespmem:$0x0]  }
0xd3: {  	_ =	swait.ge [sflag:s24], $0x4000  }
0xd4: {  	[sflag:s24] =	ssyncset.done $0x0  }
0xd5: {  	[sflag:s24] =	ssyncadd.s32 $0xFFFFC000  }
0xd6: {  	[spmem:s1] =	stream.indirect.scatter.add.f32 [tilespmem:s16], [sflag:$0x8], $0x80, s30, s20, $0xb8;
	v63 =	vld [tilespmem:$0x0]  }
0xd7: {  	_ =	swait.ge [sflag:s10], $0x4000  }
0xd8: {  	[sflag:s10] =	ssyncset.done $0x0  }
0xd9: {  	[sflag:s10] =	ssyncadd.s32 $0xFFFFC000  }
0xda: {  	_ =	swait.ge [sflag:s0], $0x100  }
0xdb: {  	[sflag:s0] =	ssyncset.done $0x0;
	s11 =	rddreg [dreg:$0x17]  }
0xdc: {  	[sflag:s0] =	ssyncadd.s32 $0xFFFFFF00;
	s15 =	sshrl.u32 s11, $0x3  }
0xdd: {  	[tilespmem:s26], [sflag:$0x7] =	stream.indirect.gather [hbm4b:s12+s20], $0x80, s28, s20, $0xb8;
	v63 =	vld [tilespmem:$0x0]  }
0xde: {  	s5 =	sadd.s32 s4, s15  }
0xdf: {  	[tilespmem:s3], [sflag:$0x1] =	stream.linear.gather [hbm4b:s5+s3], $0x100, $0x38;
	v63 =	vld [tilespmem:$0x0]  }
0xe0: {  	_ =	swait.ge [sflag:s29], $0x4000  }
0xe1: {  	[sflag:s29] =	ssyncset.done $0x0  }
0xe2: {  	[sflag:s29] =	ssyncadd.s32 $0xFFFFC000  }
0xe3: {  	[spmem:s1] =	stream.indirect.scatter.add.f32 [tilespmem:s22], [sflag:$0x9], $0x80, s6, s20, $0xb8;
	v63 =	vld [tilespmem:$0x0]  }
0xe4: {  	_ =	swait.ge [sflag:s31], $0x4000  }
0xe5: {  	[sflag:s31] =	ssyncset.done $0x0  }
0xe6: {  	[sflag:s31] =	ssyncadd.s32 $0xFFFFC000  }
0xe7: {  	_ =	swait.ge [sflag:s19], $0x100  }
0xe8: {  	[sflag:s19] =	ssyncset.done $0x0  }
0xe9: {  	p0 =	por $0x0, $0x0;
	s5 =	rddreg [dreg:$0xb];
	[sflag:s19] =	ssyncadd.s32 $0xFFFFFF00  }
0xea: {  	[tilespmem:s16], [sflag:$0x5] =	stream.indirect.gather [hbm4b:s12+s20], $0x80, s3, s20, $0xb8;
	v63 =	vld [tilespmem:$0x0]  }
0xeb: {  	s9 =	simm.s32 @!p0 $0x0;
	s13 =	simm.s32 @!p0 $0x100;
	s5 =	sadd.s32 @!p0 $0x0, s5  }
0xec: {  	[tilespmem:s13], [sflag:$0x2] =	stream.linear.gather @!p0 [hbm4b:s5+s9], $0x100, $0x38;
	v63 =	vld [tilespmem:$0x0]  }
0xed: {  	p6 =	por $0x0, $0x0;
	_ =	swait.ge [sflag:s2], $0x4000  }
0xee: {  	s14 =	simm.s32 $0x300;
	s13 =	simm.s32 $0x180;
	[sflag:s2] =	ssyncset.done $0x0  }
0xef: {  	p0 =	por p6, p6;
	s9 =	sadd.s32 $0xC00, s11;
	[sflag:s2] =	ssyncadd.s32 $0xFFFFC000  }
.LBB2_4:
0xf0: {  	[spmem:s1] =	stream.indirect.scatter.add.f32 [tilespmem:s26], [sflag:$0xA], $0x80, s8, s20, $0xb8;
	v63 =	vld [tilespmem:$0x0]  }
0xf1: {  	s15 =	simm.s32 @!p0 $0x9  }
0xf2: {  	_ =	swait.ge @!p0 [sflag:s15], $0x4000  }
0xf3: {  	[sflag:s15] =	ssyncset.done @!p0 $0x0  }
0xf4: {  	[sflag:s15] =	ssyncadd.s32 @!p0 $0xFFFFC000  }
0xf5: {  	_ =	swait.ge [sflag:s21], $0x100  }
0xf6: {  	[sflag:s21] =	ssyncset.done $0x0  }
0xf7: {  	s11 =	rddreg [dreg:$0xd];
	[sflag:s21] =	ssyncadd.s32 $0xFFFFFF00  }
0xf8: {  	[tilespmem:s22], [sflag:$0x6] =	stream.indirect.gather [hbm4b:s12+s20], $0x80, s18, s20, $0xb8;
	v63 =	vld [tilespmem:$0x0]  }
0xf9: {  	s15 =	sadd.s32 s13, s11  }
0xfa: {  	[tilespmem:s23], [sflag:$0x3] =	stream.linear.gather [hbm4b:s15+s3], $0x100, $0x38;
	v63 =	vld [tilespmem:$0x0]  }
0xfb: {  	_ =	swait.ge [sflag:s24], $0x4000  }
0xfc: {  	[sflag:s24] =	ssyncset.done $0x0  }
0xfd: {  	s15 =	simm.s32 @!p0 $0xA;
	[sflag:s24] =	ssyncadd.s32 $0xFFFFC000  }
0xfe: {  	[spmem:s1] =	stream.indirect.scatter.add.f32 [tilespmem:s16], [sflag:$0x8], $0x80, s20, s20, $0xb8;
	v63 =	vld [tilespmem:$0x0]  }
0xff: {  	_ =	swait.ge @!p0 [sflag:s15], $0x4000  }
0x100: {  	[sflag:s15] =	ssyncset.done @!p0 $0x0  }
0x101: {  	[sflag:s15] =	ssyncadd.s32 @!p0 $0xFFFFC000  }
0x102: {  	_ =	swait.ge [sflag:s25], $0x100  }
0x103: {  	[sflag:s25] =	ssyncset.done $0x0  }
0x104: {  	s11 =	rddreg [dreg:$0xc];
	[sflag:s25] =	ssyncadd.s32 $0xFFFFFF00  }
0x105: {  	[tilespmem:s26], [sflag:$0x7] =	stream.indirect.gather [hbm4b:s12+s20], $0x80, s23, s20, $0xb8;
	v63 =	vld [tilespmem:$0x0]  }
0x106: {  	s15 =	sadd.s32 s13, s11  }
0x107: {  	[tilespmem:s28], [sflag:$0x4] =	stream.linear.gather [hbm4b:s15+s3], $0x100, $0x38;
	v63 =	vld [tilespmem:$0x0]  }
0x108: {  	_ =	swait.ge [sflag:s29], $0x4000  }
0x109: {  	[sflag:s29] =	ssyncset.done $0x0  }
0x10a: {  	[sflag:s29] =	ssyncadd.s32 $0xFFFFC000  }
0x10b: {  	[spmem:s1] =	stream.indirect.scatter.add.f32 [tilespmem:s22], [sflag:$0x9], $0x80, s30, s20, $0xb8;
	v63 =	vld [tilespmem:$0x0]  }
0x10c: {  	_ =	swait.ge [sflag:s31], $0x4000  }
0x10d: {  	[sflag:s31] =	ssyncset.done $0x0  }
0x10e: {  	[sflag:s31] =	ssyncadd.s32 $0xFFFFC000  }
0x10f: {  	_ =	swait.ge [sflag:s0], $0x100  }
0x110: {  	[sflag:s0] =	ssyncset.done $0x0  }
0x111: {  	s11 =	rddreg [dreg:$0x3];
	[sflag:s0] =	ssyncadd.s32 $0xFFFFFF00  }
0x112: {  	[tilespmem:s16], [sflag:$0x5] =	stream.indirect.gather [hbm4b:s12+s20], $0x80, s28, s20, $0xb8;
	v63 =	vld [tilespmem:$0x0]  }
0x113: {  	s15 =	sadd.s32 s13, s11  }
0x114: {  	[tilespmem:s3], [sflag:$0x1] =	stream.linear.gather [hbm4b:s15+s3], $0x100, $0x38;
	v63 =	vld [tilespmem:$0x0]  }
0x115: {  	_ =	swait.ge [sflag:s2], $0x4000  }
0x116: {  	[sflag:s2] =	ssyncset.done $0x0  }
0x117: {  	[sflag:s2] =	ssyncadd.s32 $0xFFFFC000  }
0x118: {  	[spmem:s1] =	stream.indirect.scatter.add.f32 [tilespmem:s26], [sflag:$0xA], $0x80, s6, s20, $0xb8;
	v63 =	vld [tilespmem:$0x0]  }
0x119: {  	_ =	swait.ge [sflag:s7], $0x4000  }
0x11a: {  	[sflag:s7] =	ssyncset.done $0x0  }
0x11b: {  	[sflag:s7] =	ssyncadd.s32 $0xFFFFC000  }
0x11c: {  	_ =	swait.ge [sflag:s19], $0x100  }
0x11d: {  	[sflag:s19] =	ssyncset.done $0x0  }
0x11e: {  	s11 =	rddreg [dreg:$0x4];
	[sflag:s19] =	ssyncadd.s32 $0xFFFFFF00  }
0x11f: {  	[tilespmem:s22], [sflag:$0x6] =	stream.indirect.gather [hbm4b:s12+s20], $0x80, s3, s20, $0xb8;
	v63 =	vld [tilespmem:$0x0]  }
0x120: {  	s15 =	sadd.s32 s13, s11  }
0x121: {  	[tilespmem:s18], [sflag:$0x2] =	stream.linear.gather [hbm4b:s15+s3], $0x100, $0x38;
	v63 =	vld [tilespmem:$0x0]  }
0x122: {  	_ =	swait.ge [sflag:s24], $0x4000  }
0x123: {  	[sflag:s24] =	ssyncset.done $0x0  }
0x124: {  	[sflag:s24] =	ssyncadd.s32 $0xFFFFC000  }
0x125: {  	[spmem:s1] =	stream.indirect.scatter.add.f32 [tilespmem:s16], [sflag:$0x8], $0x80, s8, s20, $0xb8;
	v63 =	vld [tilespmem:$0x0]  }
0x126: {  	_ =	swait.ge [sflag:s10], $0x4000  }
0x127: {  	[sflag:s10] =	ssyncset.done $0x0  }
0x128: {  	[sflag:s10] =	ssyncadd.s32 $0xFFFFC000  }
0x129: {  	_ =	swait.ge [sflag:s21], $0x100  }
0x12a: {  	[sflag:s21] =	ssyncset.done $0x0  }
0x12b: {  	s11 =	rddreg [dreg:$0x5];
	[sflag:s21] =	ssyncadd.s32 $0xFFFFFF00  }
0x12c: {  	[tilespmem:s26], [sflag:$0x7] =	stream.indirect.gather [hbm4b:s12+s20], $0x80, s18, s20, $0xb8;
	v63 =	vld [tilespmem:$0x0]  }
0x12d: {  	s15 =	sadd.s32 s13, s11  }
0x12e: {  	[tilespmem:s23], [sflag:$0x3] =	stream.linear.gather [hbm4b:s15+s3], $0x100, $0x38;
	v63 =	vld [tilespmem:$0x0]  }
0x12f: {  	_ =	swait.ge [sflag:s29], $0x4000  }
0x130: {  	[sflag:s29] =	ssyncset.done $0x0  }
0x131: {  	[sflag:s29] =	ssyncadd.s32 $0xFFFFC000  }
0x132: {  	[spmem:s1] =	stream.indirect.scatter.add.f32 [tilespmem:s22], [sflag:$0x9], $0x80, s20, s20, $0xb8;
	v63 =	vld [tilespmem:$0x0]  }
0x133: {  	_ =	swait.ge [sflag:s31], $0x4000  }
0x134: {  	[sflag:s31] =	ssyncset.done $0x0  }
0x135: {  	[sflag:s31] =	ssyncadd.s32 $0xFFFFC000  }
0x136: {  	_ =	swait.ge [sflag:s25], $0x100  }
0x137: {  	[sflag:s25] =	ssyncset.done $0x0  }
0x138: {  	s11 =	rddreg [dreg:$0x6];
	[sflag:s25] =	ssyncadd.s32 $0xFFFFFF00  }
0x139: {  	[tilespmem:s16], [sflag:$0x5] =	stream.indirect.gather [hbm4b:s12+s20], $0x80, s23, s20, $0xb8;
	v63 =	vld [tilespmem:$0x0]  }
0x13a: {  	s15 =	sadd.s32 s13, s11  }
0x13b: {  	[tilespmem:s28], [sflag:$0x4] =	stream.linear.gather [hbm4b:s15+s3], $0x100, $0x38;
	v63 =	vld [tilespmem:$0x0]  }
0x13c: {  	_ =	swait.ge [sflag:s2], $0x4000  }
0x13d: {  	[sflag:s2] =	ssyncset.done $0x0  }
0x13e: {  	[sflag:s2] =	ssyncadd.s32 $0xFFFFC000  }
0x13f: {  	[spmem:s1] =	stream.indirect.scatter.add.f32 [tilespmem:s26], [sflag:$0xA], $0x80, s30, s20, $0xb8;
	v63 =	vld [tilespmem:$0x0]  }
0x140: {  	_ =	swait.ge [sflag:s7], $0x4000  }
0x141: {  	[sflag:s7] =	ssyncset.done $0x0  }
0x142: {  	[sflag:s7] =	ssyncadd.s32 $0xFFFFC000  }
0x143: {  	_ =	swait.ge [sflag:s0], $0x100  }
0x144: {  	[sflag:s0] =	ssyncset.done $0x0  }
0x145: {  	s11 =	rddreg [dreg:$0x7];
	[sflag:s0] =	ssyncadd.s32 $0xFFFFFF00  }
0x146: {  	[tilespmem:s22], [sflag:$0x6] =	stream.indirect.gather [hbm4b:s12+s20], $0x80, s28, s20, $0xb8;
	v63 =	vld [tilespmem:$0x0]  }
0x147: {  	s15 =	sadd.s32 s13, s11  }
0x148: {  	[tilespmem:s3], [sflag:$0x1] =	stream.linear.gather [hbm4b:s15+s3], $0x100, $0x38;
	v63 =	vld [tilespmem:$0x0]  }
0x149: {  	_ =	swait.ge [sflag:s24], $0x4000  }
0x14a: {  	[sflag:s24] =	ssyncset.done $0x0  }
0x14b: {  	[sflag:s24] =	ssyncadd.s32 $0xFFFFC000  }
0x14c: {  	[spmem:s1] =	stream.indirect.scatter.add.f32 [tilespmem:s16], [sflag:$0x8], $0x80, s6, s20, $0xb8;
	v63 =	vld [tilespmem:$0x0]  }
0x14d: {  	_ =	swait.ge [sflag:s10], $0x4000  }
0x14e: {  	[sflag:s10] =	ssyncset.done $0x0  }
0x14f: {  	[sflag:s10] =	ssyncadd.s32 $0xFFFFC000  }
0x150: {  	_ =	swait.ge [sflag:s19], $0x100  }
0x151: {  	[sflag:s19] =	ssyncset.done $0x0  }
0x152: {  	s11 =	rddreg [dreg:$0x8];
	[sflag:s19] =	ssyncadd.s32 $0xFFFFFF00  }
0x153: {  	[tilespmem:s26], [sflag:$0x7] =	stream.indirect.gather [hbm4b:s12+s20], $0x80, s3, s20, $0xb8;
	v63 =	vld [tilespmem:$0x0]  }
0x154: {  	s15 =	sadd.s32 s13, s11  }
0x155: {  	[tilespmem:s18], [sflag:$0x2] =	stream.linear.gather [hbm4b:s15+s3], $0x100, $0x38;
	v63 =	vld [tilespmem:$0x0]  }
0x156: {  	_ =	swait.ge [sflag:s29], $0x4000  }
0x157: {  	[sflag:s29] =	ssyncset.done $0x0  }
0x158: {  	[sflag:s29] =	ssyncadd.s32 $0xFFFFC000  }
0x159: {  	[spmem:s1] =	stream.indirect.scatter.add.f32 [tilespmem:s22], [sflag:$0x9], $0x80, s8, s20, $0xb8;
	v63 =	vld [tilespmem:$0x0]  }
0x15a: {  	_ =	swait.ge [sflag:s31], $0x4000  }
0x15b: {  	[sflag:s31] =	ssyncset.done $0x0  }
0x15c: {  	[sflag:s31] =	ssyncadd.s32 $0xFFFFC000  }
0x15d: {  	_ =	swait.ge [sflag:s21], $0x100  }
0x15e: {  	[sflag:s21] =	ssyncset.done $0x0  }
0x15f: {  	s11 =	rddreg [dreg:$0x9];
	[sflag:s21] =	ssyncadd.s32 $0xFFFFFF00  }
0x160: {  	[tilespmem:s16], [sflag:$0x5] =	stream.indirect.gather [hbm4b:s12+s20], $0x80, s18, s20, $0xb8;
	v63 =	vld [tilespmem:$0x0]  }
0x161: {  	s15 =	sadd.s32 s13, s11  }
0x162: {  	[tilespmem:s23], [sflag:$0x3] =	stream.linear.gather [hbm4b:s15+s3], $0x100, $0x38;
	v63 =	vld [tilespmem:$0x0]  }
0x163: {  	_ =	swait.ge [sflag:s2], $0x4000  }
0x164: {  	[sflag:s2] =	ssyncset.done $0x0  }
0x165: {  	[sflag:s2] =	ssyncadd.s32 $0xFFFFC000  }
0x166: {  	[spmem:s1] =	stream.indirect.scatter.add.f32 [tilespmem:s26], [sflag:$0xA], $0x80, s20, s20, $0xb8;
	v63 =	vld [tilespmem:$0x0]  }
0x167: {  	_ =	swait.ge [sflag:s7], $0x4000  }
0x168: {  	[sflag:s7] =	ssyncset.done $0x0  }
0x169: {  	[sflag:s7] =	ssyncadd.s32 $0xFFFFC000  }
0x16a: {  	_ =	swait.ge [sflag:s25], $0x100  }
0x16b: {  	[sflag:s25] =	ssyncset.done $0x0  }
0x16c: {  	s11 =	rddreg [dreg:$0xa];
	[sflag:s25] =	ssyncadd.s32 $0xFFFFFF00  }
0x16d: {  	[tilespmem:s22], [sflag:$0x6] =	stream.indirect.gather [hbm4b:s12+s20], $0x80, s23, s20, $0xb8;
	v63 =	vld [tilespmem:$0x0]  }
0x16e: {  	s15 =	sadd.s32 s13, s11  }
0x16f: {  	[tilespmem:s28], [sflag:$0x4] =	stream.linear.gather [hbm4b:s15+s3], $0x100, $0x38;
	v63 =	vld [tilespmem:$0x0]  }
0x170: {  	_ =	swait.ge [sflag:s24], $0x4000  }
0x171: {  	[sflag:s24] =	ssyncset.done $0x0  }
0x172: {  	[sflag:s24] =	ssyncadd.s32 $0xFFFFC000  }
0x173: {  	[spmem:s1] =	stream.indirect.scatter.add.f32 [tilespmem:s16], [sflag:$0x8], $0x80, s30, s20, $0xb8;
	v63 =	vld [tilespmem:$0x0]  }
0x174: {  	_ =	swait.ge [sflag:s10], $0x4000  }
0x175: {  	[sflag:s10] =	ssyncset.done $0x0  }
0x176: {  	[sflag:s10] =	ssyncadd.s32 $0xFFFFC000  }
0x177: {  	_ =	swait.ge [sflag:s0], $0x100  }
0x178: {  	[sflag:s0] =	ssyncset.done $0x0  }
0x179: {  	s11 =	sshrl.u32 s9, $0x3;
	[sflag:s0] =	ssyncadd.s32 $0xFFFFFF00  }
0x17a: {  	[tilespmem:s26], [sflag:$0x7] =	stream.indirect.gather [hbm4b:s12+s20], $0x80, s28, s20, $0xb8;
	v63 =	vld [tilespmem:$0x0]  }
0x17b: {  	s15 =	sadd.s32 s4, s11  }
0x17c: {  	[tilespmem:s3], [sflag:$0x1] =	stream.linear.gather [hbm4b:s15+s3], $0x100, $0x38;
	v63 =	vld [tilespmem:$0x0]  }
0x17d: {  	_ =	swait.ge [sflag:s29], $0x4000  }
0x17e: {  	[sflag:s29] =	ssyncset.done $0x0  }
0x17f: {  	[sflag:s29] =	ssyncadd.s32 $0xFFFFC000  }
0x180: {  	[spmem:s1] =	stream.indirect.scatter.add.f32 [tilespmem:s22], [sflag:$0x9], $0x80, s6, s20, $0xb8;
	v63 =	vld [tilespmem:$0x0]  }
0x181: {  	_ =	swait.ge [sflag:s31], $0x4000  }
0x182: {  	[sflag:s31] =	ssyncset.done $0x0  }
0x183: {  	s5 =	smov.u32 s14;
	s14 =	sadd.s32 $0x180, s14;
	[sflag:s31] =	ssyncadd.s32 $0xFFFFC000  }
0x184: {  	p2 =	seq.s32 s5, $0x0;
	p1 =	sne.s32 s14, $0x1380;
	_ =	swait.ge [sflag:s19], $0x100  }
0x185: {  	p0 =	por p2, p2;
	p2 =	seq.s32 s13, $0x1200;
	[sflag:s19] =	ssyncset.done $0x0  }
0x186: {  	s11 =	simm.s32 @!p2 $0x100;
	s15 =	rddreg [dreg:$0xb];
	[sflag:s19] =	ssyncadd.s32 $0xFFFFFF00  }
0x187: {  	[tilespmem:s16], [sflag:$0x5] =	stream.indirect.gather [hbm4b:s12+s20], $0x80, s3, s20, $0xb8;
	v63 =	vld [tilespmem:$0x0]  }
.Ltmp1:
0x188: {  	s13 =	sadd.s32 @!p2 s13, s15;
	s15 =	simm.s32 @!p2 $0x0;
	(pc) =	sbr.rel @p1 .LBB2_4-.Ltmp1, $4  }
0x189: {  	[tilespmem:s11], [sflag:$0x2] =	stream.linear.gather @!p2 [hbm4b:s13+s15], $0x100, $0x38;
	v63 =	vld [tilespmem:$0x0]  }
0x18a: {  	_ =	swait.ge [sflag:s2], $0x4000  }
0x18b: {  	[sflag:s2] =	ssyncset.done $0x0  }
0x18c: {  	s9 =	sadd.s32 $0xC00, s9;
	s13 =	smov.u32 s5;
	[sflag:s2] =	ssyncadd.s32 $0xFFFFC000  }
0x18d: {  	[spmem:s1] =	stream.indirect.scatter.add.f32 [tilespmem:s26], [sflag:$0xA], $0x80, s8, s20, $0xb8;
	v63 =	vld [tilespmem:$0x0]  }
0x18e: {  	s5 =	simm.s32 @!p0 $0x9  }
0x18f: {  	_ =	swait.ge @!p0 [sflag:s5], $0x4000  }
0x190: {  	[sflag:s5] =	ssyncset.done @!p0 $0x0  }
0x191: {  	[sflag:s5] =	ssyncadd.s32 @!p0 $0xFFFFC000  }
0x192: {  	_ =	swait.ge [sflag:s21], $0x100  }
0x193: {  	[sflag:s21] =	ssyncset.done $0x0  }
0x194: {  	s15 =	rddreg [dreg:$0xd];
	[sflag:s21] =	ssyncadd.s32 $0xFFFFFF00  }
0x195: {  	[tilespmem:s22], [sflag:$0x6] =	stream.indirect.gather [hbm4b:s12+s20], $0x80, s18, s20, $0xb8;
	v63 =	vld [tilespmem:$0x0]  }
0x196: {  	s5 =	sadd.s32 s13, s15  }
0x197: {  	[tilespmem:s23], [sflag:$0x3] =	stream.linear.gather [hbm4b:s5+s3], $0x100, $0x38;
	v63 =	vld [tilespmem:$0x0]  }
0x198: {  	_ =	swait.ge [sflag:s24], $0x4000  }
0x199: {  	[sflag:s24] =	ssyncset.done $0x0  }
0x19a: {  	s5 =	simm.s32 @!p0 $0xA;
	[sflag:s24] =	ssyncadd.s32 $0xFFFFC000  }
0x19b: {  	[spmem:s1] =	stream.indirect.scatter.add.f32 [tilespmem:s16], [sflag:$0x8], $0x80, s20, s20, $0xb8;
	v63 =	vld [tilespmem:$0x0]  }
0x19c: {  	_ =	swait.ge @!p0 [sflag:s5], $0x4000  }
0x19d: {  	[sflag:s5] =	ssyncset.done @!p0 $0x0  }
0x19e: {  	[sflag:s5] =	ssyncadd.s32 @!p0 $0xFFFFC000  }
0x19f: {  	_ =	swait.ge [sflag:s25], $0x100  }
0x1a0: {  	[sflag:s25] =	ssyncset.done $0x0  }
0x1a1: {  	s11 =	rddreg [dreg:$0xc];
	[sflag:s25] =	ssyncadd.s32 $0xFFFFFF00  }
0x1a2: {  	[tilespmem:s26], [sflag:$0x7] =	stream.indirect.gather [hbm4b:s12+s20], $0x80, s23, s20, $0xb8;
	v63 =	vld [tilespmem:$0x0]  }
0x1a3: {  	s5 =	sadd.s32 s13, s11  }
0x1a4: {  	[tilespmem:s28], [sflag:$0x4] =	stream.linear.gather [hbm4b:s5+s3], $0x100, $0x38;
	v63 =	vld [tilespmem:$0x0]  }
0x1a5: {  	_ =	swait.ge [sflag:s29], $0x4000  }
0x1a6: {  	[sflag:s29] =	ssyncset.done $0x0  }
0x1a7: {  	[sflag:s29] =	ssyncadd.s32 $0xFFFFC000  }
0x1a8: {  	[spmem:s1] =	stream.indirect.scatter.add.f32 [tilespmem:s22], [sflag:$0x9], $0x80, s30, s20, $0xb8;
	v63 =	vld [tilespmem:$0x0]  }
0x1a9: {  	_ =	swait.ge [sflag:s31], $0x4000  }
0x1aa: {  	[sflag:s31] =	ssyncset.done $0x0  }
0x1ab: {  	[sflag:s31] =	ssyncadd.s32 $0xFFFFC000  }
0x1ac: {  	_ =	swait.ge [sflag:s0], $0x100  }
0x1ad: {  	[sflag:s0] =	ssyncset.done $0x0  }
0x1ae: {  	s14 =	rddreg [dreg:$0x3];
	[sflag:s0] =	ssyncadd.s32 $0xFFFFFF00  }
0x1af: {  	[tilespmem:s16], [sflag:$0x5] =	stream.indirect.gather [hbm4b:s12+s20], $0x80, s28, s20, $0xb8;
	v63 =	vld [tilespmem:$0x0]  }
0x1b0: {  	s5 =	sadd.s32 s13, s14  }
0x1b1: {  	[tilespmem:s3], [sflag:$0x1] =	stream.linear.gather [hbm4b:s5+s3], $0x100, $0x38;
	v63 =	vld [tilespmem:$0x0]  }
0x1b2: {  	_ =	swait.ge [sflag:s2], $0x4000  }
0x1b3: {  	[sflag:s2] =	ssyncset.done $0x0  }
0x1b4: {  	[sflag:s2] =	ssyncadd.s32 $0xFFFFC000  }
0x1b5: {  	[spmem:s1] =	stream.indirect.scatter.add.f32 [tilespmem:s26], [sflag:$0xA], $0x80, s6, s20, $0xb8;
	v63 =	vld [tilespmem:$0x0]  }
0x1b6: {  	_ =	swait.ge [sflag:s7], $0x4000  }
0x1b7: {  	[sflag:s7] =	ssyncset.done $0x0  }
0x1b8: {  	[sflag:s7] =	ssyncadd.s32 $0xFFFFC000  }
0x1b9: {  	_ =	swait.ge [sflag:s19], $0x100  }
0x1ba: {  	[sflag:s19] =	ssyncset.done $0x0  }
0x1bb: {  	s15 =	rddreg [dreg:$0x4];
	[sflag:s19] =	ssyncadd.s32 $0xFFFFFF00  }
0x1bc: {  	[tilespmem:s22], [sflag:$0x6] =	stream.indirect.gather [hbm4b:s12+s20], $0x80, s3, s20, $0xb8;
	v63 =	vld [tilespmem:$0x0]  }
0x1bd: {  	s5 =	sadd.s32 s13, s15  }
0x1be: {  	[tilespmem:s18], [sflag:$0x2] =	stream.linear.gather [hbm4b:s5+s3], $0x100, $0x38;
	v63 =	vld [tilespmem:$0x0]  }
0x1bf: {  	_ =	swait.ge [sflag:s24], $0x4000  }
0x1c0: {  	[sflag:s24] =	ssyncset.done $0x0  }
0x1c1: {  	[sflag:s24] =	ssyncadd.s32 $0xFFFFC000  }
0x1c2: {  	[spmem:s1] =	stream.indirect.scatter.add.f32 [tilespmem:s16], [sflag:$0x8], $0x80, s8, s20, $0xb8;
	v63 =	vld [tilespmem:$0x0]  }
0x1c3: {  	_ =	swait.ge [sflag:s10], $0x4000  }
0x1c4: {  	[sflag:s10] =	ssyncset.done $0x0  }
0x1c5: {  	[sflag:s10] =	ssyncadd.s32 $0xFFFFC000  }
0x1c6: {  	_ =	swait.ge [sflag:s21], $0x100  }
0x1c7: {  	[sflag:s21] =	ssyncset.done $0x0  }
0x1c8: {  	s11 =	rddreg [dreg:$0x5];
	[sflag:s21] =	ssyncadd.s32 $0xFFFFFF00  }
0x1c9: {  	[tilespmem:s26], [sflag:$0x7] =	stream.indirect.gather [hbm4b:s12+s20], $0x80, s18, s20, $0xb8;
	v63 =	vld [tilespmem:$0x0]  }
0x1ca: {  	s5 =	sadd.s32 s13, s11  }
0x1cb: {  	[tilespmem:s23], [sflag:$0x3] =	stream.linear.gather [hbm4b:s5+s3], $0x100, $0x38;
	v63 =	vld [tilespmem:$0x0]  }
0x1cc: {  	_ =	swait.ge [sflag:s29], $0x4000  }
0x1cd: {  	[sflag:s29] =	ssyncset.done $0x0  }
0x1ce: {  	[sflag:s29] =	ssyncadd.s32 $0xFFFFC000  }
0x1cf: {  	[spmem:s1] =	stream.indirect.scatter.add.f32 [tilespmem:s22], [sflag:$0x9], $0x80, s20, s20, $0xb8;
	v63 =	vld [tilespmem:$0x0]  }
0x1d0: {  	_ =	swait.ge [sflag:s31], $0x4000  }
0x1d1: {  	[sflag:s31] =	ssyncset.done $0x0  }
0x1d2: {  	[sflag:s31] =	ssyncadd.s32 $0xFFFFC000  }
0x1d3: {  	_ =	swait.ge [sflag:s25], $0x100  }
0x1d4: {  	[sflag:s25] =	ssyncset.done $0x0  }
0x1d5: {  	s14 =	rddreg [dreg:$0x6];
	[sflag:s25] =	ssyncadd.s32 $0xFFFFFF00  }
0x1d6: {  	[tilespmem:s16], [sflag:$0x5] =	stream.indirect.gather [hbm4b:s12+s20], $0x80, s23, s20, $0xb8;
	v63 =	vld [tilespmem:$0x0]  }
0x1d7: {  	s5 =	sadd.s32 s13, s14  }
0x1d8: {  	[tilespmem:s28], [sflag:$0x4] =	stream.linear.gather [hbm4b:s5+s3], $0x100, $0x38;
	v63 =	vld [tilespmem:$0x0]  }
0x1d9: {  	_ =	swait.ge [sflag:s2], $0x4000  }
0x1da: {  	[sflag:s2] =	ssyncset.done $0x0  }
0x1db: {  	[sflag:s2] =	ssyncadd.s32 $0xFFFFC000  }
0x1dc: {  	[spmem:s1] =	stream.indirect.scatter.add.f32 [tilespmem:s26], [sflag:$0xA], $0x80, s30, s20, $0xb8;
	v63 =	vld [tilespmem:$0x0]  }
0x1dd: {  	_ =	swait.ge [sflag:s7], $0x4000  }
0x1de: {  	[sflag:s7] =	ssyncset.done $0x0  }
0x1df: {  	[sflag:s7] =	ssyncadd.s32 $0xFFFFC000  }
0x1e0: {  	_ =	swait.ge [sflag:s0], $0x100  }
0x1e1: {  	[sflag:s0] =	ssyncset.done $0x0  }
0x1e2: {  	s15 =	rddreg [dreg:$0x7];
	[sflag:s0] =	ssyncadd.s32 $0xFFFFFF00  }
0x1e3: {  	[tilespmem:s22], [sflag:$0x6] =	stream.indirect.gather [hbm4b:s12+s20], $0x80, s28, s20, $0xb8;
	v63 =	vld [tilespmem:$0x0]  }
0x1e4: {  	s5 =	sadd.s32 s13, s15  }
0x1e5: {  	[tilespmem:s3], [sflag:$0x1] =	stream.linear.gather [hbm4b:s5+s3], $0x100, $0x38;
	v63 =	vld [tilespmem:$0x0]  }
0x1e6: {  	_ =	swait.ge [sflag:s24], $0x4000  }
0x1e7: {  	[sflag:s24] =	ssyncset.done $0x0  }
0x1e8: {  	[sflag:s24] =	ssyncadd.s32 $0xFFFFC000  }
0x1e9: {  	[spmem:s1] =	stream.indirect.scatter.add.f32 [tilespmem:s16], [sflag:$0x8], $0x80, s6, s20, $0xb8;
	v63 =	vld [tilespmem:$0x0]  }
0x1ea: {  	_ =	swait.ge [sflag:s10], $0x4000  }
0x1eb: {  	[sflag:s10] =	ssyncset.done $0x0  }
0x1ec: {  	[sflag:s10] =	ssyncadd.s32 $0xFFFFC000  }
0x1ed: {  	_ =	swait.ge [sflag:s19], $0x100  }
0x1ee: {  	[sflag:s19] =	ssyncset.done $0x0  }
0x1ef: {  	s11 =	rddreg [dreg:$0x8];
	[sflag:s19] =	ssyncadd.s32 $0xFFFFFF00  }
0x1f0: {  	[tilespmem:s26], [sflag:$0x7] =	stream.indirect.gather [hbm4b:s12+s20], $0x80, s3, s20, $0xb8;
	v63 =	vld [tilespmem:$0x0]  }
0x1f1: {  	s5 =	sadd.s32 s13, s11  }
0x1f2: {  	[tilespmem:s18], [sflag:$0x2] =	stream.linear.gather [hbm4b:s5+s3], $0x100, $0x38;
	v63 =	vld [tilespmem:$0x0]  }
0x1f3: {  	_ =	swait.ge [sflag:s29], $0x4000  }
0x1f4: {  	[sflag:s29] =	ssyncset.done $0x0  }
0x1f5: {  	[sflag:s29] =	ssyncadd.s32 $0xFFFFC000  }
0x1f6: {  	[spmem:s1] =	stream.indirect.scatter.add.f32 [tilespmem:s22], [sflag:$0x9], $0x80, s8, s20, $0xb8;
	v63 =	vld [tilespmem:$0x0]  }
0x1f7: {  	_ =	swait.ge [sflag:s31], $0x4000  }
0x1f8: {  	[sflag:s31] =	ssyncset.done $0x0  }
0x1f9: {  	[sflag:s31] =	ssyncadd.s32 $0xFFFFC000  }
0x1fa: {  	_ =	swait.ge [sflag:s21], $0x100  }
0x1fb: {  	[sflag:s21] =	ssyncset.done $0x0  }
0x1fc: {  	s14 =	rddreg [dreg:$0x9];
	[sflag:s21] =	ssyncadd.s32 $0xFFFFFF00  }
0x1fd: {  	[tilespmem:s16], [sflag:$0x5] =	stream.indirect.gather [hbm4b:s12+s20], $0x80, s18, s20, $0xb8;
	v63 =	vld [tilespmem:$0x0]  }
0x1fe: {  	s5 =	sadd.s32 s13, s14  }
0x1ff: {  	[tilespmem:s23], [sflag:$0x3] =	stream.linear.gather [hbm4b:s5+s3], $0x100, $0x38;
	v63 =	vld [tilespmem:$0x0]  }
0x200: {  	_ =	swait.ge [sflag:s2], $0x4000  }
0x201: {  	[sflag:s2] =	ssyncset.done $0x0  }
0x202: {  	[sflag:s2] =	ssyncadd.s32 $0xFFFFC000  }
0x203: {  	[spmem:s1] =	stream.indirect.scatter.add.f32 [tilespmem:s26], [sflag:$0xA], $0x80, s20, s20, $0xb8;
	v63 =	vld [tilespmem:$0x0]  }
0x204: {  	_ =	swait.ge [sflag:s7], $0x4000  }
0x205: {  	[sflag:s7] =	ssyncset.done $0x0  }
0x206: {  	[sflag:s7] =	ssyncadd.s32 $0xFFFFC000  }
0x207: {  	_ =	swait.ge [sflag:s25], $0x100  }
0x208: {  	[sflag:s25] =	ssyncset.done $0x0  }
0x209: {  	s15 =	rddreg [dreg:$0xa];
	[sflag:s25] =	ssyncadd.s32 $0xFFFFFF00  }
0x20a: {  	[tilespmem:s22], [sflag:$0x6] =	stream.indirect.gather [hbm4b:s12+s20], $0x80, s23, s20, $0xb8;
	v63 =	vld [tilespmem:$0x0]  }
0x20b: {  	s5 =	sadd.s32 s13, s15  }
0x20c: {  	[tilespmem:s28], [sflag:$0x4] =	stream.linear.gather [hbm4b:s5+s3], $0x100, $0x38;
	v63 =	vld [tilespmem:$0x0]  }
0x20d: {  	_ =	swait.ge [sflag:s24], $0x4000  }
0x20e: {  	[sflag:s24] =	ssyncset.done $0x0  }
0x20f: {  	[sflag:s24] =	ssyncadd.s32 $0xFFFFC000  }
0x210: {  	[spmem:s1] =	stream.indirect.scatter.add.f32 [tilespmem:s16], [sflag:$0x8], $0x80, s30, s20, $0xb8;
	v63 =	vld [tilespmem:$0x0]  }
0x211: {  	_ =	swait.ge [sflag:s10], $0x4000  }
0x212: {  	[sflag:s10] =	ssyncset.done $0x0  }
0x213: {  	[sflag:s10] =	ssyncadd.s32 $0xFFFFC000  }
0x214: {  	_ =	swait.ge [sflag:s0], $0x100  }
0x215: {  	[sflag:s0] =	ssyncset.done $0x0  }
0x216: {  	s11 =	sshrl.u32 s9, $0x3;
	[sflag:s0] =	ssyncadd.s32 $0xFFFFFF00  }
0x217: {  	[tilespmem:s26], [sflag:$0x7] =	stream.indirect.gather [hbm4b:s12+s20], $0x80, s28, s20, $0xb8;
	v63 =	vld [tilespmem:$0x0]  }
0x218: {  	s5 =	sadd.s32 s4, s11  }
0x219: {  	[tilespmem:s3], [sflag:$0x1] =	stream.linear.gather [hbm4b:s5+s3], $0x100, $0x38;
	v63 =	vld [tilespmem:$0x0]  }
0x21a: {  	_ =	swait.ge [sflag:s29], $0x4000  }
0x21b: {  	[sflag:s29] =	ssyncset.done $0x0  }
0x21c: {  	[sflag:s29] =	ssyncadd.s32 $0xFFFFC000  }
0x21d: {  	[spmem:s1] =	stream.indirect.scatter.add.f32 [tilespmem:s22], [sflag:$0x9], $0x80, s6, s20, $0xb8;
	v63 =	vld [tilespmem:$0x0]  }
0x21e: {  	_ =	swait.ge [sflag:s31], $0x4000  }
0x21f: {  	[sflag:s31] =	ssyncset.done $0x0  }
0x220: {  	[sflag:s31] =	ssyncadd.s32 $0xFFFFC000  }
0x221: {  	_ =	swait.ge [sflag:s19], $0x100  }
0x222: {  	[sflag:s19] =	ssyncset.done $0x0  }
0x223: {  	p0 =	seq.s32 s13, $0x1200;
	s5 =	rddreg [dreg:$0xb];
	[sflag:s19] =	ssyncadd.s32 $0xFFFFFF00  }
0x224: {  	[tilespmem:s16], [sflag:$0x5] =	stream.indirect.gather [hbm4b:s12+s20], $0x80, s3, s20, $0xb8;
	v63 =	vld [tilespmem:$0x0]  }
0x225: {  	s9 =	simm.s32 @!p0 $0x0;
	s11 =	simm.s32 @!p0 $0x100;
	s5 =	sadd.s32 @!p0 s13, s5  }
0x226: {  	[tilespmem:s11], [sflag:$0x2] =	stream.linear.gather @!p0 [hbm4b:s5+s9], $0x100, $0x38;
	v63 =	vld [tilespmem:$0x0]  }
0x227: {  	_ =	swait.ge [sflag:s2], $0x4000  }
0x228: {  	[sflag:s2] =	ssyncset.done $0x0  }
0x229: {  	[sflag:s2] =	ssyncadd.s32 $0xFFFFC000  }
0x22a: {  	[spmem:s1] =	stream.indirect.scatter.add.f32 [tilespmem:s26], [sflag:$0xA], $0x80, s8, s20, $0xb8;
	v63 =	vld [tilespmem:$0x0]  }
0x22b: {  	_ =	swait.ge [sflag:s24], $0x4000  }
0x22c: {  	[sflag:s24] =	ssyncset.done $0x0  }
0x22d: {  	[sflag:s24] =	ssyncadd.s32 $0xFFFFC000  }
0x22e: {  	[spmem:s1] =	stream.indirect.scatter.add.f32 [tilespmem:s16], [sflag:$0x8], $0x80, s20, s20, $0xb8;
	v63 =	vld [tilespmem:$0x0]  }
0x22f: {  	_ =	swait.ge [sflag:s31], $0x4000  }
0x230: {  	[sflag:s31] =	ssyncset.done $0x0  }
0x231: {  	[sflag:s31] =	ssyncadd.s32 $0xFFFFC000  }
0x232: {  	_ =	swait.ge [sflag:s7], $0x4000  }
0x233: {  	[sflag:s7] =	ssyncset.done $0x0  }
0x234: {  	[sflag:s7] =	ssyncadd.s32 $0xFFFFC000  }
0x235: {  	_ =	swait.ge [sflag:s10], $0x4000  }
0x236: {  	[sflag:s10] =	ssyncset.done $0x0  }
0x237: {  	[sflag:s10] =	ssyncadd.s32 $0xFFFFC000  }
0x238: {  	s13 =	stileid.u32;
	[bflag:$0x0] =	sbarrier.arrive $0xFFFF  }
0x239: {  	s5 =	sshll.u32 s13, $0x6;
	s11 =	rddreg [dreg:$0xe]  }
0x23a: {  	s5 =	sor.u32 $0x1C0B, s5;
	s15 =	rddreg [dreg:$0x15];
	s14 =	sshrl.u32 s11, $0x3  }
0x23b: {  	[hbm:s15], [sflag:s5] =	dma.local [spmem:s14], $0x2780  }
0x23c: {  	_ =	swait.ge [sflag:s17], $0x2780  }
0x23d: {  	s14 =	rddreg [dreg:$0x18]  }
0x23e: {  	s15 =	rddreg [dreg:$0x16];
	s9 =	sadd.s32 $0x1, s14  }
0x23f: {  	p0 =	sne.s32 s9, s15  }
.Ltmp2:
0x240: {  	_ = 	snop;
	(pc) =	sbr.rel @p0 .LBB2_1-.Ltmp2, $3  }
0x241: {  	_ =	sdelay $0x1  }
0x242: {  	[sflag:s17] =	ssyncset.done $0x0  }
0x243: {  	[sflag:s17] =	ssyncadd.s32 $0xFFFFD880  }
0x244: {  	_ =	sfence.sel $0x180000  }
0x245: {  	[bflag:$0x0] =	sbarrier.arrive $0xFFFF  }
0x246: {  	_ =	strace $0x9000004A  }
0x247: {  	s0 =	stileid.u32;
	[bflag:$0x2] =	sbarrier.arrive $0xFFFF  }
0x248: {  	p0 =	sne.s32 s0, $0x0;
	s0 =	rddreg [dreg:$0x2]  }
0x249: {  	s0 =	sadd.s32 @!p0 $0x100000, s0  }
0x24a: {  	[sflag:s0] =	ssyncadd.tile.s32 @!p0 $0x1;
	_ =	shalt  }
.Lfunc_end2:
_tile_overlayer_lowered:
.L_overlay_start_2:
0x24b: {  	(tag) =	ssettag $0x2  }
0x24c: {  	s0 =	rddreg [dreg:$0x0];
	s2 =	stileid.u32  }
0x24d: {  	s1 =	rddreg [dreg:$0x1];
	p0 =	sne.s32 s2, $0x0  }
0x24e: {  	s3 =	rddreg [dreg:$0x2];
	[bflag:$0x3] =	sbarrier.arrive $0xFFFF;
	s2 =	simm.s32 @!p0 $0x1C0B  }
0x24f: {  	[timem:s3], [sflag:s2] =	dma.local @!p0 [hbm:s0], s1  }
0x250: {  	s0 =	simm.s32 @!p0 $0xB  }
0x251: {  	_ =	swait.ge @!p0 [sflag:s0], s1  }
0x252: {  	s1 =	ssub.s32 @!p0 $0x0, s1;
	[sflag:s0] =	ssyncset.done @!p0 $0x0  }
0x253: {  	[sflag:s0] =	ssyncadd.s32 @!p0 s1  }
0x254: {  	[bflag:$0x3] =	sbarrier.arrive $0xFFFF  }
0x255: {  	_ =	shalt  }

// kernel: kernel.14.cloned.1.call-start
scs
__scs_entry_jumppad:
0x0: {  	(pc) =	sbr.rel $0x88, $3  }
0x1: {  	(tag) =	ssettag $0x0;
	lr =	simm.s32 $0x1  }
0x2: {  	[smem:$0x3F92] =	sst lr;
	_ =	strace $0xD0000000  }
0x3: {  	_ = 	snop  }
0x4: {  	_ = 	snop  }
0x5: {  	_ = 	snop  }
0x6: {  	_ = 	snop  }
0x7: {  	_ = 	snop  }
__scs_overlays_trampoline_lowered:
0x8: {  	[smem:$0x3FA1] =	sst s0  }
0x9: {  	[smem:$0x3FA2] =	sst s1  }
0xa: {  	[smem:$0x3FA3] =	sst s2  }
0xb: {  	[smem:$0x3FA4] =	sst s3  }
0xc: {  	[smem:$0x3FA5] =	sst s4  }
0xd: {  	[smem:$0x3FA6] =	sst s5  }
0xe: {  	[smem:$0x3FA7] =	sst s6  }
0xf: {  	[smem:$0x3FA8] =	sst s7  }
0x10: {  	[smem:$0x3FA9] =	sst s8  }
0x11: {  	[smem:$0x3FAA] =	sst s9;
	s0 =	simm.s32 @!p0 $0x0  }
0x12: {  	s1 =	sld [smem:$0x3F90];
	s0 =	simm.s32 @p0 $0x1  }
0x13: {  	[smem:$0x3FAB] =	sst s0;
	s0 =	simm.s32 @!p1 $0x0  }
0x14: {  	s2 =	sld [smem:$0x3F8F];
	s0 =	simm.s32 @p1 $0x1  }
0x15: {  	[smem:$0x3FAC] =	sst s0;
	s0 =	simm.s32 @!p2 $0x0  }
0x16: {  	s3 =	sld [smem:$0x3FDB];
	s0 =	simm.s32 @p2 $0x1  }
0x17: {  	s4 =	simm.s32 $0x1BF5;
	[smem:$0x3FAE] =	sst s0  }
0x18: {  	s0 =	sld [smem:$0x3F91];
	_ =	swait.ge [sflag:s4], $0x0  }
0x19: {  	s7 =	sld [smem:$0x3F92]  }
0x1a: {  	s8 =	sadd.s32 $0xFFFFE003, lr  }
0x1b: {  	s9 =	sadd.s32 $0xFFFFFEF7, lr;
	s5 =	simm.s32 $0xFFFFFFFF;
	p2 =	slt.u32 s8, $0xFFFFF086  }
0x1c: {  	p1 =	slt.u32 s9, $0xF7A;
	s5 =	simm.s32 @!p2 $0x0  }
0x1d: {  	s5 =	simm.s32 @p1 $0x1;
	p0 =	seq.s32 s7, s2  }
0x1e: {  	s7 =	smul.u32 @!p0 $0xF7A, s2;
	p2 =	seq.s32 @!p0 s5, $0x0  }
0x1f: {  	s9 =	smul.u32 $0xF7A, s1;
	s8 =	simm.s32 @!p0 $0x1BF5;
	p2 =	por !p2, p0  }
0x20: {  	[sflag:s8] =	ssyncset.s32 @!p0 $0xFFFFF086;
	s6 =	sadd.s32 @!p0 s3, s7;
	s7 =	simm.s32 @!p0 $0x108  }
0x21: {  	s3 =	sadd.s32 s3, s9;
	s6 =	sadd.s32 @!p0 $0x88, s6;
	s7 =	simm.s32 @p2 $0x1082  }
0x22: {  	[simem:s7], [sflag:s8] =	dma.local @!p0 [hbm:s6], $0xF7A  }
0x23: {  	s9 =	sor.u32 $0xD0000000, s2;
	s6 =	simm.s32 $0x108;
	_ =	swait.ge @!p0 [sflag:s8], $0x0  }
0x24: {  	s3 =	sadd.s32 $0x88, s3;
	s6 =	simm.s32 @!p1 $0x1082;
	[sflag:s4] =	ssyncset.s32 $0xFFFFF086  }
0x25: {  	[simem:s6], [sflag:s4] =	dma.local [hbm:s3], $0xF7A  }
0x26: {  	[smem:$0x3F92] =	sst s1;
	(tag) =	ssettag s2;
	_ =	strace s9  }
0x27: {  	s1 =	sld [smem:$0x3FA2]  }
0x28: {  	s2 =	sld [smem:$0x3FA3]  }
0x29: {  	s4 =	sld [smem:$0x3FA5]  }
0x2a: {  	p0 =	seq.s32 s5, $0x0;
	s5 =	sld [smem:$0x3FA6]  }
0x2b: {  	s6 =	sld [smem:$0x3FA7]  }
0x2c: {  	s7 =	sld [smem:$0x3FA8]  }
0x2d: {  	s3 =	simm.s32 $0x108;
	s8 =	sld [smem:$0x3FA9]  }
0x2e: {  	s3 =	simm.s32 @!p0 $0x1082;
	s9 =	sld [smem:$0x3FAA]  }
0x2f: {  	lr =	sadd.s32 s0, s3;
	s0 =	sld [smem:$0x3FA1]  }
0x30: {  	s3 =	sld [smem:$0x3FA4]  }
0x31: {  	[smem:$0x3FAD] =	sst s10  }
0x32: {  	s10 =	sld [smem:$0x3FAB];
	_ =	sdelay $0x3  }
0x33: {  	p0 =	seq.s32 s10, $0x1;
	s10 =	sld [smem:$0x3FAD];
	_ =	sdelay $0x3  }
0x34: {  	[smem:$0x3FAD] =	sst s10  }
0x35: {  	s10 =	sld [smem:$0x3FAC];
	_ =	sdelay $0x3  }
0x36: {  	p1 =	seq.s32 s10, $0x1;
	s10 =	sld [smem:$0x3FAD];
	_ =	sdelay $0x3  }
0x37: {  	[smem:$0x3FAD] =	sst s10  }
0x38: {  	s10 =	sld [smem:$0x3FAE]  }
0x39: {  	_ = 	snop;
	(pc) =	sbr.ind lr, $3  }
0x3a: {  	_ = 	snop  }
0x3b: {  	_ = 	snop  }
0x3c: {  	p2 =	seq.s32 s10, $0x1;
	s10 =	sld [smem:$0x3FAD]  }
0x3d: {  	_ =	shalt  }
0x3e: {  	_ =	shalt  }
0x3f: {  	_ =	shalt  }
0x40: {  	_ =	shalt  }
0x41: {  	_ =	shalt  }
0x42: {  	_ =	shalt  }
0x43: {  	_ =	shalt  }
0x44: {  	_ =	shalt  }
0x45: {  	_ =	shalt  }
0x46: {  	_ =	shalt  }
0x47: {  	_ =	shalt  }
0x48: {  	_ =	shalt  }
0x49: {  	_ =	shalt  }
0x4a: {  	_ =	shalt  }
0x4b: {  	_ =	shalt  }
0x4c: {  	_ =	shalt  }
0x4d: {  	_ =	shalt  }
0x4e: {  	_ =	shalt  }
0x4f: {  	_ =	shalt  }
0x50: {  	_ =	shalt  }
0x51: {  	_ =	shalt  }
0x52: {  	_ =	shalt  }
0x53: {  	_ =	shalt  }
0x54: {  	_ =	shalt  }
0x55: {  	_ =	shalt  }
0x56: {  	_ =	shalt  }
0x57: {  	_ =	shalt  }
0x58: {  	_ =	shalt  }
0x59: {  	_ =	shalt  }
0x5a: {  	_ =	shalt  }
0x5b: {  	_ =	shalt  }
0x5c: {  	_ =	shalt  }
0x5d: {  	_ =	shalt  }
0x5e: {  	_ =	shalt  }
0x5f: {  	_ =	shalt  }
0x60: {  	_ =	shalt  }
0x61: {  	_ =	shalt  }
0x62: {  	_ =	shalt  }
0x63: {  	_ =	shalt  }
0x64: {  	_ =	shalt  }
0x65: {  	_ =	shalt  }
0x66: {  	_ =	shalt  }
0x67: {  	_ =	shalt  }
0x68: {  	_ =	shalt  }
0x69: {  	_ =	shalt  }
0x6a: {  	_ =	shalt  }
0x6b: {  	_ =	shalt  }
0x6c: {  	_ =	shalt  }
0x6d: {  	_ =	shalt  }
0x6e: {  	_ =	shalt  }
0x6f: {  	_ =	shalt  }
0x70: {  	_ =	shalt  }
0x71: {  	_ =	shalt  }
0x72: {  	_ =	shalt  }
0x73: {  	_ =	shalt  }
0x74: {  	_ =	shalt  }
0x75: {  	_ =	shalt  }
0x76: {  	_ =	shalt  }
0x77: {  	_ =	shalt  }
0x78: {  	_ =	shalt  }
0x79: {  	_ =	shalt  }
0x7a: {  	_ =	shalt  }
0x7b: {  	_ =	shalt  }
0x7c: {  	_ =	shalt  }
0x7d: {  	_ =	shalt  }
0x7e: {  	_ =	shalt  }
0x7f: {  	_ =	shalt  }
0x80: {  	_ =	shalt  }
0x81: {  	_ =	shalt  }
0x82: {  	_ =	shalt  }
0x83: {  	_ =	shalt  }
0x84: {  	_ =	shalt  }
0x85: {  	_ =	shalt  }
0x86: {  	_ =	shalt  }
0x87: {  	_ =	shalt  }
.Lfunc_end0:
.L_simem_size_0:
called_computation.2_lowered:
.L_overlay_start_0:
0x88: {  	s2 =	sld [smem:$0x3FD9]  }
0x89: {  	s3 =	sld [smem:$0x3FFE];
	_ =	sdelay $0x1  }
0x8a: {  	s1 =	srdreg.scid  }
0x8b: {  	s0 =	sand.u32 $0x1, s1  }
0x8c: {  	s16 =	sshll.u32 s0, $0xA;
	s2 =	sadd.s32 s3, s2  }
0x8d: {  	s2 =	sadd.s32 s2, s16  }
0x8e: {  	[smem:$0x3FB9] =	sst s2  }
0x8f: {  	_ = 	snop  }
0x90: {  	(tm) =	ssettm $0x1  }
0x91: {  	s17 =	sld [smem:$0x3FFB];
	_ =	sdelay $0x3  }
0x92: {  	_ =	strace s17  }
0x93: {  	s2 =	sld [smem:$0x3FFC];
	_ =	sdelay $0x3  }
0x94: {  	_ =	strace s2  }
0x95: {  	s2 =	sld [smem:$0x3FFD];
	_ =	sdelay $0x3  }
0x96: {  	_ =	strace s2  }
0x97: {  	_ =	strace $0x8FFFFFFF  }
0x98: {  	s18 =	sld [smem:$0x3FDB];
	_ =	sdelay $0x1  }
0x99: {  	s19 =	simm.s32 $_scs_section_size  }
0x9a: {  	s4 =	simm.s32 $_size__tile_overlayer_lowered;
	s5 =	simm.s32 $_tile_overlayer_lowered  }
0x9b: {  	s22 =	simm.s32 $0x1BFF;
	s21 =	sshll.u32 s5, $0x1;
	s2 =	sadd.s32 s19, s18  }
0x9c: {  	s6 =	simm.s32 $0x0;
	s20 =	sshll.u32 s4, $0x1;
	s4 =	sadd.s32 s21, s2  }
0x9d: {  	[timem:s6], [sflag:s22] =	dma.local [hbm:s4], s20  }
0x9e: {  	_ =	swait.ge [sflag:s22], s20  }
0x9f: {  	s3 =	ssub.s32 $0x0, s20;
	[sflag:s22] =	ssyncset.done $0x0  }
0xa0: {  	[sflag:s22] =	ssyncadd.s32 s3;
	_ =	sdelay $0x1  }
0xa1: {  	s23 =	simm.s32 $0x1B8B  }
0xa2: {  	_ =	swait.ge [sflag:s23], $0x1  }
0xa3: {  	[sflag:s23] =	ssyncset.done $0x0  }
0xa4: {  	s25 =	simm.s32 $0x1B8E;
	s24 =	sld [smem:$0x3FFE];
	[sflag:s23] =	ssyncadd.s32 $0xFFFFFFFF  }
0xa5: {  	s26 =	simm.s32 $execute0_lowered;
	[smem:$0x3FD2] =	sst s25  }
0xa6: {  	s4 =	sshll.u32 s26, $0x1;
	_ =	strace $0x8000004C;
	[dreg:$0x1] =	wrdreg $0xFFFFFFFF  }
0xa7: {  	s28 =	simm.s32 $_size_execute0_lowered;
	s2 =	sadd.s32 s2, s4;
	[dreg:$0x0] =	wrdreg $0x0  }
0xa8: {  	s4 =	sshll.u32 s28, $0x1;
	[dreg:$0x2] =	wrdreg s2  }
0xa9: {  	[dreg:$0x3] =	wrdreg s4  }
0xaa: {  	[dreg:$0x4] =	wrdreg $0xC0  }
0xab: {  	_ =	task [dreg:s6], $0x5FFFF  }
0xac: {  	[dreg:$0x1] =	wrdreg $0xFFFFFFFF  }
0xad: {  	[dreg:$0x0] =	wrdreg $0x60  }
0xae: {  	[dreg:$0x2] =	wrdreg s24  }
0xaf: {  	[dreg:$0x3] =	wrdreg $0xC4000  }
0xb0: {  	[dreg:$0x4] =	wrdreg $0x9  }
0xb1: {  	_ =	task.clear_ibuf [dreg:s6], $0x5FFFF;
	_ =	strace $0x9000004C  }
0xb2: {  	s29 =	simm.s32 $0x9;
	_ =	strace $0x8000004E  }
0xb3: {  	_ =	swait.ge [sflag:s29], $0x1  }
0xb4: {  	[sflag:s29] =	ssyncadd.s32 $0xFFFFFFFF  }
0xb5: {  	_ =	strace $0x9000004E  }
0xb6: {  	_ =	sfence  }
0xb7: {  	s30 =	sld [smem:$0x0];
	_ =	sdelay $0x2  }
0xb8: {  	s31 =	sshll.u32 s1, $0xD;
	s1 =	sshrl.u32 s1, $0x2  }
0xb9: {  	s3 =	sand.u32 $0x4000, s31;
	s1 =	sadd.s32 s1, s30  }
0xba: {  	s0 =	sor.u32 s3, s0;
	s1 =	sshll.u32 s1, $0x11  }
0xbb: {  	s0 =	sor.u32 s1, s0  }
0xbc: {  	s0 =	sadd.s32 $0x8F2B, s0  }
0xbd: {  	[sflag:s0] =	ssyncadd.remote.s32 $0x1  }
0xbe: {  	_ =	sfence.sel $0xFFFF  }
0xbf: {  	[dreg:$0x0] =	wrdreg $0xFFFFFFFF;
	(pc) =	sbr.abs _section_cstart, $3  }
0xc0: {  	[dreg:$0x1] =	wrdreg $0xFFFFFFFF  }
0xc1: {  	_ =	task.clear_ibuf [dreg:s6], $0x2FFFF;
	_ =	strace $0x9FFFFFFF  }
0xc2: {  	(tm) =	ssettm $0x7FFFFFFF  }
0xc3: {  	_ =	shalt  }
tec
execute0_lowered:
.L_overlay_start_1:
0x0: {  	(tag) =	ssettag $0x1  }
0x1: {  	s0 =	rddreg [dreg:$0x0]  }
0x2: {  	s1 =	rddreg [dreg:$0x1]  }
0x3: {  	s2 =	srdreg.scid;
	s9 =	stileid.u32  }
0x4: {  	s3 =	simm.s32 $0x0;
	s28 =	simm.s32 $0x300;
	s5 =	smul.u32 $0x13C00, s9  }
0x5: {  	s29 =	simm.s32 $0x6;
	s30 =	simm.s32 $0x180;
	s7 =	smul.u32 $0x4F000, s9  }
0x6: {  	s2 =	sand.u32 $0x1, s2;
	[smem:$0x7FF] =	sst s3;
	s9 =	smul.u32 $0x9D00, s9  }
0x7: {  	s31 =	simm.s32 $0x8;
	s4 =	smul.u32 $0x140000, s2;
	_ =	strace $0x8000004D  }
0x8: {  	s8 =	smul.u32 $0x9D000, s2;
	s2 =	ssub.s32 $0x2, s2;
	s7 =	sshrl.u32 s7, $0x2  }
0x9: {  	s10 =	sshrl.u32 s2, $0x1;
	s6 =	sshrl.u32 s4, $0x3;
	s5 =	sadd.s32 s5, s4  }
0xa: {  	s4 =	sadd.s32 $0x52400, s0;
	s11 =	sadd.s32 s7, s1;
	s2 =	ssub.s32 s2, s10  }
0xb: {  	s6 =	sadd.s32 s6, s0;
	s12 =	sadd.s32 $0x4000, s11;
	[dreg:$0xe] =	wrdreg s11  }
0xc: {  	s5 =	sshrl.u32 s5, $0x3;
	s14 =	sadd.s32 $0x8000, s11;
	[dreg:$0xf] =	wrdreg s12  }
0xd: {  	s15 =	sadd.s32 $0xC000, s11;
	s16 =	sadd.s32 $0x10000, s11;
	[dreg:$0x10] =	wrdreg s14  }
0xe: {  	s2 =	smax.u32 s2, $0x1;
	s0 =	sadd.s32 s5, s0;
	[dreg:$0x11] =	wrdreg s15  }
0xf: {  	s5 =	sadd.s32 s9, s8;
	[dreg:$0x13] =	wrdreg s16;
	s12 =	sadd.s32 $0x79800, s6  }
0x10: {  	[dreg:$0x16] =	wrdreg s2;
	s2 =	simm.s32 $0x7;
	s13 =	sshrl.u32 s5, $0x3  }
0x11: {  	s17 =	sadd.s32 $0x400, s5;
	s19 =	sadd.s32 $0x500, s5;
	s0 =	sadd.s32 $0xC9800, s0  }
0x12: {  	s23 =	sadd.s32 $0x600, s5;
	s25 =	sadd.s32 $0x700, s5;
	s26 =	sadd.s32 $0x800, s5  }
0x13: {  	s10 =	sadd.s32 $0x900, s5;
	s14 =	sadd.s32 $0xA00, s5;
	s15 =	sadd.s32 $0xB00, s5  }
0x14: {  	s7 =	sadd.s32 s4, s13;
	s18 =	sshrl.u32 s17, $0x3;
	[dreg:$0x15] =	wrdreg s0  }
0x15: {  	s21 =	sshrl.u32 s19, $0x3;
	s24 =	sshrl.u32 s23, $0x3;
	s6 =	sshrl.u32 s25, $0x3  }
0x16: {  	s8 =	sshrl.u32 s26, $0x3;
	s13 =	sshrl.u32 s10, $0x3;
	s17 =	sshrl.u32 s15, $0x3  }
0x17: {  	s19 =	sadd.s32 $0xD00, s5;
	s26 =	sadd.s32 $0xC00, s5;
	[dreg:$0x12] =	wrdreg s7  }
0x18: {  	s10 =	simm.s32 $0xA;
	s7 =	sadd.s32 $0x20, s7;
	[dreg:$0x17] =	wrdreg s26  }
0x19: {  	s20 =	sadd.s32 s18, s4;
	s22 =	sadd.s32 s21, s4;
	[dreg:$0x14] =	wrdreg s7  }
0x1a: {  	s0 =	sadd.s32 s24, s4;
	s6 =	sadd.s32 s6, s4;
	[dreg:$0x3] =	wrdreg s20  }
0x1b: {  	s9 =	sadd.s32 s8, s4;
	s18 =	sadd.s32 s17, s4;
	[dreg:$0x4] =	wrdreg s22  }
0x1c: {  	s21 =	sadd.s32 $0x300, s5;
	s17 =	simm.s32 $0xB;
	[dreg:$0x5] =	wrdreg s0  }
0x1d: {  	s26 =	simm.s32 $0x8400;
	s8 =	simm.s32 $0x380;
	[dreg:$0x6] =	wrdreg s6  }
0x1e: {  	[dreg:$0x7] =	wrdreg s9;
	s0 =	sadd.s32 s13, s4;
	s6 =	sshrl.u32 s14, $0x3  }
0x1f: {  	[dreg:$0xa] =	wrdreg s18;
	s20 =	sshrl.u32 s19, $0x3;
	s22 =	sadd.s32 $0x200, s5  }
0x20: {  	s18 =	simm.s32 $0x100;
	s19 =	simm.s32 $0x1;
	s7 =	simm.s32 $0x9  }
0x21: {  	s9 =	simm.s32 $0x0;
	[dreg:$0x8] =	wrdreg s0;
	s16 =	sadd.s32 s6, s4  }
0x22: {  	s0 =	sadd.s32 s20, s4;
	s6 =	sshrl.u32 s21, $0x3;
	s24 =	sshrl.u32 s22, $0x3  }
0x23: {  	s20 =	simm.s32 $0x80;
	s21 =	simm.s32 $0x2;
	[dreg:$0x9] =	wrdreg s16  }
0x24: {  	s22 =	simm.s32 $0x4400;
	[dreg:$0xb] =	wrdreg s0;
	s23 =	sadd.s32 s6, s4  }
0x25: {  	s25 =	sadd.s32 s24, s4;
	s16 =	simm.s32 $0x400;
	s24 =	simm.s32 $0x5  }
0x26: {  	s0 =	simm.s32 $0x4;
	s6 =	simm.s32 $0x280;
	[dreg:$0xc] =	wrdreg s23  }
0x27: {  	v0 =	vimm.f32 $0.0e+00;
	[dreg:$0xd] =	wrdreg s25;
	s23 =	simm.s32 $0x200;
	s25 =	simm.s32 $0x3  }
.LBB2_1:
0x28: {  	[dreg:$0x18] =	wrdreg s9;
	s5 =	simm.s32 $0x0;
	s9 =	simm.s32 $0x200  }
.LBB2_2:
0x29: {  	p0 =	sne.s32 s9, $0xFE00;
	[tilespmem:s5+$0x470] =	vst v0  }
0x2a: {  	[tilespmem:s5+$0x400] =	vst v0  }
0x2b: {  	[tilespmem:s5+$0x410] =	vst v0  }
.Ltmp0:
0x2c: {  	[tilespmem:s5+$0x420] =	vst v0;
	(pc) =	sbr.rel @p0 .LBB2_2-.Ltmp0, $4  }
0x2d: {  	[tilespmem:s5+$0x430] =	vst v0  }
0x2e: {  	[tilespmem:s5+$0x440] =	vst v0  }
0x2f: {  	[tilespmem:s5+$0x450] =	vst v0  }
0x30: {  	[tilespmem:s5+$0x460] =	vst v0;
	s5 =	sshra.s32 s9, $0x2;
	s9 =	sadd.s32 $0x200, s9  }
0x31: {  	[tilespmem:s5+$0x470] =	vst v0  }
0x32: {  	[tilespmem:s5+$0x400] =	vst v0  }
0x33: {  	[tilespmem:s5+$0x410] =	vst v0  }
0x34: {  	[tilespmem:s5+$0x420] =	vst v0  }
0x35: {  	[tilespmem:s5+$0x430] =	vst v0  }
0x36: {  	[tilespmem:s5+$0x440] =	vst v0  }
0x37: {  	[tilespmem:s5+$0x450] =	vst v0  }
0x38: {  	[tilespmem:s5+$0x460] =	vst v0  }
0x39: {  	[spmem:s11] =	stream.linear.scatter [tilespmem:s16], [sflag:$0xB], $0x4000, $0x38;
	v63 =	vld [tilespmem:$0x0]  }
0x3a: {  	_ =	swait.ge [sflag:s17], $0x4000  }
0x3b: {  	[sflag:s17] =	ssyncset.done $0x0  }
0x3c: {  	s14 =	rddreg [dreg:$0xf];
	[sflag:s17] =	ssyncadd.s32 $0xFFFFC000  }
0x3d: {  	[spmem:s14] =	stream.linear.scatter [tilespmem:s16], [sflag:$0xB], $0x4000, $0x38;
	v63 =	vld [tilespmem:$0x0]  }
0x3e: {  	_ =	swait.ge [sflag:s17], $0x4000  }
0x3f: {  	[sflag:s17] =	ssyncset.done $0x0  }
0x40: {  	s15 =	rddreg [dreg:$0x10];
	[sflag:s17] =	ssyncadd.s32 $0xFFFFC000  }
0x41: {  	[spmem:s15] =	stream.linear.scatter [tilespmem:s16], [sflag:$0xB], $0x4000, $0x38;
	v63 =	vld [tilespmem:$0x0]  }
0x42: {  	_ =	swait.ge [sflag:s17], $0x4000  }
0x43: {  	[sflag:s17] =	ssyncset.done $0x0  }
0x44: {  	s9 =	rddreg [dreg:$0x11];
	[sflag:s17] =	ssyncadd.s32 $0xFFFFC000  }
0x45: {  	[spmem:s9] =	stream.linear.scatter [tilespmem:s16], [sflag:$0xB], $0x4000, $0x38;
	v63 =	vld [tilespmem:$0x0]  }
0x46: {  	_ =	swait.ge [sflag:s17], $0x4000  }
0x47: {  	[sflag:s17] =	ssyncset.done $0x0  }
0x48: {  	s11 =	rddreg [dreg:$0x13];
	[sflag:s17] =	ssyncadd.s32 $0xFFFFC000  }
0x49: {  	[spmem:s11] =	stream.linear.scatter [tilespmem:s16], [sflag:$0xB], $0x3C00, $0x38;
	v63 =	vld [tilespmem:$0x0]  }
0x4a: {  	_ =	swait.ge [sflag:s17], $0x3C00  }
0x4b: {  	[sflag:s17] =	ssyncset.done $0x0  }
0x4c: {  	s13 =	simm.s32 $0x0;
	s9 =	rddreg [dreg:$0x12];
	[sflag:s17] =	ssyncadd.s32 $0xFFFFC400  }
0x4d: {  	[tilespmem:s13], [sflag:$0x1] =	stream.linear.gather [hbm4b:s9+s13], $0x100, $0x38;
	v63 =	vld [tilespmem:$0x0]  }
0x4e: {  	s14 =	rddreg [dreg:$0x14]  }
0x4f: {  	[tilespmem:s18], [sflag:$0x2] =	stream.linear.gather [hbm4b:s14+s13], $0x100, $0x38;
	v63 =	vld [tilespmem:$0x0]  }
0x50: {  	_ =	swait.ge [sflag:s19], $0x100  }
0x51: {  	p0 =	por $0x1, $0x1;
	[sflag:s19] =	ssyncset.done $0x0  }
0x52: {  	p0 =	por p0, p0;
	[sflag:s19] =	ssyncadd.s32 $0xFFFFFF00  }
0x53: {  	[tilespmem:s16], [sflag:$0x5] =	stream.indirect.gather [hbm4b:s12+s20], $0x80, s13, s20, $0xb8;
	v63 =	vld [tilespmem:$0x0]  }
0x54: {  	s5 =	simm.s32 @!p0 $0x9;
	[bflag:$0x0] =	sbarrier.arrive $0xFFFF  }
0x55: {  	_ =	swait.ge @!p0 [sflag:s5], $0x4000  }
0x56: {  	[sflag:s5] =	ssyncset.done @!p0 $0x0  }
0x57: {  	[sflag:s5] =	ssyncadd.s32 @!p0 $0xFFFFC000  }
0x58: {  	_ =	swait.ge [sflag:s21], $0x100  }
0x59: {  	[sflag:s21] =	ssyncset.done $0x0  }
0x5a: {  	s15 =	rddreg [dreg:$0xd];
	[sflag:s21] =	ssyncadd.s32 $0xFFFFFF00  }
0x5b: {  	[tilespmem:s22], [sflag:$0x6] =	stream.indirect.gather [hbm4b:s12+s20], $0x80, s18, s20, $0xb8;
	v63 =	vld [tilespmem:$0x0]  }
0x5c: {  	s5 =	sadd.s32 $0x0, s15  }
0x5d: {  	[tilespmem:s23], [sflag:$0x3] =	stream.linear.gather [hbm4b:s5+s3], $0x100, $0x38;
	v63 =	vld [tilespmem:$0x0]  }
0x5e: {  	_ =	swait.ge [sflag:s24], $0x4000  }
0x5f: {  	[sflag:s24] =	ssyncset.done $0x0  }
0x60: {  	s5 =	simm.s32 @!p0 $0xA;
	[sflag:s24] =	ssyncadd.s32 $0xFFFFC000  }
0x61: {  	[spmem:s1] =	stream.indirect.scatter.add.f32 [tilespmem:s16], [sflag:$0x8], $0x80, s20, s20, $0xb8;
	v63 =	vld [tilespmem:$0x0]  }
0x62: {  	_ =	swait.ge @!p0 [sflag:s5], $0x4000  }
0x63: {  	[sflag:s5] =	ssyncset.done @!p0 $0x0  }
0x64: {  	[sflag:s5] =	ssyncadd.s32 @!p0 $0xFFFFC000  }
0x65: {  	_ =	swait.ge [sflag:s25], $0x100  }
0x66: {  	[sflag:s25] =	ssyncset.done $0x0  }
0x67: {  	s9 =	rddreg [dreg:$0xc];
	[sflag:s25] =	ssyncadd.s32 $0xFFFFFF00  }
0x68: {  	[tilespmem:s26], [sflag:$0x7] =	stream.indirect.gather [hbm4b:s12+s20], $0x80, s23, s20, $0xb8;
	v63 =	vld [tilespmem:$0x0]  }
0x69: {  	s5 =	sadd.s32 $0x0, s9  }
0x6a: {  	[tilespmem:s28], [sflag:$0x4] =	stream.linear.gather [hbm4b:s5+s3], $0x100, $0x38;
	v63 =	vld [tilespmem:$0x0]  }
0x6b: {  	_ =	swait.ge [sflag:s29], $0x4000  }
0x6c: {  	[sflag:s29] =	ssyncset.done $0x0  }
0x6d: {  	[sflag:s29] =	ssyncadd.s32 $0xFFFFC000  }
0x6e: {  	[spmem:s1] =	stream.indirect.scatter.add.f32 [tilespmem:s22], [sflag:$0x9], $0x80, s30, s20, $0xb8;
	v63 =	vld [tilespmem:$0x0]  }
0x6f: {  	_ =	swait.ge [sflag:s31], $0x4000  }
0x70: {  	[sflag:s31] =	ssyncset.done $0x0  }
0x71: {  	[sflag:s31] =	ssyncadd.s32 $0xFFFFC000  }
0x72: {  	_ =	swait.ge [sflag:s0], $0x100  }
0x73: {  	[sflag:s0] =	ssyncset.done $0x0  }
0x74: {  	s11 =	rddreg [dreg:$0x3];
	[sflag:s0] =	ssyncadd.s32 $0xFFFFFF00  }
0x75: {  	[tilespmem:s16], [sflag:$0x5] =	stream.indirect.gather [hbm4b:s12+s20], $0x80, s28, s20, $0xb8;
	v63 =	vld [tilespmem:$0x0]  }
0x76: {  	s5 =	sadd.s32 $0x0, s11  }
0x77: {  	[tilespmem:s3], [sflag:$0x1] =	stream.linear.gather [hbm4b:s5+s3], $0x100, $0x38;
	v63 =	vld [tilespmem:$0x0]  }
0x78: {  	_ =	swait.ge [sflag:s2], $0x4000  }
0x79: {  	[sflag:s2] =	ssyncset.done $0x0  }
0x7a: {  	[sflag:s2] =	ssyncadd.s32 $0xFFFFC000  }
0x7b: {  	[spmem:s1] =	stream.indirect.scatter.add.f32 [tilespmem:s26], [sflag:$0xA], $0x80, s6, s20, $0xb8;
	v63 =	vld [tilespmem:$0x0]  }
0x7c: {  	_ =	swait.ge [sflag:s7], $0x4000  }
0x7d: {  	[sflag:s7] =	ssyncset.done $0x0  }
0x7e: {  	[sflag:s7] =	ssyncadd.s32 $0xFFFFC000  }
0x7f: {  	_ =	swait.ge [sflag:s19], $0x100  }
0x80: {  	[sflag:s19] =	ssyncset.done $0x0  }
0x81: {  	s13 =	rddreg [dreg:$0x4];
	[sflag:s19] =	ssyncadd.s32 $0xFFFFFF00  }
0x82: {  	[tilespmem:s22], [sflag:$0x6] =	stream.indirect.gather [hbm4b:s12+s20], $0x80, s3, s20, $0xb8;
	v63 =	vld [tilespmem:$0x0]  }
0x83: {  	s5 =	sadd.s32 $0x0, s13  }
0x84: {  	[tilespmem:s18], [sflag:$0x2] =	stream.linear.gather [hbm4b:s5+s3], $0x100, $0x38;
	v63 =	vld [tilespmem:$0x0]  }
0x85: {  	_ =	swait.ge [sflag:s24], $0x4000  }
0x86: {  	[sflag:s24] =	ssyncset.done $0x0  }
0x87: {  	[sflag:s24] =	ssyncadd.s32 $0xFFFFC000  }
0x88: {  	[spmem:s1] =	stream.indirect.scatter.add.f32 [tilespmem:s16], [sflag:$0x8], $0x80, s8, s20, $0xb8;
	v63 =	vld [tilespmem:$0x0]  }
0x89: {  	_ =	swait.ge [sflag:s10], $0x4000  }
0x8a: {  	[sflag:s10] =	ssyncset.done $0x0  }
0x8b: {  	[sflag:s10] =	ssyncadd.s32 $0xFFFFC000  }
0x8c: {  	_ =	swait.ge [sflag:s21], $0x100  }
0x8d: {  	[sflag:s21] =	ssyncset.done $0x0  }
0x8e: {  	s14 =	rddreg [dreg:$0x5];
	[sflag:s21] =	ssyncadd.s32 $0xFFFFFF00  }
0x8f: {  	[tilespmem:s26], [sflag:$0x7] =	stream.indirect.gather [hbm4b:s12+s20], $0x80, s18, s20, $0xb8;
	v63 =	vld [tilespmem:$0x0]  }
0x90: {  	s5 =	sadd.s32 $0x0, s14  }
0x91: {  	[tilespmem:s23], [sflag:$0x3] =	stream.linear.gather [hbm4b:s5+s3], $0x100, $0x38;
	v63 =	vld [tilespmem:$0x0]  }
0x92: {  	_ =	swait.ge [sflag:s29], $0x4000  }
0x93: {  	[sflag:s29] =	ssyncset.done $0x0  }
0x94: {  	[sflag:s29] =	ssyncadd.s32 $0xFFFFC000  }
0x95: {  	[spmem:s1] =	stream.indirect.scatter.add.f32 [tilespmem:s22], [sflag:$0x9], $0x80, s20, s20, $0xb8;
	v63 =	vld [tilespmem:$0x0]  }
0x96: {  	_ =	swait.ge [sflag:s31], $0x4000  }
0x97: {  	[sflag:s31] =	ssyncset.done $0x0  }
0x98: {  	[sflag:s31] =	ssyncadd.s32 $0xFFFFC000  }
0x99: {  	_ =	swait.ge [sflag:s25], $0x100  }
0x9a: {  	[sflag:s25] =	ssyncset.done $0x0  }
0x9b: {  	s15 =	rddreg [dreg:$0x6];
	[sflag:s25] =	ssyncadd.s32 $0xFFFFFF00  }
0x9c: {  	[tilespmem:s16], [sflag:$0x5] =	stream.indirect.gather [hbm4b:s12+s20], $0x80, s23, s20, $0xb8;
	v63 =	vld [tilespmem:$0x0]  }
0x9d: {  	s5 =	sadd.s32 $0x0, s15  }
0x9e: {  	[tilespmem:s28], [sflag:$0x4] =	stream.linear.gather [hbm4b:s5+s3], $0x100, $0x38;
	v63 =	vld [tilespmem:$0x0]  }
0x9f: {  	_ =	swait.ge [sflag:s2], $0x4000  }
0xa0: {  	[sflag:s2] =	ssyncset.done $0x0  }
0xa1: {  	[sflag:s2] =	ssyncadd.s32 $0xFFFFC000  }
0xa2: {  	[spmem:s1] =	stream.indirect.scatter.add.f32 [tilespmem:s26], [sflag:$0xA], $0x80, s30, s20, $0xb8;
	v63 =	vld [tilespmem:$0x0]  }
0xa3: {  	_ =	swait.ge [sflag:s7], $0x4000  }
0xa4: {  	[sflag:s7] =	ssyncset.done $0x0  }
0xa5: {  	[sflag:s7] =	ssyncadd.s32 $0xFFFFC000  }
0xa6: {  	_ =	swait.ge [sflag:s0], $0x100  }
0xa7: {  	[sflag:s0] =	ssyncset.done $0x0  }
0xa8: {  	s9 =	rddreg [dreg:$0x7];
	[sflag:s0] =	ssyncadd.s32 $0xFFFFFF00  }
0xa9: {  	[tilespmem:s22], [sflag:$0x6] =	stream.indirect.gather [hbm4b:s12+s20], $0x80, s28, s20, $0xb8;
	v63 =	vld [tilespmem:$0x0]  }
0xaa: {  	s5 =	sadd.s32 $0x0, s9  }
0xab: {  	[tilespmem:s3], [sflag:$0x1] =	stream.linear.gather [hbm4b:s5+s3], $0x100, $0x38;
	v63 =	vld [tilespmem:$0x0]  }
0xac: {  	_ =	swait.ge [sflag:s24], $0x4000  }
0xad: {  	[sflag:s24] =	ssyncset.done $0x0  }
0xae: {  	[sflag:s24] =	ssyncadd.s32 $0xFFFFC000  }
0xaf: {  	[spmem:s1] =	stream.indirect.scatter.add.f32 [tilespmem:s16], [sflag:$0x8], $0x80, s6, s20, $0xb8;
	v63 =	vld [tilespmem:$0x0]  }
0xb0: {  	_ =	swait.ge [sflag:s10], $0x4000  }
0xb1: {  	[sflag:s10] =	ssyncset.done $0x0  }
0xb2: {  	[sflag:s10] =	ssyncadd.s32 $0xFFFFC000  }
0xb3: {  	_ =	swait.ge [sflag:s19], $0x100  }
0xb4: {  	[sflag:s19] =	ssyncset.done $0x0  }
0xb5: {  	s11 =	rddreg [dreg:$0x8];
	[sflag:s19] =	ssyncadd.s32 $0xFFFFFF00  }
0xb6: {  	[tilespmem:s26], [sflag:$0x7] =	stream.indirect.gather [hbm4b:s12+s20], $0x80, s3, s20, $0xb8;
	v63 =	vld [tilespmem:$0x0]  }
0xb7: {  	s5 =	sadd.s32 $0x0, s11  }
0xb8: {  	[tilespmem:s18], [sflag:$0x2] =	stream.linear.gather [hbm4b:s5+s3], $0x100, $0x38;
	v63 =	vld [tilespmem:$0x0]  }
0xb9: {  	_ =	swait.ge [sflag:s29], $0x4000  }
0xba: {  	[sflag:s29] =	ssyncset.done $0x0  }
0xbb: {  	[sflag:s29] =	ssyncadd.s32 $0xFFFFC000  }
0xbc: {  	[spmem:s1] =	stream.indirect.scatter.add.f32 [tilespmem:s22], [sflag:$0x9], $0x80, s8, s20, $0xb8;
	v63 =	vld [tilespmem:$0x0]  }
0xbd: {  	_ =	swait.ge [sflag:s31], $0x4000  }
0xbe: {  	[sflag:s31] =	ssyncset.done $0x0  }
0xbf: {  	[sflag:s31] =	ssyncadd.s32 $0xFFFFC000  }
0xc0: {  	_ =	swait.ge [sflag:s21], $0x100  }
0xc1: {  	[sflag:s21] =	ssyncset.done $0x0  }
0xc2: {  	s13 =	rddreg [dreg:$0x9];
	[sflag:s21] =	ssyncadd.s32 $0xFFFFFF00  }
0xc3: {  	[tilespmem:s16], [sflag:$0x5] =	stream.indirect.gather [hbm4b:s12+s20], $0x80, s18, s20, $0xb8;
	v63 =	vld [tilespmem:$0x0]  }
0xc4: {  	s5 =	sadd.s32 $0x0, s13  }
0xc5: {  	[tilespmem:s23], [sflag:$0x3] =	stream.linear.gather [hbm4b:s5+s3], $0x100, $0x38;
	v63 =	vld [tilespmem:$0x0]  }
0xc6: {  	_ =	swait.ge [sflag:s2], $0x4000  }
0xc7: {  	[sflag:s2] =	ssyncset.done $0x0  }
0xc8: {  	[sflag:s2] =	ssyncadd.s32 $0xFFFFC000  }
0xc9: {  	[spmem:s1] =	stream.indirect.scatter.add.f32 [tilespmem:s26], [sflag:$0xA], $0x80, s20, s20, $0xb8;
	v63 =	vld [tilespmem:$0x0]  }
0xca: {  	_ =	swait.ge [sflag:s7], $0x4000  }
0xcb: {  	[sflag:s7] =	ssyncset.done $0x0  }
0xcc: {  	[sflag:s7] =	ssyncadd.s32 $0xFFFFC000  }
0xcd: {  	_ =	swait.ge [sflag:s25], $0x100  }
0xce: {  	[sflag:s25] =	ssyncset.done $0x0  }
0xcf: {  	s14 =	rddreg [dreg:$0xa];
	[sflag:s25] =	ssyncadd.s32 $0xFFFFFF00  }
0xd0: {  	[tilespmem:s22], [sflag:$0x6] =	stream.indirect.gather [hbm4b:s12+s20], $0x80, s23, s20, $0xb8;
	v63 =	vld [tilespmem:$0x0]  }
0xd1: {  	s5 =	sadd.s32 $0x0, s14  }
0xd2: {  	[tilespmem:s28], [sflag:$0x4] =	stream.linear.gather [hbm4b:s5+s3], $0x100, $0x38;
	v63 =	vld [tilespmem:$0x0]  }
0xd3: {  	_ =	swait.ge [sflag:s24], $0x4000  }
0xd4: {  	[sflag:s24] =	ssyncset.done $0x0  }
0xd5: {  	[sflag:s24] =	ssyncadd.s32 $0xFFFFC000  }
0xd6: {  	[spmem:s1] =	stream.indirect.scatter.add.f32 [tilespmem:s16], [sflag:$0x8], $0x80, s30, s20, $0xb8;
	v63 =	vld [tilespmem:$0x0]  }
0xd7: {  	_ =	swait.ge [sflag:s10], $0x4000  }
0xd8: {  	[sflag:s10] =	ssyncset.done $0x0  }
0xd9: {  	[sflag:s10] =	ssyncadd.s32 $0xFFFFC000  }
0xda: {  	_ =	swait.ge [sflag:s0], $0x100  }
0xdb: {  	[sflag:s0] =	ssyncset.done $0x0;
	s11 =	rddreg [dreg:$0x17]  }
0xdc: {  	[sflag:s0] =	ssyncadd.s32 $0xFFFFFF00;
	s15 =	sshrl.u32 s11, $0x3  }
0xdd: {  	[tilespmem:s26], [sflag:$0x7] =	stream.indirect.gather [hbm4b:s12+s20], $0x80, s28, s20, $0xb8;
	v63 =	vld [tilespmem:$0x0]  }
0xde: {  	s5 =	sadd.s32 s4, s15  }
0xdf: {  	[tilespmem:s3], [sflag:$0x1] =	stream.linear.gather [hbm4b:s5+s3], $0x100, $0x38;
	v63 =	vld [tilespmem:$0x0]  }
0xe0: {  	_ =	swait.ge [sflag:s29], $0x4000  }
0xe1: {  	[sflag:s29] =	ssyncset.done $0x0  }
0xe2: {  	[sflag:s29] =	ssyncadd.s32 $0xFFFFC000  }
0xe3: {  	[spmem:s1] =	stream.indirect.scatter.add.f32 [tilespmem:s22], [sflag:$0x9], $0x80, s6, s20, $0xb8;
	v63 =	vld [tilespmem:$0x0]  }
0xe4: {  	_ =	swait.ge [sflag:s31], $0x4000  }
0xe5: {  	[sflag:s31] =	ssyncset.done $0x0  }
0xe6: {  	[sflag:s31] =	ssyncadd.s32 $0xFFFFC000  }
0xe7: {  	_ =	swait.ge [sflag:s19], $0x100  }
0xe8: {  	[sflag:s19] =	ssyncset.done $0x0  }
0xe9: {  	p0 =	por $0x0, $0x0;
	s5 =	rddreg [dreg:$0xb];
	[sflag:s19] =	ssyncadd.s32 $0xFFFFFF00  }
0xea: {  	[tilespmem:s16], [sflag:$0x5] =	stream.indirect.gather [hbm4b:s12+s20], $0x80, s3, s20, $0xb8;
	v63 =	vld [tilespmem:$0x0]  }
0xeb: {  	s9 =	simm.s32 @!p0 $0x0;
	s13 =	simm.s32 @!p0 $0x100;
	s5 =	sadd.s32 @!p0 $0x0, s5  }
0xec: {  	[tilespmem:s13], [sflag:$0x2] =	stream.linear.gather @!p0 [hbm4b:s5+s9], $0x100, $0x38;
	v63 =	vld [tilespmem:$0x0]  }
0xed: {  	p6 =	por $0x0, $0x0;
	_ =	swait.ge [sflag:s2], $0x4000  }
0xee: {  	s14 =	simm.s32 $0x300;
	s13 =	simm.s32 $0x180;
	[sflag:s2] =	ssyncset.done $0x0  }
0xef: {  	p0 =	por p6, p6;
	s9 =	sadd.s32 $0xC00, s11;
	[sflag:s2] =	ssyncadd.s32 $0xFFFFC000  }
.LBB2_4:
0xf0: {  	[spmem:s1] =	stream.indirect.scatter.add.f32 [tilespmem:s26], [sflag:$0xA], $0x80, s8, s20, $0xb8;
	v63 =	vld [tilespmem:$0x0]  }
0xf1: {  	s15 =	simm.s32 @!p0 $0x9  }
0xf2: {  	_ =	swait.ge @!p0 [sflag:s15], $0x4000  }
0xf3: {  	[sflag:s15] =	ssyncset.done @!p0 $0x0  }
0xf4: {  	[sflag:s15] =	ssyncadd.s32 @!p0 $0xFFFFC000  }
0xf5: {  	_ =	swait.ge [sflag:s21], $0x100  }
0xf6: {  	[sflag:s21] =	ssyncset.done $0x0  }
0xf7: {  	s11 =	rddreg [dreg:$0xd];
	[sflag:s21] =	ssyncadd.s32 $0xFFFFFF00  }
0xf8: {  	[tilespmem:s22], [sflag:$0x6] =	stream.indirect.gather [hbm4b:s12+s20], $0x80, s18, s20, $0xb8;
	v63 =	vld [tilespmem:$0x0]  }
0xf9: {  	s15 =	sadd.s32 s13, s11  }
0xfa: {  	[tilespmem:s23], [sflag:$0x3] =	stream.linear.gather [hbm4b:s15+s3], $0x100, $0x38;
	v63 =	vld [tilespmem:$0x0]  }
0xfb: {  	_ =	swait.ge [sflag:s24], $0x4000  }
0xfc: {  	[sflag:s24] =	ssyncset.done $0x0  }
0xfd: {  	s15 =	simm.s32 @!p0 $0xA;
	[sflag:s24] =	ssyncadd.s32 $0xFFFFC000  }
0xfe: {  	[spmem:s1] =	stream.indirect.scatter.add.f32 [tilespmem:s16], [sflag:$0x8], $0x80, s20, s20, $0xb8;
	v63 =	vld [tilespmem:$0x0]  }
0xff: {  	_ =	swait.ge @!p0 [sflag:s15], $0x4000  }
0x100: {  	[sflag:s15] =	ssyncset.done @!p0 $0x0  }
0x101: {  	[sflag:s15] =	ssyncadd.s32 @!p0 $0xFFFFC000  }
0x102: {  	_ =	swait.ge [sflag:s25], $0x100  }
0x103: {  	[sflag:s25] =	ssyncset.done $0x0  }
0x104: {  	s11 =	rddreg [dreg:$0xc];
	[sflag:s25] =	ssyncadd.s32 $0xFFFFFF00  }
0x105: {  	[tilespmem:s26], [sflag:$0x7] =	stream.indirect.gather [hbm4b:s12+s20], $0x80, s23, s20, $0xb8;
	v63 =	vld [tilespmem:$0x0]  }
0x106: {  	s15 =	sadd.s32 s13, s11  }
0x107: {  	[tilespmem:s28], [sflag:$0x4] =	stream.linear.gather [hbm4b:s15+s3], $0x100, $0x38;
	v63 =	vld [tilespmem:$0x0]  }
0x108: {  	_ =	swait.ge [sflag:s29], $0x4000  }
0x109: {  	[sflag:s29] =	ssyncset.done $0x0  }
0x10a: {  	[sflag:s29] =	ssyncadd.s32 $0xFFFFC000  }
0x10b: {  	[spmem:s1] =	stream.indirect.scatter.add.f32 [tilespmem:s22], [sflag:$0x9], $0x80, s30, s20, $0xb8;
	v63 =	vld [tilespmem:$0x0]  }
0x10c: {  	_ =	swait.ge [sflag:s31], $0x4000  }
0x10d: {  	[sflag:s31] =	ssyncset.done $0x0  }
0x10e: {  	[sflag:s31] =	ssyncadd.s32 $0xFFFFC000  }
0x10f: {  	_ =	swait.ge [sflag:s0], $0x100  }
0x110: {  	[sflag:s0] =	ssyncset.done $0x0  }
0x111: {  	s11 =	rddreg [dreg:$0x3];
	[sflag:s0] =	ssyncadd.s32 $0xFFFFFF00  }
0x112: {  	[tilespmem:s16], [sflag:$0x5] =	stream.indirect.gather [hbm4b:s12+s20], $0x80, s28, s20, $0xb8;
	v63 =	vld [tilespmem:$0x0]  }
0x113: {  	s15 =	sadd.s32 s13, s11  }
0x114: {  	[tilespmem:s3], [sflag:$0x1] =	stream.linear.gather [hbm4b:s15+s3], $0x100, $0x38;
	v63 =	vld [tilespmem:$0x0]  }
0x115: {  	_ =	swait.ge [sflag:s2], $0x4000  }
0x116: {  	[sflag:s2] =	ssyncset.done $0x0  }
0x117: {  	[sflag:s2] =	ssyncadd.s32 $0xFFFFC000  }
0x118: {  	[spmem:s1] =	stream.indirect.scatter.add.f32 [tilespmem:s26], [sflag:$0xA], $0x80, s6, s20, $0xb8;
	v63 =	vld [tilespmem:$0x0]  }
0x119: {  	_ =	swait.ge [sflag:s7], $0x4000  }
0x11a: {  	[sflag:s7] =	ssyncset.done $0x0  }
0x11b: {  	[sflag:s7] =	ssyncadd.s32 $0xFFFFC000  }
0x11c: {  	_ =	swait.ge [sflag:s19], $0x100  }
0x11d: {  	[sflag:s19] =	ssyncset.done $0x0  }
0x11e: {  	s11 =	rddreg [dreg:$0x4];
	[sflag:s19] =	ssyncadd.s32 $0xFFFFFF00  }
0x11f: {  	[tilespmem:s22], [sflag:$0x6] =	stream.indirect.gather [hbm4b:s12+s20], $0x80, s3, s20, $0xb8;
	v63 =	vld [tilespmem:$0x0]  }
0x120: {  	s15 =	sadd.s32 s13, s11  }
0x121: {  	[tilespmem:s18], [sflag:$0x2] =	stream.linear.gather [hbm4b:s15+s3], $0x100, $0x38;
	v63 =	vld [tilespmem:$0x0]  }
0x122: {  	_ =	swait.ge [sflag:s24], $0x4000  }
0x123: {  	[sflag:s24] =	ssyncset.done $0x0  }
0x124: {  	[sflag:s24] =	ssyncadd.s32 $0xFFFFC000  }
0x125: {  	[spmem:s1] =	stream.indirect.scatter.add.f32 [tilespmem:s16], [sflag:$0x8], $0x80, s8, s20, $0xb8;
	v63 =	vld [tilespmem:$0x0]  }
0x126: {  	_ =	swait.ge [sflag:s10], $0x4000  }
0x127: {  	[sflag:s10] =	ssyncset.done $0x0  }
0x128: {  	[sflag:s10] =	ssyncadd.s32 $0xFFFFC000  }
0x129: {  	_ =	swait.ge [sflag:s21], $0x100  }
0x12a: {  	[sflag:s21] =	ssyncset.done $0x0  }
0x12b: {  	s11 =	rddreg [dreg:$0x5];
	[sflag:s21] =	ssyncadd.s32 $0xFFFFFF00  }
0x12c: {  	[tilespmem:s26], [sflag:$0x7] =	stream.indirect.gather [hbm4b:s12+s20], $0x80, s18, s20, $0xb8;
	v63 =	vld [tilespmem:$0x0]  }
0x12d: {  	s15 =	sadd.s32 s13, s11  }
0x12e: {  	[tilespmem:s23], [sflag:$0x3] =	stream.linear.gather [hbm4b:s15+s3], $0x100, $0x38;
	v63 =	vld [tilespmem:$0x0]  }
0x12f: {  	_ =	swait.ge [sflag:s29], $0x4000  }
0x130: {  	[sflag:s29] =	ssyncset.done $0x0  }
0x131: {  	[sflag:s29] =	ssyncadd.s32 $0xFFFFC000  }
0x132: {  	[spmem:s1] =	stream.indirect.scatter.add.f32 [tilespmem:s22], [sflag:$0x9], $0x80, s20, s20, $0xb8;
	v63 =	vld [tilespmem:$0x0]  }
0x133: {  	_ =	swait.ge [sflag:s31], $0x4000  }
0x134: {  	[sflag:s31] =	ssyncset.done $0x0  }
0x135: {  	[sflag:s31] =	ssyncadd.s32 $0xFFFFC000  }
0x136: {  	_ =	swait.ge [sflag:s25], $0x100  }
0x137: {  	[sflag:s25] =	ssyncset.done $0x0  }
0x138: {  	s11 =	rddreg [dreg:$0x6];
	[sflag:s25] =	ssyncadd.s32 $0xFFFFFF00  }
0x139: {  	[tilespmem:s16], [sflag:$0x5] =	stream.indirect.gather [hbm4b:s12+s20], $0x80, s23, s20, $0xb8;
	v63 =	vld [tilespmem:$0x0]  }
0x13a: {  	s15 =	sadd.s32 s13, s11  }
0x13b: {  	[tilespmem:s28], [sflag:$0x4] =	stream.linear.gather [hbm4b:s15+s3], $0x100, $0x38;
	v63 =	vld [tilespmem:$0x0]  }
0x13c: {  	_ =	swait.ge [sflag:s2], $0x4000  }
0x13d: {  	[sflag:s2] =	ssyncset.done $0x0  }
0x13e: {  	[sflag:s2] =	ssyncadd.s32 $0xFFFFC000  }
0x13f: {  	[spmem:s1] =	stream.indirect.scatter.add.f32 [tilespmem:s26], [sflag:$0xA], $0x80, s30, s20, $0xb8;
	v63 =	vld [tilespmem:$0x0]  }
0x140: {  	_ =	swait.ge [sflag:s7], $0x4000  }
0x141: {  	[sflag:s7] =	ssyncset.done $0x0  }
0x142: {  	[sflag:s7] =	ssyncadd.s32 $0xFFFFC000  }
0x143: {  	_ =	swait.ge [sflag:s0], $0x100  }
0x144: {  	[sflag:s0] =	ssyncset.done $0x0  }
0x145: {  	s11 =	rddreg [dreg:$0x7];
	[sflag:s0] =	ssyncadd.s32 $0xFFFFFF00  }
0x146: {  	[tilespmem:s22], [sflag:$0x6] =	stream.indirect.gather [hbm4b:s12+s20], $0x80, s28, s20, $0xb8;
	v63 =	vld [tilespmem:$0x0]  }
0x147: {  	s15 =	sadd.s32 s13, s11  }
0x148: {  	[tilespmem:s3], [sflag:$0x1] =	stream.linear.gather [hbm4b:s15+s3], $0x100, $0x38;
	v63 =	vld [tilespmem:$0x0]  }
0x149: {  	_ =	swait.ge [sflag:s24], $0x4000  }
0x14a: {  	[sflag:s24] =	ssyncset.done $0x0  }
0x14b: {  	[sflag:s24] =	ssyncadd.s32 $0xFFFFC000  }
0x14c: {  	[spmem:s1] =	stream.indirect.scatter.add.f32 [tilespmem:s16], [sflag:$0x8], $0x80, s6, s20, $0xb8;
	v63 =	vld [tilespmem:$0x0]  }
0x14d: {  	_ =	swait.ge [sflag:s10], $0x4000  }
0x14e: {  	[sflag:s10] =	ssyncset.done $0x0  }
0x14f: {  	[sflag:s10] =	ssyncadd.s32 $0xFFFFC000  }
0x150: {  	_ =	swait.ge [sflag:s19], $0x100  }
0x151: {  	[sflag:s19] =	ssyncset.done $0x0  }
0x152: {  	s11 =	rddreg [dreg:$0x8];
	[sflag:s19] =	ssyncadd.s32 $0xFFFFFF00  }
0x153: {  	[tilespmem:s26], [sflag:$0x7] =	stream.indirect.gather [hbm4b:s12+s20], $0x80, s3, s20, $0xb8;
	v63 =	vld [tilespmem:$0x0]  }
0x154: {  	s15 =	sadd.s32 s13, s11  }
0x155: {  	[tilespmem:s18], [sflag:$0x2] =	stream.linear.gather [hbm4b:s15+s3], $0x100, $0x38;
	v63 =	vld [tilespmem:$0x0]  }
0x156: {  	_ =	swait.ge [sflag:s29], $0x4000  }
0x157: {  	[sflag:s29] =	ssyncset.done $0x0  }
0x158: {  	[sflag:s29] =	ssyncadd.s32 $0xFFFFC000  }
0x159: {  	[spmem:s1] =	stream.indirect.scatter.add.f32 [tilespmem:s22], [sflag:$0x9], $0x80, s8, s20, $0xb8;
	v63 =	vld [tilespmem:$0x0]  }
0x15a: {  	_ =	swait.ge [sflag:s31], $0x4000  }
0x15b: {  	[sflag:s31] =	ssyncset.done $0x0  }
0x15c: {  	[sflag:s31] =	ssyncadd.s32 $0xFFFFC000  }
0x15d: {  	_ =	swait.ge [sflag:s21], $0x100  }
0x15e: {  	[sflag:s21] =	ssyncset.done $0x0  }
0x15f: {  	s11 =	rddreg [dreg:$0x9];
	[sflag:s21] =	ssyncadd.s32 $0xFFFFFF00  }
0x160: {  	[tilespmem:s16], [sflag:$0x5] =	stream.indirect.gather [hbm4b:s12+s20], $0x80, s18, s20, $0xb8;
	v63 =	vld [tilespmem:$0x0]  }
0x161: {  	s15 =	sadd.s32 s13, s11  }
0x162: {  	[tilespmem:s23], [sflag:$0x3] =	stream.linear.gather [hbm4b:s15+s3], $0x100, $0x38;
	v63 =	vld [tilespmem:$0x0]  }
0x163: {  	_ =	swait.ge [sflag:s2], $0x4000  }
0x164: {  	[sflag:s2] =	ssyncset.done $0x0  }
0x165: {  	[sflag:s2] =	ssyncadd.s32 $0xFFFFC000  }
0x166: {  	[spmem:s1] =	stream.indirect.scatter.add.f32 [tilespmem:s26], [sflag:$0xA], $0x80, s20, s20, $0xb8;
	v63 =	vld [tilespmem:$0x0]  }
0x167: {  	_ =	swait.ge [sflag:s7], $0x4000  }
0x168: {  	[sflag:s7] =	ssyncset.done $0x0  }
0x169: {  	[sflag:s7] =	ssyncadd.s32 $0xFFFFC000  }
0x16a: {  	_ =	swait.ge [sflag:s25], $0x100  }
0x16b: {  	[sflag:s25] =	ssyncset.done $0x0  }
0x16c: {  	s11 =	rddreg [dreg:$0xa];
	[sflag:s25] =	ssyncadd.s32 $0xFFFFFF00  }
0x16d: {  	[tilespmem:s22], [sflag:$0x6] =	stream.indirect.gather [hbm4b:s12+s20], $0x80, s23, s20, $0xb8;
	v63 =	vld [tilespmem:$0x0]  }
0x16e: {  	s15 =	sadd.s32 s13, s11  }
0x16f: {  	[tilespmem:s28], [sflag:$0x4] =	stream.linear.gather [hbm4b:s15+s3], $0x100, $0x38;
	v63 =	vld [tilespmem:$0x0]  }
0x170: {  	_ =	swait.ge [sflag:s24], $0x4000  }
0x171: {  	[sflag:s24] =	ssyncset.done $0x0  }
0x172: {  	[sflag:s24] =	ssyncadd.s32 $0xFFFFC000  }
0x173: {  	[spmem:s1] =	stream.indirect.scatter.add.f32 [tilespmem:s16], [sflag:$0x8], $0x80, s30, s20, $0xb8;
	v63 =	vld [tilespmem:$0x0]  }
0x174: {  	_ =	swait.ge [sflag:s10], $0x4000  }
0x175: {  	[sflag:s10] =	ssyncset.done $0x0  }
0x176: {  	[sflag:s10] =	ssyncadd.s32 $0xFFFFC000  }
0x177: {  	_ =	swait.ge [sflag:s0], $0x100  }
0x178: {  	[sflag:s0] =	ssyncset.done $0x0  }
0x179: {  	s11 =	sshrl.u32 s9, $0x3;
	[sflag:s0] =	ssyncadd.s32 $0xFFFFFF00  }
0x17a: {  	[tilespmem:s26], [sflag:$0x7] =	stream.indirect.gather [hbm4b:s12+s20], $0x80, s28, s20, $0xb8;
	v63 =	vld [tilespmem:$0x0]  }
0x17b: {  	s15 =	sadd.s32 s4, s11  }
0x17c: {  	[tilespmem:s3], [sflag:$0x1] =	stream.linear.gather [hbm4b:s15+s3], $0x100, $0x38;
	v63 =	vld [tilespmem:$0x0]  }
0x17d: {  	_ =	swait.ge [sflag:s29], $0x4000  }
0x17e: {  	[sflag:s29] =	ssyncset.done $0x0  }
0x17f: {  	[sflag:s29] =	ssyncadd.s32 $0xFFFFC000  }
0x180: {  	[spmem:s1] =	stream.indirect.scatter.add.f32 [tilespmem:s22], [sflag:$0x9], $0x80, s6, s20, $0xb8;
	v63 =	vld [tilespmem:$0x0]  }
0x181: {  	_ =	swait.ge [sflag:s31], $0x4000  }
0x182: {  	[sflag:s31] =	ssyncset.done $0x0  }
0x183: {  	s5 =	smov.u32 s14;
	s14 =	sadd.s32 $0x180, s14;
	[sflag:s31] =	ssyncadd.s32 $0xFFFFC000  }
0x184: {  	p2 =	seq.s32 s5, $0x0;
	p1 =	sne.s32 s14, $0x1380;
	_ =	swait.ge [sflag:s19], $0x100  }
0x185: {  	p0 =	por p2, p2;
	p2 =	seq.s32 s13, $0x1200;
	[sflag:s19] =	ssyncset.done $0x0  }
0x186: {  	s11 =	simm.s32 @!p2 $0x100;
	s15 =	rddreg [dreg:$0xb];
	[sflag:s19] =	ssyncadd.s32 $0xFFFFFF00  }
0x187: {  	[tilespmem:s16], [sflag:$0x5] =	stream.indirect.gather [hbm4b:s12+s20], $0x80, s3, s20, $0xb8;
	v63 =	vld [tilespmem:$0x0]  }
.Ltmp1:
0x188: {  	s13 =	sadd.s32 @!p2 s13, s15;
	s15 =	simm.s32 @!p2 $0x0;
	(pc) =	sbr.rel @p1 .LBB2_4-.Ltmp1, $4  }
0x189: {  	[tilespmem:s11], [sflag:$0x2] =	stream.linear.gather @!p2 [hbm4b:s13+s15], $0x100, $0x38;
	v63 =	vld [tilespmem:$0x0]  }
0x18a: {  	_ =	swait.ge [sflag:s2], $0x4000  }
0x18b: {  	[sflag:s2] =	ssyncset.done $0x0  }
0x18c: {  	s9 =	sadd.s32 $0xC00, s9;
	s13 =	smov.u32 s5;
	[sflag:s2] =	ssyncadd.s32 $0xFFFFC000  }
0x18d: {  	[spmem:s1] =	stream.indirect.scatter.add.f32 [tilespmem:s26], [sflag:$0xA], $0x80, s8, s20, $0xb8;
	v63 =	vld [tilespmem:$0x0]  }
0x18e: {  	s5 =	simm.s32 @!p0 $0x9  }
0x18f: {  	_ =	swait.ge @!p0 [sflag:s5], $0x4000  }
0x190: {  	[sflag:s5] =	ssyncset.done @!p0 $0x0  }
0x191: {  	[sflag:s5] =	ssyncadd.s32 @!p0 $0xFFFFC000  }
0x192: {  	_ =	swait.ge [sflag:s21], $0x100  }
0x193: {  	[sflag:s21] =	ssyncset.done $0x0  }
0x194: {  	s15 =	rddreg [dreg:$0xd];
	[sflag:s21] =	ssyncadd.s32 $0xFFFFFF00  }
0x195: {  	[tilespmem:s22], [sflag:$0x6] =	stream.indirect.gather [hbm4b:s12+s20], $0x80, s18, s20, $0xb8;
	v63 =	vld [tilespmem:$0x0]  }
0x196: {  	s5 =	sadd.s32 s13, s15  }
0x197: {  	[tilespmem:s23], [sflag:$0x3] =	stream.linear.gather [hbm4b:s5+s3], $0x100, $0x38;
	v63 =	vld [tilespmem:$0x0]  }
0x198: {  	_ =	swait.ge [sflag:s24], $0x4000  }
0x199: {  	[sflag:s24] =	ssyncset.done $0x0  }
0x19a: {  	s5 =	simm.s32 @!p0 $0xA;
	[sflag:s24] =	ssyncadd.s32 $0xFFFFC000  }
0x19b: {  	[spmem:s1] =	stream.indirect.scatter.add.f32 [tilespmem:s16], [sflag:$0x8], $0x80, s20, s20, $0xb8;
	v63 =	vld [tilespmem:$0x0]  }
0x19c: {  	_ =	swait.ge @!p0 [sflag:s5], $0x4000  }
0x19d: {  	[sflag:s5] =	ssyncset.done @!p0 $0x0  }
0x19e: {  	[sflag:s5] =	ssyncadd.s32 @!p0 $0xFFFFC000  }
0x19f: {  	_ =	swait.ge [sflag:s25], $0x100  }
0x1a0: {  	[sflag:s25] =	ssyncset.done $0x0  }
0x1a1: {  	s11 =	rddreg [dreg:$0xc];
	[sflag:s25] =	ssyncadd.s32 $0xFFFFFF00  }
0x1a2: {  	[tilespmem:s26], [sflag:$0x7] =	stream.indirect.gather [hbm4b:s12+s20], $0x80, s23, s20, $0xb8;
	v63 =	vld [tilespmem:$0x0]  }
0x1a3: {  	s5 =	sadd.s32 s13, s11  }
0x1a4: {  	[tilespmem:s28], [sflag:$0x4] =	stream.linear.gather [hbm4b:s5+s3], $0x100, $0x38;
	v63 =	vld [tilespmem:$0x0]  }
0x1a5: {  	_ =	swait.ge [sflag:s29], $0x4000  }
0x1a6: {  	[sflag:s29] =	ssyncset.done $0x0  }
0x1a7: {  	[sflag:s29] =	ssyncadd.s32 $0xFFFFC000  }
0x1a8: {  	[spmem:s1] =	stream.indirect.scatter.add.f32 [tilespmem:s22], [sflag:$0x9], $0x80, s30, s20, $0xb8;
	v63 =	vld [tilespmem:$0x0]  }
0x1a9: {  	_ =	swait.ge [sflag:s31], $0x4000  }
0x1aa: {  	[sflag:s31] =	ssyncset.done $0x0  }
0x1ab: {  	[sflag:s31] =	ssyncadd.s32 $0xFFFFC000  }
0x1ac: {  	_ =	swait.ge [sflag:s0], $0x100  }
0x1ad: {  	[sflag:s0] =	ssyncset.done $0x0  }
0x1ae: {  	s14 =	rddreg [dreg:$0x3];
	[sflag:s0] =	ssyncadd.s32 $0xFFFFFF00  }
0x1af: {  	[tilespmem:s16], [sflag:$0x5] =	stream.indirect.gather [hbm4b:s12+s20], $0x80, s28, s20, $0xb8;
	v63 =	vld [tilespmem:$0x0]  }
0x1b0: {  	s5 =	sadd.s32 s13, s14  }
0x1b1: {  	[tilespmem:s3], [sflag:$0x1] =	stream.linear.gather [hbm4b:s5+s3], $0x100, $0x38;
	v63 =	vld [tilespmem:$0x0]  }
0x1b2: {  	_ =	swait.ge [sflag:s2], $0x4000  }
0x1b3: {  	[sflag:s2] =	ssyncset.done $0x0  }
0x1b4: {  	[sflag:s2] =	ssyncadd.s32 $0xFFFFC000  }
0x1b5: {  	[spmem:s1] =	stream.indirect.scatter.add.f32 [tilespmem:s26], [sflag:$0xA], $0x80, s6, s20, $0xb8;
	v63 =	vld [tilespmem:$0x0]  }
0x1b6: {  	_ =	swait.ge [sflag:s7], $0x4000  }
0x1b7: {  	[sflag:s7] =	ssyncset.done $0x0  }
0x1b8: {  	[sflag:s7] =	ssyncadd.s32 $0xFFFFC000  }
0x1b9: {  	_ =	swait.ge [sflag:s19], $0x100  }
0x1ba: {  	[sflag:s19] =	ssyncset.done $0x0  }
0x1bb: {  	s15 =	rddreg [dreg:$0x4];
	[sflag:s19] =	ssyncadd.s32 $0xFFFFFF00  }
0x1bc: {  	[tilespmem:s22], [sflag:$0x6] =	stream.indirect.gather [hbm4b:s12+s20], $0x80, s3, s20, $0xb8;
	v63 =	vld [tilespmem:$0x0]  }
0x1bd: {  	s5 =	sadd.s32 s13, s15  }
0x1be: {  	[tilespmem:s18], [sflag:$0x2] =	stream.linear.gather [hbm4b:s5+s3], $0x100, $0x38;
	v63 =	vld [tilespmem:$0x0]  }
0x1bf: {  	_ =	swait.ge [sflag:s24], $0x4000  }
0x1c0: {  	[sflag:s24] =	ssyncset.done $0x0  }
0x1c1: {  	[sflag:s24] =	ssyncadd.s32 $0xFFFFC000  }
0x1c2: {  	[spmem:s1] =	stream.indirect.scatter.add.f32 [tilespmem:s16], [sflag:$0x8], $0x80, s8, s20, $0xb8;
	v63 =	vld [tilespmem:$0x0]  }
0x1c3: {  	_ =	swait.ge [sflag:s10], $0x4000  }
0x1c4: {  	[sflag:s10] =	ssyncset.done $0x0  }
0x1c5: {  	[sflag:s10] =	ssyncadd.s32 $0xFFFFC000  }
0x1c6: {  	_ =	swait.ge [sflag:s21], $0x100  }
0x1c7: {  	[sflag:s21] =	ssyncset.done $0x0  }
0x1c8: {  	s11 =	rddreg [dreg:$0x5];
	[sflag:s21] =	ssyncadd.s32 $0xFFFFFF00  }
0x1c9: {  	[tilespmem:s26], [sflag:$0x7] =	stream.indirect.gather [hbm4b:s12+s20], $0x80, s18, s20, $0xb8;
	v63 =	vld [tilespmem:$0x0]  }
0x1ca: {  	s5 =	sadd.s32 s13, s11  }
0x1cb: {  	[tilespmem:s23], [sflag:$0x3] =	stream.linear.gather [hbm4b:s5+s3], $0x100, $0x38;
	v63 =	vld [tilespmem:$0x0]  }
0x1cc: {  	_ =	swait.ge [sflag:s29], $0x4000  }
0x1cd: {  	[sflag:s29] =	ssyncset.done $0x0  }
0x1ce: {  	[sflag:s29] =	ssyncadd.s32 $0xFFFFC000  }
0x1cf: {  	[spmem:s1] =	stream.indirect.scatter.add.f32 [tilespmem:s22], [sflag:$0x9], $0x80, s20, s20, $0xb8;
	v63 =	vld [tilespmem:$0x0]  }
0x1d0: {  	_ =	swait.ge [sflag:s31], $0x4000  }
0x1d1: {  	[sflag:s31] =	ssyncset.done $0x0  }
0x1d2: {  	[sflag:s31] =	ssyncadd.s32 $0xFFFFC000  }
0x1d3: {  	_ =	swait.ge [sflag:s25], $0x100  }
0x1d4: {  	[sflag:s25] =	ssyncset.done $0x0  }
0x1d5: {  	s14 =	rddreg [dreg:$0x6];
	[sflag:s25] =	ssyncadd.s32 $0xFFFFFF00  }
0x1d6: {  	[tilespmem:s16], [sflag:$0x5] =	stream.indirect.gather [hbm4b:s12+s20], $0x80, s23, s20, $0xb8;
	v63 =	vld [tilespmem:$0x0]  }
0x1d7: {  	s5 =	sadd.s32 s13, s14  }
0x1d8: {  	[tilespmem:s28], [sflag:$0x4] =	stream.linear.gather [hbm4b:s5+s3], $0x100, $0x38;
	v63 =	vld [tilespmem:$0x0]  }
0x1d9: {  	_ =	swait.ge [sflag:s2], $0x4000  }
0x1da: {  	[sflag:s2] =	ssyncset.done $0x0  }
0x1db: {  	[sflag:s2] =	ssyncadd.s32 $0xFFFFC000  }
0x1dc: {  	[spmem:s1] =	stream.indirect.scatter.add.f32 [tilespmem:s26], [sflag:$0xA], $0x80, s30, s20, $0xb8;
	v63 =	vld [tilespmem:$0x0]  }
0x1dd: {  	_ =	swait.ge [sflag:s7], $0x4000  }
0x1de: {  	[sflag:s7] =	ssyncset.done $0x0  }
0x1df: {  	[sflag:s7] =	ssyncadd.s32 $0xFFFFC000  }
0x1e0: {  	_ =	swait.ge [sflag:s0], $0x100  }
0x1e1: {  	[sflag:s0] =	ssyncset.done $0x0  }
0x1e2: {  	s15 =	rddreg [dreg:$0x7];
	[sflag:s0] =	ssyncadd.s32 $0xFFFFFF00  }
0x1e3: {  	[tilespmem:s22], [sflag:$0x6] =	stream.indirect.gather [hbm4b:s12+s20], $0x80, s28, s20, $0xb8;
	v63 =	vld [tilespmem:$0x0]  }
0x1e4: {  	s5 =	sadd.s32 s13, s15  }
0x1e5: {  	[tilespmem:s3], [sflag:$0x1] =	stream.linear.gather [hbm4b:s5+s3], $0x100, $0x38;
	v63 =	vld [tilespmem:$0x0]  }
0x1e6: {  	_ =	swait.ge [sflag:s24], $0x4000  }
0x1e7: {  	[sflag:s24] =	ssyncset.done $0x0  }
0x1e8: {  	[sflag:s24] =	ssyncadd.s32 $0xFFFFC000  }
0x1e9: {  	[spmem:s1] =	stream.indirect.scatter.add.f32 [tilespmem:s16], [sflag:$0x8], $0x80, s6, s20, $0xb8;
	v63 =	vld [tilespmem:$0x0]  }
0x1ea: {  	_ =	swait.ge [sflag:s10], $0x4000  }
0x1eb: {  	[sflag:s10] =	ssyncset.done $0x0  }
0x1ec: {  	[sflag:s10] =	ssyncadd.s32 $0xFFFFC000  }
0x1ed: {  	_ =	swait.ge [sflag:s19], $0x100  }
0x1ee: {  	[sflag:s19] =	ssyncset.done $0x0  }
0x1ef: {  	s11 =	rddreg [dreg:$0x8];
	[sflag:s19] =	ssyncadd.s32 $0xFFFFFF00  }
0x1f0: {  	[tilespmem:s26], [sflag:$0x7] =	stream.indirect.gather [hbm4b:s12+s20], $0x80, s3, s20, $0xb8;
	v63 =	vld [tilespmem:$0x0]  }
0x1f1: {  	s5 =	sadd.s32 s13, s11  }
0x1f2: {  	[tilespmem:s18], [sflag:$0x2] =	stream.linear.gather [hbm4b:s5+s3], $0x100, $0x38;
	v63 =	vld [tilespmem:$0x0]  }
0x1f3: {  	_ =	swait.ge [sflag:s29], $0x4000  }
0x1f4: {  	[sflag:s29] =	ssyncset.done $0x0  }
0x1f5: {  	[sflag:s29] =	ssyncadd.s32 $0xFFFFC000  }
0x1f6: {  	[spmem:s1] =	stream.indirect.scatter.add.f32 [tilespmem:s22], [sflag:$0x9], $0x80, s8, s20, $0xb8;
	v63 =	vld [tilespmem:$0x0]  }
0x1f7: {  	_ =	swait.ge [sflag:s31], $0x4000  }
0x1f8: {  	[sflag:s31] =	ssyncset.done $0x0  }
0x1f9: {  	[sflag:s31] =	ssyncadd.s32 $0xFFFFC000  }
0x1fa: {  	_ =	swait.ge [sflag:s21], $0x100  }
0x1fb: {  	[sflag:s21] =	ssyncset.done $0x0  }
0x1fc: {  	s14 =	rddreg [dreg:$0x9];
	[sflag:s21] =	ssyncadd.s32 $0xFFFFFF00  }
0x1fd: {  	[tilespmem:s16], [sflag:$0x5] =	stream.indirect.gather [hbm4b:s12+s20], $0x80, s18, s20, $0xb8;
	v63 =	vld [tilespmem:$0x0]  }
0x1fe: {  	s5 =	sadd.s32 s13, s14  }
0x1ff: {  	[tilespmem:s23], [sflag:$0x3] =	stream.linear.gather [hbm4b:s5+s3], $0x100, $0x38;
	v63 =	vld [tilespmem:$0x0]  }
0x200: {  	_ =	swait.ge [sflag:s2], $0x4000  }
0x201: {  	[sflag:s2] =	ssyncset.done $0x0  }
0x202: {  	[sflag:s2] =	ssyncadd.s32 $0xFFFFC000  }
0x203: {  	[spmem:s1] =	stream.indirect.scatter.add.f32 [tilespmem:s26], [sflag:$0xA], $0x80, s20, s20, $0xb8;
	v63 =	vld [tilespmem:$0x0]  }
0x204: {  	_ =	swait.ge [sflag:s7], $0x4000  }
0x205: {  	[sflag:s7] =	ssyncset.done $0x0  }
0x206: {  	[sflag:s7] =	ssyncadd.s32 $0xFFFFC000  }
0x207: {  	_ =	swait.ge [sflag:s25], $0x100  }
0x208: {  	[sflag:s25] =	ssyncset.done $0x0  }
0x209: {  	s15 =	rddreg [dreg:$0xa];
	[sflag:s25] =	ssyncadd.s32 $0xFFFFFF00  }
0x20a: {  	[tilespmem:s22], [sflag:$0x6] =	stream.indirect.gather [hbm4b:s12+s20], $0x80, s23, s20, $0xb8;
	v63 =	vld [tilespmem:$0x0]  }
0x20b: {  	s5 =	sadd.s32 s13, s15  }
0x20c: {  	[tilespmem:s28], [sflag:$0x4] =	stream.linear.gather [hbm4b:s5+s3], $0x100, $0x38;
	v63 =	vld [tilespmem:$0x0]  }
0x20d: {  	_ =	swait.ge [sflag:s24], $0x4000  }
0x20e: {  	[sflag:s24] =	ssyncset.done $0x0  }
0x20f: {  	[sflag:s24] =	ssyncadd.s32 $0xFFFFC000  }
0x210: {  	[spmem:s1] =	stream.indirect.scatter.add.f32 [tilespmem:s16], [sflag:$0x8], $0x80, s30, s20, $0xb8;
	v63 =	vld [tilespmem:$0x0]  }
0x211: {  	_ =	swait.ge [sflag:s10], $0x4000  }
0x212: {  	[sflag:s10] =	ssyncset.done $0x0  }
0x213: {  	[sflag:s10] =	ssyncadd.s32 $0xFFFFC000  }
0x214: {  	_ =	swait.ge [sflag:s0], $0x100  }
0x215: {  	[sflag:s0] =	ssyncset.done $0x0  }
0x216: {  	s11 =	sshrl.u32 s9, $0x3;
	[sflag:s0] =	ssyncadd.s32 $0xFFFFFF00  }
0x217: {  	[tilespmem:s26], [sflag:$0x7] =	stream.indirect.gather [hbm4b:s12+s20], $0x80, s28, s20, $0xb8;
	v63 =	vld [tilespmem:$0x0]  }
0x218: {  	s5 =	sadd.s32 s4, s11  }
0x219: {  	[tilespmem:s3], [sflag:$0x1] =	stream.linear.gather [hbm4b:s5+s3], $0x100, $0x38;
	v63 =	vld [tilespmem:$0x0]  }
0x21a: {  	_ =	swait.ge [sflag:s29], $0x4000  }
0x21b: {  	[sflag:s29] =	ssyncset.done $0x0  }
0x21c: {  	[sflag:s29] =	ssyncadd.s32 $0xFFFFC000  }
0x21d: {  	[spmem:s1] =	stream.indirect.scatter.add.f32 [tilespmem:s22], [sflag:$0x9], $0x80, s6, s20, $0xb8;
	v63 =	vld [tilespmem:$0x0]  }
0x21e: {  	_ =	swait.ge [sflag:s31], $0x4000  }
0x21f: {  	[sflag:s31] =	ssyncset.done $0x0  }
0x220: {  	[sflag:s31] =	ssyncadd.s32 $0xFFFFC000  }
0x221: {  	_ =	swait.ge [sflag:s19], $0x100  }
0x222: {  	[sflag:s19] =	ssyncset.done $0x0  }
0x223: {  	p0 =	seq.s32 s13, $0x1200;
	s5 =	rddreg [dreg:$0xb];
	[sflag:s19] =	ssyncadd.s32 $0xFFFFFF00  }
0x224: {  	[tilespmem:s16], [sflag:$0x5] =	stream.indirect.gather [hbm4b:s12+s20], $0x80, s3, s20, $0xb8;
	v63 =	vld [tilespmem:$0x0]  }
0x225: {  	s9 =	simm.s32 @!p0 $0x0;
	s11 =	simm.s32 @!p0 $0x100;
	s5 =	sadd.s32 @!p0 s13, s5  }
0x226: {  	[tilespmem:s11], [sflag:$0x2] =	stream.linear.gather @!p0 [hbm4b:s5+s9], $0x100, $0x38;
	v63 =	vld [tilespmem:$0x0]  }
0x227: {  	_ =	swait.ge [sflag:s2], $0x4000  }
0x228: {  	[sflag:s2] =	ssyncset.done $0x0  }
0x229: {  	[sflag:s2] =	ssyncadd.s32 $0xFFFFC000  }
0x22a: {  	[spmem:s1] =	stream.indirect.scatter.add.f32 [tilespmem:s26], [sflag:$0xA], $0x80, s8, s20, $0xb8;
	v63 =	vld [tilespmem:$0x0]  }
0x22b: {  	_ =	swait.ge [sflag:s24], $0x4000  }
0x22c: {  	[sflag:s24] =	ssyncset.done $0x0  }
0x22d: {  	[sflag:s24] =	ssyncadd.s32 $0xFFFFC000  }
0x22e: {  	[spmem:s1] =	stream.indirect.scatter.add.f32 [tilespmem:s16], [sflag:$0x8], $0x80, s20, s20, $0xb8;
	v63 =	vld [tilespmem:$0x0]  }
0x22f: {  	_ =	swait.ge [sflag:s31], $0x4000  }
0x230: {  	[sflag:s31] =	ssyncset.done $0x0  }
0x231: {  	[sflag:s31] =	ssyncadd.s32 $0xFFFFC000  }
0x232: {  	_ =	swait.ge [sflag:s7], $0x4000  }
0x233: {  	[sflag:s7] =	ssyncset.done $0x0  }
0x234: {  	[sflag:s7] =	ssyncadd.s32 $0xFFFFC000  }
0x235: {  	_ =	swait.ge [sflag:s10], $0x4000  }
0x236: {  	[sflag:s10] =	ssyncset.done $0x0  }
0x237: {  	[sflag:s10] =	ssyncadd.s32 $0xFFFFC000  }
0x238: {  	s13 =	stileid.u32;
	[bflag:$0x0] =	sbarrier.arrive $0xFFFF  }
0x239: {  	s5 =	sshll.u32 s13, $0x6;
	s11 =	rddreg [dreg:$0xe]  }
0x23a: {  	s5 =	sor.u32 $0x1C0B, s5;
	s15 =	rddreg [dreg:$0x15];
	s14 =	sshrl.u32 s11, $0x3  }
0x23b: {  	[hbm:s15], [sflag:s5] =	dma.local [spmem:s14], $0x2780  }
0x23c: {  	_ =	swait.ge [sflag:s17], $0x2780  }
0x23d: {  	s14 =	rddreg [dreg:$0x18]  }
0x23e: {  	s15 =	rddreg [dreg:$0x16];
	s9 =	sadd.s32 $0x1, s14  }
0x23f: {  	p0 =	sne.s32 s9, s15  }
.Ltmp2:
0x240: {  	_ = 	snop;
	(pc) =	sbr.rel @p0 .LBB2_1-.Ltmp2, $3  }
0x241: {  	_ =	sdelay $0x1  }
0x242: {  	[sflag:s17] =	ssyncset.done $0x0  }
0x243: {  	[sflag:s17] =	ssyncadd.s32 $0xFFFFD880  }
0x244: {  	_ =	sfence.sel $0x180000  }
0x245: {  	[bflag:$0x0] =	sbarrier.arrive $0xFFFF  }
0x246: {  	_ =	strace $0x9000004D  }
0x247: {  	s0 =	stileid.u32;
	[bflag:$0x2] =	sbarrier.arrive $0xFFFF  }
0x248: {  	p0 =	sne.s32 s0, $0x0;
	s0 =	rddreg [dreg:$0x2]  }
0x249: {  	s0 =	sadd.s32 @!p0 $0x100000, s0  }
0x24a: {  	[sflag:s0] =	ssyncadd.tile.s32 @!p0 $0x1;
	_ =	shalt  }
.Lfunc_end2:
_tile_overlayer_lowered:
.L_overlay_start_2:
0x24b: {  	(tag) =	ssettag $0x2  }
0x24c: {  	s0 =	rddreg [dreg:$0x0];
	s2 =	stileid.u32  }
0x24d: {  	s1 =	rddreg [dreg:$0x1];
	p0 =	sne.s32 s2, $0x0  }
0x24e: {  	s3 =	rddreg [dreg:$0x2];
	[bflag:$0x3] =	sbarrier.arrive $0xFFFF;
	s2 =	simm.s32 @!p0 $0x1C0B  }
0x24f: {  	[timem:s3], [sflag:s2] =	dma.local @!p0 [hbm:s0], s1  }
0x250: {  	s0 =	simm.s32 @!p0 $0xB  }
0x251: {  	_ =	swait.ge @!p0 [sflag:s0], s1  }
0x252: {  	s1 =	ssub.s32 @!p0 $0x0, s1;
	[sflag:s0] =	ssyncset.done @!p0 $0x0  }
0x253: {  	[sflag:s0] =	ssyncadd.s32 @!p0 s1  }
0x254: {  	[bflag:$0x3] =	sbarrier.arrive $0xFFFF  }
0x255: {  	_ =	shalt  }

// kernel: kernel.8.cloned.1.call-start
scs
__scs_entry_jumppad:
0x0: {  	(pc) =	sbr.rel $0x88, $3  }
0x1: {  	(tag) =	ssettag $0x0;
	lr =	simm.s32 $0x1  }
0x2: {  	[smem:$0x3F92] =	sst lr;
	_ =	strace $0xD0000000  }
0x3: {  	_ = 	snop  }
0x4: {  	_ = 	snop  }
0x5: {  	_ = 	snop  }
0x6: {  	_ = 	snop  }
0x7: {  	_ = 	snop  }
__scs_overlays_trampoline_lowered:
0x8: {  	[smem:$0x3FA1] =	sst s0  }
0x9: {  	[smem:$0x3FA2] =	sst s1  }
0xa: {  	[smem:$0x3FA3] =	sst s2  }
0xb: {  	[smem:$0x3FA4] =	sst s3  }
0xc: {  	[smem:$0x3FA5] =	sst s4  }
0xd: {  	[smem:$0x3FA6] =	sst s5  }
0xe: {  	[smem:$0x3FA7] =	sst s6  }
0xf: {  	[smem:$0x3FA8] =	sst s7  }
0x10: {  	[smem:$0x3FA9] =	sst s8  }
0x11: {  	[smem:$0x3FAA] =	sst s9;
	s0 =	simm.s32 @!p0 $0x0  }
0x12: {  	s1 =	sld [smem:$0x3F90];
	s0 =	simm.s32 @p0 $0x1  }
0x13: {  	[smem:$0x3FAB] =	sst s0;
	s0 =	simm.s32 @!p1 $0x0  }
0x14: {  	s2 =	sld [smem:$0x3F8F];
	s0 =	simm.s32 @p1 $0x1  }
0x15: {  	[smem:$0x3FAC] =	sst s0;
	s0 =	simm.s32 @!p2 $0x0  }
0x16: {  	s3 =	sld [smem:$0x3FDB];
	s0 =	simm.s32 @p2 $0x1  }
0x17: {  	s4 =	simm.s32 $0x1BF5;
	[smem:$0x3FAE] =	sst s0  }
0x18: {  	s0 =	sld [smem:$0x3F91];
	_ =	swait.ge [sflag:s4], $0x0  }
0x19: {  	s7 =	sld [smem:$0x3F92]  }
0x1a: {  	s8 =	sadd.s32 $0xFFFFE003, lr  }
0x1b: {  	s9 =	sadd.s32 $0xFFFFFEF7, lr;
	s5 =	simm.s32 $0xFFFFFFFF;
	p2 =	slt.u32 s8, $0xFFFFF086  }
0x1c: {  	p1 =	slt.u32 s9, $0xF7A;
	s5 =	simm.s32 @!p2 $0x0  }
0x1d: {  	s5 =	simm.s32 @p1 $0x1;
	p0 =	seq.s32 s7, s2  }
0x1e: {  	s7 =	smul.u32 @!p0 $0xF7A, s2;
	p2 =	seq.s32 @!p0 s5, $0x0  }
0x1f: {  	s9 =	smul.u32 $0xF7A, s1;
	s8 =	simm.s32 @!p0 $0x1BF5;
	p2 =	por !p2, p0  }
0x20: {  	[sflag:s8] =	ssyncset.s32 @!p0 $0xFFFFF086;
	s6 =	sadd.s32 @!p0 s3, s7;
	s7 =	simm.s32 @!p0 $0x108  }
0x21: {  	s3 =	sadd.s32 s3, s9;
	s6 =	sadd.s32 @!p0 $0x88, s6;
	s7 =	simm.s32 @p2 $0x1082  }
0x22: {  	[simem:s7], [sflag:s8] =	dma.local @!p0 [hbm:s6], $0xF7A  }
0x23: {  	s9 =	sor.u32 $0xD0000000, s2;
	s6 =	simm.s32 $0x108;
	_ =	swait.ge @!p0 [sflag:s8], $0x0  }
0x24: {  	s3 =	sadd.s32 $0x88, s3;
	s6 =	simm.s32 @!p1 $0x1082;
	[sflag:s4] =	ssyncset.s32 $0xFFFFF086  }
0x25: {  	[simem:s6], [sflag:s4] =	dma.local [hbm:s3], $0xF7A  }
0x26: {  	[smem:$0x3F92] =	sst s1;
	(tag) =	ssettag s2;
	_ =	strace s9  }
0x27: {  	s1 =	sld [smem:$0x3FA2]  }
0x28: {  	s2 =	sld [smem:$0x3FA3]  }
0x29: {  	s4 =	sld [smem:$0x3FA5]  }
0x2a: {  	p0 =	seq.s32 s5, $0x0;
	s5 =	sld [smem:$0x3FA6]  }
0x2b: {  	s6 =	sld [smem:$0x3FA7]  }
0x2c: {  	s7 =	sld [smem:$0x3FA8]  }
0x2d: {  	s3 =	simm.s32 $0x108;
	s8 =	sld [smem:$0x3FA9]  }
0x2e: {  	s3 =	simm.s32 @!p0 $0x1082;
	s9 =	sld [smem:$0x3FAA]  }
0x2f: {  	lr =	sadd.s32 s0, s3;
	s0 =	sld [smem:$0x3FA1]  }
0x30: {  	s3 =	sld [smem:$0x3FA4]  }
0x31: {  	[smem:$0x3FAD] =	sst s10  }
0x32: {  	s10 =	sld [smem:$0x3FAB];
	_ =	sdelay $0x3  }
0x33: {  	p0 =	seq.s32 s10, $0x1;
	s10 =	sld [smem:$0x3FAD];
	_ =	sdelay $0x3  }
0x34: {  	[smem:$0x3FAD] =	sst s10  }
0x35: {  	s10 =	sld [smem:$0x3FAC];
	_ =	sdelay $0x3  }
0x36: {  	p1 =	seq.s32 s10, $0x1;
	s10 =	sld [smem:$0x3FAD];
	_ =	sdelay $0x3  }
0x37: {  	[smem:$0x3FAD] =	sst s10  }
0x38: {  	s10 =	sld [smem:$0x3FAE]  }
0x39: {  	_ = 	snop;
	(pc) =	sbr.ind lr, $3  }
0x3a: {  	_ = 	snop  }
0x3b: {  	_ = 	snop  }
0x3c: {  	p2 =	seq.s32 s10, $0x1;
	s10 =	sld [smem:$0x3FAD]  }
0x3d: {  	_ =	shalt  }
0x3e: {  	_ =	shalt  }
0x3f: {  	_ =	shalt  }
0x40: {  	_ =	shalt  }
0x41: {  	_ =	shalt  }
0x42: {  	_ =	shalt  }
0x43: {  	_ =	shalt  }
0x44: {  	_ =	shalt  }
0x45: {  	_ =	shalt  }
0x46: {  	_ =	shalt  }
0x47: {  	_ =	shalt  }
0x48: {  	_ =	shalt  }
0x49: {  	_ =	shalt  }
0x4a: {  	_ =	shalt  }
0x4b: {  	_ =	shalt  }
0x4c: {  	_ =	shalt  }
0x4d: {  	_ =	shalt  }
0x4e: {  	_ =	shalt  }
0x4f: {  	_ =	shalt  }
0x50: {  	_ =	shalt  }
0x51: {  	_ =	shalt  }
0x52: {  	_ =	shalt  }
0x53: {  	_ =	shalt  }
0x54: {  	_ =	shalt  }
0x55: {  	_ =	shalt  }
0x56: {  	_ =	shalt  }
0x57: {  	_ =	shalt  }
0x58: {  	_ =	shalt  }
0x59: {  	_ =	shalt  }
0x5a: {  	_ =	shalt  }
0x5b: {  	_ =	shalt  }
0x5c: {  	_ =	shalt  }
0x5d: {  	_ =	shalt  }
0x5e: {  	_ =	shalt  }
0x5f: {  	_ =	shalt  }
0x60: {  	_ =	shalt  }
0x61: {  	_ =	shalt  }
0x62: {  	_ =	shalt  }
0x63: {  	_ =	shalt  }
0x64: {  	_ =	shalt  }
0x65: {  	_ =	shalt  }
0x66: {  	_ =	shalt  }
0x67: {  	_ =	shalt  }
0x68: {  	_ =	shalt  }
0x69: {  	_ =	shalt  }
0x6a: {  	_ =	shalt  }
0x6b: {  	_ =	shalt  }
0x6c: {  	_ =	shalt  }
0x6d: {  	_ =	shalt  }
0x6e: {  	_ =	shalt  }
0x6f: {  	_ =	shalt  }
0x70: {  	_ =	shalt  }
0x71: {  	_ =	shalt  }
0x72: {  	_ =	shalt  }
0x73: {  	_ =	shalt  }
0x74: {  	_ =	shalt  }
0x75: {  	_ =	shalt  }
0x76: {  	_ =	shalt  }
0x77: {  	_ =	shalt  }
0x78: {  	_ =	shalt  }
0x79: {  	_ =	shalt  }
0x7a: {  	_ =	shalt  }
0x7b: {  	_ =	shalt  }
0x7c: {  	_ =	shalt  }
0x7d: {  	_ =	shalt  }
0x7e: {  	_ =	shalt  }
0x7f: {  	_ =	shalt  }
0x80: {  	_ =	shalt  }
0x81: {  	_ =	shalt  }
0x82: {  	_ =	shalt  }
0x83: {  	_ =	shalt  }
0x84: {  	_ =	shalt  }
0x85: {  	_ =	shalt  }
0x86: {  	_ =	shalt  }
0x87: {  	_ =	shalt  }
.Lfunc_end0:
.L_simem_size_0:
called_computation_lowered:
.L_overlay_start_0:
0x88: {  	s2 =	sld [smem:$0x3FD9]  }
0x89: {  	s3 =	sld [smem:$0x3FFE];
	_ =	sdelay $0x1  }
0x8a: {  	s1 =	srdreg.scid  }
0x8b: {  	s0 =	sand.u32 $0x1, s1  }
0x8c: {  	s17 =	sshll.u32 s0, $0xA;
	s2 =	sadd.s32 s3, s2  }
0x8d: {  	s2 =	sadd.s32 s2, s17  }
0x8e: {  	[smem:$0x3FB9] =	sst s2  }
0x8f: {  	_ = 	snop  }
0x90: {  	s2 =	sld [smem:$0x3FD0];
	(tm) =	ssettm $0x1  }
0x91: {  	s18 =	sld [smem:$0x3FFB];
	_ =	sdelay $0x3  }
0x92: {  	_ =	strace s18  }
0x93: {  	s3 =	sld [smem:$0x3FFC];
	_ =	sdelay $0x3  }
0x94: {  	_ =	strace s3  }
0x95: {  	s3 =	sld [smem:$0x3FFD];
	_ =	sdelay $0x3  }
0x96: {  	_ =	strace s3  }
0x97: {  	_ =	strace $0x8FFFFFFF  }
0x98: {  	s19 =	sld [smem:$0x3FDB];
	_ =	sdelay $0x1  }
0x99: {  	s4 =	simm.s32 $_scs_section_size  }
0x9a: {  	s5 =	simm.s32 $_size__tile_overlayer_lowered;
	s6 =	simm.s32 $_tile_overlayer_lowered  }
0x9b: {  	s22 =	simm.s32 $0x1BFF;
	s21 =	sshll.u32 s6, $0x1;
	s3 =	sadd.s32 s4, s19  }
0x9c: {  	s7 =	simm.s32 $0x0;
	s20 =	sshll.u32 s5, $0x1;
	s5 =	sadd.s32 s21, s3  }
0x9d: {  	[timem:s7], [sflag:s22] =	dma.local [hbm:s5], s20  }
0x9e: {  	_ =	swait.ge [sflag:s22], s20  }
0x9f: {  	s4 =	ssub.s32 $0x0, s20;
	[sflag:s22] =	ssyncset.done $0x0  }
0xa0: {  	[sflag:s22] =	ssyncadd.s32 s4;
	_ =	sdelay $0x1  }
0xa1: {  	s23 =	simm.s32 $0x1B8B  }
0xa2: {  	_ =	swait.ge [sflag:s23], $0x1  }
0xa3: {  	[sflag:s23] =	ssyncset.done $0x0  }
0xa4: {  	s25 =	simm.s32 $0x1B8E;
	s24 =	sld [smem:$0x3FFE];
	[sflag:s23] =	ssyncadd.s32 $0xFFFFFFFF  }
0xa5: {  	s26 =	simm.s32 $execute0_lowered;
	[smem:$0x3FD2] =	sst s25  }
0xa6: {  	s5 =	sshll.u32 s26, $0x1;
	_ =	strace $0x80000046;
	[dreg:$0x1] =	wrdreg $0xFFFFFFFF  }
0xa7: {  	s28 =	simm.s32 $_size_execute0_lowered;
	s3 =	sadd.s32 s3, s5;
	[dreg:$0x0] =	wrdreg $0x0  }
0xa8: {  	s5 =	sshll.u32 s28, $0x1;
	[dreg:$0x2] =	wrdreg s3  }
0xa9: {  	[dreg:$0x3] =	wrdreg s5  }
0xaa: {  	[dreg:$0x4] =	wrdreg $0xC0  }
0xab: {  	_ =	task [dreg:s7], $0x5FFFF  }
0xac: {  	[dreg:$0x1] =	wrdreg $0xFFFFFFFF  }
0xad: {  	[dreg:$0x0] =	wrdreg $0x60  }
0xae: {  	[dreg:$0x2] =	wrdreg s2  }
0xaf: {  	[dreg:$0x3] =	wrdreg s24  }
0xb0: {  	[dreg:$0x4] =	wrdreg $0x42000  }
0xb1: {  	[dreg:$0x5] =	wrdreg $0x9  }
0xb2: {  	_ =	task.clear_ibuf [dreg:s7], $0x6FFFF;
	_ =	strace $0x90000046  }
0xb3: {  	s29 =	simm.s32 $0x9;
	_ =	strace $0x80000048  }
0xb4: {  	_ =	swait.ge [sflag:s29], $0x1  }
0xb5: {  	[sflag:s29] =	ssyncadd.s32 $0xFFFFFFFF  }
0xb6: {  	_ =	strace $0x90000048  }
0xb7: {  	_ =	sfence  }
0xb8: {  	s30 =	sld [smem:$0x0];
	_ =	sdelay $0x2  }
0xb9: {  	s31 =	sshll.u32 s1, $0xD;
	s1 =	sshrl.u32 s1, $0x2  }
0xba: {  	s3 =	sand.u32 $0x4000, s31;
	s1 =	sadd.s32 s1, s30  }
0xbb: {  	s0 =	sor.u32 s3, s0;
	s1 =	sshll.u32 s1, $0x11  }
0xbc: {  	s0 =	sor.u32 s1, s0  }
0xbd: {  	s0 =	sadd.s32 $0x8F2B, s0  }
0xbe: {  	[sflag:s0] =	ssyncadd.remote.s32 $0x1  }
0xbf: {  	_ =	sfence.sel $0xFFFF  }
0xc0: {  	[dreg:$0x0] =	wrdreg $0xFFFFFFFF;
	(pc) =	sbr.abs _section_cstart, $3  }
0xc1: {  	[dreg:$0x1] =	wrdreg $0xFFFFFFFF  }
0xc2: {  	_ =	task.clear_ibuf [dreg:s7], $0x2FFFF;
	_ =	strace $0x9FFFFFFF  }
0xc3: {  	(tm) =	ssettm $0x7FFFFFFF  }
tec
execute0_lowered:
.L_overlay_start_1:
0x0: {  	(tag) =	ssettag $0x1  }
0x1: {  	s0 =	rddreg [dreg:$0x0]  }
0x2: {  	s1 =	rddreg [dreg:$0x1]  }
0x3: {  	s2 =	srdreg.scid;
	s3 =	rddreg [dreg:$0x2]  }
0x4: {  	s8 =	stileid.u32;
	s4 =	simm.s32 $0x0;
	s15 =	simm.s32 $0x9  }
0x5: {  	s16 =	simm.s32 $0x4000;
	s17 =	simm.s32 $0x4080;
	s18 =	simm.s32 $0x4100  }
0x6: {  	s19 =	simm.s32 $0x1;
	s20 =	simm.s32 $0x80;
	s6 =	smul.u32 $0x13C00, s8  }
0x7: {  	s28 =	simm.s32 $0x7;
	s2 =	sand.u32 $0x1, s2;
	s7 =	smul.u32 $0x4F000, s8  }
0x8: {  	s29 =	simm.s32 $0x8;
	s30 =	simm.s32 $0x0;
	s5 =	smul.u32 $0x140000, s2  }
0x9: {  	[smem:$0x7FF] =	sst s4;
	s21 =	smul.u32 $0x50000, s2;
	s2 =	ssub.s32 $0x2, s2  }
0xa: {  	s8 =	smul.u32 $0x5000, s8;
	s22 =	sshrl.u32 s2, $0x1;
	s5 =	sadd.s32 s6, s5  }
0xb: {  	s7 =	sshrl.u32 s7, $0x2;
	s2 =	ssub.s32 s2, s22;
	s5 =	sshrl.u32 s5, $0x3  }
0xc: {  	s31 =	smax.u32 s2, $0x1;
	s1 =	sadd.s32 s5, s1;
	s5 =	sadd.s32 s7, s3  }
0xd: {  	_ =	strace $0x80000047;
	[dreg:$0xb] =	wrdreg s31;
	s7 =	sadd.s32 $0x4000, s5  }
0xe: {  	s6 =	sadd.s32 s8, s21;
	s23 =	sadd.s32 $0x8000, s5;
	[dreg:$0x4] =	wrdreg s7  }
0xf: {  	s21 =	simm.s32 $0x4180;
	s25 =	sadd.s32 $0xC000, s5;
	[dreg:$0x5] =	wrdreg s23  }
0x10: {  	s22 =	simm.s32 $0x2;
	s26 =	sadd.s32 $0x10000, s5;
	[dreg:$0x6] =	wrdreg s25  }
0x11: {  	s24 =	sshrl.u32 s6, $0x3;
	s1 =	sadd.s32 $0x2400, s1;
	[dreg:$0x7] =	wrdreg s26  }
0x12: {  	s7 =	sadd.s32 s0, s24;
	[dreg:$0xa] =	wrdreg s1;
	s23 =	simm.s32 $0x5  }
0x13: {  	s24 =	simm.s32 $0x3;
	[dreg:$0x8] =	wrdreg s7;
	s7 =	sadd.s32 $0x10, s7  }
0x14: {  	v0 =	vimm.f32 $0.0e+00;
	v1 =	vimm.f32 $1.000000000e+00;
	s25 =	simm.s32 $0x6;
	s26 =	simm.s32 $0x4;
	[dreg:$0x9] =	wrdreg s7  }
.LBB2_1:
0x15: {  	s1 =	simm.s32 $0x0;
	s2 =	simm.s32 $0x200  }
.LBB2_2:
0x16: {  	p0 =	sne.s32 s2, $0xFE00;
	[tilespmem:s1+$0x70] =	vst v0  }
0x17: {  	[tilespmem:s1+$0x0] =	vst v0  }
0x18: {  	[tilespmem:s1+$0x10] =	vst v0  }
.Ltmp0:
0x19: {  	[tilespmem:s1+$0x20] =	vst v0;
	(pc) =	sbr.rel @p0 .LBB2_2-.Ltmp0, $4  }
0x1a: {  	[tilespmem:s1+$0x30] =	vst v0  }
0x1b: {  	[tilespmem:s1+$0x40] =	vst v0  }
0x1c: {  	[tilespmem:s1+$0x50] =	vst v0  }
0x1d: {  	[tilespmem:s1+$0x60] =	vst v0;
	s1 =	sshra.s32 s2, $0x2;
	s2 =	sadd.s32 $0x200, s2  }
0x1e: {  	[tilespmem:s1+$0x70] =	vst v0  }
0x1f: {  	[tilespmem:s1+$0x0] =	vst v0  }
0x20: {  	[tilespmem:s1+$0x10] =	vst v0  }
0x21: {  	[tilespmem:s1+$0x20] =	vst v0  }
0x22: {  	[tilespmem:s1+$0x30] =	vst v0  }
0x23: {  	[tilespmem:s1+$0x40] =	vst v0  }
0x24: {  	[tilespmem:s1+$0x50] =	vst v0  }
0x25: {  	[tilespmem:s1+$0x60] =	vst v0;
	s12 =	simm.s32 $0x0  }
0x26: {  	[spmem:s5] =	stream.linear.scatter [tilespmem:s12], [sflag:$0x9], $0x4000, $0x38;
	[tilespmem:$0x17E00] =	vst v63  }
0x27: {  	_ =	swait.ge [sflag:s15], $0x4000  }
0x28: {  	[sflag:s15] =	ssyncset.done $0x0  }
0x29: {  	s2 =	rddreg [dreg:$0x4];
	[sflag:s15] =	ssyncadd.s32 $0xFFFFC000  }
0x2a: {  	[spmem:s2] =	stream.linear.scatter [tilespmem:s12], [sflag:$0x9], $0x4000, $0x38;
	[tilespmem:$0x17E00] =	vst v63  }
0x2b: {  	_ =	swait.ge [sflag:s15], $0x4000  }
0x2c: {  	[sflag:s15] =	ssyncset.done $0x0  }
0x2d: {  	s13 =	rddreg [dreg:$0x5];
	[sflag:s15] =	ssyncadd.s32 $0xFFFFC000  }
0x2e: {  	[spmem:s13] =	stream.linear.scatter [tilespmem:s12], [sflag:$0x9], $0x4000, $0x38;
	[tilespmem:$0x17E00] =	vst v63  }
0x2f: {  	_ =	swait.ge [sflag:s15], $0x4000  }
0x30: {  	[sflag:s15] =	ssyncset.done $0x0  }
0x31: {  	s14 =	rddreg [dreg:$0x6];
	[sflag:s15] =	ssyncadd.s32 $0xFFFFC000  }
0x32: {  	[spmem:s14] =	stream.linear.scatter [tilespmem:s12], [sflag:$0x9], $0x4000, $0x38;
	[tilespmem:$0x17E00] =	vst v63  }
0x33: {  	_ =	swait.ge [sflag:s15], $0x4000  }
0x34: {  	[sflag:s15] =	ssyncset.done $0x0  }
0x35: {  	s31 =	rddreg [dreg:$0x7];
	[sflag:s15] =	ssyncadd.s32 $0xFFFFC000  }
0x36: {  	[spmem:s31] =	stream.linear.scatter [tilespmem:s12], [sflag:$0x9], $0x3C00, $0x38;
	[tilespmem:$0x17E00] =	vst v63  }
0x37: {  	_ =	swait.ge [sflag:s15], $0x3C00  }
0x38: {  	[sflag:s15] =	ssyncset.done $0x0  }
0x39: {  	s1 =	simm.s32 $0x0;
	s2 =	simm.s32 $0x200;
	[sflag:s15] =	ssyncadd.s32 $0xFFFFC400  }
.LBB2_4:
0x3a: {  	p0 =	sne.s32 s2, $0xFE00;
	[tilespmem:s1+$0x70] =	vst v1  }
0x3b: {  	[tilespmem:s1+$0x0] =	vst v1  }
0x3c: {  	[tilespmem:s1+$0x10] =	vst v1  }
.Ltmp1:
0x3d: {  	[tilespmem:s1+$0x20] =	vst v1;
	(pc) =	sbr.rel @p0 .LBB2_4-.Ltmp1, $4  }
0x3e: {  	[tilespmem:s1+$0x30] =	vst v1  }
0x3f: {  	[tilespmem:s1+$0x40] =	vst v1  }
0x40: {  	[tilespmem:s1+$0x50] =	vst v1  }
0x41: {  	[tilespmem:s1+$0x60] =	vst v1;
	s1 =	sshra.s32 s2, $0x2;
	s2 =	sadd.s32 $0x200, s2  }
0x42: {  	[tilespmem:s1+$0x70] =	vst v1  }
0x43: {  	[tilespmem:s1+$0x0] =	vst v1  }
0x44: {  	[tilespmem:s1+$0x10] =	vst v1  }
0x45: {  	[tilespmem:s1+$0x20] =	vst v1  }
0x46: {  	[tilespmem:s1+$0x30] =	vst v1  }
0x47: {  	[tilespmem:s1+$0x40] =	vst v1  }
0x48: {  	[tilespmem:s1+$0x50] =	vst v1  }
0x49: {  	[tilespmem:s1+$0x60] =	vst v1;
	s1 =	simm.s32 $0x0;
	s2 =	rddreg [dreg:$0x8];
	p0 =	por $0x1, $0x1  }
0x4a: {  	[tilespmem:s16], [sflag:$0x1] =	stream.linear.gather [hbm4b:s2+s1], $0x80, $0x38;
	[tilespmem:$0x17E00] =	vst v63  }
0x4b: {  	s11 =	rddreg [dreg:$0x9];
	s2 =	sand.u32 @!p0 $0x200, s1  }
0x4c: {  	[tilespmem:s17], [sflag:$0x2] =	stream.linear.gather [hbm4b:s11+s1], $0x80, $0x38;
	[tilespmem:$0x17E00] =	vst v63  }
0x4d: {  	s8 =	simm.s32 @!p0 $0x7;
	s7 =	sor.u32 @!p0 $0x100, s2;
	s1 =	sand.u32 $0x7C00, s1  }
0x4e: {  	s7 =	simm.s32 @p0 $0x100;
	[bflag:$0x0] =	sbarrier.arrive $0xFFFF;
	s1 =	sadd.s32 s6, s1  }
0x4f: {  	s7 =	sadd.s32 s1, s7;
	_ =	swait.ge @!p0 [sflag:s8], $0x4000  }
0x50: {  	s7 =	sshrl.u32 s7, $0x3;
	[sflag:s8] =	ssyncset.done @!p0 $0x0  }
0x51: {  	s7 =	sadd.s32 s0, s7;
	[sflag:s8] =	ssyncadd.s32 @!p0 $0xFFFFC000  }
0x52: {  	[tilespmem:s18], [sflag:$0x3] =	stream.linear.gather [hbm4b:s7+s4], $0x80, $0x38;
	[tilespmem:$0x17E00] =	vst v63  }
0x53: {  	s31 =	simm.s32 $0x200;
	_ =	swait.ge [sflag:s19], $0x80  }
0x54: {  	p2 =	por $0x0, $0x0;
	s2 =	sor.u32 @!p0 $0x180, s2;
	[sflag:s19] =	ssyncset.done $0x0  }
0x55: {  	s2 =	simm.s32 @p0 $0x180;
	s8 =	simm.s32 @!p0 $0x8;
	[sflag:s19] =	ssyncadd.s32 $0xFFFFFF80  }
0x56: {  	[spmem:s3] =	stream.indirect.scatter.add.f32 [tilespmem:s4], [sflag:$0x5], $0x80, s16, s20, $0xb8;
	[tilespmem:$0x17E00] =	vst v63  }
0x57: {  	s12 =	sand.u32 $0xFC00, s31;
	s1 =	sadd.s32 s1, s2;
	_ =	swait.ge @!p0 [sflag:s8], $0x4000  }
0x58: {  	s9 =	sand.u32 $0x200, s31;
	s1 =	sshrl.u32 s1, $0x3;
	[sflag:s8] =	ssyncset.done @!p0 $0x0  }
0x59: {  	s2 =	simm.s32 $0x400;
	s1 =	sadd.s32 s0, s1;
	[sflag:s8] =	ssyncadd.s32 @!p0 $0xFFFFC000  }
0x5a: {  	[tilespmem:s21], [sflag:$0x4] =	stream.linear.gather [hbm4b:s1+s4], $0x80, $0x38;
	[tilespmem:$0x17E00] =	vst v63  }
0x5b: {  	s13 =	sand.u32 $0xFC00, s2;
	s14 =	sand.u32 $0x200, s2;
	_ =	swait.ge [sflag:s22], $0x80  }
0x5c: {  	s7 =	sadd.s32 s6, s12;
	s12 =	sand.u32 $0x7C00, s31;
	[sflag:s22] =	ssyncset.done $0x0  }
0x5d: {  	s7 =	sor.u32 s9, s7;
	s9 =	simm.s32 @!p2 $0x280;
	[sflag:s22] =	ssyncadd.s32 $0xFFFFFF80  }
0x5e: {  	[spmem:s3] =	stream.indirect.scatter.add.f32 [tilespmem:s4], [sflag:$0x6], $0x80, s17, s20, $0xb8;
	[tilespmem:$0x17E00] =	vst v63  }
0x5f: {  	s7 =	sshrl.u32 s7, $0x3;
	s10 =	sand.u32 @!p2 $0x280, s9;
	_ =	swait.ge [sflag:s23], $0x4000  }
0x60: {  	s7 =	sadd.s32 s0, s7;
	s8 =	simm.s32 @!p2 $0x4080;
	[sflag:s23] =	ssyncset.done $0x0  }
0x61: {  	p0 =	por $0x0, $0x0;
	s1 =	sadd.s32 s6, s13;
	[sflag:s23] =	ssyncadd.s32 $0xFFFFC000  }
0x62: {  	[tilespmem:s16], [sflag:$0x1] =	stream.linear.gather [hbm4b:s7+s4], $0x80, $0x38;
	[tilespmem:$0x17E00] =	vst v63  }
0x63: {  	s13 =	sand.u32 @!p2 $0xFC00, s9;
	s9 =	simm.s32 @!p2 $0x0;
	_ =	swait.ge [sflag:s24], $0x80  }
0x64: {  	s1 =	sor.u32 s14, s1;
	s13 =	sadd.s32 @!p2 s6, s13;
	[sflag:s24] =	ssyncset.done $0x0  }
.LBB2_6:
0x65: {  	s14 =	sand.u32 @!p0 $0x200, s31;
	[sflag:s24] =	ssyncadd.s32 $0xFFFFFF80  }
0x66: {  	s7 =	smov.u32 s31;
	s31 =	smov.u32 s2;
	s2 =	sadd.s32 $0x200, s2  }
0x67: {  	s12 =	sadd.s32 s6, s12;
	s10 =	sor.u32 @!p2 s10, s13;
	s11 =	sor.u32 @!p0 $0x100, s14  }
0x68: {  	[spmem:s3] =	stream.indirect.scatter.add.f32 [tilespmem:s4], [sflag:$0x7], $0x80, s18, s20, $0xb8;
	[tilespmem:$0x17E00] =	vst v63  }
0x69: {  	s10 =	sshrl.u32 @!p2 s10, $0x3;
	s11 =	simm.s32 @p0 $0x100;
	_ =	swait.ge [sflag:s25], $0x4000  }
0x6a: {  	s10 =	sadd.s32 @!p2 s0, s10;
	s11 =	sadd.s32 s12, s11;
	[sflag:s25] =	ssyncset.done $0x0  }
0x6b: {  	s13 =	sand.u32 $0xFC00, s2;
	p1 =	sne.s32 s2, $0x4E00;
	[sflag:s25] =	ssyncadd.s32 $0xFFFFC000  }
0x6c: {  	[tilespmem:s8], [sflag:$0x2] =	stream.linear.gather @!p2 [hbm4b:s10+s9], $0x80, $0x38;
	[tilespmem:$0x17E00] =	vst v63  }
0x6d: {  	s8 =	sadd.s32 s6, s13;
	s9 =	sand.u32 $0x200, s2;
	_ =	swait.ge [sflag:s26], $0x80  }
0x6e: {  	s10 =	simm.s32 @!p0 $0x7;
	s13 =	sor.u32 @!p0 $0x180, s14;
	[sflag:s26] =	ssyncset.done $0x0  }
0x6f: {  	s8 =	sor.u32 s9, s8;
	[sflag:s26] =	ssyncadd.s32 $0xFFFFFF80  }
0x70: {  	[spmem:s3] =	stream.indirect.scatter.add.f32 [tilespmem:s4], [sflag:$0x8], $0x80, s21, s20, $0xb8;
	[tilespmem:$0x17E00] =	vst v63  }
0x71: {  	s9 =	sshrl.u32 s11, $0x3;
	_ =	swait.ge @!p0 [sflag:s10], $0x4000  }
0x72: {  	s9 =	sadd.s32 s0, s9;
	[sflag:s10] =	ssyncset.done @!p0 $0x0  }
0x73: {  	[sflag:s10] =	ssyncadd.s32 @!p0 $0xFFFFC000  }
0x74: {  	[tilespmem:s18], [sflag:$0x3] =	stream.linear.gather [hbm4b:s9+s4], $0x80, $0x38;
	[tilespmem:$0x17E00] =	vst v63  }
0x75: {  	s13 =	simm.s32 @p0 $0x180;
	_ =	swait.ge [sflag:s19], $0x80  }
0x76: {  	s10 =	sadd.s32 s12, s13;
	s9 =	simm.s32 @!p0 $0x8;
	[sflag:s19] =	ssyncset.done $0x0  }
0x77: {  	[sflag:s19] =	ssyncadd.s32 $0xFFFFFF80  }
0x78: {  	[spmem:s3] =	stream.indirect.scatter.add.f32 [tilespmem:s4], [sflag:$0x5], $0x80, s16, s20, $0xb8;
	[tilespmem:$0x17E00] =	vst v63  }
0x79: {  	s10 =	sshrl.u32 s10, $0x3;
	_ =	swait.ge @!p0 [sflag:s9], $0x4000  }
0x7a: {  	s10 =	sadd.s32 s0, s10;
	[sflag:s9] =	ssyncset.done @!p0 $0x0  }
0x7b: {  	[sflag:s9] =	ssyncadd.s32 @!p0 $0xFFFFC000  }
0x7c: {  	[tilespmem:s21], [sflag:$0x4] =	stream.linear.gather [hbm4b:s10+s4], $0x80, $0x38;
	[tilespmem:$0x17E00] =	vst v63  }
0x7d: {  	_ =	swait.ge [sflag:s22], $0x80  }
0x7e: {  	s9 =	sshrl.u32 s1, $0x3;
	s1 =	smov.u32 s8;
	[sflag:s22] =	ssyncset.done $0x0  }
0x7f: {  	p2 =	seq.s32 s7, $0x4C00;
	s9 =	sadd.s32 s0, s9;
	[sflag:s22] =	ssyncadd.s32 $0xFFFFFF80  }
0x80: {  	[spmem:s3] =	stream.indirect.scatter.add.f32 [tilespmem:s4], [sflag:$0x6], $0x80, s17, s20, $0xb8;
	[tilespmem:$0x17E00] =	vst v63  }
0x81: {  	s7 =	sadd.s32 @!p2 $0x280, s7;
	_ =	swait.ge [sflag:s23], $0x4000  }
.Ltmp2:
0x82: {  	s8 =	simm.s32 @!p2 $0x4080;
	[sflag:s23] =	ssyncset.done $0x0;
	(pc) =	sbr.rel @p1 .LBB2_6-.Ltmp2, $4  }
0x83: {  	s11 =	sand.u32 @!p2 $0xFC00, s7;
	s10 =	sand.u32 @!p2 $0x280, s7;
	[sflag:s23] =	ssyncadd.s32 $0xFFFFC000  }
0x84: {  	[tilespmem:s16], [sflag:$0x1] =	stream.linear.gather [hbm4b:s9+s4], $0x80, $0x38;
	[tilespmem:$0x17E00] =	vst v63  }
0x85: {  	p0 =	seq.s32 s31, $0x0;
	s9 =	simm.s32 @!p2 $0x0;
	_ =	swait.ge [sflag:s24], $0x80  }
0x86: {  	s12 =	sand.u32 $0x7C00, s31;
	s13 =	sadd.s32 @!p2 s6, s11;
	[sflag:s24] =	ssyncset.done $0x0  }
0x87: {  	[sflag:s24] =	ssyncadd.s32 $0xFFFFFF80  }
0x88: {  	[spmem:s3] =	stream.indirect.scatter.add.f32 [tilespmem:s4], [sflag:$0x7], $0x80, s18, s20, $0xb8;
	[tilespmem:$0x17E00] =	vst v63  }
0x89: {  	s2 =	sor.u32 @!p2 s10, s13;
	_ =	swait.ge [sflag:s25], $0x4000  }
0x8a: {  	s2 =	sshrl.u32 @!p2 s2, $0x3;
	[sflag:s25] =	ssyncset.done $0x0  }
0x8b: {  	s2 =	sadd.s32 @!p2 s0, s2;
	[sflag:s25] =	ssyncadd.s32 $0xFFFFC000  }
0x8c: {  	[tilespmem:s8], [sflag:$0x2] =	stream.linear.gather @!p2 [hbm4b:s2+s9], $0x80, $0x38;
	[tilespmem:$0x17E00] =	vst v63  }
0x8d: {  	s2 =	sand.u32 @!p0 $0x200, s31;
	_ =	swait.ge [sflag:s26], $0x80  }
0x8e: {  	s11 =	sadd.s32 s6, s12;
	s7 =	sor.u32 @!p0 $0x100, s2;
	[sflag:s26] =	ssyncset.done $0x0  }
0x8f: {  	s9 =	simm.s32 @!p0 $0x7;
	s7 =	simm.s32 @p0 $0x100;
	[sflag:s26] =	ssyncadd.s32 $0xFFFFFF80  }
0x90: {  	[spmem:s3] =	stream.indirect.scatter.add.f32 [tilespmem:s4], [sflag:$0x8], $0x80, s21, s20, $0xb8;
	[tilespmem:$0x17E00] =	vst v63  }
0x91: {  	s7 =	sadd.s32 s11, s7;
	_ =	swait.ge @!p0 [sflag:s9], $0x4000  }
0x92: {  	s7 =	sshrl.u32 s7, $0x3;
	[sflag:s9] =	ssyncset.done @!p0 $0x0  }
0x93: {  	s7 =	sadd.s32 s0, s7;
	[sflag:s9] =	ssyncadd.s32 @!p0 $0xFFFFC000  }
0x94: {  	[tilespmem:s18], [sflag:$0x3] =	stream.linear.gather [hbm4b:s7+s4], $0x80, $0x38;
	[tilespmem:$0x17E00] =	vst v63  }
0x95: {  	_ =	swait.ge [sflag:s19], $0x80  }
0x96: {  	s2 =	sor.u32 @!p0 $0x180, s2;
	[sflag:s19] =	ssyncset.done $0x0  }
0x97: {  	s2 =	simm.s32 @p0 $0x180;
	s7 =	simm.s32 @!p0 $0x8;
	[sflag:s19] =	ssyncadd.s32 $0xFFFFFF80  }
0x98: {  	[spmem:s3] =	stream.indirect.scatter.add.f32 [tilespmem:s4], [sflag:$0x5], $0x80, s16, s20, $0xb8;
	[tilespmem:$0x17E00] =	vst v63  }
0x99: {  	s2 =	sadd.s32 s11, s2;
	_ =	swait.ge @!p0 [sflag:s7], $0x4000  }
0x9a: {  	s2 =	sshrl.u32 s2, $0x3;
	[sflag:s7] =	ssyncset.done @!p0 $0x0  }
0x9b: {  	s2 =	sadd.s32 s0, s2;
	[sflag:s7] =	ssyncadd.s32 @!p0 $0xFFFFC000  }
0x9c: {  	[tilespmem:s21], [sflag:$0x4] =	stream.linear.gather [hbm4b:s2+s4], $0x80, $0x38;
	[tilespmem:$0x17E00] =	vst v63  }
0x9d: {  	_ =	swait.ge [sflag:s22], $0x80  }
0x9e: {  	[sflag:s22] =	ssyncset.done $0x0  }
0x9f: {  	[sflag:s22] =	ssyncadd.s32 $0xFFFFFF80  }
0xa0: {  	[spmem:s3] =	stream.indirect.scatter.add.f32 [tilespmem:s4], [sflag:$0x6], $0x80, s17, s20, $0xb8;
	[tilespmem:$0x17E00] =	vst v63  }
0xa1: {  	_ =	swait.ge [sflag:s23], $0x4000  }
0xa2: {  	s1 =	sshrl.u32 s1, $0x3;
	[sflag:s23] =	ssyncset.done $0x0  }
0xa3: {  	s1 =	sadd.s32 s0, s1;
	p0 =	seq.s32 s31, $0x4C00;
	[sflag:s23] =	ssyncadd.s32 $0xFFFFC000  }
0xa4: {  	[tilespmem:s16], [sflag:$0x1] =	stream.linear.gather [hbm4b:s1+s4], $0x80, $0x38;
	[tilespmem:$0x17E00] =	vst v63  }
0xa5: {  	s1 =	sadd.s32 @!p0 $0x280, s31;
	_ =	swait.ge [sflag:s24], $0x80  }
0xa6: {  	s2 =	sand.u32 @!p0 $0xFC00, s1;
	[sflag:s24] =	ssyncset.done $0x0  }
0xa7: {  	s1 =	sand.u32 @!p0 $0x280, s1;
	s2 =	sadd.s32 @!p0 s6, s2;
	[sflag:s24] =	ssyncadd.s32 $0xFFFFFF80  }
0xa8: {  	[spmem:s3] =	stream.indirect.scatter.add.f32 [tilespmem:s4], [sflag:$0x7], $0x80, s18, s20, $0xb8;
	[tilespmem:$0x17E00] =	vst v63  }
0xa9: {  	s1 =	sor.u32 @!p0 s1, s2;
	_ =	swait.ge [sflag:s25], $0x4000  }
0xaa: {  	s7 =	simm.s32 @!p0 $0x0;
	s1 =	sshrl.u32 @!p0 s1, $0x3;
	[sflag:s25] =	ssyncset.done $0x0  }
0xab: {  	s2 =	simm.s32 @!p0 $0x4080;
	s1 =	sadd.s32 @!p0 s0, s1;
	[sflag:s25] =	ssyncadd.s32 $0xFFFFC000  }
0xac: {  	[tilespmem:s2], [sflag:$0x2] =	stream.linear.gather @!p0 [hbm4b:s1+s7], $0x80, $0x38;
	[tilespmem:$0x17E00] =	vst v63  }
0xad: {  	_ =	swait.ge [sflag:s26], $0x80  }
0xae: {  	[sflag:s26] =	ssyncset.done $0x0  }
0xaf: {  	[sflag:s26] =	ssyncadd.s32 $0xFFFFFF80  }
0xb0: {  	[spmem:s3] =	stream.indirect.scatter.add.f32 [tilespmem:s4], [sflag:$0x8], $0x80, s21, s20, $0xb8;
	[tilespmem:$0x17E00] =	vst v63  }
0xb1: {  	_ =	swait.ge [sflag:s28], $0x4000  }
0xb2: {  	[sflag:s28] =	ssyncset.done $0x0  }
0xb3: {  	[sflag:s28] =	ssyncadd.s32 $0xFFFFC000  }
0xb4: {  	_ =	swait.ge [sflag:s19], $0x80  }
0xb5: {  	[sflag:s19] =	ssyncset.done $0x0  }
0xb6: {  	[sflag:s19] =	ssyncadd.s32 $0xFFFFFF80  }
0xb7: {  	[spmem:s3] =	stream.indirect.scatter.add.f32 [tilespmem:s4], [sflag:$0x5], $0x80, s16, s20, $0xb8;
	[tilespmem:$0x17E00] =	vst v63  }
0xb8: {  	_ =	swait.ge [sflag:s29], $0x4000  }
0xb9: {  	[sflag:s29] =	ssyncset.done $0x0  }
0xba: {  	[sflag:s29] =	ssyncadd.s32 $0xFFFFC000  }
0xbb: {  	_ =	swait.ge [sflag:s23], $0x4000  }
0xbc: {  	[sflag:s23] =	ssyncset.done $0x0  }
0xbd: {  	s12 =	stileid.u32;
	[sflag:s23] =	ssyncadd.s32 $0xFFFFC000  }
0xbe: {  	s1 =	sshll.u32 s12, $0x6;
	[bflag:$0x0] =	sbarrier.arrive $0xFFFF  }
0xbf: {  	s13 =	sshrl.u32 s5, $0x3;
	s1 =	sor.u32 $0x1C09, s1;
	s14 =	rddreg [dreg:$0xa]  }
0xc0: {  	[hbm:s14], [sflag:s1] =	dma.local [spmem:s13], $0x2780  }
0xc1: {  	_ =	swait.ge [sflag:s15], $0x2780  }
0xc2: {  	s30 =	sadd.s32 $0x1, s30;
	s31 =	rddreg [dreg:$0xb]  }
0xc3: {  	p0 =	sne.s32 s30, s31  }
.Ltmp3:
0xc4: {  	_ = 	snop;
	(pc) =	sbr.rel @p0 .LBB2_1-.Ltmp3, $3  }
0xc5: {  	_ =	sdelay $0x1  }
0xc6: {  	[sflag:s15] =	ssyncset.done $0x0  }
0xc7: {  	[sflag:s15] =	ssyncadd.s32 $0xFFFFD880  }
0xc8: {  	_ =	sfence.sel $0x180000  }
0xc9: {  	[bflag:$0x0] =	sbarrier.arrive $0xFFFF  }
0xca: {  	_ =	strace $0x90000047  }
0xcb: {  	s0 =	stileid.u32;
	[bflag:$0x2] =	sbarrier.arrive $0xFFFF  }
0xcc: {  	p0 =	sne.s32 s0, $0x0;
	s0 =	rddreg [dreg:$0x3]  }
0xcd: {  	s0 =	sadd.s32 @!p0 $0x100000, s0  }
0xce: {  	[sflag:s0] =	ssyncadd.tile.s32 @!p0 $0x1;
	_ =	shalt  }
.Lfunc_end2:
_tile_overlayer_lowered:
.L_overlay_start_2:
0xcf: {  	(tag) =	ssettag $0x2  }
0xd0: {  	s0 =	rddreg [dreg:$0x0];
	s2 =	stileid.u32  }
0xd1: {  	s1 =	rddreg [dreg:$0x1];
	p0 =	sne.s32 s2, $0x0  }
0xd2: {  	s3 =	rddreg [dreg:$0x2];
	[bflag:$0x3] =	sbarrier.arrive $0xFFFF;
	s2 =	simm.s32 @!p0 $0x1C09  }
0xd3: {  	[timem:s3], [sflag:s2] =	dma.local @!p0 [hbm:s0], s1  }
0xd4: {  	s0 =	simm.s32 @!p0 $0x9  }
0xd5: {  	_ =	swait.ge @!p0 [sflag:s0], s1  }
0xd6: {  	s1 =	ssub.s32 @!p0 $0x0, s1;
	[sflag:s0] =	ssyncset.done @!p0 $0x0  }
0xd7: {  	[sflag:s0] =	ssyncadd.s32 @!p0 s1  }
0xd8: {  	[bflag:$0x3] =	sbarrier.arrive $0xFFFF  }
0xd9: {  	_ =	shalt  }

</sc_bundles>
